<compile_context>
chip_gen: v7x
topology: tpu7x:2x2x1
jax: 0.10.2.dev20260603
libtpu: 0.0.44.dev20260713+nightly
codegen_flags: <defaults>
</compile_context>

<pallas_src>
import functools

import jax
import jax.numpy as jnp
from jax import lax
from jax.experimental import pallas as pl
from jax.experimental.pallas import tpu as pltpu
from jax.experimental.pallas import tpu_sc as plsc

NC = 2
NS = 16
LANES = 16
CHUNK = 128
PHASES = 4
GRAN = 8 * PHASES
SC0_FRAC = 0.8


def _pad_up(v, m):
    return -(-v // m) * m


def _split_rows(e):
    total_pw = _pad_up(_pad_up(e, NS * CHUNK) // (NS * CHUNK), GRAN)
    pw0 = int(round(total_pw * SC0_FRAC / GRAN)) * GRAN
    pw0 = min(max(pw0, GRAN), total_pw - GRAN)
    pw1 = total_pw - pw0
    return pw0, pw1




def _make_deg_kernel(n_pad, pw0, pw1):
    mesh = plsc.VectorSubcoreMesh(core_axis_name="c", subcore_axis_name="s")
    nw = NC * NS

    @functools.partial(
        pl.kernel,
        out_type=jax.ShapeDtypeStruct((nw, n_pad), jnp.float32),
        mesh=mesh,
        scratch_types=[
            pltpu.VMEM((n_pad,), jnp.float32),
            pltpu.VMEM((pw0, CHUNK), jnp.int32),
        ],
        compiler_params=pltpu.CompilerParams(needs_layout_passes=False),
    )
    def deg_kernel(dst_hbm, out_hbm, hist, dstv):
        cid = lax.axis_index("c")
        sid = lax.axis_index("s")
        wid = sid * NC + cid
        my_pw = jnp.where(cid == 0, pw0, pw1)
        row_base = pl.multiple_of(
            jnp.where(cid == 0, sid * pw0, NS * pw0 + sid * pw1), 8
        )
        z16 = jnp.zeros((LANES,), jnp.float32)

        def zb(i, c):
            hist[pl.ds(i * LANES, LANES)] = z16
            return c

        lax.fori_loop(0, n_pad // LANES, zb, 0)
        pltpu.sync_copy(dst_hbm.at[pl.ds(row_base, pw0)], dstv)
        ones16 = jnp.ones((LANES,), jnp.float32)
        groups = CHUNK // LANES

        def eb(g, c):
            j = g // groups
            l = g - j * groups
            idx = dstv[j, pl.ds(l * LANES, LANES)]
            plsc.addupdate_scatter(hist, [idx], ones16)
            return c

        lax.fori_loop(0, my_pw * groups, eb, 0)
        pltpu.sync_copy(hist, out_hbm.at[wid])

    return deg_kernel


def _make_scatter_kernel(n_nodes, n_pad, pw0, pw1, nph0, nph1, h):
    mesh = plsc.VectorSubcoreMesh(core_axis_name="c", subcore_axis_name="s")
    rows_pt = n_pad // NS
    depth = 2
    ppw = pw0 // nph0
    ppw1 = pw1 // nph1
    assert pw0 % nph0 == 0 and pw1 % nph1 == 0 and ppw1 <= ppw
    assert ppw1 >= 2 * depth and ppw % depth == 0 and ppw1 % depth == 0
    assert ppw % 8 == 0 and ppw1 % 8 == 0

    @functools.partial(
        pl.kernel,
        out_type=jax.ShapeDtypeStruct((NC, n_pad, h), jnp.float32),
        mesh=mesh,
        scratch_types=[
            pltpu.VMEM((ppw, CHUNK), jnp.int32),
            pltpu.VMEM((ppw, CHUNK), jnp.int32),
            [pltpu.VMEM((CHUNK, h), jnp.float32)] * depth,
            pltpu.VMEM_SHARED((n_pad, h), jnp.float32),
            [pltpu.SemaphoreType.DMA] * depth,
            [pltpu.SemaphoreType.DMA] * depth,
        ],
        compiler_params=pltpu.CompilerParams(needs_layout_passes=False),
    )
    def scat_kernel(m_hbm, src_hbm, dst_hbm, out_hbm, srcv, dstv, bufs, acc,
                    gsem, ssem):
        cid = lax.axis_index("c")
        sid = lax.axis_index("s")
        my_ppw = jnp.where(cid == 0, ppw, ppw1)
        my_nph = jnp.where(cid == 0, nph0, nph1)
        row_base = jnp.where(cid == 0, sid * pw0, NS * pw0 + sid * pw1)
        z16 = jnp.zeros((LANES,), jnp.float32)
        per_row = h // LANES

        def zb(i, c):
            r = i // per_row
            q = i - r * per_row
            bufs[0][r, pl.ds(q * LANES, LANES)] = z16
            return c

        lax.fori_loop(0, CHUNK * per_row, zb, 0)
        for k in range(rows_pt // CHUNK):
            pltpu.sync_copy(
                bufs[0], acc.at[pl.ds(sid * rows_pt + k * CHUNK, CHUNK)]
            )
        plsc.subcore_barrier()

        def fire_gather(j, b):
            pltpu.async_copy(m_hbm.at[srcv.at[j]], bufs[b], gsem[b])

        def drain_gather(b):
            pltpu.make_async_copy(m_hbm.at[srcv.at[0]], bufs[b], gsem[b]).wait()

        def fire_scatter(j, b):
            pltpu.async_copy(bufs[b], acc.at[dstv.at[j]], ssem[b], add=True)

        def drain_scatter(b):
            pltpu.make_async_copy(bufs[b], acc.at[dstv.at[0]], ssem[b]).wait()

        for p in range(nph0):
            @pl.when(p < my_nph)
            def _phase():
                base = pl.multiple_of(row_base + p * my_ppw, 8)
                pltpu.sync_copy(src_hbm.at[pl.ds(base, ppw)], srcv)
                pltpu.sync_copy(dst_hbm.at[pl.ds(base, ppw)], dstv)

                for b in range(depth):
                    fire_gather(b, b)

                def body(i, c):
                    j0 = i * depth
                    for b in range(depth):
                        drain_gather(b)
                        fire_scatter(j0 + b, b)
                    for b in range(depth):
                        drain_scatter(b)
                        fire_gather(j0 + depth + b, b)
                    return c

                lax.fori_loop(0, my_ppw // depth - 1, body, 0)
                j0 = my_ppw - depth
                for b in range(depth):
                    drain_gather(b)
                    fire_scatter(j0 + b, b)
                for b in range(depth):
                    drain_scatter(b)

        plsc.subcore_barrier()
        pltpu.sync_copy(
            acc.at[pl.ds(sid * rows_pt, rows_pt)],
            out_hbm.at[cid, pl.ds(sid * rows_pt, rows_pt)],
        )

    return scat_kernel




def _tc_prep(dp, x, w1):
    n, _ = x.shape
    hh = w1.shape[0]
    nw = dp.shape[0]

    def body(dp_ref, x_ref, w_ref, m_ref, dinv_ref):
        ones = jnp.ones((nw, 1), jnp.float32)
        deg = lax.dot_general(
            dp_ref[:, :n], ones, (((0,), (0,)), ((), ())),
            preferred_element_type=jnp.float32,
        )
        dinv = lax.rsqrt(deg + 1.0)
        m = lax.dot_general(
            x_ref[...], w_ref[...], (((1,), (1,)), ((), ())),
            preferred_element_type=jnp.float32,
        )
        m_ref[...] = m * dinv
        dinv_ref[...] = dinv

    return pl.pallas_call(
        body,
        out_shape=(
            jax.ShapeDtypeStruct((n, hh), jnp.float32),
            jax.ShapeDtypeStruct((n, 1), jnp.float32),
        ),
    )(dp, x, w1)


def _norm_act(acc_ref, m_ref, dinv_ref, b_ref, g_ref, beta_ref, n):
    agg = acc_ref[0, :n, :] + acc_ref[1, :n, :] + m_ref[...]
    pre = agg * dinv_ref[...] + b_ref[...]
    mu = jnp.mean(pre, axis=1, keepdims=True)
    var = jnp.mean((pre - mu) ** 2, axis=1, keepdims=True)
    y = (pre - mu) * lax.rsqrt(var + 1e-5) * g_ref[...] + beta_ref[...]
    return jnp.where(y > 0, y, jnp.exp(jnp.minimum(y, 0.0)) - 1.0)


def _tc_mid(acc, m, dinv, b, g, beta, w2):
    n, hh = m.shape

    def body(acc_ref, m_ref, dinv_ref, b_ref, g_ref, beta_ref, w_ref, out_ref):
        hcur = _norm_act(acc_ref, m_ref, dinv_ref, b_ref, g_ref, beta_ref, n)
        m2 = lax.dot_general(
            hcur, w_ref[...], (((1,), (1,)), ((), ())),
            preferred_element_type=jnp.float32,
        )
        out_ref[...] = m2 * dinv_ref[...]

    return pl.pallas_call(
        body,
        out_shape=jax.ShapeDtypeStruct((n, hh), jnp.float32),
    )(acc, m, dinv, b, g, beta, w2)


def _tc_final(acc, m, dinv, b, g, beta, batch2d, wc, bc, n_seg):
    n, hh = m.shape
    c = wc.shape[0]

    def body(acc_ref, m_ref, dinv_ref, b_ref, g_ref, beta_ref, batch_ref,
             wc_ref, bc_ref, out_ref):
        hcur = _norm_act(acc_ref, m_ref, dinv_ref, b_ref, g_ref, beta_ref, n)
        seg_iota = lax.broadcasted_iota(jnp.int32, (n, n_seg), 1)
        onehot = (batch_ref[...] == seg_iota).astype(jnp.float32)
        sums = lax.dot_general(
            onehot, hcur, (((0,), (0,)), ((), ())),
            preferred_element_type=jnp.float32,
        )
        cnt = lax.dot_general(
            onehot, jnp.ones((n, 1), jnp.float32), (((0,), (0,)), ((), ())),
            preferred_element_type=jnp.float32,
        )
        gpool = sums / jnp.maximum(cnt, 1.0)
        out_ref[...] = lax.dot_general(
            gpool, wc_ref[...], (((1,), (1,)), ((), ())),
            preferred_element_type=jnp.float32,
        ) + bc_ref[...]

    return pl.pallas_call(
        body,
        out_shape=jax.ShapeDtypeStruct((n_seg, c), jnp.float32),
    )(acc, m, dinv, b, g, beta, batch2d, wc, bc)




def kernel(x, edge_index, batch, W1, b1, W2, b2, ln1_g, ln1_b, ln2_g, ln2_b,
           Wc, bc):
    n, d = x.shape
    hh = W1.shape[0]
    e = edge_index.shape[1]
    n_seg = 64

    pw0, pw1 = _split_rows(e)
    tot_rows = NS * (pw0 + pw1)
    pad_rows = tot_rows + pw0
    ep = pad_rows * CHUNK
    n_pad = _pad_up(n + 1, NS * CHUNK)

    src = edge_index[0]
    dst = edge_index[1]
    src_p = jnp.concatenate([src, jnp.zeros((ep - e,), jnp.int32)])
    dst_p = jnp.concatenate([dst, jnp.full((ep - e,), n, jnp.int32)])
    src2d = src_p.reshape(pad_rows, CHUNK)
    dst2d = dst_p.reshape(pad_rows, CHUNK)

    total_pw = pw0 + pw1
    pw1s = max(8, _pad_up(total_pw // 10, 8))
    pw0s = total_pw - pw1s
    ppw0 = max(q for q in range(8, 57, 8) if pw0s % q == 0)
    nph0 = pw0s // ppw0
    nph1 = 1 if pw1s <= ppw0 else pw1s // ppw0

    deg_kernel = _make_deg_kernel(n_pad, pw0, pw1)
    scat_kernel = _make_scatter_kernel(n, n_pad, pw0s, pw1s, nph0, nph1, hh)

    dp = deg_kernel(dst2d)
    m1s, dinv = _tc_prep(dp, x, W1)
    acc1 = scat_kernel(m1s, src2d, dst2d)
    m2s = _tc_mid(acc1, m1s, dinv, b1.reshape(1, hh), ln1_g.reshape(1, hh),
                  ln1_b.reshape(1, hh), W2)
    acc2 = scat_kernel(m2s, src2d, dst2d)
    logits = _tc_final(acc2, m2s, dinv, b2.reshape(1, hh),
                       ln2_g.reshape(1, hh), ln2_b.reshape(1, hh),
                       batch.reshape(n, 1), Wc, bc.reshape(1, -1), n_seg)
    return logits

# --- scband reference (transcript-rebuilt; emitter-appended) ---
"""Pipeline reference for scband-gcnstandard-28346784153648 (READ-ONLY COPY).

The authoritative reference and input builder live on the scoring server;
editing this copy changes nothing except your own understanding.
"""

import jax, jax.numpy as jnp
import numpy as np

N = 10000
E = 320000
D = 128
H = 128
C = 10
B = 64


def setup_inputs(seed: int = 0) -> dict:
    key = jax.random.key(seed)
    ks = jax.random.split(key, 16)
    x = jax.random.normal(ks[0], (N, D), dtype=jnp.float32)
    edge_index = jax.random.randint(ks[1], (2, E), 0, N, dtype=jnp.int32)
    batch = jnp.sort(jax.random.randint(ks[2], (N,), 0, B, dtype=jnp.int32))
    s1 = 1.0 / np.sqrt(D)
    s2 = 1.0 / np.sqrt(H)
    W1 = jax.random.uniform(ks[3], (H, D), dtype=jnp.float32, minval=-s1, maxval=s1)
    b1 = jax.random.uniform(ks[4], (H,), dtype=jnp.float32, minval=-s1, maxval=s1)
    W2 = jax.random.uniform(ks[5], (H, H), dtype=jnp.float32, minval=-s2, maxval=s2)
    b2 = jax.random.uniform(ks[6], (H,), dtype=jnp.float32, minval=-s2, maxval=s2)
    ln1_g = jnp.ones((H,), dtype=jnp.float32)
    ln1_b = jnp.zeros((H,), dtype=jnp.float32)
    ln2_g = jnp.ones((H,), dtype=jnp.float32)
    ln2_b = jnp.zeros((H,), dtype=jnp.float32)
    Wc = jax.random.uniform(ks[7], (C, H), dtype=jnp.float32, minval=-s2, maxval=s2)
    bc = jax.random.uniform(ks[8], (C,), dtype=jnp.float32, minval=-s2, maxval=s2)
    return {"x": x, "edge_index": edge_index, "batch": batch, "W1": W1, "b1": b1,
            "W2": W2, "b2": b2, "ln1_g": ln1_g, "ln1_b": ln1_b, "ln2_g": ln2_g,
            "ln2_b": ln2_b, "Wc": Wc, "bc": bc}


def _gcn_conv(h, edge_index, W, b):
    # PyG-style GCNConv: add self-loops, symmetric normalization D^-1/2 (A+I) D^-1/2
    src = edge_index[0]
    dst = edge_index[1]
    loop = jnp.arange(N, dtype=edge_index.dtype)
    s = jnp.concatenate([src, loop])
    d = jnp.concatenate([dst, loop])
    deg = jnp.zeros((N,), dtype=h.dtype).at[d].add(1.0)
    dinv = jnp.where(deg > 0, deg ** -0.5, 0.0)
    norm = dinv[s] * dinv[d]
    m = h @ W.T
    msg = m[s] * norm[:, None]
    out = jnp.zeros((N, W.shape[0]), dtype=h.dtype).at[d].add(msg)
    return out + b


def _layer_norm(h, g, b):
    mu = h.mean(axis=-1, keepdims=True)
    var = ((h - mu) ** 2).mean(axis=-1, keepdims=True)
    return (h - mu) / jnp.sqrt(var + 1e-5) * g + b


def reference(x, edge_index, batch, W1, b1, W2, b2, ln1_g, ln1_b, ln2_g, ln2_b, Wc, bc):
    # dropout is identity in eval mode
    h = jax.nn.elu(_layer_norm(_gcn_conv(x, edge_index, W1, b1), ln1_g, ln1_b))
    h = jax.nn.elu(_layer_norm(_gcn_conv(h, edge_index, W2, b2), ln2_g, ln2_b))
    sums = jax.ops.segment_sum(h, batch, num_segments=B)
    cnt = jax.ops.segment_sum(jnp.ones((N, 1), dtype=h.dtype), batch, num_segments=B)
    g = sums / jnp.clip(cnt, 1.0)
    logits = g @ Wc.T + bc
    return logits

if __name__ == "__main__":
    import jax
    _d = setup_inputs()
    print(jax.jit(kernel)(*tuple(_d.values())))

</pallas_src>

<mosaic_0001>
#map = affine_map<(d0, d1) -> (0, 0)>
#map1 = affine_map<(d0, d1) -> (0, 0, 0)>
module attributes {stable_mosaic.version = 14 : i64} {
  func.func @scat_kernel(%arg0: i32, %arg1: i32, %arg2: memref<10000x128xf32, #tpu.memory_space<hbm>>, %arg3: memref<2688x128xi32, #tpu.memory_space<hbm>>, %arg4: memref<2688x128xi32, #tpu.memory_space<hbm>>, %arg5: memref<2x10240x128xf32, #tpu.memory_space<hbm>>, %arg6: memref<48x128xi32, #tpu.memory_space<vmem>>, %arg7: memref<48x128xi32, #tpu.memory_space<vmem>>, %arg8: memref<128x128xf32, #tpu.memory_space<vmem>>, %arg9: memref<128x128xf32, #tpu.memory_space<vmem>>, %arg10: memref<10240x128xf32, #tpu.memory_space<vmem_shared>>, %arg11: memref<!tpu.dma_semaphore, #tpu.memory_space<semaphore_mem>>, %arg12: memref<!tpu.dma_semaphore, #tpu.memory_space<semaphore_mem>>, %arg13: memref<!tpu.dma_semaphore, #tpu.memory_space<semaphore_mem>>, %arg14: memref<!tpu.dma_semaphore, #tpu.memory_space<semaphore_mem>>) attributes {dimension_semantics = [#tpu.dimension_semantics<core_parallel>, #tpu.dimension_semantics<subcore_parallel>], iteration_bounds = array<i64: 2, 16>, scalar_prefetch = 0 : i64, scratch_operands = 9 : i64, tpu.core_type = #tpu.core_type<sc_vector_subcore>, window_params = [{transform_indices = #map}, {transform_indices = #map}, {transform_indices = #map}, {transform_indices = #map1}]} {
    %eq3A = arith.constant 0 : i32
    %eq3A_0 = arith.cmpi eq, %arg0, %eq3A : i32
    %jit3A = arith.constant 48 : i32
    %jit3A_1 = arith.constant 16 : i32
    %select_n3A = arith.select %eq3A_0, %jit3A, %jit3A_1 : i32
    %eq3A_2 = arith.constant 0 : i32
    %eq3A_3 = arith.cmpi eq, %arg0, %eq3A_2 : i32
    %jit3A_4 = arith.constant 3 : i32
    %jit3A_5 = arith.constant 1 : i32
    %select_n3A_6 = arith.select %eq3A_3, %jit3A_4, %jit3A_5 : i32
    %eq3A_7 = arith.constant 0 : i32
    %eq3A_8 = arith.cmpi eq, %arg0, %eq3A_7 : i32
    %mul3A = arith.constant 144 : i32
    %mul3A_9 = arith.muli %arg1, %mul3A : i32
    %mul3A_10 = arith.constant 16 : i32
    %mul3A_11 = arith.muli %arg1, %mul3A_10 : i32
    %add3A = arith.constant 2304 : i32
    %add3A_12 = arith.addi %add3A, %mul3A_11 : i32
    %select_n3A_13 = arith.select %eq3A_8, %mul3A_9, %add3A_12 : i32
    %broadcast_in_dim3A = arith.constant 0.000000e+00 : f32
    %broadcast_in_dim3A_14 = vector.broadcast %broadcast_in_dim3A : f32 to vector<16xf32>
    %scan3A = arith.constant 0 : i32
    %scan3A_15 = arith.constant 0 : i32
    %scan3A_16 = arith.constant 1024 : i32
    %scan3A_17 = arith.addi %scan3A_15, %scan3A_16 : i32
    %scan3A_18 = arith.constant 1 : i32
    scf.for %scan3A_57 = %scan3A_15 to %scan3A_17 step %scan3A_18  : i32 {
      %jit3A_58 = arith.constant 8 : i32
      %div3A = arith.divsi %scan3A_57, %jit3A_58 : i32
      %sign3A = arith.constant 0 : i32
      %sign3A_59 = arith.cmpi sgt, %scan3A_57, %sign3A : i32
      %sign3A_60 = arith.extui %sign3A_59 : i1 to i32
      %sign3A_61 = arith.constant 0 : i32
      %sign3A_62 = arith.cmpi slt, %scan3A_57, %sign3A_61 : i32
      %sign3A_63 = arith.extui %sign3A_62 : i1 to i32
      %sign3A_64 = arith.subi %sign3A_60, %sign3A_63 : i32
      %sign3A_65 = arith.constant 0 : i32
      %sign3A_66 = arith.cmpi sgt, %jit3A_58, %sign3A_65 : i32
      %sign3A_67 = arith.extui %sign3A_66 : i1 to i32
      %sign3A_68 = arith.constant 0 : i32
      %sign3A_69 = arith.cmpi slt, %jit3A_58, %sign3A_68 : i32
      %sign3A_70 = arith.extui %sign3A_69 : i1 to i32
      %sign3A_71 = arith.subi %sign3A_67, %sign3A_70 : i32
      %ne3A = arith.cmpi ne, %sign3A_64, %sign3A_71 : i32
      %rem3A = arith.remsi %scan3A_57, %jit3A_58 : i32
      %ne3A_72 = arith.constant 0 : i32
      %ne3A_73 = arith.cmpi ne, %rem3A, %ne3A_72 : i32
      %and3A = arith.andi %ne3A, %ne3A_73 : i1
      %sub3A = arith.constant 1 : i32
      %sub3A_74 = arith.subi %div3A, %sub3A : i32
      %select_n3A_75 = arith.select %and3A, %sub3A_74, %div3A : i32
      %mul3A_76 = arith.constant 8 : i32
      %mul3A_77 = arith.muli %select_n3A_75, %mul3A_76 : i32
      %sub3A_78 = arith.subi %scan3A_57, %mul3A_77 : i32
      %mul3A_79 = arith.constant 16 : i32
      %mul3A_80 = arith.muli %sub3A_78, %mul3A_79 : i32
      %swap3A = arith.index_cast %select_n3A_75 : i32 to index
      %swap3A_81 = arith.index_cast %mul3A_80 : i32 to index
      %swap3A_82 = tpu.vector_load %arg8[%swap3A, %swap3A_81] {strides = array<i32>} : memref<128x128xf32, #tpu.memory_space<vmem>>, vector<16xf32>,
      tpu.vector_store %arg8[%swap3A, %swap3A_81], %broadcast_in_dim3A_14 {strides = array<i32>} : memref<128x128xf32, #tpu.memory_space<vmem>>, vector<16xf32>,
    }
    %scan3A_19 = arith.constant 1024 : i32
    %mul3A_20 = arith.constant 640 : i32
    %mul3A_21 = arith.muli %arg1, %mul3A_20 : i32
    %add3A_22 = arith.constant 0 : i32
    %add3A_23 = arith.addi %mul3A_21, %add3A_22 : i32
    "tpu.region"() ({
      %run_scoped3A = tpu.sem_alloc : memref<!tpu.dma_semaphore, #tpu.memory_space<semaphore_mem>>
      %dma_start3A = arith.constant 0 : i32
      %dma_start3A_57 = tpu.memref_slice %arg10[%add3A_23, %dma_start3A] : memref<10240x128xf32, #tpu.memory_space<vmem_shared>> -> memref<128x128xf32, #tpu.memory_space<vmem_shared>>
      %dma_start3A_58 = arith.constant 0 : i32
      %dma_start3A_59 = tpu.memref_slice %arg10[%add3A_23, %dma_start3A_58] : memref<10240x128xf32, #tpu.memory_space<vmem_shared>> -> memref<128x128xf32, #tpu.memory_space<vmem_shared>>
      tpu.enqueue_dma source(%arg8 : memref<128x128xf32, #tpu.memory_space<vmem>>) target(%dma_start3A_59 : memref<128x128xf32, #tpu.memory_space<vmem_shared>>) target_semaphore(%run_scoped3A : memref<!tpu.dma_semaphore, #tpu.memory_space<semaphore_mem>>)
      %dma_wait3A = arith.constant 0 : i32
      %dma_wait3A_60 = tpu.memref_slice %arg10[%add3A_23, %dma_wait3A] : memref<10240x128xf32, #tpu.memory_space<vmem_shared>> -> memref<128x128xf32, #tpu.memory_space<vmem_shared>>
      %dma_wait3A_61 = arith.constant 0 : i32
      %dma_wait3A_62 = tpu.memref_slice %arg10[%add3A_23, %dma_wait3A_61] : memref<10240x128xf32, #tpu.memory_space<vmem_shared>> -> memref<128x128xf32, #tpu.memory_space<vmem_shared>>
      tpu.wait_dma2 semaphore(%run_scoped3A : memref<!tpu.dma_semaphore, #tpu.memory_space<semaphore_mem>>) src(%arg8 : memref<128x128xf32, #tpu.memory_space<vmem>>) dst(%dma_wait3A_62 : memref<128x128xf32, #tpu.memory_space<vmem_shared>>)
      tpu.yield
    }) : () -> ()
    %mul3A_24 = arith.constant 640 : i32
    %mul3A_25 = arith.muli %arg1, %mul3A_24 : i32
    %add3A_26 = arith.constant 128 : i32
    %add3A_27 = arith.addi %mul3A_25, %add3A_26 : i32
    "tpu.region"() ({
      %run_scoped3A = tpu.sem_alloc : memref<!tpu.dma_semaphore, #tpu.memory_space<semaphore_mem>>
      %dma_start3A = arith.constant 0 : i32
      %dma_start3A_57 = tpu.memref_slice %arg10[%add3A_27, %dma_start3A] : memref<10240x128xf32, #tpu.memory_space<vmem_shared>> -> memref<128x128xf32, #tpu.memory_space<vmem_shared>>
      %dma_start3A_58 = arith.constant 0 : i32
      %dma_start3A_59 = tpu.memref_slice %arg10[%add3A_27, %dma_start3A_58] : memref<10240x128xf32, #tpu.memory_space<vmem_shared>> -> memref<128x128xf32, #tpu.memory_space<vmem_shared>>
      tpu.enqueue_dma source(%arg8 : memref<128x128xf32, #tpu.memory_space<vmem>>) target(%dma_start3A_59 : memref<128x128xf32, #tpu.memory_space<vmem_shared>>) target_semaphore(%run_scoped3A : memref<!tpu.dma_semaphore, #tpu.memory_space<semaphore_mem>>)
      %dma_wait3A = arith.constant 0 : i32
      %dma_wait3A_60 = tpu.memref_slice %arg10[%add3A_27, %dma_wait3A] : memref<10240x128xf32, #tpu.memory_space<vmem_shared>> -> memref<128x128xf32, #tpu.memory_space<vmem_shared>>
      %dma_wait3A_61 = arith.constant 0 : i32
      %dma_wait3A_62 = tpu.memref_slice %arg10[%add3A_27, %dma_wait3A_61] : memref<10240x128xf32, #tpu.memory_space<vmem_shared>> -> memref<128x128xf32, #tpu.memory_space<vmem_shared>>
      tpu.wait_dma2 semaphore(%run_scoped3A : memref<!tpu.dma_semaphore, #tpu.memory_space<semaphore_mem>>) src(%arg8 : memref<128x128xf32, #tpu.memory_space<vmem>>) dst(%dma_wait3A_62 : memref<128x128xf32, #tpu.memory_space<vmem_shared>>)
      tpu.yield
    }) : () -> ()
    %mul3A_28 = arith.constant 640 : i32
    %mul3A_29 = arith.muli %arg1, %mul3A_28 : i32
    %add3A_30 = arith.constant 256 : i32
    %add3A_31 = arith.addi %mul3A_29, %add3A_30 : i32
    "tpu.region"() ({
      %run_scoped3A = tpu.sem_alloc : memref<!tpu.dma_semaphore, #tpu.memory_space<semaphore_mem>>
      %dma_start3A = arith.constant 0 : i32
      %dma_start3A_57 = tpu.memref_slice %arg10[%add3A_31, %dma_start3A] : memref<10240x128xf32, #tpu.memory_space<vmem_shared>> -> memref<128x128xf32, #tpu.memory_space<vmem_shared>>
      %dma_start3A_58 = arith.constant 0 : i32
      %dma_start3A_59 = tpu.memref_slice %arg10[%add3A_31, %dma_start3A_58] : memref<10240x128xf32, #tpu.memory_space<vmem_shared>> -> memref<128x128xf32, #tpu.memory_space<vmem_shared>>
      tpu.enqueue_dma source(%arg8 : memref<128x128xf32, #tpu.memory_space<vmem>>) target(%dma_start3A_59 : memref<128x128xf32, #tpu.memory_space<vmem_shared>>) target_semaphore(%run_scoped3A : memref<!tpu.dma_semaphore, #tpu.memory_space<semaphore_mem>>)
      %dma_wait3A = arith.constant 0 : i32
      %dma_wait3A_60 = tpu.memref_slice %arg10[%add3A_31, %dma_wait3A] : memref<10240x128xf32, #tpu.memory_space<vmem_shared>> -> memref<128x128xf32, #tpu.memory_space<vmem_shared>>
      %dma_wait3A_61 = arith.constant 0 : i32
      %dma_wait3A_62 = tpu.memref_slice %arg10[%add3A_31, %dma_wait3A_61] : memref<10240x128xf32, #tpu.memory_space<vmem_shared>> -> memref<128x128xf32, #tpu.memory_space<vmem_shared>>
      tpu.wait_dma2 semaphore(%run_scoped3A : memref<!tpu.dma_semaphore, #tpu.memory_space<semaphore_mem>>) src(%arg8 : memref<128x128xf32, #tpu.memory_space<vmem>>) dst(%dma_wait3A_62 : memref<128x128xf32, #tpu.memory_space<vmem_shared>>)
      tpu.yield
    }) : () -> ()
    %mul3A_32 = arith.constant 640 : i32
    %mul3A_33 = arith.muli %arg1, %mul3A_32 : i32
    %add3A_34 = arith.constant 384 : i32
    %add3A_35 = arith.addi %mul3A_33, %add3A_34 : i32
    "tpu.region"() ({
      %run_scoped3A = tpu.sem_alloc : memref<!tpu.dma_semaphore, #tpu.memory_space<semaphore_mem>>
      %dma_start3A = arith.constant 0 : i32
      %dma_start3A_57 = tpu.memref_slice %arg10[%add3A_35, %dma_start3A] : memref<10240x128xf32, #tpu.memory_space<vmem_shared>> -> memref<128x128xf32, #tpu.memory_space<vmem_shared>>
      %dma_start3A_58 = arith.constant 0 : i32
      %dma_start3A_59 = tpu.memref_slice %arg10[%add3A_35, %dma_start3A_58] : memref<10240x128xf32, #tpu.memory_space<vmem_shared>> -> memref<128x128xf32, #tpu.memory_space<vmem_shared>>
      tpu.enqueue_dma source(%arg8 : memref<128x128xf32, #tpu.memory_space<vmem>>) target(%dma_start3A_59 : memref<128x128xf32, #tpu.memory_space<vmem_shared>>) target_semaphore(%run_scoped3A : memref<!tpu.dma_semaphore, #tpu.memory_space<semaphore_mem>>)
      %dma_wait3A = arith.constant 0 : i32
      %dma_wait3A_60 = tpu.memref_slice %arg10[%add3A_35, %dma_wait3A] : memref<10240x128xf32, #tpu.memory_space<vmem_shared>> -> memref<128x128xf32, #tpu.memory_space<vmem_shared>>
      %dma_wait3A_61 = arith.constant 0 : i32
      %dma_wait3A_62 = tpu.memref_slice %arg10[%add3A_35, %dma_wait3A_61] : memref<10240x128xf32, #tpu.memory_space<vmem_shared>> -> memref<128x128xf32, #tpu.memory_space<vmem_shared>>
      tpu.wait_dma2 semaphore(%run_scoped3A : memref<!tpu.dma_semaphore, #tpu.memory_space<semaphore_mem>>) src(%arg8 : memref<128x128xf32, #tpu.memory_space<vmem>>) dst(%dma_wait3A_62 : memref<128x128xf32, #tpu.memory_space<vmem_shared>>)
      tpu.yield
    }) : () -> ()
    %mul3A_36 = arith.constant 640 : i32
    %mul3A_37 = arith.muli %arg1, %mul3A_36 : i32
    %add3A_38 = arith.constant 512 : i32
    %add3A_39 = arith.addi %mul3A_37, %add3A_38 : i32
    "tpu.region"() ({
      %run_scoped3A = tpu.sem_alloc : memref<!tpu.dma_semaphore, #tpu.memory_space<semaphore_mem>>
      %dma_start3A = arith.constant 0 : i32
      %dma_start3A_57 = tpu.memref_slice %arg10[%add3A_39, %dma_start3A] : memref<10240x128xf32, #tpu.memory_space<vmem_shared>> -> memref<128x128xf32, #tpu.memory_space<vmem_shared>>
      %dma_start3A_58 = arith.constant 0 : i32
      %dma_start3A_59 = tpu.memref_slice %arg10[%add3A_39, %dma_start3A_58] : memref<10240x128xf32, #tpu.memory_space<vmem_shared>> -> memref<128x128xf32, #tpu.memory_space<vmem_shared>>
      tpu.enqueue_dma source(%arg8 : memref<128x128xf32, #tpu.memory_space<vmem>>) target(%dma_start3A_59 : memref<128x128xf32, #tpu.memory_space<vmem_shared>>) target_semaphore(%run_scoped3A : memref<!tpu.dma_semaphore, #tpu.memory_space<semaphore_mem>>)
      %dma_wait3A = arith.constant 0 : i32
      %dma_wait3A_60 = tpu.memref_slice %arg10[%add3A_39, %dma_wait3A] : memref<10240x128xf32, #tpu.memory_space<vmem_shared>> -> memref<128x128xf32, #tpu.memory_space<vmem_shared>>
      %dma_wait3A_61 = arith.constant 0 : i32
      %dma_wait3A_62 = tpu.memref_slice %arg10[%add3A_39, %dma_wait3A_61] : memref<10240x128xf32, #tpu.memory_space<vmem_shared>> -> memref<128x128xf32, #tpu.memory_space<vmem_shared>>
      tpu.wait_dma2 semaphore(%run_scoped3A : memref<!tpu.dma_semaphore, #tpu.memory_space<semaphore_mem>>) src(%arg8 : memref<128x128xf32, #tpu.memory_space<vmem>>) dst(%dma_wait3A_62 : memref<128x128xf32, #tpu.memory_space<vmem_shared>>)
      tpu.yield
    }) : () -> ()
    %barrier3A = arith.constant 0 : index
    tpu.barrier barrier_id(%barrier3A)
    %gt3A = arith.constant 0 : i32
    %gt3A_40 = arith.cmpi sgt, %select_n3A_6, %gt3A : i32
    %convert_element_type3A = arith.extui %gt3A_40 : i1 to i32
    %cond3A = arith.constant 0 : i32
    %cond3A_41 = arith.cmpi ne, %convert_element_type3A, %cond3A : i32
    scf.if %cond3A_41 {
      %mul3A_57 = arith.constant 0 : i32
      %mul3A_58 = arith.muli %mul3A_57, %select_n3A : i32
      %add3A_59 = arith.addi %select_n3A_13, %mul3A_58 : i32
      %multiple_of3A = tpu.assume_multiple %add3A_59, 8 : i32
      "tpu.region"() ({
        %run_scoped3A = tpu.sem_alloc : memref<!tpu.dma_semaphore, #tpu.memory_space<semaphore_mem>>
        %dma_start3A_147 = arith.constant 0 : i32
        %dma_start3A_148 = tpu.memref_slice %arg3[%multiple_of3A, %dma_start3A_147] : memref<2688x128xi32, #tpu.memory_space<hbm>> -> memref<48x128xi32, #tpu.memory_space<hbm>>
        %dma_start3A_149 = arith.constant 0 : i32
        %dma_start3A_150 = tpu.memref_slice %arg3[%multiple_of3A, %dma_start3A_149] : memref<2688x128xi32, #tpu.memory_space<hbm>> -> memref<48x128xi32, #tpu.memory_space<hbm>>
        tpu.enqueue_dma source(%dma_start3A_150 : memref<48x128xi32, #tpu.memory_space<hbm>>) target(%arg6 : memref<48x128xi32, #tpu.memory_space<vmem>>) target_semaphore(%run_scoped3A : memref<!tpu.dma_semaphore, #tpu.memory_space<semaphore_mem>>)
        %dma_wait3A_151 = arith.constant 0 : i32
        %dma_wait3A_152 = tpu.memref_slice %arg3[%multiple_of3A, %dma_wait3A_151] : memref<2688x128xi32, #tpu.memory_space<hbm>> -> memref<48x128xi32, #tpu.memory_space<hbm>>
        %dma_wait3A_153 = arith.constant 0 : i32
        %dma_wait3A_154 = tpu.memref_slice %arg3[%multiple_of3A, %dma_wait3A_153] : memref<2688x128xi32, #tpu.memory_space<hbm>> -> memref<48x128xi32, #tpu.memory_space<hbm>>
        tpu.wait_dma2 semaphore(%run_scoped3A : memref<!tpu.dma_semaphore, #tpu.memory_space<semaphore_mem>>) src(%dma_wait3A_154 : memref<48x128xi32, #tpu.memory_space<hbm>>) dst(%arg6 : memref<48x128xi32, #tpu.memory_space<vmem>>)
        tpu.yield
      }) : () -> ()
      "tpu.region"() ({
        %run_scoped3A = tpu.sem_alloc : memref<!tpu.dma_semaphore, #tpu.memory_space<semaphore_mem>>
        %dma_start3A_147 = arith.constant 0 : i32
        %dma_start3A_148 = tpu.memref_slice %arg4[%multiple_of3A, %dma_start3A_147] : memref<2688x128xi32, #tpu.memory_space<hbm>> -> memref<48x128xi32, #tpu.memory_space<hbm>>
        %dma_start3A_149 = arith.constant 0 : i32
        %dma_start3A_150 = tpu.memref_slice %arg4[%multiple_of3A, %dma_start3A_149] : memref<2688x128xi32, #tpu.memory_space<hbm>> -> memref<48x128xi32, #tpu.memory_space<hbm>>
        tpu.enqueue_dma source(%dma_start3A_150 : memref<48x128xi32, #tpu.memory_space<hbm>>) target(%arg7 : memref<48x128xi32, #tpu.memory_space<vmem>>) target_semaphore(%run_scoped3A : memref<!tpu.dma_semaphore, #tpu.memory_space<semaphore_mem>>)
        %dma_wait3A_151 = arith.constant 0 : i32
        %dma_wait3A_152 = tpu.memref_slice %arg4[%multiple_of3A, %dma_wait3A_151] : memref<2688x128xi32, #tpu.memory_space<hbm>> -> memref<48x128xi32, #tpu.memory_space<hbm>>
        %dma_wait3A_153 = arith.constant 0 : i32
        %dma_wait3A_154 = tpu.memref_slice %arg4[%multiple_of3A, %dma_wait3A_153] : memref<2688x128xi32, #tpu.memory_space<hbm>> -> memref<48x128xi32, #tpu.memory_space<hbm>>
        tpu.wait_dma2 semaphore(%run_scoped3A : memref<!tpu.dma_semaphore, #tpu.memory_space<semaphore_mem>>) src(%dma_wait3A_154 : memref<48x128xi32, #tpu.memory_space<hbm>>) dst(%arg7 : memref<48x128xi32, #tpu.memory_space<vmem>>)
        tpu.yield
      }) : () -> ()
      %dma_start3A = arith.constant 0 : i32
      %dma_start3A_60 = arith.constant 0 : i32
      %dma_start3A_61 = tpu.memref_slice %arg6[%dma_start3A, %dma_start3A_60] : memref<48x128xi32, #tpu.memory_space<vmem>> -> memref<1x128xi32, #tpu.memory_space<vmem>>
      %dma_start3A_62 = tpu.memref_squeeze %dma_start3A_61 : memref<1x128xi32, #tpu.memory_space<vmem>> -> memref<128xi32, #tpu.memory_space<vmem>>
      %dma_start3A_63 = arith.constant 0 : i32
      %dma_start3A_64 = arith.constant 0 : i32
      %dma_start3A_65 = tpu.memref_slice %arg2[%dma_start3A_63, %dma_start3A_64] : memref<10000x128xf32, #tpu.memory_space<hbm>> -> memref<10000x128xf32, #tpu.memory_space<hbm>>
      tpu.enqueue_indirect_dma source(%dma_start3A_65 : memref<10000x128xf32, #tpu.memory_space<hbm>>) target(%arg8 : memref<128x128xf32, #tpu.memory_space<vmem>>) offsets(%dma_start3A_62 : memref<128xi32, #tpu.memory_space<vmem>>) semaphore(%arg11 : memref<!tpu.dma_semaphore, #tpu.memory_space<semaphore_mem>>)
      %dma_start3A_66 = arith.constant 1 : i32
      %dma_start3A_67 = arith.constant 0 : i32
      %dma_start3A_68 = tpu.memref_slice %arg6[%dma_start3A_66, %dma_start3A_67] : memref<48x128xi32, #tpu.memory_space<vmem>> -> memref<1x128xi32, #tpu.memory_space<vmem>>
      %dma_start3A_69 = tpu.memref_squeeze %dma_start3A_68 : memref<1x128xi32, #tpu.memory_space<vmem>> -> memref<128xi32, #tpu.memory_space<vmem>>
      %dma_start3A_70 = arith.constant 0 : i32
      %dma_start3A_71 = arith.constant 0 : i32
      %dma_start3A_72 = tpu.memref_slice %arg2[%dma_start3A_70, %dma_start3A_71] : memref<10000x128xf32, #tpu.memory_space<hbm>> -> memref<10000x128xf32, #tpu.memory_space<hbm>>
      tpu.enqueue_indirect_dma source(%dma_start3A_72 : memref<10000x128xf32, #tpu.memory_space<hbm>>) target(%arg9 : memref<128x128xf32, #tpu.memory_space<vmem>>) offsets(%dma_start3A_69 : memref<128xi32, #tpu.memory_space<vmem>>) semaphore(%arg12 : memref<!tpu.dma_semaphore, #tpu.memory_space<semaphore_mem>>)
      %jit3A_73 = arith.constant 2 : i32
      %div3A = arith.divsi %select_n3A, %jit3A_73 : i32
      %sign3A = arith.constant 0 : i32
      %sign3A_74 = arith.cmpi sgt, %select_n3A, %sign3A : i32
      %sign3A_75 = arith.extui %sign3A_74 : i1 to i32
      %sign3A_76 = arith.constant 0 : i32
      %sign3A_77 = arith.cmpi slt, %select_n3A, %sign3A_76 : i32
      %sign3A_78 = arith.extui %sign3A_77 : i1 to i32
      %sign3A_79 = arith.subi %sign3A_75, %sign3A_78 : i32
      %sign3A_80 = arith.constant 0 : i32
      %sign3A_81 = arith.cmpi sgt, %jit3A_73, %sign3A_80 : i32
      %sign3A_82 = arith.extui %sign3A_81 : i1 to i32
      %sign3A_83 = arith.constant 0 : i32
      %sign3A_84 = arith.cmpi slt, %jit3A_73, %sign3A_83 : i32
      %sign3A_85 = arith.extui %sign3A_84 : i1 to i32
      %sign3A_86 = arith.subi %sign3A_82, %sign3A_85 : i32
      %ne3A = arith.cmpi ne, %sign3A_79, %sign3A_86 : i32
      %rem3A = arith.remsi %select_n3A, %jit3A_73 : i32
      %ne3A_87 = arith.constant 0 : i32
      %ne3A_88 = arith.cmpi ne, %rem3A, %ne3A_87 : i32
      %and3A = arith.andi %ne3A, %ne3A_88 : i1
      %sub3A = arith.constant 1 : i32
      %sub3A_89 = arith.subi %div3A, %sub3A : i32
      %select_n3A_90 = arith.select %and3A, %sub3A_89, %div3A : i32
      %sub3A_91 = arith.constant 1 : i32
      %sub3A_92 = arith.subi %select_n3A_90, %sub3A_91 : i32
      %while3A = arith.constant 0 : i32
      %while3A_93 = arith.constant 0 : i32
      %while3A_94 = arith.subi %sub3A_92, %while3A_93 : i32
      %while3A_95 = arith.addi %while3A_93, %while3A_94 : i32
      %while3A_96 = arith.constant 1 : i32
      %while3A_97 = arith.divsi %while3A_94, %while3A_96 : i32
      %while3A_98 = arith.muli %while3A_97, %while3A_96 : i32
      %while3A_99 = arith.addi %while3A_93, %while3A_98 : i32
      %while3A_100 = arith.constant 1 : i32
      scf.for %while3A_147 = %while3A_93 to %while3A_99 step %while3A_100  : i32 {
        %mul3A_148 = arith.constant 2 : i32
        %mul3A_149 = arith.muli %while3A_147, %mul3A_148 : i32
        %dma_wait3A_150 = arith.constant 0 : i32
        %dma_wait3A_151 = arith.constant 0 : i32
        %dma_wait3A_152 = tpu.memref_slice %arg6[%dma_wait3A_150, %dma_wait3A_151] : memref<48x128xi32, #tpu.memory_space<vmem>> -> memref<1x128xi32, #tpu.memory_space<vmem>>
        %dma_wait3A_153 = tpu.memref_squeeze %dma_wait3A_152 : memref<1x128xi32, #tpu.memory_space<vmem>> -> memref<128xi32, #tpu.memory_space<vmem>>
        %dma_wait3A_154 = arith.constant 0 : i32
        %dma_wait3A_155 = arith.constant 0 : i32
        %dma_wait3A_156 = tpu.memref_slice %arg2[%dma_wait3A_154, %dma_wait3A_155] : memref<10000x128xf32, #tpu.memory_space<hbm>> -> memref<10000x128xf32, #tpu.memory_space<hbm>>
        tpu.wait_indirect_dma semaphore(%arg11 : memref<!tpu.dma_semaphore, #tpu.memory_space<semaphore_mem>>) src(%dma_wait3A_156 : memref<10000x128xf32, #tpu.memory_space<hbm>>) dst(%arg8 : memref<128x128xf32, #tpu.memory_space<vmem>>)
        %add3A_157 = arith.constant 0 : i32
        %add3A_158 = arith.addi %mul3A_149, %add3A_157 : i32
        %dma_start3A_159 = arith.constant 0 : i32
        %dma_start3A_160 = tpu.memref_slice %arg7[%add3A_158, %dma_start3A_159] : memref<48x128xi32, #tpu.memory_space<vmem>> -> memref<1x128xi32, #tpu.memory_space<vmem>>
        %dma_start3A_161 = tpu.memref_squeeze %dma_start3A_160 : memref<1x128xi32, #tpu.memory_space<vmem>> -> memref<128xi32, #tpu.memory_space<vmem>>
        %dma_start3A_162 = arith.constant 0 : i32
        %dma_start3A_163 = arith.constant 0 : i32
        %dma_start3A_164 = tpu.memref_slice %arg10[%dma_start3A_162, %dma_start3A_163] : memref<10240x128xf32, #tpu.memory_space<vmem_shared>> -> memref<10240x128xf32, #tpu.memory_space<vmem_shared>>
        tpu.enqueue_indirect_dma source(%arg8 : memref<128x128xf32, #tpu.memory_space<vmem>>) target(%dma_start3A_164 : memref<10240x128xf32, #tpu.memory_space<vmem_shared>>) offsets(%dma_start3A_161 : memref<128xi32, #tpu.memory_space<vmem>>) semaphore(%arg13 : memref<!tpu.dma_semaphore, #tpu.memory_space<semaphore_mem>>) {add = true}
        %dma_wait3A_165 = arith.constant 0 : i32
        %dma_wait3A_166 = arith.constant 0 : i32
        %dma_wait3A_167 = tpu.memref_slice %arg6[%dma_wait3A_165, %dma_wait3A_166] : memref<48x128xi32, #tpu.memory_space<vmem>> -> memref<1x128xi32, #tpu.memory_space<vmem>>
        %dma_wait3A_168 = tpu.memref_squeeze %dma_wait3A_167 : memref<1x128xi32, #tpu.memory_space<vmem>> -> memref<128xi32, #tpu.memory_space<vmem>>
        %dma_wait3A_169 = arith.constant 0 : i32
        %dma_wait3A_170 = arith.constant 0 : i32
        %dma_wait3A_171 = tpu.memref_slice %arg2[%dma_wait3A_169, %dma_wait3A_170] : memref<10000x128xf32, #tpu.memory_space<hbm>> -> memref<10000x128xf32, #tpu.memory_space<hbm>>
        tpu.wait_indirect_dma semaphore(%arg12 : memref<!tpu.dma_semaphore, #tpu.memory_space<semaphore_mem>>) src(%dma_wait3A_171 : memref<10000x128xf32, #tpu.memory_space<hbm>>) dst(%arg9 : memref<128x128xf32, #tpu.memory_space<vmem>>)
        %add3A_172 = arith.constant 1 : i32
        %add3A_173 = arith.addi %mul3A_149, %add3A_172 : i32
        %dma_start3A_174 = arith.constant 0 : i32
        %dma_start3A_175 = tpu.memref_slice %arg7[%add3A_173, %dma_start3A_174] : memref<48x128xi32, #tpu.memory_space<vmem>> -> memref<1x128xi32, #tpu.memory_space<vmem>>
        %dma_start3A_176 = tpu.memref_squeeze %dma_start3A_175 : memref<1x128xi32, #tpu.memory_space<vmem>> -> memref<128xi32, #tpu.memory_space<vmem>>
        %dma_start3A_177 = arith.constant 0 : i32
        %dma_start3A_178 = arith.constant 0 : i32
        %dma_start3A_179 = tpu.memref_slice %arg10[%dma_start3A_177, %dma_start3A_178] : memref<10240x128xf32, #tpu.memory_space<vmem_shared>> -> memref<10240x128xf32, #tpu.memory_space<vmem_shared>>
        tpu.enqueue_indirect_dma source(%arg9 : memref<128x128xf32, #tpu.memory_space<vmem>>) target(%dma_start3A_179 : memref<10240x128xf32, #tpu.memory_space<vmem_shared>>) offsets(%dma_start3A_176 : memref<128xi32, #tpu.memory_space<vmem>>) semaphore(%arg14 : memref<!tpu.dma_semaphore, #tpu.memory_space<semaphore_mem>>) {add = true}
        %dma_wait3A_180 = arith.constant 0 : i32
        %dma_wait3A_181 = arith.constant 0 : i32
        %dma_wait3A_182 = tpu.memref_slice %arg7[%dma_wait3A_180, %dma_wait3A_181] : memref<48x128xi32, #tpu.memory_space<vmem>> -> memref<1x128xi32, #tpu.memory_space<vmem>>
        %dma_wait3A_183 = tpu.memref_squeeze %dma_wait3A_182 : memref<1x128xi32, #tpu.memory_space<vmem>> -> memref<128xi32, #tpu.memory_space<vmem>>
        %dma_wait3A_184 = arith.constant 0 : i32
        %dma_wait3A_185 = arith.constant 0 : i32
        %dma_wait3A_186 = tpu.memref_slice %arg10[%dma_wait3A_184, %dma_wait3A_185] : memref<10240x128xf32, #tpu.memory_space<vmem_shared>> -> memref<10240x128xf32, #tpu.memory_space<vmem_shared>>
        tpu.wait_indirect_dma semaphore(%arg13 : memref<!tpu.dma_semaphore, #tpu.memory_space<semaphore_mem>>) src(%arg8 : memref<128x128xf32, #tpu.memory_space<vmem>>) dst(%dma_wait3A_186 : memref<10240x128xf32, #tpu.memory_space<vmem_shared>>)
        %add3A_187 = arith.constant 2 : i32
        %add3A_188 = arith.addi %mul3A_149, %add3A_187 : i32
        %add3A_189 = arith.constant 0 : i32
        %add3A_190 = arith.addi %add3A_188, %add3A_189 : i32
        %dma_start3A_191 = arith.constant 0 : i32
        %dma_start3A_192 = tpu.memref_slice %arg6[%add3A_190, %dma_start3A_191] : memref<48x128xi32, #tpu.memory_space<vmem>> -> memref<1x128xi32, #tpu.memory_space<vmem>>
        %dma_start3A_193 = tpu.memref_squeeze %dma_start3A_192 : memref<1x128xi32, #tpu.memory_space<vmem>> -> memref<128xi32, #tpu.memory_space<vmem>>
        %dma_start3A_194 = arith.constant 0 : i32
        %dma_start3A_195 = arith.constant 0 : i32
        %dma_start3A_196 = tpu.memref_slice %arg2[%dma_start3A_194, %dma_start3A_195] : memref<10000x128xf32, #tpu.memory_space<hbm>> -> memref<10000x128xf32, #tpu.memory_space<hbm>>
        tpu.enqueue_indirect_dma source(%dma_start3A_196 : memref<10000x128xf32, #tpu.memory_space<hbm>>) target(%arg8 : memref<128x128xf32, #tpu.memory_space<vmem>>) offsets(%dma_start3A_193 : memref<128xi32, #tpu.memory_space<vmem>>) semaphore(%arg11 : memref<!tpu.dma_semaphore, #tpu.memory_space<semaphore_mem>>)
        %dma_wait3A_197 = arith.constant 0 : i32
        %dma_wait3A_198 = arith.constant 0 : i32
        %dma_wait3A_199 = tpu.memref_slice %arg7[%dma_wait3A_197, %dma_wait3A_198] : memref<48x128xi32, #tpu.memory_space<vmem>> -> memref<1x128xi32, #tpu.memory_space<vmem>>
        %dma_wait3A_200 = tpu.memref_squeeze %dma_wait3A_199 : memref<1x128xi32, #tpu.memory_space<vmem>> -> memref<128xi32, #tpu.memory_space<vmem>>
        %dma_wait3A_201 = arith.constant 0 : i32
        %dma_wait3A_202 = arith.constant 0 : i32
        %dma_wait3A_203 = tpu.memref_slice %arg10[%dma_wait3A_201, %dma_wait3A_202] : memref<10240x128xf32, #tpu.memory_space<vmem_shared>> -> memref<10240x128xf32, #tpu.memory_space<vmem_shared>>
        tpu.wait_indirect_dma semaphore(%arg14 : memref<!tpu.dma_semaphore, #tpu.memory_space<semaphore_mem>>) src(%arg9 : memref<128x128xf32, #tpu.memory_space<vmem>>) dst(%dma_wait3A_203 : memref<10240x128xf32, #tpu.memory_space<vmem_shared>>)
        %add3A_204 = arith.constant 2 : i32
        %add3A_205 = arith.addi %mul3A_149, %add3A_204 : i32
        %add3A_206 = arith.constant 1 : i32
        %add3A_207 = arith.addi %add3A_205, %add3A_206 : i32
        %dma_start3A_208 = arith.constant 0 : i32
        %dma_start3A_209 = tpu.memref_slice %arg6[%add3A_207, %dma_start3A_208] : memref<48x128xi32, #tpu.memory_space<vmem>> -> memref<1x128xi32, #tpu.memory_space<vmem>>
        %dma_start3A_210 = tpu.memref_squeeze %dma_start3A_209 : memref<1x128xi32, #tpu.memory_space<vmem>> -> memref<128xi32, #tpu.memory_space<vmem>>
        %dma_start3A_211 = arith.constant 0 : i32
        %dma_start3A_212 = arith.constant 0 : i32
        %dma_start3A_213 = tpu.memref_slice %arg2[%dma_start3A_211, %dma_start3A_212] : memref<10000x128xf32, #tpu.memory_space<hbm>> -> memref<10000x128xf32, #tpu.memory_space<hbm>>
        tpu.enqueue_indirect_dma source(%dma_start3A_213 : memref<10000x128xf32, #tpu.memory_space<hbm>>) target(%arg9 : memref<128x128xf32, #tpu.memory_space<vmem>>) offsets(%dma_start3A_210 : memref<128xi32, #tpu.memory_space<vmem>>) semaphore(%arg12 : memref<!tpu.dma_semaphore, #tpu.memory_space<semaphore_mem>>)
      }
      %while3A_101 = arith.constant 1 : i32
      scf.for %while3A_147 = %while3A_99 to %while3A_95 step %while3A_101  : i32 {
        %mul3A_148 = arith.constant 2 : i32
        %mul3A_149 = arith.muli %while3A_147, %mul3A_148 : i32
        %dma_wait3A_150 = arith.constant 0 : i32
        %dma_wait3A_151 = arith.constant 0 : i32
        %dma_wait3A_152 = tpu.memref_slice %arg6[%dma_wait3A_150, %dma_wait3A_151] : memref<48x128xi32, #tpu.memory_space<vmem>> -> memref<1x128xi32, #tpu.memory_space<vmem>>
        %dma_wait3A_153 = tpu.memref_squeeze %dma_wait3A_152 : memref<1x128xi32, #tpu.memory_space<vmem>> -> memref<128xi32, #tpu.memory_space<vmem>>
        %dma_wait3A_154 = arith.constant 0 : i32
        %dma_wait3A_155 = arith.constant 0 : i32
        %dma_wait3A_156 = tpu.memref_slice %arg2[%dma_wait3A_154, %dma_wait3A_155] : memref<10000x128xf32, #tpu.memory_space<hbm>> -> memref<10000x128xf32, #tpu.memory_space<hbm>>
        tpu.wait_indirect_dma semaphore(%arg11 : memref<!tpu.dma_semaphore, #tpu.memory_space<semaphore_mem>>) src(%dma_wait3A_156 : memref<10000x128xf32, #tpu.memory_space<hbm>>) dst(%arg8 : memref<128x128xf32, #tpu.memory_space<vmem>>)
        %add3A_157 = arith.constant 0 : i32
        %add3A_158 = arith.addi %mul3A_149, %add3A_157 : i32
        %dma_start3A_159 = arith.constant 0 : i32
        %dma_start3A_160 = tpu.memref_slice %arg7[%add3A_158, %dma_start3A_159] : memref<48x128xi32, #tpu.memory_space<vmem>> -> memref<1x128xi32, #tpu.memory_space<vmem>>
        %dma_start3A_161 = tpu.memref_squeeze %dma_start3A_160 : memref<1x128xi32, #tpu.memory_space<vmem>> -> memref<128xi32, #tpu.memory_space<vmem>>
        %dma_start3A_162 = arith.constant 0 : i32
        %dma_start3A_163 = arith.constant 0 : i32
        %dma_start3A_164 = tpu.memref_slice %arg10[%dma_start3A_162, %dma_start3A_163] : memref<10240x128xf32, #tpu.memory_space<vmem_shared>> -> memref<10240x128xf32, #tpu.memory_space<vmem_shared>>
        tpu.enqueue_indirect_dma source(%arg8 : memref<128x128xf32, #tpu.memory_space<vmem>>) target(%dma_start3A_164 : memref<10240x128xf32, #tpu.memory_space<vmem_shared>>) offsets(%dma_start3A_161 : memref<128xi32, #tpu.memory_space<vmem>>) semaphore(%arg13 : memref<!tpu.dma_semaphore, #tpu.memory_space<semaphore_mem>>) {add = true}
        %dma_wait3A_165 = arith.constant 0 : i32
        %dma_wait3A_166 = arith.constant 0 : i32
        %dma_wait3A_167 = tpu.memref_slice %arg6[%dma_wait3A_165, %dma_wait3A_166] : memref<48x128xi32, #tpu.memory_space<vmem>> -> memref<1x128xi32, #tpu.memory_space<vmem>>
        %dma_wait3A_168 = tpu.memref_squeeze %dma_wait3A_167 : memref<1x128xi32, #tpu.memory_space<vmem>> -> memref<128xi32, #tpu.memory_space<vmem>>
        %dma_wait3A_169 = arith.constant 0 : i32
        %dma_wait3A_170 = arith.constant 0 : i32
        %dma_wait3A_171 = tpu.memref_slice %arg2[%dma_wait3A_169, %dma_wait3A_170] : memref<10000x128xf32, #tpu.memory_space<hbm>> -> memref<10000x128xf32, #tpu.memory_space<hbm>>
        tpu.wait_indirect_dma semaphore(%arg12 : memref<!tpu.dma_semaphore, #tpu.memory_space<semaphore_mem>>) src(%dma_wait3A_171 : memref<10000x128xf32, #tpu.memory_space<hbm>>) dst(%arg9 : memref<128x128xf32, #tpu.memory_space<vmem>>)
        %add3A_172 = arith.constant 1 : i32
        %add3A_173 = arith.addi %mul3A_149, %add3A_172 : i32
        %dma_start3A_174 = arith.constant 0 : i32
        %dma_start3A_175 = tpu.memref_slice %arg7[%add3A_173, %dma_start3A_174] : memref<48x128xi32, #tpu.memory_space<vmem>> -> memref<1x128xi32, #tpu.memory_space<vmem>>
        %dma_start3A_176 = tpu.memref_squeeze %dma_start3A_175 : memref<1x128xi32, #tpu.memory_space<vmem>> -> memref<128xi32, #tpu.memory_space<vmem>>
        %dma_start3A_177 = arith.constant 0 : i32
        %dma_start3A_178 = arith.constant 0 : i32
        %dma_start3A_179 = tpu.memref_slice %arg10[%dma_start3A_177, %dma_start3A_178] : memref<10240x128xf32, #tpu.memory_space<vmem_shared>> -> memref<10240x128xf32, #tpu.memory_space<vmem_shared>>
        tpu.enqueue_indirect_dma source(%arg9 : memref<128x128xf32, #tpu.memory_space<vmem>>) target(%dma_start3A_179 : memref<10240x128xf32, #tpu.memory_space<vmem_shared>>) offsets(%dma_start3A_176 : memref<128xi32, #tpu.memory_space<vmem>>) semaphore(%arg14 : memref<!tpu.dma_semaphore, #tpu.memory_space<semaphore_mem>>) {add = true}
        %dma_wait3A_180 = arith.constant 0 : i32
        %dma_wait3A_181 = arith.constant 0 : i32
        %dma_wait3A_182 = tpu.memref_slice %arg7[%dma_wait3A_180, %dma_wait3A_181] : memref<48x128xi32, #tpu.memory_space<vmem>> -> memref<1x128xi32, #tpu.memory_space<vmem>>
        %dma_wait3A_183 = tpu.memref_squeeze %dma_wait3A_182 : memref<1x128xi32, #tpu.memory_space<vmem>> -> memref<128xi32, #tpu.memory_space<vmem>>
        %dma_wait3A_184 = arith.constant 0 : i32
        %dma_wait3A_185 = arith.constant 0 : i32
        %dma_wait3A_186 = tpu.memref_slice %arg10[%dma_wait3A_184, %dma_wait3A_185] : memref<10240x128xf32, #tpu.memory_space<vmem_shared>> -> memref<10240x128xf32, #tpu.memory_space<vmem_shared>>
        tpu.wait_indirect_dma semaphore(%arg13 : memref<!tpu.dma_semaphore, #tpu.memory_space<semaphore_mem>>) src(%arg8 : memref<128x128xf32, #tpu.memory_space<vmem>>) dst(%dma_wait3A_186 : memref<10240x128xf32, #tpu.memory_space<vmem_shared>>)
        %add3A_187 = arith.constant 2 : i32
        %add3A_188 = arith.addi %mul3A_149, %add3A_187 : i32
        %add3A_189 = arith.constant 0 : i32
        %add3A_190 = arith.addi %add3A_188, %add3A_189 : i32
        %dma_start3A_191 = arith.constant 0 : i32
        %dma_start3A_192 = tpu.memref_slice %arg6[%add3A_190, %dma_start3A_191] : memref<48x128xi32, #tpu.memory_space<vmem>> -> memref<1x128xi32, #tpu.memory_space<vmem>>
        %dma_start3A_193 = tpu.memref_squeeze %dma_start3A_192 : memref<1x128xi32, #tpu.memory_space<vmem>> -> memref<128xi32, #tpu.memory_space<vmem>>
        %dma_start3A_194 = arith.constant 0 : i32
        %dma_start3A_195 = arith.constant 0 : i32
        %dma_start3A_196 = tpu.memref_slice %arg2[%dma_start3A_194, %dma_start3A_195] : memref<10000x128xf32, #tpu.memory_space<hbm>> -> memref<10000x128xf32, #tpu.memory_space<hbm>>
        tpu.enqueue_indirect_dma source(%dma_start3A_196 : memref<10000x128xf32, #tpu.memory_space<hbm>>) target(%arg8 : memref<128x128xf32, #tpu.memory_space<vmem>>) offsets(%dma_start3A_193 : memref<128xi32, #tpu.memory_space<vmem>>) semaphore(%arg11 : memref<!tpu.dma_semaphore, #tpu.memory_space<semaphore_mem>>)
        %dma_wait3A_197 = arith.constant 0 : i32
        %dma_wait3A_198 = arith.constant 0 : i32
        %dma_wait3A_199 = tpu.memref_slice %arg7[%dma_wait3A_197, %dma_wait3A_198] : memref<48x128xi32, #tpu.memory_space<vmem>> -> memref<1x128xi32, #tpu.memory_space<vmem>>
        %dma_wait3A_200 = tpu.memref_squeeze %dma_wait3A_199 : memref<1x128xi32, #tpu.memory_space<vmem>> -> memref<128xi32, #tpu.memory_space<vmem>>
        %dma_wait3A_201 = arith.constant 0 : i32
        %dma_wait3A_202 = arith.constant 0 : i32
        %dma_wait3A_203 = tpu.memref_slice %arg10[%dma_wait3A_201, %dma_wait3A_202] : memref<10240x128xf32, #tpu.memory_space<vmem_shared>> -> memref<10240x128xf32, #tpu.memory_space<vmem_shared>>
        tpu.wait_indirect_dma semaphore(%arg14 : memref<!tpu.dma_semaphore, #tpu.memory_space<semaphore_mem>>) src(%arg9 : memref<128x128xf32, #tpu.memory_space<vmem>>) dst(%dma_wait3A_203 : memref<10240x128xf32, #tpu.memory_space<vmem_shared>>)
        %add3A_204 = arith.constant 2 : i32
        %add3A_205 = arith.addi %mul3A_149, %add3A_204 : i32
        %add3A_206 = arith.constant 1 : i32
        %add3A_207 = arith.addi %add3A_205, %add3A_206 : i32
        %dma_start3A_208 = arith.constant 0 : i32
        %dma_start3A_209 = tpu.memref_slice %arg6[%add3A_207, %dma_start3A_208] : memref<48x128xi32, #tpu.memory_space<vmem>> -> memref<1x128xi32, #tpu.memory_space<vmem>>
        %dma_start3A_210 = tpu.memref_squeeze %dma_start3A_209 : memref<1x128xi32, #tpu.memory_space<vmem>> -> memref<128xi32, #tpu.memory_space<vmem>>
        %dma_start3A_211 = arith.constant 0 : i32
        %dma_start3A_212 = arith.constant 0 : i32
        %dma_start3A_213 = tpu.memref_slice %arg2[%dma_start3A_211, %dma_start3A_212] : memref<10000x128xf32, #tpu.memory_space<hbm>> -> memref<10000x128xf32, #tpu.memory_space<hbm>>
        tpu.enqueue_indirect_dma source(%dma_start3A_213 : memref<10000x128xf32, #tpu.memory_space<hbm>>) target(%arg9 : memref<128x128xf32, #tpu.memory_space<vmem>>) offsets(%dma_start3A_210 : memref<128xi32, #tpu.memory_space<vmem>>) semaphore(%arg12 : memref<!tpu.dma_semaphore, #tpu.memory_space<semaphore_mem>>)
      }
      %sub3A_102 = arith.constant 2 : i32
      %sub3A_103 = arith.subi %select_n3A, %sub3A_102 : i32
      %dma_wait3A = arith.constant 0 : i32
      %dma_wait3A_104 = arith.constant 0 : i32
      %dma_wait3A_105 = tpu.memref_slice %arg6[%dma_wait3A, %dma_wait3A_104] : memref<48x128xi32, #tpu.memory_space<vmem>> -> memref<1x128xi32, #tpu.memory_space<vmem>>
      %dma_wait3A_106 = tpu.memref_squeeze %dma_wait3A_105 : memref<1x128xi32, #tpu.memory_space<vmem>> -> memref<128xi32, #tpu.memory_space<vmem>>
      %dma_wait3A_107 = arith.constant 0 : i32
      %dma_wait3A_108 = arith.constant 0 : i32
      %dma_wait3A_109 = tpu.memref_slice %arg2[%dma_wait3A_107, %dma_wait3A_108] : memref<10000x128xf32, #tpu.memory_space<hbm>> -> memref<10000x128xf32, #tpu.memory_space<hbm>>
      tpu.wait_indirect_dma semaphore(%arg11 : memref<!tpu.dma_semaphore, #tpu.memory_space<semaphore_mem>>) src(%dma_wait3A_109 : memref<10000x128xf32, #tpu.memory_space<hbm>>) dst(%arg8 : memref<128x128xf32, #tpu.memory_space<vmem>>)
      %add3A_110 = arith.constant 0 : i32
      %add3A_111 = arith.addi %sub3A_103, %add3A_110 : i32
      %dma_start3A_112 = arith.constant 0 : i32
      %dma_start3A_113 = tpu.memref_slice %arg7[%add3A_111, %dma_start3A_112] : memref<48x128xi32, #tpu.memory_space<vmem>> -> memref<1x128xi32, #tpu.memory_space<vmem>>
      %dma_start3A_114 = tpu.memref_squeeze %dma_start3A_113 : memref<1x128xi32, #tpu.memory_space<vmem>> -> memref<128xi32, #tpu.memory_space<vmem>>
      %dma_start3A_115 = arith.constant 0 : i32
      %dma_start3A_116 = arith.constant 0 : i32
      %dma_start3A_117 = tpu.memref_slice %arg10[%dma_start3A_115, %dma_start3A_116] : memref<10240x128xf32, #tpu.memory_space<vmem_shared>> -> memref<10240x128xf32, #tpu.memory_space<vmem_shared>>
      tpu.enqueue_indirect_dma source(%arg8 : memref<128x128xf32, #tpu.memory_space<vmem>>) target(%dma_start3A_117 : memref<10240x128xf32, #tpu.memory_space<vmem_shared>>) offsets(%dma_start3A_114 : memref<128xi32, #tpu.memory_space<vmem>>) semaphore(%arg13 : memref<!tpu.dma_semaphore, #tpu.memory_space<semaphore_mem>>) {add = true}
      %dma_wait3A_118 = arith.constant 0 : i32
      %dma_wait3A_119 = arith.constant 0 : i32
      %dma_wait3A_120 = tpu.memref_slice %arg6[%dma_wait3A_118, %dma_wait3A_119] : memref<48x128xi32, #tpu.memory_space<vmem>> -> memref<1x128xi32, #tpu.memory_space<vmem>>
      %dma_wait3A_121 = tpu.memref_squeeze %dma_wait3A_120 : memref<1x128xi32, #tpu.memory_space<vmem>> -> memref<128xi32, #tpu.memory_space<vmem>>
      %dma_wait3A_122 = arith.constant 0 : i32
      %dma_wait3A_123 = arith.constant 0 : i32
      %dma_wait3A_124 = tpu.memref_slice %arg2[%dma_wait3A_122, %dma_wait3A_123] : memref<10000x128xf32, #tpu.memory_space<hbm>> -> memref<10000x128xf32, #tpu.memory_space<hbm>>
      tpu.wait_indirect_dma semaphore(%arg12 : memref<!tpu.dma_semaphore, #tpu.memory_space<semaphore_mem>>) src(%dma_wait3A_124 : memref<10000x128xf32, #tpu.memory_space<hbm>>) dst(%arg9 : memref<128x128xf32, #tpu.memory_space<vmem>>)
      %add3A_125 = arith.constant 1 : i32
      %add3A_126 = arith.addi %sub3A_103, %add3A_125 : i32
      %dma_start3A_127 = arith.constant 0 : i32
      %dma_start3A_128 = tpu.memref_slice %arg7[%add3A_126, %dma_start3A_127] : memref<48x128xi32, #tpu.memory_space<vmem>> -> memref<1x128xi32, #tpu.memory_space<vmem>>
      %dma_start3A_129 = tpu.memref_squeeze %dma_start3A_128 : memref<1x128xi32, #tpu.memory_space<vmem>> -> memref<128xi32, #tpu.memory_space<vmem>>
      %dma_start3A_130 = arith.constant 0 : i32
      %dma_start3A_131 = arith.constant 0 : i32
      %dma_start3A_132 = tpu.memref_slice %arg10[%dma_start3A_130, %dma_start3A_131] : memref<10240x128xf32, #tpu.memory_space<vmem_shared>> -> memref<10240x128xf32, #tpu.memory_space<vmem_shared>>
      tpu.enqueue_indirect_dma source(%arg9 : memref<128x128xf32, #tpu.memory_space<vmem>>) target(%dma_start3A_132 : memref<10240x128xf32, #tpu.memory_space<vmem_shared>>) offsets(%dma_start3A_129 : memref<128xi32, #tpu.memory_space<vmem>>) semaphore(%arg14 : memref<!tpu.dma_semaphore, #tpu.memory_space<semaphore_mem>>) {add = true}
      %dma_wait3A_133 = arith.constant 0 : i32
      %dma_wait3A_134 = arith.constant 0 : i32
      %dma_wait3A_135 = tpu.memref_slice %arg7[%dma_wait3A_133, %dma_wait3A_134] : memref<48x128xi32, #tpu.memory_space<vmem>> -> memref<1x128xi32, #tpu.memory_space<vmem>>
      %dma_wait3A_136 = tpu.memref_squeeze %dma_wait3A_135 : memref<1x128xi32, #tpu.memory_space<vmem>> -> memref<128xi32, #tpu.memory_space<vmem>>
      %dma_wait3A_137 = arith.constant 0 : i32
      %dma_wait3A_138 = arith.constant 0 : i32
      %dma_wait3A_139 = tpu.memref_slice %arg10[%dma_wait3A_137, %dma_wait3A_138] : memref<10240x128xf32, #tpu.memory_space<vmem_shared>> -> memref<10240x128xf32, #tpu.memory_space<vmem_shared>>
      tpu.wait_indirect_dma semaphore(%arg13 : memref<!tpu.dma_semaphore, #tpu.memory_space<semaphore_mem>>) src(%arg8 : memref<128x128xf32, #tpu.memory_space<vmem>>) dst(%dma_wait3A_139 : memref<10240x128xf32, #tpu.memory_space<vmem_shared>>)
      %dma_wait3A_140 = arith.constant 0 : i32
      %dma_wait3A_141 = arith.constant 0 : i32
      %dma_wait3A_142 = tpu.memref_slice %arg7[%dma_wait3A_140, %dma_wait3A_141] : memref<48x128xi32, #tpu.memory_space<vmem>> -> memref<1x128xi32, #tpu.memory_space<vmem>>
      %dma_wait3A_143 = tpu.memref_squeeze %dma_wait3A_142 : memref<1x128xi32, #tpu.memory_space<vmem>> -> memref<128xi32, #tpu.memory_space<vmem>>
      %dma_wait3A_144 = arith.constant 0 : i32
      %dma_wait3A_145 = arith.constant 0 : i32
      %dma_wait3A_146 = tpu.memref_slice %arg10[%dma_wait3A_144, %dma_wait3A_145] : memref<10240x128xf32, #tpu.memory_space<vmem_shared>> -> memref<10240x128xf32, #tpu.memory_space<vmem_shared>>
      tpu.wait_indirect_dma semaphore(%arg14 : memref<!tpu.dma_semaphore, #tpu.memory_space<semaphore_mem>>) src(%arg9 : memref<128x128xf32, #tpu.memory_space<vmem>>) dst(%dma_wait3A_146 : memref<10240x128xf32, #tpu.memory_space<vmem_shared>>)
    } else {
    }
    %gt3A_42 = arith.constant 1 : i32
    %gt3A_43 = arith.cmpi sgt, %select_n3A_6, %gt3A_42 : i32
    %convert_element_type3A_44 = arith.extui %gt3A_43 : i1 to i32
    %cond3A_45 = arith.constant 0 : i32
    %cond3A_46 = arith.cmpi ne, %convert_element_type3A_44, %cond3A_45 : i32
    scf.if %cond3A_46 {
      %mul3A_57 = arith.constant 1 : i32
      %mul3A_58 = arith.muli %mul3A_57, %select_n3A : i32
      %add3A_59 = arith.addi %select_n3A_13, %mul3A_58 : i32
      %multiple_of3A = tpu.assume_multiple %add3A_59, 8 : i32
      "tpu.region"() ({
        %run_scoped3A = tpu.sem_alloc : memref<!tpu.dma_semaphore, #tpu.memory_space<semaphore_mem>>
        %dma_start3A_147 = arith.constant 0 : i32
        %dma_start3A_148 = tpu.memref_slice %arg3[%multiple_of3A, %dma_start3A_147] : memref<2688x128xi32, #tpu.memory_space<hbm>> -> memref<48x128xi32, #tpu.memory_space<hbm>>
        %dma_start3A_149 = arith.constant 0 : i32
        %dma_start3A_150 = tpu.memref_slice %arg3[%multiple_of3A, %dma_start3A_149] : memref<2688x128xi32, #tpu.memory_space<hbm>> -> memref<48x128xi32, #tpu.memory_space<hbm>>
        tpu.enqueue_dma source(%dma_start3A_150 : memref<48x128xi32, #tpu.memory_space<hbm>>) target(%arg6 : memref<48x128xi32, #tpu.memory_space<vmem>>) target_semaphore(%run_scoped3A : memref<!tpu.dma_semaphore, #tpu.memory_space<semaphore_mem>>)
        %dma_wait3A_151 = arith.constant 0 : i32
        %dma_wait3A_152 = tpu.memref_slice %arg3[%multiple_of3A, %dma_wait3A_151] : memref<2688x128xi32, #tpu.memory_space<hbm>> -> memref<48x128xi32, #tpu.memory_space<hbm>>
        %dma_wait3A_153 = arith.constant 0 : i32
        %dma_wait3A_154 = tpu.memref_slice %arg3[%multiple_of3A, %dma_wait3A_153] : memref<2688x128xi32, #tpu.memory_space<hbm>> -> memref<48x128xi32, #tpu.memory_space<hbm>>
        tpu.wait_dma2 semaphore(%run_scoped3A : memref<!tpu.dma_semaphore, #tpu.memory_space<semaphore_mem>>) src(%dma_wait3A_154 : memref<48x128xi32, #tpu.memory_space<hbm>>) dst(%arg6 : memref<48x128xi32, #tpu.memory_space<vmem>>)
        tpu.yield
      }) : () -> ()
      "tpu.region"() ({
        %run_scoped3A = tpu.sem_alloc : memref<!tpu.dma_semaphore, #tpu.memory_space<semaphore_mem>>
        %dma_start3A_147 = arith.constant 0 : i32
        %dma_start3A_148 = tpu.memref_slice %arg4[%multiple_of3A, %dma_start3A_147] : memref<2688x128xi32, #tpu.memory_space<hbm>> -> memref<48x128xi32, #tpu.memory_space<hbm>>
        %dma_start3A_149 = arith.constant 0 : i32
        %dma_start3A_150 = tpu.memref_slice %arg4[%multiple_of3A, %dma_start3A_149] : memref<2688x128xi32, #tpu.memory_space<hbm>> -> memref<48x128xi32, #tpu.memory_space<hbm>>
        tpu.enqueue_dma source(%dma_start3A_150 : memref<48x128xi32, #tpu.memory_space<hbm>>) target(%arg7 : memref<48x128xi32, #tpu.memory_space<vmem>>) target_semaphore(%run_scoped3A : memref<!tpu.dma_semaphore, #tpu.memory_space<semaphore_mem>>)
        %dma_wait3A_151 = arith.constant 0 : i32
        %dma_wait3A_152 = tpu.memref_slice %arg4[%multiple_of3A, %dma_wait3A_151] : memref<2688x128xi32, #tpu.memory_space<hbm>> -> memref<48x128xi32, #tpu.memory_space<hbm>>
        %dma_wait3A_153 = arith.constant 0 : i32
        %dma_wait3A_154 = tpu.memref_slice %arg4[%multiple_of3A, %dma_wait3A_153] : memref<2688x128xi32, #tpu.memory_space<hbm>> -> memref<48x128xi32, #tpu.memory_space<hbm>>
        tpu.wait_dma2 semaphore(%run_scoped3A : memref<!tpu.dma_semaphore, #tpu.memory_space<semaphore_mem>>) src(%dma_wait3A_154 : memref<48x128xi32, #tpu.memory_space<hbm>>) dst(%arg7 : memref<48x128xi32, #tpu.memory_space<vmem>>)
        tpu.yield
      }) : () -> ()
      %dma_start3A = arith.constant 0 : i32
      %dma_start3A_60 = arith.constant 0 : i32
      %dma_start3A_61 = tpu.memref_slice %arg6[%dma_start3A, %dma_start3A_60] : memref<48x128xi32, #tpu.memory_space<vmem>> -> memref<1x128xi32, #tpu.memory_space<vmem>>
      %dma_start3A_62 = tpu.memref_squeeze %dma_start3A_61 : memref<1x128xi32, #tpu.memory_space<vmem>> -> memref<128xi32, #tpu.memory_space<vmem>>
      %dma_start3A_63 = arith.constant 0 : i32
      %dma_start3A_64 = arith.constant 0 : i32
      %dma_start3A_65 = tpu.memref_slice %arg2[%dma_start3A_63, %dma_start3A_64] : memref<10000x128xf32, #tpu.memory_space<hbm>> -> memref<10000x128xf32, #tpu.memory_space<hbm>>
      tpu.enqueue_indirect_dma source(%dma_start3A_65 : memref<10000x128xf32, #tpu.memory_space<hbm>>) target(%arg8 : memref<128x128xf32, #tpu.memory_space<vmem>>) offsets(%dma_start3A_62 : memref<128xi32, #tpu.memory_space<vmem>>) semaphore(%arg11 : memref<!tpu.dma_semaphore, #tpu.memory_space<semaphore_mem>>)
      %dma_start3A_66 = arith.constant 1 : i32
      %dma_start3A_67 = arith.constant 0 : i32
      %dma_start3A_68 = tpu.memref_slice %arg6[%dma_start3A_66, %dma_start3A_67] : memref<48x128xi32, #tpu.memory_space<vmem>> -> memref<1x128xi32, #tpu.memory_space<vmem>>
      %dma_start3A_69 = tpu.memref_squeeze %dma_start3A_68 : memref<1x128xi32, #tpu.memory_space<vmem>> -> memref<128xi32, #tpu.memory_space<vmem>>
      %dma_start3A_70 = arith.constant 0 : i32
      %dma_start3A_71 = arith.constant 0 : i32
      %dma_start3A_72 = tpu.memref_slice %arg2[%dma_start3A_70, %dma_start3A_71] : memref<10000x128xf32, #tpu.memory_space<hbm>> -> memref<10000x128xf32, #tpu.memory_space<hbm>>
      tpu.enqueue_indirect_dma source(%dma_start3A_72 : memref<10000x128xf32, #tpu.memory_space<hbm>>) target(%arg9 : memref<128x128xf32, #tpu.memory_space<vmem>>) offsets(%dma_start3A_69 : memref<128xi32, #tpu.memory_space<vmem>>) semaphore(%arg12 : memref<!tpu.dma_semaphore, #tpu.memory_space<semaphore_mem>>)
      %jit3A_73 = arith.constant 2 : i32
      %div3A = arith.divsi %select_n3A, %jit3A_73 : i32
      %sign3A = arith.constant 0 : i32
      %sign3A_74 = arith.cmpi sgt, %select_n3A, %sign3A : i32
      %sign3A_75 = arith.extui %sign3A_74 : i1 to i32
      %sign3A_76 = arith.constant 0 : i32
      %sign3A_77 = arith.cmpi slt, %select_n3A, %sign3A_76 : i32
      %sign3A_78 = arith.extui %sign3A_77 : i1 to i32
      %sign3A_79 = arith.subi %sign3A_75, %sign3A_78 : i32
      %sign3A_80 = arith.constant 0 : i32
      %sign3A_81 = arith.cmpi sgt, %jit3A_73, %sign3A_80 : i32
      %sign3A_82 = arith.extui %sign3A_81 : i1 to i32
      %sign3A_83 = arith.constant 0 : i32
      %sign3A_84 = arith.cmpi slt, %jit3A_73, %sign3A_83 : i32
      %sign3A_85 = arith.extui %sign3A_84 : i1 to i32
      %sign3A_86 = arith.subi %sign3A_82, %sign3A_85 : i32
      %ne3A = arith.cmpi ne, %sign3A_79, %sign3A_86 : i32
      %rem3A = arith.remsi %select_n3A, %jit3A_73 : i32
      %ne3A_87 = arith.constant 0 : i32
      %ne3A_88 = arith.cmpi ne, %rem3A, %ne3A_87 : i32
      %and3A = arith.andi %ne3A, %ne3A_88 : i1
      %sub3A = arith.constant 1 : i32
      %sub3A_89 = arith.subi %div3A, %sub3A : i32
      %select_n3A_90 = arith.select %and3A, %sub3A_89, %div3A : i32
      %sub3A_91 = arith.constant 1 : i32
      %sub3A_92 = arith.subi %select_n3A_90, %sub3A_91 : i32
      %while3A = arith.constant 0 : i32
      %while3A_93 = arith.constant 0 : i32
      %while3A_94 = arith.subi %sub3A_92, %while3A_93 : i32
      %while3A_95 = arith.addi %while3A_93, %while3A_94 : i32
      %while3A_96 = arith.constant 1 : i32
      %while3A_97 = arith.divsi %while3A_94, %while3A_96 : i32
      %while3A_98 = arith.muli %while3A_97, %while3A_96 : i32
      %while3A_99 = arith.addi %while3A_93, %while3A_98 : i32
      %while3A_100 = arith.constant 1 : i32
      scf.for %while3A_147 = %while3A_93 to %while3A_99 step %while3A_100  : i32 {
        %mul3A_148 = arith.constant 2 : i32
        %mul3A_149 = arith.muli %while3A_147, %mul3A_148 : i32
        %dma_wait3A_150 = arith.constant 0 : i32
        %dma_wait3A_151 = arith.constant 0 : i32
        %dma_wait3A_152 = tpu.memref_slice %arg6[%dma_wait3A_150, %dma_wait3A_151] : memref<48x128xi32, #tpu.memory_space<vmem>> -> memref<1x128xi32, #tpu.memory_space<vmem>>
        %dma_wait3A_153 = tpu.memref_squeeze %dma_wait3A_152 : memref<1x128xi32, #tpu.memory_space<vmem>> -> memref<128xi32, #tpu.memory_space<vmem>>
        %dma_wait3A_154 = arith.constant 0 : i32
        %dma_wait3A_155 = arith.constant 0 : i32
        %dma_wait3A_156 = tpu.memref_slice %arg2[%dma_wait3A_154, %dma_wait3A_155] : memref<10000x128xf32, #tpu.memory_space<hbm>> -> memref<10000x128xf32, #tpu.memory_space<hbm>>
        tpu.wait_indirect_dma semaphore(%arg11 : memref<!tpu.dma_semaphore, #tpu.memory_space<semaphore_mem>>) src(%dma_wait3A_156 : memref<10000x128xf32, #tpu.memory_space<hbm>>) dst(%arg8 : memref<128x128xf32, #tpu.memory_space<vmem>>)
        %add3A_157 = arith.constant 0 : i32
        %add3A_158 = arith.addi %mul3A_149, %add3A_157 : i32
        %dma_start3A_159 = arith.constant 0 : i32
        %dma_start3A_160 = tpu.memref_slice %arg7[%add3A_158, %dma_start3A_159] : memref<48x128xi32, #tpu.memory_space<vmem>> -> memref<1x128xi32, #tpu.memory_space<vmem>>
        %dma_start3A_161 = tpu.memref_squeeze %dma_start3A_160 : memref<1x128xi32, #tpu.memory_space<vmem>> -> memref<128xi32, #tpu.memory_space<vmem>>
        %dma_start3A_162 = arith.constant 0 : i32
        %dma_start3A_163 = arith.constant 0 : i32
        %dma_start3A_164 = tpu.memref_slice %arg10[%dma_start3A_162, %dma_start3A_163] : memref<10240x128xf32, #tpu.memory_space<vmem_shared>> -> memref<10240x128xf32, #tpu.memory_space<vmem_shared>>
        tpu.enqueue_indirect_dma source(%arg8 : memref<128x128xf32, #tpu.memory_space<vmem>>) target(%dma_start3A_164 : memref<10240x128xf32, #tpu.memory_space<vmem_shared>>) offsets(%dma_start3A_161 : memref<128xi32, #tpu.memory_space<vmem>>) semaphore(%arg13 : memref<!tpu.dma_semaphore, #tpu.memory_space<semaphore_mem>>) {add = true}
        %dma_wait3A_165 = arith.constant 0 : i32
        %dma_wait3A_166 = arith.constant 0 : i32
        %dma_wait3A_167 = tpu.memref_slice %arg6[%dma_wait3A_165, %dma_wait3A_166] : memref<48x128xi32, #tpu.memory_space<vmem>> -> memref<1x128xi32, #tpu.memory_space<vmem>>
        %dma_wait3A_168 = tpu.memref_squeeze %dma_wait3A_167 : memref<1x128xi32, #tpu.memory_space<vmem>> -> memref<128xi32, #tpu.memory_space<vmem>>
        %dma_wait3A_169 = arith.constant 0 : i32
        %dma_wait3A_170 = arith.constant 0 : i32
        %dma_wait3A_171 = tpu.memref_slice %arg2[%dma_wait3A_169, %dma_wait3A_170] : memref<10000x128xf32, #tpu.memory_space<hbm>> -> memref<10000x128xf32, #tpu.memory_space<hbm>>
        tpu.wait_indirect_dma semaphore(%arg12 : memref<!tpu.dma_semaphore, #tpu.memory_space<semaphore_mem>>) src(%dma_wait3A_171 : memref<10000x128xf32, #tpu.memory_space<hbm>>) dst(%arg9 : memref<128x128xf32, #tpu.memory_space<vmem>>)
        %add3A_172 = arith.constant 1 : i32
        %add3A_173 = arith.addi %mul3A_149, %add3A_172 : i32
        %dma_start3A_174 = arith.constant 0 : i32
        %dma_start3A_175 = tpu.memref_slice %arg7[%add3A_173, %dma_start3A_174] : memref<48x128xi32, #tpu.memory_space<vmem>> -> memref<1x128xi32, #tpu.memory_space<vmem>>
        %dma_start3A_176 = tpu.memref_squeeze %dma_start3A_175 : memref<1x128xi32, #tpu.memory_space<vmem>> -> memref<128xi32, #tpu.memory_space<vmem>>
        %dma_start3A_177 = arith.constant 0 : i32
        %dma_start3A_178 = arith.constant 0 : i32
        %dma_start3A_179 = tpu.memref_slice %arg10[%dma_start3A_177, %dma_start3A_178] : memref<10240x128xf32, #tpu.memory_space<vmem_shared>> -> memref<10240x128xf32, #tpu.memory_space<vmem_shared>>
        tpu.enqueue_indirect_dma source(%arg9 : memref<128x128xf32, #tpu.memory_space<vmem>>) target(%dma_start3A_179 : memref<10240x128xf32, #tpu.memory_space<vmem_shared>>) offsets(%dma_start3A_176 : memref<128xi32, #tpu.memory_space<vmem>>) semaphore(%arg14 : memref<!tpu.dma_semaphore, #tpu.memory_space<semaphore_mem>>) {add = true}
        %dma_wait3A_180 = arith.constant 0 : i32
        %dma_wait3A_181 = arith.constant 0 : i32
        %dma_wait3A_182 = tpu.memref_slice %arg7[%dma_wait3A_180, %dma_wait3A_181] : memref<48x128xi32, #tpu.memory_space<vmem>> -> memref<1x128xi32, #tpu.memory_space<vmem>>
        %dma_wait3A_183 = tpu.memref_squeeze %dma_wait3A_182 : memref<1x128xi32, #tpu.memory_space<vmem>> -> memref<128xi32, #tpu.memory_space<vmem>>
        %dma_wait3A_184 = arith.constant 0 : i32
        %dma_wait3A_185 = arith.constant 0 : i32
        %dma_wait3A_186 = tpu.memref_slice %arg10[%dma_wait3A_184, %dma_wait3A_185] : memref<10240x128xf32, #tpu.memory_space<vmem_shared>> -> memref<10240x128xf32, #tpu.memory_space<vmem_shared>>
        tpu.wait_indirect_dma semaphore(%arg13 : memref<!tpu.dma_semaphore, #tpu.memory_space<semaphore_mem>>) src(%arg8 : memref<128x128xf32, #tpu.memory_space<vmem>>) dst(%dma_wait3A_186 : memref<10240x128xf32, #tpu.memory_space<vmem_shared>>)
        %add3A_187 = arith.constant 2 : i32
        %add3A_188 = arith.addi %mul3A_149, %add3A_187 : i32
        %add3A_189 = arith.constant 0 : i32
        %add3A_190 = arith.addi %add3A_188, %add3A_189 : i32
        %dma_start3A_191 = arith.constant 0 : i32
        %dma_start3A_192 = tpu.memref_slice %arg6[%add3A_190, %dma_start3A_191] : memref<48x128xi32, #tpu.memory_space<vmem>> -> memref<1x128xi32, #tpu.memory_space<vmem>>
        %dma_start3A_193 = tpu.memref_squeeze %dma_start3A_192 : memref<1x128xi32, #tpu.memory_space<vmem>> -> memref<128xi32, #tpu.memory_space<vmem>>
        %dma_start3A_194 = arith.constant 0 : i32
        %dma_start3A_195 = arith.constant 0 : i32
        %dma_start3A_196 = tpu.memref_slice %arg2[%dma_start3A_194, %dma_start3A_195] : memref<10000x128xf32, #tpu.memory_space<hbm>> -> memref<10000x128xf32, #tpu.memory_space<hbm>>
        tpu.enqueue_indirect_dma source(%dma_start3A_196 : memref<10000x128xf32, #tpu.memory_space<hbm>>) target(%arg8 : memref<128x128xf32, #tpu.memory_space<vmem>>) offsets(%dma_start3A_193 : memref<128xi32, #tpu.memory_space<vmem>>) semaphore(%arg11 : memref<!tpu.dma_semaphore, #tpu.memory_space<semaphore_mem>>)
        %dma_wait3A_197 = arith.constant 0 : i32
        %dma_wait3A_198 = arith.constant 0 : i32
        %dma_wait3A_199 = tpu.memref_slice %arg7[%dma_wait3A_197, %dma_wait3A_198] : memref<48x128xi32, #tpu.memory_space<vmem>> -> memref<1x128xi32, #tpu.memory_space<vmem>>
        %dma_wait3A_200 = tpu.memref_squeeze %dma_wait3A_199 : memref<1x128xi32, #tpu.memory_space<vmem>> -> memref<128xi32, #tpu.memory_space<vmem>>
        %dma_wait3A_201 = arith.constant 0 : i32
        %dma_wait3A_202 = arith.constant 0 : i32
        %dma_wait3A_203 = tpu.memref_slice %arg10[%dma_wait3A_201, %dma_wait3A_202] : memref<10240x128xf32, #tpu.memory_space<vmem_shared>> -> memref<10240x128xf32, #tpu.memory_space<vmem_shared>>
        tpu.wait_indirect_dma semaphore(%arg14 : memref<!tpu.dma_semaphore, #tpu.memory_space<semaphore_mem>>) src(%arg9 : memref<128x128xf32, #tpu.memory_space<vmem>>) dst(%dma_wait3A_203 : memref<10240x128xf32, #tpu.memory_space<vmem_shared>>)
        %add3A_204 = arith.constant 2 : i32
        %add3A_205 = arith.addi %mul3A_149, %add3A_204 : i32
        %add3A_206 = arith.constant 1 : i32
        %add3A_207 = arith.addi %add3A_205, %add3A_206 : i32
        %dma_start3A_208 = arith.constant 0 : i32
        %dma_start3A_209 = tpu.memref_slice %arg6[%add3A_207, %dma_start3A_208] : memref<48x128xi32, #tpu.memory_space<vmem>> -> memref<1x128xi32, #tpu.memory_space<vmem>>
        %dma_start3A_210 = tpu.memref_squeeze %dma_start3A_209 : memref<1x128xi32, #tpu.memory_space<vmem>> -> memref<128xi32, #tpu.memory_space<vmem>>
        %dma_start3A_211 = arith.constant 0 : i32
        %dma_start3A_212 = arith.constant 0 : i32
        %dma_start3A_213 = tpu.memref_slice %arg2[%dma_start3A_211, %dma_start3A_212] : memref<10000x128xf32, #tpu.memory_space<hbm>> -> memref<10000x128xf32, #tpu.memory_space<hbm>>
        tpu.enqueue_indirect_dma source(%dma_start3A_213 : memref<10000x128xf32, #tpu.memory_space<hbm>>) target(%arg9 : memref<128x128xf32, #tpu.memory_space<vmem>>) offsets(%dma_start3A_210 : memref<128xi32, #tpu.memory_space<vmem>>) semaphore(%arg12 : memref<!tpu.dma_semaphore, #tpu.memory_space<semaphore_mem>>)
      }
      %while3A_101 = arith.constant 1 : i32
      scf.for %while3A_147 = %while3A_99 to %while3A_95 step %while3A_101  : i32 {
        %mul3A_148 = arith.constant 2 : i32
        %mul3A_149 = arith.muli %while3A_147, %mul3A_148 : i32
        %dma_wait3A_150 = arith.constant 0 : i32
        %dma_wait3A_151 = arith.constant 0 : i32
        %dma_wait3A_152 = tpu.memref_slice %arg6[%dma_wait3A_150, %dma_wait3A_151] : memref<48x128xi32, #tpu.memory_space<vmem>> -> memref<1x128xi32, #tpu.memory_space<vmem>>
        %dma_wait3A_153 = tpu.memref_squeeze %dma_wait3A_152 : memref<1x128xi32, #tpu.memory_space<vmem>> -> memref<128xi32, #tpu.memory_space<vmem>>
        %dma_wait3A_154 = arith.constant 0 : i32
        %dma_wait3A_155 = arith.constant 0 : i32
        %dma_wait3A_156 = tpu.memref_slice %arg2[%dma_wait3A_154, %dma_wait3A_155] : memref<10000x128xf32, #tpu.memory_space<hbm>> -> memref<10000x128xf32, #tpu.memory_space<hbm>>
        tpu.wait_indirect_dma semaphore(%arg11 : memref<!tpu.dma_semaphore, #tpu.memory_space<semaphore_mem>>) src(%dma_wait3A_156 : memref<10000x128xf32, #tpu.memory_space<hbm>>) dst(%arg8 : memref<128x128xf32, #tpu.memory_space<vmem>>)
        %add3A_157 = arith.constant 0 : i32
        %add3A_158 = arith.addi %mul3A_149, %add3A_157 : i32
        %dma_start3A_159 = arith.constant 0 : i32
        %dma_start3A_160 = tpu.memref_slice %arg7[%add3A_158, %dma_start3A_159] : memref<48x128xi32, #tpu.memory_space<vmem>> -> memref<1x128xi32, #tpu.memory_space<vmem>>
        %dma_start3A_161 = tpu.memref_squeeze %dma_start3A_160 : memref<1x128xi32, #tpu.memory_space<vmem>> -> memref<128xi32, #tpu.memory_space<vmem>>
        %dma_start3A_162 = arith.constant 0 : i32
        %dma_start3A_163 = arith.constant 0 : i32
        %dma_start3A_164 = tpu.memref_slice %arg10[%dma_start3A_162, %dma_start3A_163] : memref<10240x128xf32, #tpu.memory_space<vmem_shared>> -> memref<10240x128xf32, #tpu.memory_space<vmem_shared>>
        tpu.enqueue_indirect_dma source(%arg8 : memref<128x128xf32, #tpu.memory_space<vmem>>) target(%dma_start3A_164 : memref<10240x128xf32, #tpu.memory_space<vmem_shared>>) offsets(%dma_start3A_161 : memref<128xi32, #tpu.memory_space<vmem>>) semaphore(%arg13 : memref<!tpu.dma_semaphore, #tpu.memory_space<semaphore_mem>>) {add = true}
        %dma_wait3A_165 = arith.constant 0 : i32
        %dma_wait3A_166 = arith.constant 0 : i32
        %dma_wait3A_167 = tpu.memref_slice %arg6[%dma_wait3A_165, %dma_wait3A_166] : memref<48x128xi32, #tpu.memory_space<vmem>> -> memref<1x128xi32, #tpu.memory_space<vmem>>
        %dma_wait3A_168 = tpu.memref_squeeze %dma_wait3A_167 : memref<1x128xi32, #tpu.memory_space<vmem>> -> memref<128xi32, #tpu.memory_space<vmem>>
        %dma_wait3A_169 = arith.constant 0 : i32
        %dma_wait3A_170 = arith.constant 0 : i32
        %dma_wait3A_171 = tpu.memref_slice %arg2[%dma_wait3A_169, %dma_wait3A_170] : memref<10000x128xf32, #tpu.memory_space<hbm>> -> memref<10000x128xf32, #tpu.memory_space<hbm>>
        tpu.wait_indirect_dma semaphore(%arg12 : memref<!tpu.dma_semaphore, #tpu.memory_space<semaphore_mem>>) src(%dma_wait3A_171 : memref<10000x128xf32, #tpu.memory_space<hbm>>) dst(%arg9 : memref<128x128xf32, #tpu.memory_space<vmem>>)
        %add3A_172 = arith.constant 1 : i32
        %add3A_173 = arith.addi %mul3A_149, %add3A_172 : i32
        %dma_start3A_174 = arith.constant 0 : i32
        %dma_start3A_175 = tpu.memref_slice %arg7[%add3A_173, %dma_start3A_174] : memref<48x128xi32, #tpu.memory_space<vmem>> -> memref<1x128xi32, #tpu.memory_space<vmem>>
        %dma_start3A_176 = tpu.memref_squeeze %dma_start3A_175 : memref<1x128xi32, #tpu.memory_space<vmem>> -> memref<128xi32, #tpu.memory_space<vmem>>
        %dma_start3A_177 = arith.constant 0 : i32
        %dma_start3A_178 = arith.constant 0 : i32
        %dma_start3A_179 = tpu.memref_slice %arg10[%dma_start3A_177, %dma_start3A_178] : memref<10240x128xf32, #tpu.memory_space<vmem_shared>> -> memref<10240x128xf32, #tpu.memory_space<vmem_shared>>
        tpu.enqueue_indirect_dma source(%arg9 : memref<128x128xf32, #tpu.memory_space<vmem>>) target(%dma_start3A_179 : memref<10240x128xf32, #tpu.memory_space<vmem_shared>>) offsets(%dma_start3A_176 : memref<128xi32, #tpu.memory_space<vmem>>) semaphore(%arg14 : memref<!tpu.dma_semaphore, #tpu.memory_space<semaphore_mem>>) {add = true}
        %dma_wait3A_180 = arith.constant 0 : i32
        %dma_wait3A_181 = arith.constant 0 : i32
        %dma_wait3A_182 = tpu.memref_slice %arg7[%dma_wait3A_180, %dma_wait3A_181] : memref<48x128xi32, #tpu.memory_space<vmem>> -> memref<1x128xi32, #tpu.memory_space<vmem>>
        %dma_wait3A_183 = tpu.memref_squeeze %dma_wait3A_182 : memref<1x128xi32, #tpu.memory_space<vmem>> -> memref<128xi32, #tpu.memory_space<vmem>>
        %dma_wait3A_184 = arith.constant 0 : i32
        %dma_wait3A_185 = arith.constant 0 : i32
        %dma_wait3A_186 = tpu.memref_slice %arg10[%dma_wait3A_184, %dma_wait3A_185] : memref<10240x128xf32, #tpu.memory_space<vmem_shared>> -> memref<10240x128xf32, #tpu.memory_space<vmem_shared>>
        tpu.wait_indirect_dma semaphore(%arg13 : memref<!tpu.dma_semaphore, #tpu.memory_space<semaphore_mem>>) src(%arg8 : memref<128x128xf32, #tpu.memory_space<vmem>>) dst(%dma_wait3A_186 : memref<10240x128xf32, #tpu.memory_space<vmem_shared>>)
        %add3A_187 = arith.constant 2 : i32
        %add3A_188 = arith.addi %mul3A_149, %add3A_187 : i32
        %add3A_189 = arith.constant 0 : i32
        %add3A_190 = arith.addi %add3A_188, %add3A_189 : i32
        %dma_start3A_191 = arith.constant 0 : i32
        %dma_start3A_192 = tpu.memref_slice %arg6[%add3A_190, %dma_start3A_191] : memref<48x128xi32, #tpu.memory_space<vmem>> -> memref<1x128xi32, #tpu.memory_space<vmem>>
        %dma_start3A_193 = tpu.memref_squeeze %dma_start3A_192 : memref<1x128xi32, #tpu.memory_space<vmem>> -> memref<128xi32, #tpu.memory_space<vmem>>
        %dma_start3A_194 = arith.constant 0 : i32
        %dma_start3A_195 = arith.constant 0 : i32
        %dma_start3A_196 = tpu.memref_slice %arg2[%dma_start3A_194, %dma_start3A_195] : memref<10000x128xf32, #tpu.memory_space<hbm>> -> memref<10000x128xf32, #tpu.memory_space<hbm>>
        tpu.enqueue_indirect_dma source(%dma_start3A_196 : memref<10000x128xf32, #tpu.memory_space<hbm>>) target(%arg8 : memref<128x128xf32, #tpu.memory_space<vmem>>) offsets(%dma_start3A_193 : memref<128xi32, #tpu.memory_space<vmem>>) semaphore(%arg11 : memref<!tpu.dma_semaphore, #tpu.memory_space<semaphore_mem>>)
        %dma_wait3A_197 = arith.constant 0 : i32
        %dma_wait3A_198 = arith.constant 0 : i32
        %dma_wait3A_199 = tpu.memref_slice %arg7[%dma_wait3A_197, %dma_wait3A_198] : memref<48x128xi32, #tpu.memory_space<vmem>> -> memref<1x128xi32, #tpu.memory_space<vmem>>
        %dma_wait3A_200 = tpu.memref_squeeze %dma_wait3A_199 : memref<1x128xi32, #tpu.memory_space<vmem>> -> memref<128xi32, #tpu.memory_space<vmem>>
        %dma_wait3A_201 = arith.constant 0 : i32
        %dma_wait3A_202 = arith.constant 0 : i32
        %dma_wait3A_203 = tpu.memref_slice %arg10[%dma_wait3A_201, %dma_wait3A_202] : memref<10240x128xf32, #tpu.memory_space<vmem_shared>> -> memref<10240x128xf32, #tpu.memory_space<vmem_shared>>
        tpu.wait_indirect_dma semaphore(%arg14 : memref<!tpu.dma_semaphore, #tpu.memory_space<semaphore_mem>>) src(%arg9 : memref<128x128xf32, #tpu.memory_space<vmem>>) dst(%dma_wait3A_203 : memref<10240x128xf32, #tpu.memory_space<vmem_shared>>)
        %add3A_204 = arith.constant 2 : i32
        %add3A_205 = arith.addi %mul3A_149, %add3A_204 : i32
        %add3A_206 = arith.constant 1 : i32
        %add3A_207 = arith.addi %add3A_205, %add3A_206 : i32
        %dma_start3A_208 = arith.constant 0 : i32
        %dma_start3A_209 = tpu.memref_slice %arg6[%add3A_207, %dma_start3A_208] : memref<48x128xi32, #tpu.memory_space<vmem>> -> memref<1x128xi32, #tpu.memory_space<vmem>>
        %dma_start3A_210 = tpu.memref_squeeze %dma_start3A_209 : memref<1x128xi32, #tpu.memory_space<vmem>> -> memref<128xi32, #tpu.memory_space<vmem>>
        %dma_start3A_211 = arith.constant 0 : i32
        %dma_start3A_212 = arith.constant 0 : i32
        %dma_start3A_213 = tpu.memref_slice %arg2[%dma_start3A_211, %dma_start3A_212] : memref<10000x128xf32, #tpu.memory_space<hbm>> -> memref<10000x128xf32, #tpu.memory_space<hbm>>
        tpu.enqueue_indirect_dma source(%dma_start3A_213 : memref<10000x128xf32, #tpu.memory_space<hbm>>) target(%arg9 : memref<128x128xf32, #tpu.memory_space<vmem>>) offsets(%dma_start3A_210 : memref<128xi32, #tpu.memory_space<vmem>>) semaphore(%arg12 : memref<!tpu.dma_semaphore, #tpu.memory_space<semaphore_mem>>)
      }
      %sub3A_102 = arith.constant 2 : i32
      %sub3A_103 = arith.subi %select_n3A, %sub3A_102 : i32
      %dma_wait3A = arith.constant 0 : i32
      %dma_wait3A_104 = arith.constant 0 : i32
      %dma_wait3A_105 = tpu.memref_slice %arg6[%dma_wait3A, %dma_wait3A_104] : memref<48x128xi32, #tpu.memory_space<vmem>> -> memref<1x128xi32, #tpu.memory_space<vmem>>
      %dma_wait3A_106 = tpu.memref_squeeze %dma_wait3A_105 : memref<1x128xi32, #tpu.memory_space<vmem>> -> memref<128xi32, #tpu.memory_space<vmem>>
      %dma_wait3A_107 = arith.constant 0 : i32
      %dma_wait3A_108 = arith.constant 0 : i32
      %dma_wait3A_109 = tpu.memref_slice %arg2[%dma_wait3A_107, %dma_wait3A_108] : memref<10000x128xf32, #tpu.memory_space<hbm>> -> memref<10000x128xf32, #tpu.memory_space<hbm>>
      tpu.wait_indirect_dma semaphore(%arg11 : memref<!tpu.dma_semaphore, #tpu.memory_space<semaphore_mem>>) src(%dma_wait3A_109 : memref<10000x128xf32, #tpu.memory_space<hbm>>) dst(%arg8 : memref<128x128xf32, #tpu.memory_space<vmem>>)
      %add3A_110 = arith.constant 0 : i32
      %add3A_111 = arith.addi %sub3A_103, %add3A_110 : i32
      %dma_start3A_112 = arith.constant 0 : i32
      %dma_start3A_113 = tpu.memref_slice %arg7[%add3A_111, %dma_start3A_112] : memref<48x128xi32, #tpu.memory_space<vmem>> -> memref<1x128xi32, #tpu.memory_space<vmem>>
      %dma_start3A_114 = tpu.memref_squeeze %dma_start3A_113 : memref<1x128xi32, #tpu.memory_space<vmem>> -> memref<128xi32, #tpu.memory_space<vmem>>
      %dma_start3A_115 = arith.constant 0 : i32
      %dma_start3A_116 = arith.constant 0 : i32
      %dma_start3A_117 = tpu.memref_slice %arg10[%dma_start3A_115, %dma_start3A_116] : memref<10240x128xf32, #tpu.memory_space<vmem_shared>> -> memref<10240x128xf32, #tpu.memory_space<vmem_shared>>
      tpu.enqueue_indirect_dma source(%arg8 : memref<128x128xf32, #tpu.memory_space<vmem>>) target(%dma_start3A_117 : memref<10240x128xf32, #tpu.memory_space<vmem_shared>>) offsets(%dma_start3A_114 : memref<128xi32, #tpu.memory_space<vmem>>) semaphore(%arg13 : memref<!tpu.dma_semaphore, #tpu.memory_space<semaphore_mem>>) {add = true}
      %dma_wait3A_118 = arith.constant 0 : i32
      %dma_wait3A_119 = arith.constant 0 : i32
      %dma_wait3A_120 = tpu.memref_slice %arg6[%dma_wait3A_118, %dma_wait3A_119] : memref<48x128xi32, #tpu.memory_space<vmem>> -> memref<1x128xi32, #tpu.memory_space<vmem>>
      %dma_wait3A_121 = tpu.memref_squeeze %dma_wait3A_120 : memref<1x128xi32, #tpu.memory_space<vmem>> -> memref<128xi32, #tpu.memory_space<vmem>>
      %dma_wait3A_122 = arith.constant 0 : i32
      %dma_wait3A_123 = arith.constant 0 : i32
      %dma_wait3A_124 = tpu.memref_slice %arg2[%dma_wait3A_122, %dma_wait3A_123] : memref<10000x128xf32, #tpu.memory_space<hbm>> -> memref<10000x128xf32, #tpu.memory_space<hbm>>
      tpu.wait_indirect_dma semaphore(%arg12 : memref<!tpu.dma_semaphore, #tpu.memory_space<semaphore_mem>>) src(%dma_wait3A_124 : memref<10000x128xf32, #tpu.memory_space<hbm>>) dst(%arg9 : memref<128x128xf32, #tpu.memory_space<vmem>>)
      %add3A_125 = arith.constant 1 : i32
      %add3A_126 = arith.addi %sub3A_103, %add3A_125 : i32
      %dma_start3A_127 = arith.constant 0 : i32
      %dma_start3A_128 = tpu.memref_slice %arg7[%add3A_126, %dma_start3A_127] : memref<48x128xi32, #tpu.memory_space<vmem>> -> memref<1x128xi32, #tpu.memory_space<vmem>>
      %dma_start3A_129 = tpu.memref_squeeze %dma_start3A_128 : memref<1x128xi32, #tpu.memory_space<vmem>> -> memref<128xi32, #tpu.memory_space<vmem>>
      %dma_start3A_130 = arith.constant 0 : i32
      %dma_start3A_131 = arith.constant 0 : i32
      %dma_start3A_132 = tpu.memref_slice %arg10[%dma_start3A_130, %dma_start3A_131] : memref<10240x128xf32, #tpu.memory_space<vmem_shared>> -> memref<10240x128xf32, #tpu.memory_space<vmem_shared>>
      tpu.enqueue_indirect_dma source(%arg9 : memref<128x128xf32, #tpu.memory_space<vmem>>) target(%dma_start3A_132 : memref<10240x128xf32, #tpu.memory_space<vmem_shared>>) offsets(%dma_start3A_129 : memref<128xi32, #tpu.memory_space<vmem>>) semaphore(%arg14 : memref<!tpu.dma_semaphore, #tpu.memory_space<semaphore_mem>>) {add = true}
      %dma_wait3A_133 = arith.constant 0 : i32
      %dma_wait3A_134 = arith.constant 0 : i32
      %dma_wait3A_135 = tpu.memref_slice %arg7[%dma_wait3A_133, %dma_wait3A_134] : memref<48x128xi32, #tpu.memory_space<vmem>> -> memref<1x128xi32, #tpu.memory_space<vmem>>
      %dma_wait3A_136 = tpu.memref_squeeze %dma_wait3A_135 : memref<1x128xi32, #tpu.memory_space<vmem>> -> memref<128xi32, #tpu.memory_space<vmem>>
      %dma_wait3A_137 = arith.constant 0 : i32
      %dma_wait3A_138 = arith.constant 0 : i32
      %dma_wait3A_139 = tpu.memref_slice %arg10[%dma_wait3A_137, %dma_wait3A_138] : memref<10240x128xf32, #tpu.memory_space<vmem_shared>> -> memref<10240x128xf32, #tpu.memory_space<vmem_shared>>
      tpu.wait_indirect_dma semaphore(%arg13 : memref<!tpu.dma_semaphore, #tpu.memory_space<semaphore_mem>>) src(%arg8 : memref<128x128xf32, #tpu.memory_space<vmem>>) dst(%dma_wait3A_139 : memref<10240x128xf32, #tpu.memory_space<vmem_shared>>)
      %dma_wait3A_140 = arith.constant 0 : i32
      %dma_wait3A_141 = arith.constant 0 : i32
      %dma_wait3A_142 = tpu.memref_slice %arg7[%dma_wait3A_140, %dma_wait3A_141] : memref<48x128xi32, #tpu.memory_space<vmem>> -> memref<1x128xi32, #tpu.memory_space<vmem>>
      %dma_wait3A_143 = tpu.memref_squeeze %dma_wait3A_142 : memref<1x128xi32, #tpu.memory_space<vmem>> -> memref<128xi32, #tpu.memory_space<vmem>>
      %dma_wait3A_144 = arith.constant 0 : i32
      %dma_wait3A_145 = arith.constant 0 : i32
      %dma_wait3A_146 = tpu.memref_slice %arg10[%dma_wait3A_144, %dma_wait3A_145] : memref<10240x128xf32, #tpu.memory_space<vmem_shared>> -> memref<10240x128xf32, #tpu.memory_space<vmem_shared>>
      tpu.wait_indirect_dma semaphore(%arg14 : memref<!tpu.dma_semaphore, #tpu.memory_space<semaphore_mem>>) src(%arg9 : memref<128x128xf32, #tpu.memory_space<vmem>>) dst(%dma_wait3A_146 : memref<10240x128xf32, #tpu.memory_space<vmem_shared>>)
    } else {
    }
    %gt3A_47 = arith.constant 2 : i32
    %gt3A_48 = arith.cmpi sgt, %select_n3A_6, %gt3A_47 : i32
    %convert_element_type3A_49 = arith.extui %gt3A_48 : i1 to i32
    %cond3A_50 = arith.constant 0 : i32
    %cond3A_51 = arith.cmpi ne, %convert_element_type3A_49, %cond3A_50 : i32
    scf.if %cond3A_51 {
      %mul3A_57 = arith.constant 2 : i32
      %mul3A_58 = arith.muli %mul3A_57, %select_n3A : i32
      %add3A_59 = arith.addi %select_n3A_13, %mul3A_58 : i32
      %multiple_of3A = tpu.assume_multiple %add3A_59, 8 : i32
      "tpu.region"() ({
        %run_scoped3A = tpu.sem_alloc : memref<!tpu.dma_semaphore, #tpu.memory_space<semaphore_mem>>
        %dma_start3A_147 = arith.constant 0 : i32
        %dma_start3A_148 = tpu.memref_slice %arg3[%multiple_of3A, %dma_start3A_147] : memref<2688x128xi32, #tpu.memory_space<hbm>> -> memref<48x128xi32, #tpu.memory_space<hbm>>
        %dma_start3A_149 = arith.constant 0 : i32
        %dma_start3A_150 = tpu.memref_slice %arg3[%multiple_of3A, %dma_start3A_149] : memref<2688x128xi32, #tpu.memory_space<hbm>> -> memref<48x128xi32, #tpu.memory_space<hbm>>
        tpu.enqueue_dma source(%dma_start3A_150 : memref<48x128xi32, #tpu.memory_space<hbm>>) target(%arg6 : memref<48x128xi32, #tpu.memory_space<vmem>>) target_semaphore(%run_scoped3A : memref<!tpu.dma_semaphore, #tpu.memory_space<semaphore_mem>>)
        %dma_wait3A_151 = arith.constant 0 : i32
        %dma_wait3A_152 = tpu.memref_slice %arg3[%multiple_of3A, %dma_wait3A_151] : memref<2688x128xi32, #tpu.memory_space<hbm>> -> memref<48x128xi32, #tpu.memory_space<hbm>>
        %dma_wait3A_153 = arith.constant 0 : i32
        %dma_wait3A_154 = tpu.memref_slice %arg3[%multiple_of3A, %dma_wait3A_153] : memref<2688x128xi32, #tpu.memory_space<hbm>> -> memref<48x128xi32, #tpu.memory_space<hbm>>
        tpu.wait_dma2 semaphore(%run_scoped3A : memref<!tpu.dma_semaphore, #tpu.memory_space<semaphore_mem>>) src(%dma_wait3A_154 : memref<48x128xi32, #tpu.memory_space<hbm>>) dst(%arg6 : memref<48x128xi32, #tpu.memory_space<vmem>>)
        tpu.yield
      }) : () -> ()
      "tpu.region"() ({
        %run_scoped3A = tpu.sem_alloc : memref<!tpu.dma_semaphore, #tpu.memory_space<semaphore_mem>>
        %dma_start3A_147 = arith.constant 0 : i32
        %dma_start3A_148 = tpu.memref_slice %arg4[%multiple_of3A, %dma_start3A_147] : memref<2688x128xi32, #tpu.memory_space<hbm>> -> memref<48x128xi32, #tpu.memory_space<hbm>>
        %dma_start3A_149 = arith.constant 0 : i32
        %dma_start3A_150 = tpu.memref_slice %arg4[%multiple_of3A, %dma_start3A_149] : memref<2688x128xi32, #tpu.memory_space<hbm>> -> memref<48x128xi32, #tpu.memory_space<hbm>>
        tpu.enqueue_dma source(%dma_start3A_150 : memref<48x128xi32, #tpu.memory_space<hbm>>) target(%arg7 : memref<48x128xi32, #tpu.memory_space<vmem>>) target_semaphore(%run_scoped3A : memref<!tpu.dma_semaphore, #tpu.memory_space<semaphore_mem>>)
        %dma_wait3A_151 = arith.constant 0 : i32
        %dma_wait3A_152 = tpu.memref_slice %arg4[%multiple_of3A, %dma_wait3A_151] : memref<2688x128xi32, #tpu.memory_space<hbm>> -> memref<48x128xi32, #tpu.memory_space<hbm>>
        %dma_wait3A_153 = arith.constant 0 : i32
        %dma_wait3A_154 = tpu.memref_slice %arg4[%multiple_of3A, %dma_wait3A_153] : memref<2688x128xi32, #tpu.memory_space<hbm>> -> memref<48x128xi32, #tpu.memory_space<hbm>>
        tpu.wait_dma2 semaphore(%run_scoped3A : memref<!tpu.dma_semaphore, #tpu.memory_space<semaphore_mem>>) src(%dma_wait3A_154 : memref<48x128xi32, #tpu.memory_space<hbm>>) dst(%arg7 : memref<48x128xi32, #tpu.memory_space<vmem>>)
        tpu.yield
      }) : () -> ()
      %dma_start3A = arith.constant 0 : i32
      %dma_start3A_60 = arith.constant 0 : i32
      %dma_start3A_61 = tpu.memref_slice %arg6[%dma_start3A, %dma_start3A_60] : memref<48x128xi32, #tpu.memory_space<vmem>> -> memref<1x128xi32, #tpu.memory_space<vmem>>
      %dma_start3A_62 = tpu.memref_squeeze %dma_start3A_61 : memref<1x128xi32, #tpu.memory_space<vmem>> -> memref<128xi32, #tpu.memory_space<vmem>>
      %dma_start3A_63 = arith.constant 0 : i32
      %dma_start3A_64 = arith.constant 0 : i32
      %dma_start3A_65 = tpu.memref_slice %arg2[%dma_start3A_63, %dma_start3A_64] : memref<10000x128xf32, #tpu.memory_space<hbm>> -> memref<10000x128xf32, #tpu.memory_space<hbm>>
      tpu.enqueue_indirect_dma source(%dma_start3A_65 : memref<10000x128xf32, #tpu.memory_space<hbm>>) target(%arg8 : memref<128x128xf32, #tpu.memory_space<vmem>>) offsets(%dma_start3A_62 : memref<128xi32, #tpu.memory_space<vmem>>) semaphore(%arg11 : memref<!tpu.dma_semaphore, #tpu.memory_space<semaphore_mem>>)
      %dma_start3A_66 = arith.constant 1 : i32
      %dma_start3A_67 = arith.constant 0 : i32
      %dma_start3A_68 = tpu.memref_slice %arg6[%dma_start3A_66, %dma_start3A_67] : memref<48x128xi32, #tpu.memory_space<vmem>> -> memref<1x128xi32, #tpu.memory_space<vmem>>
      %dma_start3A_69 = tpu.memref_squeeze %dma_start3A_68 : memref<1x128xi32, #tpu.memory_space<vmem>> -> memref<128xi32, #tpu.memory_space<vmem>>
      %dma_start3A_70 = arith.constant 0 : i32
      %dma_start3A_71 = arith.constant 0 : i32
      %dma_start3A_72 = tpu.memref_slice %arg2[%dma_start3A_70, %dma_start3A_71] : memref<10000x128xf32, #tpu.memory_space<hbm>> -> memref<10000x128xf32, #tpu.memory_space<hbm>>
      tpu.enqueue_indirect_dma source(%dma_start3A_72 : memref<10000x128xf32, #tpu.memory_space<hbm>>) target(%arg9 : memref<128x128xf32, #tpu.memory_space<vmem>>) offsets(%dma_start3A_69 : memref<128xi32, #tpu.memory_space<vmem>>) semaphore(%arg12 : memref<!tpu.dma_semaphore, #tpu.memory_space<semaphore_mem>>)
      %jit3A_73 = arith.constant 2 : i32
      %div3A = arith.divsi %select_n3A, %jit3A_73 : i32
      %sign3A = arith.constant 0 : i32
      %sign3A_74 = arith.cmpi sgt, %select_n3A, %sign3A : i32
      %sign3A_75 = arith.extui %sign3A_74 : i1 to i32
      %sign3A_76 = arith.constant 0 : i32
      %sign3A_77 = arith.cmpi slt, %select_n3A, %sign3A_76 : i32
      %sign3A_78 = arith.extui %sign3A_77 : i1 to i32
      %sign3A_79 = arith.subi %sign3A_75, %sign3A_78 : i32
      %sign3A_80 = arith.constant 0 : i32
      %sign3A_81 = arith.cmpi sgt, %jit3A_73, %sign3A_80 : i32
      %sign3A_82 = arith.extui %sign3A_81 : i1 to i32
      %sign3A_83 = arith.constant 0 : i32
      %sign3A_84 = arith.cmpi slt, %jit3A_73, %sign3A_83 : i32
      %sign3A_85 = arith.extui %sign3A_84 : i1 to i32
      %sign3A_86 = arith.subi %sign3A_82, %sign3A_85 : i32
      %ne3A = arith.cmpi ne, %sign3A_79, %sign3A_86 : i32
      %rem3A = arith.remsi %select_n3A, %jit3A_73 : i32
      %ne3A_87 = arith.constant 0 : i32
      %ne3A_88 = arith.cmpi ne, %rem3A, %ne3A_87 : i32
      %and3A = arith.andi %ne3A, %ne3A_88 : i1
      %sub3A = arith.constant 1 : i32
      %sub3A_89 = arith.subi %div3A, %sub3A : i32
      %select_n3A_90 = arith.select %and3A, %sub3A_89, %div3A : i32
      %sub3A_91 = arith.constant 1 : i32
      %sub3A_92 = arith.subi %select_n3A_90, %sub3A_91 : i32
      %while3A = arith.constant 0 : i32
      %while3A_93 = arith.constant 0 : i32
      %while3A_94 = arith.subi %sub3A_92, %while3A_93 : i32
      %while3A_95 = arith.addi %while3A_93, %while3A_94 : i32
      %while3A_96 = arith.constant 1 : i32
      %while3A_97 = arith.divsi %while3A_94, %while3A_96 : i32
      %while3A_98 = arith.muli %while3A_97, %while3A_96 : i32
      %while3A_99 = arith.addi %while3A_93, %while3A_98 : i32
      %while3A_100 = arith.constant 1 : i32
      scf.for %while3A_147 = %while3A_93 to %while3A_99 step %while3A_100  : i32 {
        %mul3A_148 = arith.constant 2 : i32
        %mul3A_149 = arith.muli %while3A_147, %mul3A_148 : i32
        %dma_wait3A_150 = arith.constant 0 : i32
        %dma_wait3A_151 = arith.constant 0 : i32
        %dma_wait3A_152 = tpu.memref_slice %arg6[%dma_wait3A_150, %dma_wait3A_151] : memref<48x128xi32, #tpu.memory_space<vmem>> -> memref<1x128xi32, #tpu.memory_space<vmem>>
        %dma_wait3A_153 = tpu.memref_squeeze %dma_wait3A_152 : memref<1x128xi32, #tpu.memory_space<vmem>> -> memref<128xi32, #tpu.memory_space<vmem>>
        %dma_wait3A_154 = arith.constant 0 : i32
        %dma_wait3A_155 = arith.constant 0 : i32
        %dma_wait3A_156 = tpu.memref_slice %arg2[%dma_wait3A_154, %dma_wait3A_155] : memref<10000x128xf32, #tpu.memory_space<hbm>> -> memref<10000x128xf32, #tpu.memory_space<hbm>>
        tpu.wait_indirect_dma semaphore(%arg11 : memref<!tpu.dma_semaphore, #tpu.memory_space<semaphore_mem>>) src(%dma_wait3A_156 : memref<10000x128xf32, #tpu.memory_space<hbm>>) dst(%arg8 : memref<128x128xf32, #tpu.memory_space<vmem>>)
        %add3A_157 = arith.constant 0 : i32
        %add3A_158 = arith.addi %mul3A_149, %add3A_157 : i32
        %dma_start3A_159 = arith.constant 0 : i32
        %dma_start3A_160 = tpu.memref_slice %arg7[%add3A_158, %dma_start3A_159] : memref<48x128xi32, #tpu.memory_space<vmem>> -> memref<1x128xi32, #tpu.memory_space<vmem>>
        %dma_start3A_161 = tpu.memref_squeeze %dma_start3A_160 : memref<1x128xi32, #tpu.memory_space<vmem>> -> memref<128xi32, #tpu.memory_space<vmem>>
        %dma_start3A_162 = arith.constant 0 : i32
        %dma_start3A_163 = arith.constant 0 : i32
        %dma_start3A_164 = tpu.memref_slice %arg10[%dma_start3A_162, %dma_start3A_163] : memref<10240x128xf32, #tpu.memory_space<vmem_shared>> -> memref<10240x128xf32, #tpu.memory_space<vmem_shared>>
        tpu.enqueue_indirect_dma source(%arg8 : memref<128x128xf32, #tpu.memory_space<vmem>>) target(%dma_start3A_164 : memref<10240x128xf32, #tpu.memory_space<vmem_shared>>) offsets(%dma_start3A_161 : memref<128xi32, #tpu.memory_space<vmem>>) semaphore(%arg13 : memref<!tpu.dma_semaphore, #tpu.memory_space<semaphore_mem>>) {add = true}
        %dma_wait3A_165 = arith.constant 0 : i32
        %dma_wait3A_166 = arith.constant 0 : i32
        %dma_wait3A_167 = tpu.memref_slice %arg6[%dma_wait3A_165, %dma_wait3A_166] : memref<48x128xi32, #tpu.memory_space<vmem>> -> memref<1x128xi32, #tpu.memory_space<vmem>>
        %dma_wait3A_168 = tpu.memref_squeeze %dma_wait3A_167 : memref<1x128xi32, #tpu.memory_space<vmem>> -> memref<128xi32, #tpu.memory_space<vmem>>
        %dma_wait3A_169 = arith.constant 0 : i32
        %dma_wait3A_170 = arith.constant 0 : i32
        %dma_wait3A_171 = tpu.memref_slice %arg2[%dma_wait3A_169, %dma_wait3A_170] : memref<10000x128xf32, #tpu.memory_space<hbm>> -> memref<10000x128xf32, #tpu.memory_space<hbm>>
        tpu.wait_indirect_dma semaphore(%arg12 : memref<!tpu.dma_semaphore, #tpu.memory_space<semaphore_mem>>) src(%dma_wait3A_171 : memref<10000x128xf32, #tpu.memory_space<hbm>>) dst(%arg9 : memref<128x128xf32, #tpu.memory_space<vmem>>)
        %add3A_172 = arith.constant 1 : i32
        %add3A_173 = arith.addi %mul3A_149, %add3A_172 : i32
        %dma_start3A_174 = arith.constant 0 : i32
        %dma_start3A_175 = tpu.memref_slice %arg7[%add3A_173, %dma_start3A_174] : memref<48x128xi32, #tpu.memory_space<vmem>> -> memref<1x128xi32, #tpu.memory_space<vmem>>
        %dma_start3A_176 = tpu.memref_squeeze %dma_start3A_175 : memref<1x128xi32, #tpu.memory_space<vmem>> -> memref<128xi32, #tpu.memory_space<vmem>>
        %dma_start3A_177 = arith.constant 0 : i32
        %dma_start3A_178 = arith.constant 0 : i32
        %dma_start3A_179 = tpu.memref_slice %arg10[%dma_start3A_177, %dma_start3A_178] : memref<10240x128xf32, #tpu.memory_space<vmem_shared>> -> memref<10240x128xf32, #tpu.memory_space<vmem_shared>>
        tpu.enqueue_indirect_dma source(%arg9 : memref<128x128xf32, #tpu.memory_space<vmem>>) target(%dma_start3A_179 : memref<10240x128xf32, #tpu.memory_space<vmem_shared>>) offsets(%dma_start3A_176 : memref<128xi32, #tpu.memory_space<vmem>>) semaphore(%arg14 : memref<!tpu.dma_semaphore, #tpu.memory_space<semaphore_mem>>) {add = true}
        %dma_wait3A_180 = arith.constant 0 : i32
        %dma_wait3A_181 = arith.constant 0 : i32
        %dma_wait3A_182 = tpu.memref_slice %arg7[%dma_wait3A_180, %dma_wait3A_181] : memref<48x128xi32, #tpu.memory_space<vmem>> -> memref<1x128xi32, #tpu.memory_space<vmem>>
        %dma_wait3A_183 = tpu.memref_squeeze %dma_wait3A_182 : memref<1x128xi32, #tpu.memory_space<vmem>> -> memref<128xi32, #tpu.memory_space<vmem>>
        %dma_wait3A_184 = arith.constant 0 : i32
        %dma_wait3A_185 = arith.constant 0 : i32
        %dma_wait3A_186 = tpu.memref_slice %arg10[%dma_wait3A_184, %dma_wait3A_185] : memref<10240x128xf32, #tpu.memory_space<vmem_shared>> -> memref<10240x128xf32, #tpu.memory_space<vmem_shared>>
        tpu.wait_indirect_dma semaphore(%arg13 : memref<!tpu.dma_semaphore, #tpu.memory_space<semaphore_mem>>) src(%arg8 : memref<128x128xf32, #tpu.memory_space<vmem>>) dst(%dma_wait3A_186 : memref<10240x128xf32, #tpu.memory_space<vmem_shared>>)
        %add3A_187 = arith.constant 2 : i32
        %add3A_188 = arith.addi %mul3A_149, %add3A_187 : i32
        %add3A_189 = arith.constant 0 : i32
        %add3A_190 = arith.addi %add3A_188, %add3A_189 : i32
        %dma_start3A_191 = arith.constant 0 : i32
        %dma_start3A_192 = tpu.memref_slice %arg6[%add3A_190, %dma_start3A_191] : memref<48x128xi32, #tpu.memory_space<vmem>> -> memref<1x128xi32, #tpu.memory_space<vmem>>
        %dma_start3A_193 = tpu.memref_squeeze %dma_start3A_192 : memref<1x128xi32, #tpu.memory_space<vmem>> -> memref<128xi32, #tpu.memory_space<vmem>>
        %dma_start3A_194 = arith.constant 0 : i32
        %dma_start3A_195 = arith.constant 0 : i32
        %dma_start3A_196 = tpu.memref_slice %arg2[%dma_start3A_194, %dma_start3A_195] : memref<10000x128xf32, #tpu.memory_space<hbm>> -> memref<10000x128xf32, #tpu.memory_space<hbm>>
        tpu.enqueue_indirect_dma source(%dma_start3A_196 : memref<10000x128xf32, #tpu.memory_space<hbm>>) target(%arg8 : memref<128x128xf32, #tpu.memory_space<vmem>>) offsets(%dma_start3A_193 : memref<128xi32, #tpu.memory_space<vmem>>) semaphore(%arg11 : memref<!tpu.dma_semaphore, #tpu.memory_space<semaphore_mem>>)
        %dma_wait3A_197 = arith.constant 0 : i32
        %dma_wait3A_198 = arith.constant 0 : i32
        %dma_wait3A_199 = tpu.memref_slice %arg7[%dma_wait3A_197, %dma_wait3A_198] : memref<48x128xi32, #tpu.memory_space<vmem>> -> memref<1x128xi32, #tpu.memory_space<vmem>>
        %dma_wait3A_200 = tpu.memref_squeeze %dma_wait3A_199 : memref<1x128xi32, #tpu.memory_space<vmem>> -> memref<128xi32, #tpu.memory_space<vmem>>
        %dma_wait3A_201 = arith.constant 0 : i32
        %dma_wait3A_202 = arith.constant 0 : i32
        %dma_wait3A_203 = tpu.memref_slice %arg10[%dma_wait3A_201, %dma_wait3A_202] : memref<10240x128xf32, #tpu.memory_space<vmem_shared>> -> memref<10240x128xf32, #tpu.memory_space<vmem_shared>>
        tpu.wait_indirect_dma semaphore(%arg14 : memref<!tpu.dma_semaphore, #tpu.memory_space<semaphore_mem>>) src(%arg9 : memref<128x128xf32, #tpu.memory_space<vmem>>) dst(%dma_wait3A_203 : memref<10240x128xf32, #tpu.memory_space<vmem_shared>>)
        %add3A_204 = arith.constant 2 : i32
        %add3A_205 = arith.addi %mul3A_149, %add3A_204 : i32
        %add3A_206 = arith.constant 1 : i32
        %add3A_207 = arith.addi %add3A_205, %add3A_206 : i32
        %dma_start3A_208 = arith.constant 0 : i32
        %dma_start3A_209 = tpu.memref_slice %arg6[%add3A_207, %dma_start3A_208] : memref<48x128xi32, #tpu.memory_space<vmem>> -> memref<1x128xi32, #tpu.memory_space<vmem>>
        %dma_start3A_210 = tpu.memref_squeeze %dma_start3A_209 : memref<1x128xi32, #tpu.memory_space<vmem>> -> memref<128xi32, #tpu.memory_space<vmem>>
        %dma_start3A_211 = arith.constant 0 : i32
        %dma_start3A_212 = arith.constant 0 : i32
        %dma_start3A_213 = tpu.memref_slice %arg2[%dma_start3A_211, %dma_start3A_212] : memref<10000x128xf32, #tpu.memory_space<hbm>> -> memref<10000x128xf32, #tpu.memory_space<hbm>>
        tpu.enqueue_indirect_dma source(%dma_start3A_213 : memref<10000x128xf32, #tpu.memory_space<hbm>>) target(%arg9 : memref<128x128xf32, #tpu.memory_space<vmem>>) offsets(%dma_start3A_210 : memref<128xi32, #tpu.memory_space<vmem>>) semaphore(%arg12 : memref<!tpu.dma_semaphore, #tpu.memory_space<semaphore_mem>>)
      }
      %while3A_101 = arith.constant 1 : i32
      scf.for %while3A_147 = %while3A_99 to %while3A_95 step %while3A_101  : i32 {
        %mul3A_148 = arith.constant 2 : i32
        %mul3A_149 = arith.muli %while3A_147, %mul3A_148 : i32
        %dma_wait3A_150 = arith.constant 0 : i32
        %dma_wait3A_151 = arith.constant 0 : i32
        %dma_wait3A_152 = tpu.memref_slice %arg6[%dma_wait3A_150, %dma_wait3A_151] : memref<48x128xi32, #tpu.memory_space<vmem>> -> memref<1x128xi32, #tpu.memory_space<vmem>>
        %dma_wait3A_153 = tpu.memref_squeeze %dma_wait3A_152 : memref<1x128xi32, #tpu.memory_space<vmem>> -> memref<128xi32, #tpu.memory_space<vmem>>
        %dma_wait3A_154 = arith.constant 0 : i32
        %dma_wait3A_155 = arith.constant 0 : i32
        %dma_wait3A_156 = tpu.memref_slice %arg2[%dma_wait3A_154, %dma_wait3A_155] : memref<10000x128xf32, #tpu.memory_space<hbm>> -> memref<10000x128xf32, #tpu.memory_space<hbm>>
        tpu.wait_indirect_dma semaphore(%arg11 : memref<!tpu.dma_semaphore, #tpu.memory_space<semaphore_mem>>) src(%dma_wait3A_156 : memref<10000x128xf32, #tpu.memory_space<hbm>>) dst(%arg8 : memref<128x128xf32, #tpu.memory_space<vmem>>)
        %add3A_157 = arith.constant 0 : i32
        %add3A_158 = arith.addi %mul3A_149, %add3A_157 : i32
        %dma_start3A_159 = arith.constant 0 : i32
        %dma_start3A_160 = tpu.memref_slice %arg7[%add3A_158, %dma_start3A_159] : memref<48x128xi32, #tpu.memory_space<vmem>> -> memref<1x128xi32, #tpu.memory_space<vmem>>
        %dma_start3A_161 = tpu.memref_squeeze %dma_start3A_160 : memref<1x128xi32, #tpu.memory_space<vmem>> -> memref<128xi32, #tpu.memory_space<vmem>>
        %dma_start3A_162 = arith.constant 0 : i32
        %dma_start3A_163 = arith.constant 0 : i32
        %dma_start3A_164 = tpu.memref_slice %arg10[%dma_start3A_162, %dma_start3A_163] : memref<10240x128xf32, #tpu.memory_space<vmem_shared>> -> memref<10240x128xf32, #tpu.memory_space<vmem_shared>>
        tpu.enqueue_indirect_dma source(%arg8 : memref<128x128xf32, #tpu.memory_space<vmem>>) target(%dma_start3A_164 : memref<10240x128xf32, #tpu.memory_space<vmem_shared>>) offsets(%dma_start3A_161 : memref<128xi32, #tpu.memory_space<vmem>>) semaphore(%arg13 : memref<!tpu.dma_semaphore, #tpu.memory_space<semaphore_mem>>) {add = true}
        %dma_wait3A_165 = arith.constant 0 : i32
        %dma_wait3A_166 = arith.constant 0 : i32
        %dma_wait3A_167 = tpu.memref_slice %arg6[%dma_wait3A_165, %dma_wait3A_166] : memref<48x128xi32, #tpu.memory_space<vmem>> -> memref<1x128xi32, #tpu.memory_space<vmem>>
        %dma_wait3A_168 = tpu.memref_squeeze %dma_wait3A_167 : memref<1x128xi32, #tpu.memory_space<vmem>> -> memref<128xi32, #tpu.memory_space<vmem>>
        %dma_wait3A_169 = arith.constant 0 : i32
        %dma_wait3A_170 = arith.constant 0 : i32
        %dma_wait3A_171 = tpu.memref_slice %arg2[%dma_wait3A_169, %dma_wait3A_170] : memref<10000x128xf32, #tpu.memory_space<hbm>> -> memref<10000x128xf32, #tpu.memory_space<hbm>>
        tpu.wait_indirect_dma semaphore(%arg12 : memref<!tpu.dma_semaphore, #tpu.memory_space<semaphore_mem>>) src(%dma_wait3A_171 : memref<10000x128xf32, #tpu.memory_space<hbm>>) dst(%arg9 : memref<128x128xf32, #tpu.memory_space<vmem>>)
        %add3A_172 = arith.constant 1 : i32
        %add3A_173 = arith.addi %mul3A_149, %add3A_172 : i32
        %dma_start3A_174 = arith.constant 0 : i32
        %dma_start3A_175 = tpu.memref_slice %arg7[%add3A_173, %dma_start3A_174] : memref<48x128xi32, #tpu.memory_space<vmem>> -> memref<1x128xi32, #tpu.memory_space<vmem>>
        %dma_start3A_176 = tpu.memref_squeeze %dma_start3A_175 : memref<1x128xi32, #tpu.memory_space<vmem>> -> memref<128xi32, #tpu.memory_space<vmem>>
        %dma_start3A_177 = arith.constant 0 : i32
        %dma_start3A_178 = arith.constant 0 : i32
        %dma_start3A_179 = tpu.memref_slice %arg10[%dma_start3A_177, %dma_start3A_178] : memref<10240x128xf32, #tpu.memory_space<vmem_shared>> -> memref<10240x128xf32, #tpu.memory_space<vmem_shared>>
        tpu.enqueue_indirect_dma source(%arg9 : memref<128x128xf32, #tpu.memory_space<vmem>>) target(%dma_start3A_179 : memref<10240x128xf32, #tpu.memory_space<vmem_shared>>) offsets(%dma_start3A_176 : memref<128xi32, #tpu.memory_space<vmem>>) semaphore(%arg14 : memref<!tpu.dma_semaphore, #tpu.memory_space<semaphore_mem>>) {add = true}
        %dma_wait3A_180 = arith.constant 0 : i32
        %dma_wait3A_181 = arith.constant 0 : i32
        %dma_wait3A_182 = tpu.memref_slice %arg7[%dma_wait3A_180, %dma_wait3A_181] : memref<48x128xi32, #tpu.memory_space<vmem>> -> memref<1x128xi32, #tpu.memory_space<vmem>>
        %dma_wait3A_183 = tpu.memref_squeeze %dma_wait3A_182 : memref<1x128xi32, #tpu.memory_space<vmem>> -> memref<128xi32, #tpu.memory_space<vmem>>
        %dma_wait3A_184 = arith.constant 0 : i32
        %dma_wait3A_185 = arith.constant 0 : i32
        %dma_wait3A_186 = tpu.memref_slice %arg10[%dma_wait3A_184, %dma_wait3A_185] : memref<10240x128xf32, #tpu.memory_space<vmem_shared>> -> memref<10240x128xf32, #tpu.memory_space<vmem_shared>>
        tpu.wait_indirect_dma semaphore(%arg13 : memref<!tpu.dma_semaphore, #tpu.memory_space<semaphore_mem>>) src(%arg8 : memref<128x128xf32, #tpu.memory_space<vmem>>) dst(%dma_wait3A_186 : memref<10240x128xf32, #tpu.memory_space<vmem_shared>>)
        %add3A_187 = arith.constant 2 : i32
        %add3A_188 = arith.addi %mul3A_149, %add3A_187 : i32
        %add3A_189 = arith.constant 0 : i32
        %add3A_190 = arith.addi %add3A_188, %add3A_189 : i32
        %dma_start3A_191 = arith.constant 0 : i32
        %dma_start3A_192 = tpu.memref_slice %arg6[%add3A_190, %dma_start3A_191] : memref<48x128xi32, #tpu.memory_space<vmem>> -> memref<1x128xi32, #tpu.memory_space<vmem>>
        %dma_start3A_193 = tpu.memref_squeeze %dma_start3A_192 : memref<1x128xi32, #tpu.memory_space<vmem>> -> memref<128xi32, #tpu.memory_space<vmem>>
        %dma_start3A_194 = arith.constant 0 : i32
        %dma_start3A_195 = arith.constant 0 : i32
        %dma_start3A_196 = tpu.memref_slice %arg2[%dma_start3A_194, %dma_start3A_195] : memref<10000x128xf32, #tpu.memory_space<hbm>> -> memref<10000x128xf32, #tpu.memory_space<hbm>>
        tpu.enqueue_indirect_dma source(%dma_start3A_196 : memref<10000x128xf32, #tpu.memory_space<hbm>>) target(%arg8 : memref<128x128xf32, #tpu.memory_space<vmem>>) offsets(%dma_start3A_193 : memref<128xi32, #tpu.memory_space<vmem>>) semaphore(%arg11 : memref<!tpu.dma_semaphore, #tpu.memory_space<semaphore_mem>>)
        %dma_wait3A_197 = arith.constant 0 : i32
        %dma_wait3A_198 = arith.constant 0 : i32
        %dma_wait3A_199 = tpu.memref_slice %arg7[%dma_wait3A_197, %dma_wait3A_198] : memref<48x128xi32, #tpu.memory_space<vmem>> -> memref<1x128xi32, #tpu.memory_space<vmem>>
        %dma_wait3A_200 = tpu.memref_squeeze %dma_wait3A_199 : memref<1x128xi32, #tpu.memory_space<vmem>> -> memref<128xi32, #tpu.memory_space<vmem>>
        %dma_wait3A_201 = arith.constant 0 : i32
        %dma_wait3A_202 = arith.constant 0 : i32
        %dma_wait3A_203 = tpu.memref_slice %arg10[%dma_wait3A_201, %dma_wait3A_202] : memref<10240x128xf32, #tpu.memory_space<vmem_shared>> -> memref<10240x128xf32, #tpu.memory_space<vmem_shared>>
        tpu.wait_indirect_dma semaphore(%arg14 : memref<!tpu.dma_semaphore, #tpu.memory_space<semaphore_mem>>) src(%arg9 : memref<128x128xf32, #tpu.memory_space<vmem>>) dst(%dma_wait3A_203 : memref<10240x128xf32, #tpu.memory_space<vmem_shared>>)
        %add3A_204 = arith.constant 2 : i32
        %add3A_205 = arith.addi %mul3A_149, %add3A_204 : i32
        %add3A_206 = arith.constant 1 : i32
        %add3A_207 = arith.addi %add3A_205, %add3A_206 : i32
        %dma_start3A_208 = arith.constant 0 : i32
        %dma_start3A_209 = tpu.memref_slice %arg6[%add3A_207, %dma_start3A_208] : memref<48x128xi32, #tpu.memory_space<vmem>> -> memref<1x128xi32, #tpu.memory_space<vmem>>
        %dma_start3A_210 = tpu.memref_squeeze %dma_start3A_209 : memref<1x128xi32, #tpu.memory_space<vmem>> -> memref<128xi32, #tpu.memory_space<vmem>>
        %dma_start3A_211 = arith.constant 0 : i32
        %dma_start3A_212 = arith.constant 0 : i32
        %dma_start3A_213 = tpu.memref_slice %arg2[%dma_start3A_211, %dma_start3A_212] : memref<10000x128xf32, #tpu.memory_space<hbm>> -> memref<10000x128xf32, #tpu.memory_space<hbm>>
        tpu.enqueue_indirect_dma source(%dma_start3A_213 : memref<10000x128xf32, #tpu.memory_space<hbm>>) target(%arg9 : memref<128x128xf32, #tpu.memory_space<vmem>>) offsets(%dma_start3A_210 : memref<128xi32, #tpu.memory_space<vmem>>) semaphore(%arg12 : memref<!tpu.dma_semaphore, #tpu.memory_space<semaphore_mem>>)
      }
      %sub3A_102 = arith.constant 2 : i32
      %sub3A_103 = arith.subi %select_n3A, %sub3A_102 : i32
      %dma_wait3A = arith.constant 0 : i32
      %dma_wait3A_104 = arith.constant 0 : i32
      %dma_wait3A_105 = tpu.memref_slice %arg6[%dma_wait3A, %dma_wait3A_104] : memref<48x128xi32, #tpu.memory_space<vmem>> -> memref<1x128xi32, #tpu.memory_space<vmem>>
      %dma_wait3A_106 = tpu.memref_squeeze %dma_wait3A_105 : memref<1x128xi32, #tpu.memory_space<vmem>> -> memref<128xi32, #tpu.memory_space<vmem>>
      %dma_wait3A_107 = arith.constant 0 : i32
      %dma_wait3A_108 = arith.constant 0 : i32
      %dma_wait3A_109 = tpu.memref_slice %arg2[%dma_wait3A_107, %dma_wait3A_108] : memref<10000x128xf32, #tpu.memory_space<hbm>> -> memref<10000x128xf32, #tpu.memory_space<hbm>>
      tpu.wait_indirect_dma semaphore(%arg11 : memref<!tpu.dma_semaphore, #tpu.memory_space<semaphore_mem>>) src(%dma_wait3A_109 : memref<10000x128xf32, #tpu.memory_space<hbm>>) dst(%arg8 : memref<128x128xf32, #tpu.memory_space<vmem>>)
      %add3A_110 = arith.constant 0 : i32
      %add3A_111 = arith.addi %sub3A_103, %add3A_110 : i32
      %dma_start3A_112 = arith.constant 0 : i32
      %dma_start3A_113 = tpu.memref_slice %arg7[%add3A_111, %dma_start3A_112] : memref<48x128xi32, #tpu.memory_space<vmem>> -> memref<1x128xi32, #tpu.memory_space<vmem>>
      %dma_start3A_114 = tpu.memref_squeeze %dma_start3A_113 : memref<1x128xi32, #tpu.memory_space<vmem>> -> memref<128xi32, #tpu.memory_space<vmem>>
      %dma_start3A_115 = arith.constant 0 : i32
      %dma_start3A_116 = arith.constant 0 : i32
      %dma_start3A_117 = tpu.memref_slice %arg10[%dma_start3A_115, %dma_start3A_116] : memref<10240x128xf32, #tpu.memory_space<vmem_shared>> -> memref<10240x128xf32, #tpu.memory_space<vmem_shared>>
      tpu.enqueue_indirect_dma source(%arg8 : memref<128x128xf32, #tpu.memory_space<vmem>>) target(%dma_start3A_117 : memref<10240x128xf32, #tpu.memory_space<vmem_shared>>) offsets(%dma_start3A_114 : memref<128xi32, #tpu.memory_space<vmem>>) semaphore(%arg13 : memref<!tpu.dma_semaphore, #tpu.memory_space<semaphore_mem>>) {add = true}
      %dma_wait3A_118 = arith.constant 0 : i32
      %dma_wait3A_119 = arith.constant 0 : i32
      %dma_wait3A_120 = tpu.memref_slice %arg6[%dma_wait3A_118, %dma_wait3A_119] : memref<48x128xi32, #tpu.memory_space<vmem>> -> memref<1x128xi32, #tpu.memory_space<vmem>>
      %dma_wait3A_121 = tpu.memref_squeeze %dma_wait3A_120 : memref<1x128xi32, #tpu.memory_space<vmem>> -> memref<128xi32, #tpu.memory_space<vmem>>
      %dma_wait3A_122 = arith.constant 0 : i32
      %dma_wait3A_123 = arith.constant 0 : i32
      %dma_wait3A_124 = tpu.memref_slice %arg2[%dma_wait3A_122, %dma_wait3A_123] : memref<10000x128xf32, #tpu.memory_space<hbm>> -> memref<10000x128xf32, #tpu.memory_space<hbm>>
      tpu.wait_indirect_dma semaphore(%arg12 : memref<!tpu.dma_semaphore, #tpu.memory_space<semaphore_mem>>) src(%dma_wait3A_124 : memref<10000x128xf32, #tpu.memory_space<hbm>>) dst(%arg9 : memref<128x128xf32, #tpu.memory_space<vmem>>)
      %add3A_125 = arith.constant 1 : i32
      %add3A_126 = arith.addi %sub3A_103, %add3A_125 : i32
      %dma_start3A_127 = arith.constant 0 : i32
      %dma_start3A_128 = tpu.memref_slice %arg7[%add3A_126, %dma_start3A_127] : memref<48x128xi32, #tpu.memory_space<vmem>> -> memref<1x128xi32, #tpu.memory_space<vmem>>
      %dma_start3A_129 = tpu.memref_squeeze %dma_start3A_128 : memref<1x128xi32, #tpu.memory_space<vmem>> -> memref<128xi32, #tpu.memory_space<vmem>>
      %dma_start3A_130 = arith.constant 0 : i32
      %dma_start3A_131 = arith.constant 0 : i32
      %dma_start3A_132 = tpu.memref_slice %arg10[%dma_start3A_130, %dma_start3A_131] : memref<10240x128xf32, #tpu.memory_space<vmem_shared>> -> memref<10240x128xf32, #tpu.memory_space<vmem_shared>>
      tpu.enqueue_indirect_dma source(%arg9 : memref<128x128xf32, #tpu.memory_space<vmem>>) target(%dma_start3A_132 : memref<10240x128xf32, #tpu.memory_space<vmem_shared>>) offsets(%dma_start3A_129 : memref<128xi32, #tpu.memory_space<vmem>>) semaphore(%arg14 : memref<!tpu.dma_semaphore, #tpu.memory_space<semaphore_mem>>) {add = true}
      %dma_wait3A_133 = arith.constant 0 : i32
      %dma_wait3A_134 = arith.constant 0 : i32
      %dma_wait3A_135 = tpu.memref_slice %arg7[%dma_wait3A_133, %dma_wait3A_134] : memref<48x128xi32, #tpu.memory_space<vmem>> -> memref<1x128xi32, #tpu.memory_space<vmem>>
      %dma_wait3A_136 = tpu.memref_squeeze %dma_wait3A_135 : memref<1x128xi32, #tpu.memory_space<vmem>> -> memref<128xi32, #tpu.memory_space<vmem>>
      %dma_wait3A_137 = arith.constant 0 : i32
      %dma_wait3A_138 = arith.constant 0 : i32
      %dma_wait3A_139 = tpu.memref_slice %arg10[%dma_wait3A_137, %dma_wait3A_138] : memref<10240x128xf32, #tpu.memory_space<vmem_shared>> -> memref<10240x128xf32, #tpu.memory_space<vmem_shared>>
      tpu.wait_indirect_dma semaphore(%arg13 : memref<!tpu.dma_semaphore, #tpu.memory_space<semaphore_mem>>) src(%arg8 : memref<128x128xf32, #tpu.memory_space<vmem>>) dst(%dma_wait3A_139 : memref<10240x128xf32, #tpu.memory_space<vmem_shared>>)
      %dma_wait3A_140 = arith.constant 0 : i32
      %dma_wait3A_141 = arith.constant 0 : i32
      %dma_wait3A_142 = tpu.memref_slice %arg7[%dma_wait3A_140, %dma_wait3A_141] : memref<48x128xi32, #tpu.memory_space<vmem>> -> memref<1x128xi32, #tpu.memory_space<vmem>>
      %dma_wait3A_143 = tpu.memref_squeeze %dma_wait3A_142 : memref<1x128xi32, #tpu.memory_space<vmem>> -> memref<128xi32, #tpu.memory_space<vmem>>
      %dma_wait3A_144 = arith.constant 0 : i32
      %dma_wait3A_145 = arith.constant 0 : i32
      %dma_wait3A_146 = tpu.memref_slice %arg10[%dma_wait3A_144, %dma_wait3A_145] : memref<10240x128xf32, #tpu.memory_space<vmem_shared>> -> memref<10240x128xf32, #tpu.memory_space<vmem_shared>>
      tpu.wait_indirect_dma semaphore(%arg14 : memref<!tpu.dma_semaphore, #tpu.memory_space<semaphore_mem>>) src(%arg9 : memref<128x128xf32, #tpu.memory_space<vmem>>) dst(%dma_wait3A_146 : memref<10240x128xf32, #tpu.memory_space<vmem_shared>>)
    } else {
    }
    %barrier3A_52 = arith.constant 0 : index
    tpu.barrier barrier_id(%barrier3A_52)
    %mul3A_53 = arith.constant 640 : i32
    %mul3A_54 = arith.muli %arg1, %mul3A_53 : i32
    %mul3A_55 = arith.constant 640 : i32
    %mul3A_56 = arith.muli %arg1, %mul3A_55 : i32
    "tpu.region"() ({
      %run_scoped3A = tpu.sem_alloc : memref<!tpu.dma_semaphore, #tpu.memory_space<semaphore_mem>>
      %dma_start3A = arith.constant 0 : i32
      %dma_start3A_57 = tpu.memref_slice %arg5[%arg0, %mul3A_56, %dma_start3A] : memref<2x10240x128xf32, #tpu.memory_space<hbm>> -> memref<1x640x128xf32, #tpu.memory_space<hbm>>
      %dma_start3A_58 = tpu.memref_squeeze %dma_start3A_57 : memref<1x640x128xf32, #tpu.memory_space<hbm>> -> memref<640x128xf32, #tpu.memory_space<hbm>>
      %dma_start3A_59 = arith.constant 0 : i32
      %dma_start3A_60 = tpu.memref_slice %arg10[%mul3A_54, %dma_start3A_59] : memref<10240x128xf32, #tpu.memory_space<vmem_shared>> -> memref<640x128xf32, #tpu.memory_space<vmem_shared>>
      tpu.enqueue_dma source(%dma_start3A_60 : memref<640x128xf32, #tpu.memory_space<vmem_shared>>) target(%dma_start3A_58 : memref<640x128xf32, #tpu.memory_space<hbm>>) target_semaphore(%run_scoped3A : memref<!tpu.dma_semaphore, #tpu.memory_space<semaphore_mem>>)
      %dma_wait3A = arith.constant 0 : i32
      %dma_wait3A_61 = tpu.memref_slice %arg5[%arg0, %mul3A_56, %dma_wait3A] : memref<2x10240x128xf32, #tpu.memory_space<hbm>> -> memref<1x640x128xf32, #tpu.memory_space<hbm>>
      %dma_wait3A_62 = tpu.memref_squeeze %dma_wait3A_61 : memref<1x640x128xf32, #tpu.memory_space<hbm>> -> memref<640x128xf32, #tpu.memory_space<hbm>>
      %dma_wait3A_63 = arith.constant 0 : i32
      %dma_wait3A_64 = tpu.memref_slice %arg10[%mul3A_54, %dma_wait3A_63] : memref<10240x128xf32, #tpu.memory_space<vmem_shared>> -> memref<640x128xf32, #tpu.memory_space<vmem_shared>>
      tpu.wait_dma2 semaphore(%run_scoped3A : memref<!tpu.dma_semaphore, #tpu.memory_space<semaphore_mem>>) src(%dma_wait3A_64 : memref<640x128xf32, #tpu.memory_space<vmem_shared>>) dst(%dma_wait3A_62 : memref<640x128xf32, #tpu.memory_space<hbm>>)
      tpu.yield
    }) : () -> ()
    return
  }
}

#map = affine_map<(d0, d1) -> (0, 0)>
module attributes {stable_mosaic.version = 14 : i64} {
  func.func @deg_kernel(%arg0: i32, %arg1: i32, %arg2: memref<2688x128xi32, #tpu.memory_space<hbm>>, %arg3: memref<32x10240xf32, #tpu.memory_space<hbm>>, %arg4: memref<10240xf32, #tpu.memory_space<vmem>>, %arg5: memref<128x128xi32, #tpu.memory_space<vmem>>) attributes {dimension_semantics = [#tpu.dimension_semantics<core_parallel>, #tpu.dimension_semantics<subcore_parallel>], iteration_bounds = array<i64: 2, 16>, scalar_prefetch = 0 : i64, scratch_operands = 2 : i64, tpu.core_type = #tpu.core_type<sc_vector_subcore>, window_params = [{transform_indices = #map}, {transform_indices = #map}]} {
    %mul3A = arith.constant 2 : i32
    %mul3A_0 = arith.muli %arg1, %mul3A : i32
    %add3A = arith.addi %mul3A_0, %arg0 : i32
    %eq3A = arith.constant 0 : i32
    %eq3A_1 = arith.cmpi eq, %arg0, %eq3A : i32
    %jit3A = arith.constant 128 : i32
    %jit3A_2 = arith.constant 32 : i32
    %select_n3A = arith.select %eq3A_1, %jit3A, %jit3A_2 : i32
    %eq3A_3 = arith.constant 0 : i32
    %eq3A_4 = arith.cmpi eq, %arg0, %eq3A_3 : i32
    %mul3A_5 = arith.constant 128 : i32
    %mul3A_6 = arith.muli %arg1, %mul3A_5 : i32
    %mul3A_7 = arith.constant 32 : i32
    %mul3A_8 = arith.muli %arg1, %mul3A_7 : i32
    %add3A_9 = arith.constant 2048 : i32
    %add3A_10 = arith.addi %add3A_9, %mul3A_8 : i32
    %select_n3A_11 = arith.select %eq3A_4, %mul3A_6, %add3A_10 : i32
    %multiple_of3A = tpu.assume_multiple %select_n3A_11, 8 : i32
    %broadcast_in_dim3A = arith.constant 0.000000e+00 : f32
    %broadcast_in_dim3A_12 = vector.broadcast %broadcast_in_dim3A : f32 to vector<16xf32>
    %scan3A = arith.constant 0 : i32
    %scan3A_13 = arith.constant 0 : i32
    %scan3A_14 = arith.constant 640 : i32
    %scan3A_15 = arith.addi %scan3A_13, %scan3A_14 : i32
    %scan3A_16 = arith.constant 1 : i32
    scf.for %scan3A_31 = %scan3A_13 to %scan3A_15 step %scan3A_16  : i32 {
      %mul3A_32 = arith.constant 16 : i32
      %mul3A_33 = arith.muli %scan3A_31, %mul3A_32 : i32
      %swap3A = arith.index_cast %mul3A_33 : i32 to index
      %swap3A_34 = tpu.vector_load %arg4[%swap3A] {strides = array<i32>} : memref<10240xf32, #tpu.memory_space<vmem>>, vector<16xf32>,
      tpu.vector_store %arg4[%swap3A], %broadcast_in_dim3A_12 {strides = array<i32>} : memref<10240xf32, #tpu.memory_space<vmem>>, vector<16xf32>,
    }
    %scan3A_17 = arith.constant 640 : i32
    "tpu.region"() ({
      %run_scoped3A = tpu.sem_alloc : memref<!tpu.dma_semaphore, #tpu.memory_space<semaphore_mem>>
      %dma_start3A = arith.constant 0 : i32
      %dma_start3A_31 = tpu.memref_slice %arg2[%multiple_of3A, %dma_start3A] : memref<2688x128xi32, #tpu.memory_space<hbm>> -> memref<128x128xi32, #tpu.memory_space<hbm>>
      %dma_start3A_32 = arith.constant 0 : i32
      %dma_start3A_33 = tpu.memref_slice %arg2[%multiple_of3A, %dma_start3A_32] : memref<2688x128xi32, #tpu.memory_space<hbm>> -> memref<128x128xi32, #tpu.memory_space<hbm>>
      tpu.enqueue_dma source(%dma_start3A_33 : memref<128x128xi32, #tpu.memory_space<hbm>>) target(%arg5 : memref<128x128xi32, #tpu.memory_space<vmem>>) target_semaphore(%run_scoped3A : memref<!tpu.dma_semaphore, #tpu.memory_space<semaphore_mem>>)
      %dma_wait3A = arith.constant 0 : i32
      %dma_wait3A_34 = tpu.memref_slice %arg2[%multiple_of3A, %dma_wait3A] : memref<2688x128xi32, #tpu.memory_space<hbm>> -> memref<128x128xi32, #tpu.memory_space<hbm>>
      %dma_wait3A_35 = arith.constant 0 : i32
      %dma_wait3A_36 = tpu.memref_slice %arg2[%multiple_of3A, %dma_wait3A_35] : memref<2688x128xi32, #tpu.memory_space<hbm>> -> memref<128x128xi32, #tpu.memory_space<hbm>>
      tpu.wait_dma2 semaphore(%run_scoped3A : memref<!tpu.dma_semaphore, #tpu.memory_space<semaphore_mem>>) src(%dma_wait3A_36 : memref<128x128xi32, #tpu.memory_space<hbm>>) dst(%arg5 : memref<128x128xi32, #tpu.memory_space<vmem>>)
      tpu.yield
    }) : () -> ()
    %broadcast_in_dim3A_18 = arith.constant 1.000000e+00 : f32
    %broadcast_in_dim3A_19 = vector.broadcast %broadcast_in_dim3A_18 : f32 to vector<16xf32>
    %mul3A_20 = arith.constant 8 : i32
    %mul3A_21 = arith.muli %select_n3A, %mul3A_20 : i32
    %while3A = arith.constant 0 : i32
    %while3A_22 = arith.constant 0 : i32
    %while3A_23 = arith.subi %mul3A_21, %while3A_22 : i32
    %while3A_24 = arith.addi %while3A_22, %while3A_23 : i32
    %while3A_25 = arith.constant 1 : i32
    %while3A_26 = arith.divsi %while3A_23, %while3A_25 : i32
    %while3A_27 = arith.muli %while3A_26, %while3A_25 : i32
    %while3A_28 = arith.addi %while3A_22, %while3A_27 : i32
    %while3A_29 = arith.constant 1 : i32
    scf.for %while3A_31 = %while3A_22 to %while3A_28 step %while3A_29  : i32 {
      %jit3A_32 = arith.constant 8 : i32
      %div3A = arith.divsi %while3A_31, %jit3A_32 : i32
      %sign3A = arith.constant 0 : i32
      %sign3A_33 = arith.cmpi sgt, %while3A_31, %sign3A : i32
      %sign3A_34 = arith.extui %sign3A_33 : i1 to i32
      %sign3A_35 = arith.constant 0 : i32
      %sign3A_36 = arith.cmpi slt, %while3A_31, %sign3A_35 : i32
      %sign3A_37 = arith.extui %sign3A_36 : i1 to i32
      %sign3A_38 = arith.subi %sign3A_34, %sign3A_37 : i32
      %sign3A_39 = arith.constant 0 : i32
      %sign3A_40 = arith.cmpi sgt, %jit3A_32, %sign3A_39 : i32
      %sign3A_41 = arith.extui %sign3A_40 : i1 to i32
      %sign3A_42 = arith.constant 0 : i32
      %sign3A_43 = arith.cmpi slt, %jit3A_32, %sign3A_42 : i32
      %sign3A_44 = arith.extui %sign3A_43 : i1 to i32
      %sign3A_45 = arith.subi %sign3A_41, %sign3A_44 : i32
      %ne3A = arith.cmpi ne, %sign3A_38, %sign3A_45 : i32
      %rem3A = arith.remsi %while3A_31, %jit3A_32 : i32
      %ne3A_46 = arith.constant 0 : i32
      %ne3A_47 = arith.cmpi ne, %rem3A, %ne3A_46 : i32
      %and3A = arith.andi %ne3A, %ne3A_47 : i1
      %sub3A = arith.constant 1 : i32
      %sub3A_48 = arith.subi %div3A, %sub3A : i32
      %select_n3A_49 = arith.select %and3A, %sub3A_48, %div3A : i32
      %mul3A_50 = arith.constant 8 : i32
      %mul3A_51 = arith.muli %select_n3A_49, %mul3A_50 : i32
      %sub3A_52 = arith.subi %while3A_31, %mul3A_51 : i32
      %mul3A_53 = arith.constant 16 : i32
      %mul3A_54 = arith.muli %sub3A_52, %mul3A_53 : i32
      %get3A = arith.index_cast %select_n3A_49 : i32 to index
      %get3A_55 = arith.index_cast %mul3A_54 : i32 to index
      %get3A_56 = tpu.vector_load %arg5[%get3A, %get3A_55] {strides = array<i32>} : memref<128x128xi32, #tpu.memory_space<vmem>>, vector<16xi32>,
      tpu.vector_store_idx %arg4[%get3A_56], %broadcast_in_dim3A_19 {add = true} : memref<10240xf32, #tpu.memory_space<vmem>>[vector<16xi32>], vector<16xf32>,
    }
    %while3A_30 = arith.constant 1 : i32
    scf.for %while3A_31 = %while3A_28 to %while3A_24 step %while3A_30  : i32 {
      %jit3A_32 = arith.constant 8 : i32
      %div3A = arith.divsi %while3A_31, %jit3A_32 : i32
      %sign3A = arith.constant 0 : i32
      %sign3A_33 = arith.cmpi sgt, %while3A_31, %sign3A : i32
      %sign3A_34 = arith.extui %sign3A_33 : i1 to i32
      %sign3A_35 = arith.constant 0 : i32
      %sign3A_36 = arith.cmpi slt, %while3A_31, %sign3A_35 : i32
      %sign3A_37 = arith.extui %sign3A_36 : i1 to i32
      %sign3A_38 = arith.subi %sign3A_34, %sign3A_37 : i32
      %sign3A_39 = arith.constant 0 : i32
      %sign3A_40 = arith.cmpi sgt, %jit3A_32, %sign3A_39 : i32
      %sign3A_41 = arith.extui %sign3A_40 : i1 to i32
      %sign3A_42 = arith.constant 0 : i32
      %sign3A_43 = arith.cmpi slt, %jit3A_32, %sign3A_42 : i32
      %sign3A_44 = arith.extui %sign3A_43 : i1 to i32
      %sign3A_45 = arith.subi %sign3A_41, %sign3A_44 : i32
      %ne3A = arith.cmpi ne, %sign3A_38, %sign3A_45 : i32
      %rem3A = arith.remsi %while3A_31, %jit3A_32 : i32
      %ne3A_46 = arith.constant 0 : i32
      %ne3A_47 = arith.cmpi ne, %rem3A, %ne3A_46 : i32
      %and3A = arith.andi %ne3A, %ne3A_47 : i1
      %sub3A = arith.constant 1 : i32
      %sub3A_48 = arith.subi %div3A, %sub3A : i32
      %select_n3A_49 = arith.select %and3A, %sub3A_48, %div3A : i32
      %mul3A_50 = arith.constant 8 : i32
      %mul3A_51 = arith.muli %select_n3A_49, %mul3A_50 : i32
      %sub3A_52 = arith.subi %while3A_31, %mul3A_51 : i32
      %mul3A_53 = arith.constant 16 : i32
      %mul3A_54 = arith.muli %sub3A_52, %mul3A_53 : i32
      %get3A = arith.index_cast %select_n3A_49 : i32 to index
      %get3A_55 = arith.index_cast %mul3A_54 : i32 to index
      %get3A_56 = tpu.vector_load %arg5[%get3A, %get3A_55] {strides = array<i32>} : memref<128x128xi32, #tpu.memory_space<vmem>>, vector<16xi32>,
      tpu.vector_store_idx %arg4[%get3A_56], %broadcast_in_dim3A_19 {add = true} : memref<10240xf32, #tpu.memory_space<vmem>>[vector<16xi32>], vector<16xf32>,
    }
    "tpu.region"() ({
      %run_scoped3A = tpu.sem_alloc : memref<!tpu.dma_semaphore, #tpu.memory_space<semaphore_mem>>
      %dma_start3A = arith.constant 0 : i32
      %dma_start3A_31 = tpu.memref_slice %arg3[%add3A, %dma_start3A] : memref<32x10240xf32, #tpu.memory_space<hbm>> -> memref<1x10240xf32, #tpu.memory_space<hbm>>
      %dma_start3A_32 = tpu.memref_squeeze %dma_start3A_31 : memref<1x10240xf32, #tpu.memory_space<hbm>> -> memref<10240xf32, #tpu.memory_space<hbm>>
      %dma_start3A_33 = arith.constant 0 : i32
      %dma_start3A_34 = tpu.memref_slice %arg3[%add3A, %dma_start3A_33] : memref<32x10240xf32, #tpu.memory_space<hbm>> -> memref<1x10240xf32, #tpu.memory_space<hbm>>
      %dma_start3A_35 = tpu.memref_squeeze %dma_start3A_34 : memref<1x10240xf32, #tpu.memory_space<hbm>> -> memref<10240xf32, #tpu.memory_space<hbm>>
      tpu.enqueue_dma source(%arg4 : memref<10240xf32, #tpu.memory_space<vmem>>) target(%dma_start3A_35 : memref<10240xf32, #tpu.memory_space<hbm>>) target_semaphore(%run_scoped3A : memref<!tpu.dma_semaphore, #tpu.memory_space<semaphore_mem>>)
      %dma_wait3A = arith.constant 0 : i32
      %dma_wait3A_36 = tpu.memref_slice %arg3[%add3A, %dma_wait3A] : memref<32x10240xf32, #tpu.memory_space<hbm>> -> memref<1x10240xf32, #tpu.memory_space<hbm>>
      %dma_wait3A_37 = tpu.memref_squeeze %dma_wait3A_36 : memref<1x10240xf32, #tpu.memory_space<hbm>> -> memref<10240xf32, #tpu.memory_space<hbm>>
      %dma_wait3A_38 = arith.constant 0 : i32
      %dma_wait3A_39 = tpu.memref_slice %arg3[%add3A, %dma_wait3A_38] : memref<32x10240xf32, #tpu.memory_space<hbm>> -> memref<1x10240xf32, #tpu.memory_space<hbm>>
      %dma_wait3A_40 = tpu.memref_squeeze %dma_wait3A_39 : memref<1x10240xf32, #tpu.memory_space<hbm>> -> memref<10240xf32, #tpu.memory_space<hbm>>
      tpu.wait_dma2 semaphore(%run_scoped3A : memref<!tpu.dma_semaphore, #tpu.memory_space<semaphore_mem>>) src(%arg4 : memref<10240xf32, #tpu.memory_space<vmem>>) dst(%dma_wait3A_40 : memref<10240xf32, #tpu.memory_space<hbm>>)
      tpu.yield
    }) : () -> ()
    return
  }
}

#map = affine_map<(d0, d1) -> (0, 0)>
#map1 = affine_map<(d0, d1) -> (0, 0, 0)>
module attributes {stable_mosaic.version = 14 : i64} {
  func.func @scat_kernel(%arg0: i32, %arg1: i32, %arg2: memref<10000x128xf32, #tpu.memory_space<hbm>>, %arg3: memref<2688x128xi32, #tpu.memory_space<hbm>>, %arg4: memref<2688x128xi32, #tpu.memory_space<hbm>>, %arg5: memref<2x10240x128xf32, #tpu.memory_space<hbm>>, %arg6: memref<48x128xi32, #tpu.memory_space<vmem>>, %arg7: memref<48x128xi32, #tpu.memory_space<vmem>>, %arg8: memref<128x128xf32, #tpu.memory_space<vmem>>, %arg9: memref<128x128xf32, #tpu.memory_space<vmem>>, %arg10: memref<10240x128xf32, #tpu.memory_space<vmem_shared>>, %arg11: memref<!tpu.dma_semaphore, #tpu.memory_space<semaphore_mem>>, %arg12: memref<!tpu.dma_semaphore, #tpu.memory_space<semaphore_mem>>, %arg13: memref<!tpu.dma_semaphore, #tpu.memory_space<semaphore_mem>>, %arg14: memref<!tpu.dma_semaphore, #tpu.memory_space<semaphore_mem>>) attributes {dimension_semantics = [#tpu.dimension_semantics<core_parallel>, #tpu.dimension_semantics<subcore_parallel>], iteration_bounds = array<i64: 2, 16>, scalar_prefetch = 0 : i64, scratch_operands = 9 : i64, tpu.core_type = #tpu.core_type<sc_vector_subcore>, window_params = [{transform_indices = #map}, {transform_indices = #map}, {transform_indices = #map}, {transform_indices = #map1}]} {
    %eq3A = arith.constant 0 : i32
    %eq3A_0 = arith.cmpi eq, %arg0, %eq3A : i32
    %jit3A = arith.constant 48 : i32
    %jit3A_1 = arith.constant 16 : i32
    %select_n3A = arith.select %eq3A_0, %jit3A, %jit3A_1 : i32
    %eq3A_2 = arith.constant 0 : i32
    %eq3A_3 = arith.cmpi eq, %arg0, %eq3A_2 : i32
    %jit3A_4 = arith.constant 3 : i32
    %jit3A_5 = arith.constant 1 : i32
    %select_n3A_6 = arith.select %eq3A_3, %jit3A_4, %jit3A_5 : i32
    %eq3A_7 = arith.constant 0 : i32
    %eq3A_8 = arith.cmpi eq, %arg0, %eq3A_7 : i32
    %mul3A = arith.constant 144 : i32
    %mul3A_9 = arith.muli %arg1, %mul3A : i32
    %mul3A_10 = arith.constant 16 : i32
    %mul3A_11 = arith.muli %arg1, %mul3A_10 : i32
    %add3A = arith.constant 2304 : i32
    %add3A_12 = arith.addi %add3A, %mul3A_11 : i32
    %select_n3A_13 = arith.select %eq3A_8, %mul3A_9, %add3A_12 : i32
    %broadcast_in_dim3A = arith.constant 0.000000e+00 : f32
    %broadcast_in_dim3A_14 = vector.broadcast %broadcast_in_dim3A : f32 to vector<16xf32>
    %scan3A = arith.constant 0 : i32
    %scan3A_15 = arith.constant 0 : i32
    %scan3A_16 = arith.constant 1024 : i32
    %scan3A_17 = arith.addi %scan3A_15, %scan3A_16 : i32
    %scan3A_18 = arith.constant 1 : i32
    scf.for %scan3A_57 = %scan3A_15 to %scan3A_17 step %scan3A_18  : i32 {
      %jit3A_58 = arith.constant 8 : i32
      %div3A = arith.divsi %scan3A_57, %jit3A_58 : i32
      %sign3A = arith.constant 0 : i32
      %sign3A_59 = arith.cmpi sgt, %scan3A_57, %sign3A : i32
      %sign3A_60 = arith.extui %sign3A_59 : i1 to i32
      %sign3A_61 = arith.constant 0 : i32
      %sign3A_62 = arith.cmpi slt, %scan3A_57, %sign3A_61 : i32
      %sign3A_63 = arith.extui %sign3A_62 : i1 to i32
      %sign3A_64 = arith.subi %sign3A_60, %sign3A_63 : i32
      %sign3A_65 = arith.constant 0 : i32
      %sign3A_66 = arith.cmpi sgt, %jit3A_58, %sign3A_65 : i32
      %sign3A_67 = arith.extui %sign3A_66 : i1 to i32
      %sign3A_68 = arith.constant 0 : i32
      %sign3A_69 = arith.cmpi slt, %jit3A_58, %sign3A_68 : i32
      %sign3A_70 = arith.extui %sign3A_69 : i1 to i32
      %sign3A_71 = arith.subi %sign3A_67, %sign3A_70 : i32
      %ne3A = arith.cmpi ne, %sign3A_64, %sign3A_71 : i32
      %rem3A = arith.remsi %scan3A_57, %jit3A_58 : i32
      %ne3A_72 = arith.constant 0 : i32
      %ne3A_73 = arith.cmpi ne, %rem3A, %ne3A_72 : i32
      %and3A = arith.andi %ne3A, %ne3A_73 : i1
      %sub3A = arith.constant 1 : i32
      %sub3A_74 = arith.subi %div3A, %sub3A : i32
      %select_n3A_75 = arith.select %and3A, %sub3A_74, %div3A : i32
      %mul3A_76 = arith.constant 8 : i32
      %mul3A_77 = arith.muli %select_n3A_75, %mul3A_76 : i32
      %sub3A_78 = arith.subi %scan3A_57, %mul3A_77 : i32
      %mul3A_79 = arith.constant 16 : i32
      %mul3A_80 = arith.muli %sub3A_78, %mul3A_79 : i32
      %swap3A = arith.index_cast %select_n3A_75 : i32 to index
      %swap3A_81 = arith.index_cast %mul3A_80 : i32 to index
      %swap3A_82 = tpu.vector_load %arg8[%swap3A, %swap3A_81] {strides = array<i32>} : memref<128x128xf32, #tpu.memory_space<vmem>>, vector<16xf32>,
      tpu.vector_store %arg8[%swap3A, %swap3A_81], %broadcast_in_dim3A_14 {strides = array<i32>} : memref<128x128xf32, #tpu.memory_space<vmem>>, vector<16xf32>,
    }
    %scan3A_19 = arith.constant 1024 : i32
    %mul3A_20 = arith.constant 640 : i32
    %mul3A_21 = arith.muli %arg1, %mul3A_20 : i32
    %add3A_22 = arith.constant 0 : i32
    %add3A_23 = arith.addi %mul3A_21, %add3A_22 : i32
    "tpu.region"() ({
      %run_scoped3A = tpu.sem_alloc : memref<!tpu.dma_semaphore, #tpu.memory_space<semaphore_mem>>
      %dma_start3A = arith.constant 0 : i32
      %dma_start3A_57 = tpu.memref_slice %arg10[%add3A_23, %dma_start3A] : memref<10240x128xf32, #tpu.memory_space<vmem_shared>> -> memref<128x128xf32, #tpu.memory_space<vmem_shared>>
      %dma_start3A_58 = arith.constant 0 : i32
      %dma_start3A_59 = tpu.memref_slice %arg10[%add3A_23, %dma_start3A_58] : memref<10240x128xf32, #tpu.memory_space<vmem_shared>> -> memref<128x128xf32, #tpu.memory_space<vmem_shared>>
      tpu.enqueue_dma source(%arg8 : memref<128x128xf32, #tpu.memory_space<vmem>>) target(%dma_start3A_59 : memref<128x128xf32, #tpu.memory_space<vmem_shared>>) target_semaphore(%run_scoped3A : memref<!tpu.dma_semaphore, #tpu.memory_space<semaphore_mem>>)
      %dma_wait3A = arith.constant 0 : i32
      %dma_wait3A_60 = tpu.memref_slice %arg10[%add3A_23, %dma_wait3A] : memref<10240x128xf32, #tpu.memory_space<vmem_shared>> -> memref<128x128xf32, #tpu.memory_space<vmem_shared>>
      %dma_wait3A_61 = arith.constant 0 : i32
      %dma_wait3A_62 = tpu.memref_slice %arg10[%add3A_23, %dma_wait3A_61] : memref<10240x128xf32, #tpu.memory_space<vmem_shared>> -> memref<128x128xf32, #tpu.memory_space<vmem_shared>>
      tpu.wait_dma2 semaphore(%run_scoped3A : memref<!tpu.dma_semaphore, #tpu.memory_space<semaphore_mem>>) src(%arg8 : memref<128x128xf32, #tpu.memory_space<vmem>>) dst(%dma_wait3A_62 : memref<128x128xf32, #tpu.memory_space<vmem_shared>>)
      tpu.yield
    }) : () -> ()
    %mul3A_24 = arith.constant 640 : i32
    %mul3A_25 = arith.muli %arg1, %mul3A_24 : i32
    %add3A_26 = arith.constant 128 : i32
    %add3A_27 = arith.addi %mul3A_25, %add3A_26 : i32
    "tpu.region"() ({
      %run_scoped3A = tpu.sem_alloc : memref<!tpu.dma_semaphore, #tpu.memory_space<semaphore_mem>>
      %dma_start3A = arith.constant 0 : i32
      %dma_start3A_57 = tpu.memref_slice %arg10[%add3A_27, %dma_start3A] : memref<10240x128xf32, #tpu.memory_space<vmem_shared>> -> memref<128x128xf32, #tpu.memory_space<vmem_shared>>
      %dma_start3A_58 = arith.constant 0 : i32
      %dma_start3A_59 = tpu.memref_slice %arg10[%add3A_27, %dma_start3A_58] : memref<10240x128xf32, #tpu.memory_space<vmem_shared>> -> memref<128x128xf32, #tpu.memory_space<vmem_shared>>
      tpu.enqueue_dma source(%arg8 : memref<128x128xf32, #tpu.memory_space<vmem>>) target(%dma_start3A_59 : memref<128x128xf32, #tpu.memory_space<vmem_shared>>) target_semaphore(%run_scoped3A : memref<!tpu.dma_semaphore, #tpu.memory_space<semaphore_mem>>)
      %dma_wait3A = arith.constant 0 : i32
      %dma_wait3A_60 = tpu.memref_slice %arg10[%add3A_27, %dma_wait3A] : memref<10240x128xf32, #tpu.memory_space<vmem_shared>> -> memref<128x128xf32, #tpu.memory_space<vmem_shared>>
      %dma_wait3A_61 = arith.constant 0 : i32
      %dma_wait3A_62 = tpu.memref_slice %arg10[%add3A_27, %dma_wait3A_61] : memref<10240x128xf32, #tpu.memory_space<vmem_shared>> -> memref<128x128xf32, #tpu.memory_space<vmem_shared>>
      tpu.wait_dma2 semaphore(%run_scoped3A : memref<!tpu.dma_semaphore, #tpu.memory_space<semaphore_mem>>) src(%arg8 : memref<128x128xf32, #tpu.memory_space<vmem>>) dst(%dma_wait3A_62 : memref<128x128xf32, #tpu.memory_space<vmem_shared>>)
      tpu.yield
    }) : () -> ()
    %mul3A_28 = arith.constant 640 : i32
    %mul3A_29 = arith.muli %arg1, %mul3A_28 : i32
    %add3A_30 = arith.constant 256 : i32
    %add3A_31 = arith.addi %mul3A_29, %add3A_30 : i32
    "tpu.region"() ({
      %run_scoped3A = tpu.sem_alloc : memref<!tpu.dma_semaphore, #tpu.memory_space<semaphore_mem>>
      %dma_start3A = arith.constant 0 : i32
      %dma_start3A_57 = tpu.memref_slice %arg10[%add3A_31, %dma_start3A] : memref<10240x128xf32, #tpu.memory_space<vmem_shared>> -> memref<128x128xf32, #tpu.memory_space<vmem_shared>>
      %dma_start3A_58 = arith.constant 0 : i32
      %dma_start3A_59 = tpu.memref_slice %arg10[%add3A_31, %dma_start3A_58] : memref<10240x128xf32, #tpu.memory_space<vmem_shared>> -> memref<128x128xf32, #tpu.memory_space<vmem_shared>>
      tpu.enqueue_dma source(%arg8 : memref<128x128xf32, #tpu.memory_space<vmem>>) target(%dma_start3A_59 : memref<128x128xf32, #tpu.memory_space<vmem_shared>>) target_semaphore(%run_scoped3A : memref<!tpu.dma_semaphore, #tpu.memory_space<semaphore_mem>>)
      %dma_wait3A = arith.constant 0 : i32
      %dma_wait3A_60 = tpu.memref_slice %arg10[%add3A_31, %dma_wait3A] : memref<10240x128xf32, #tpu.memory_space<vmem_shared>> -> memref<128x128xf32, #tpu.memory_space<vmem_shared>>
      %dma_wait3A_61 = arith.constant 0 : i32
      %dma_wait3A_62 = tpu.memref_slice %arg10[%add3A_31, %dma_wait3A_61] : memref<10240x128xf32, #tpu.memory_space<vmem_shared>> -> memref<128x128xf32, #tpu.memory_space<vmem_shared>>
      tpu.wait_dma2 semaphore(%run_scoped3A : memref<!tpu.dma_semaphore, #tpu.memory_space<semaphore_mem>>) src(%arg8 : memref<128x128xf32, #tpu.memory_space<vmem>>) dst(%dma_wait3A_62 : memref<128x128xf32, #tpu.memory_space<vmem_shared>>)
      tpu.yield
    }) : () -> ()
    %mul3A_32 = arith.constant 640 : i32
    %mul3A_33 = arith.muli %arg1, %mul3A_32 : i32
    %add3A_34 = arith.constant 384 : i32
    %add3A_35 = arith.addi %mul3A_33, %add3A_34 : i32
    "tpu.region"() ({
      %run_scoped3A = tpu.sem_alloc : memref<!tpu.dma_semaphore, #tpu.memory_space<semaphore_mem>>
      %dma_start3A = arith.constant 0 : i32
      %dma_start3A_57 = tpu.memref_slice %arg10[%add3A_35, %dma_start3A] : memref<10240x128xf32, #tpu.memory_space<vmem_shared>> -> memref<128x128xf32, #tpu.memory_space<vmem_shared>>
      %dma_start3A_58 = arith.constant 0 : i32
      %dma_start3A_59 = tpu.memref_slice %arg10[%add3A_35, %dma_start3A_58] : memref<10240x128xf32, #tpu.memory_space<vmem_shared>> -> memref<128x128xf32, #tpu.memory_space<vmem_shared>>
      tpu.enqueue_dma source(%arg8 : memref<128x128xf32, #tpu.memory_space<vmem>>) target(%dma_start3A_59 : memref<128x128xf32, #tpu.memory_space<vmem_shared>>) target_semaphore(%run_scoped3A : memref<!tpu.dma_semaphore, #tpu.memory_space<semaphore_mem>>)
      %dma_wait3A = arith.constant 0 : i32
      %dma_wait3A_60 = tpu.memref_slice %arg10[%add3A_35, %dma_wait3A] : memref<10240x128xf32, #tpu.memory_space<vmem_shared>> -> memref<128x128xf32, #tpu.memory_space<vmem_shared>>
      %dma_wait3A_61 = arith.constant 0 : i32
      %dma_wait3A_62 = tpu.memref_slice %arg10[%add3A_35, %dma_wait3A_61] : memref<10240x128xf32, #tpu.memory_space<vmem_shared>> -> memref<128x128xf32, #tpu.memory_space<vmem_shared>>
      tpu.wait_dma2 semaphore(%run_scoped3A : memref<!tpu.dma_semaphore, #tpu.memory_space<semaphore_mem>>) src(%arg8 : memref<128x128xf32, #tpu.memory_space<vmem>>) dst(%dma_wait3A_62 : memref<128x128xf32, #tpu.memory_space<vmem_shared>>)
      tpu.yield
    }) : () -> ()
    %mul3A_36 = arith.constant 640 : i32
    %mul3A_37 = arith.muli %arg1, %mul3A_36 : i32
    %add3A_38 = arith.constant 512 : i32
    %add3A_39 = arith.addi %mul3A_37, %add3A_38 : i32
    "tpu.region"() ({
      %run_scoped3A = tpu.sem_alloc : memref<!tpu.dma_semaphore, #tpu.memory_space<semaphore_mem>>
      %dma_start3A = arith.constant 0 : i32
      %dma_start3A_57 = tpu.memref_slice %arg10[%add3A_39, %dma_start3A] : memref<10240x128xf32, #tpu.memory_space<vmem_shared>> -> memref<128x128xf32, #tpu.memory_space<vmem_shared>>
      %dma_start3A_58 = arith.constant 0 : i32
      %dma_start3A_59 = tpu.memref_slice %arg10[%add3A_39, %dma_start3A_58] : memref<10240x128xf32, #tpu.memory_space<vmem_shared>> -> memref<128x128xf32, #tpu.memory_space<vmem_shared>>
      tpu.enqueue_dma source(%arg8 : memref<128x128xf32, #tpu.memory_space<vmem>>) target(%dma_start3A_59 : memref<128x128xf32, #tpu.memory_space<vmem_shared>>) target_semaphore(%run_scoped3A : memref<!tpu.dma_semaphore, #tpu.memory_space<semaphore_mem>>)
      %dma_wait3A = arith.constant 0 : i32
      %dma_wait3A_60 = tpu.memref_slice %arg10[%add3A_39, %dma_wait3A] : memref<10240x128xf32, #tpu.memory_space<vmem_shared>> -> memref<128x128xf32, #tpu.memory_space<vmem_shared>>
      %dma_wait3A_61 = arith.constant 0 : i32
      %dma_wait3A_62 = tpu.memref_slice %arg10[%add3A_39, %dma_wait3A_61] : memref<10240x128xf32, #tpu.memory_space<vmem_shared>> -> memref<128x128xf32, #tpu.memory_space<vmem_shared>>
      tpu.wait_dma2 semaphore(%run_scoped3A : memref<!tpu.dma_semaphore, #tpu.memory_space<semaphore_mem>>) src(%arg8 : memref<128x128xf32, #tpu.memory_space<vmem>>) dst(%dma_wait3A_62 : memref<128x128xf32, #tpu.memory_space<vmem_shared>>)
      tpu.yield
    }) : () -> ()
    %barrier3A = arith.constant 0 : index
    tpu.barrier barrier_id(%barrier3A)
    %gt3A = arith.constant 0 : i32
    %gt3A_40 = arith.cmpi sgt, %select_n3A_6, %gt3A : i32
    %convert_element_type3A = arith.extui %gt3A_40 : i1 to i32
    %cond3A = arith.constant 0 : i32
    %cond3A_41 = arith.cmpi ne, %convert_element_type3A, %cond3A : i32
    scf.if %cond3A_41 {
      %mul3A_57 = arith.constant 0 : i32
      %mul3A_58 = arith.muli %mul3A_57, %select_n3A : i32
      %add3A_59 = arith.addi %select_n3A_13, %mul3A_58 : i32
      %multiple_of3A = tpu.assume_multiple %add3A_59, 8 : i32
      "tpu.region"() ({
        %run_scoped3A = tpu.sem_alloc : memref<!tpu.dma_semaphore, #tpu.memory_space<semaphore_mem>>
        %dma_start3A_147 = arith.constant 0 : i32
        %dma_start3A_148 = tpu.memref_slice %arg3[%multiple_of3A, %dma_start3A_147] : memref<2688x128xi32, #tpu.memory_space<hbm>> -> memref<48x128xi32, #tpu.memory_space<hbm>>
        %dma_start3A_149 = arith.constant 0 : i32
        %dma_start3A_150 = tpu.memref_slice %arg3[%multiple_of3A, %dma_start3A_149] : memref<2688x128xi32, #tpu.memory_space<hbm>> -> memref<48x128xi32, #tpu.memory_space<hbm>>
        tpu.enqueue_dma source(%dma_start3A_150 : memref<48x128xi32, #tpu.memory_space<hbm>>) target(%arg6 : memref<48x128xi32, #tpu.memory_space<vmem>>) target_semaphore(%run_scoped3A : memref<!tpu.dma_semaphore, #tpu.memory_space<semaphore_mem>>)
        %dma_wait3A_151 = arith.constant 0 : i32
        %dma_wait3A_152 = tpu.memref_slice %arg3[%multiple_of3A, %dma_wait3A_151] : memref<2688x128xi32, #tpu.memory_space<hbm>> -> memref<48x128xi32, #tpu.memory_space<hbm>>
        %dma_wait3A_153 = arith.constant 0 : i32
        %dma_wait3A_154 = tpu.memref_slice %arg3[%multiple_of3A, %dma_wait3A_153] : memref<2688x128xi32, #tpu.memory_space<hbm>> -> memref<48x128xi32, #tpu.memory_space<hbm>>
        tpu.wait_dma2 semaphore(%run_scoped3A : memref<!tpu.dma_semaphore, #tpu.memory_space<semaphore_mem>>) src(%dma_wait3A_154 : memref<48x128xi32, #tpu.memory_space<hbm>>) dst(%arg6 : memref<48x128xi32, #tpu.memory_space<vmem>>)
        tpu.yield
      }) : () -> ()
      "tpu.region"() ({
        %run_scoped3A = tpu.sem_alloc : memref<!tpu.dma_semaphore, #tpu.memory_space<semaphore_mem>>
        %dma_start3A_147 = arith.constant 0 : i32
        %dma_start3A_148 = tpu.memref_slice %arg4[%multiple_of3A, %dma_start3A_147] : memref<2688x128xi32, #tpu.memory_space<hbm>> -> memref<48x128xi32, #tpu.memory_space<hbm>>
        %dma_start3A_149 = arith.constant 0 : i32
        %dma_start3A_150 = tpu.memref_slice %arg4[%multiple_of3A, %dma_start3A_149] : memref<2688x128xi32, #tpu.memory_space<hbm>> -> memref<48x128xi32, #tpu.memory_space<hbm>>
        tpu.enqueue_dma source(%dma_start3A_150 : memref<48x128xi32, #tpu.memory_space<hbm>>) target(%arg7 : memref<48x128xi32, #tpu.memory_space<vmem>>) target_semaphore(%run_scoped3A : memref<!tpu.dma_semaphore, #tpu.memory_space<semaphore_mem>>)
        %dma_wait3A_151 = arith.constant 0 : i32
        %dma_wait3A_152 = tpu.memref_slice %arg4[%multiple_of3A, %dma_wait3A_151] : memref<2688x128xi32, #tpu.memory_space<hbm>> -> memref<48x128xi32, #tpu.memory_space<hbm>>
        %dma_wait3A_153 = arith.constant 0 : i32
        %dma_wait3A_154 = tpu.memref_slice %arg4[%multiple_of3A, %dma_wait3A_153] : memref<2688x128xi32, #tpu.memory_space<hbm>> -> memref<48x128xi32, #tpu.memory_space<hbm>>
        tpu.wait_dma2 semaphore(%run_scoped3A : memref<!tpu.dma_semaphore, #tpu.memory_space<semaphore_mem>>) src(%dma_wait3A_154 : memref<48x128xi32, #tpu.memory_space<hbm>>) dst(%arg7 : memref<48x128xi32, #tpu.memory_space<vmem>>)
        tpu.yield
      }) : () -> ()
      %dma_start3A = arith.constant 0 : i32
      %dma_start3A_60 = arith.constant 0 : i32
      %dma_start3A_61 = tpu.memref_slice %arg6[%dma_start3A, %dma_start3A_60] : memref<48x128xi32, #tpu.memory_space<vmem>> -> memref<1x128xi32, #tpu.memory_space<vmem>>
      %dma_start3A_62 = tpu.memref_squeeze %dma_start3A_61 : memref<1x128xi32, #tpu.memory_space<vmem>> -> memref<128xi32, #tpu.memory_space<vmem>>
      %dma_start3A_63 = arith.constant 0 : i32
      %dma_start3A_64 = arith.constant 0 : i32
      %dma_start3A_65 = tpu.memref_slice %arg2[%dma_start3A_63, %dma_start3A_64] : memref<10000x128xf32, #tpu.memory_space<hbm>> -> memref<10000x128xf32, #tpu.memory_space<hbm>>
      tpu.enqueue_indirect_dma source(%dma_start3A_65 : memref<10000x128xf32, #tpu.memory_space<hbm>>) target(%arg8 : memref<128x128xf32, #tpu.memory_space<vmem>>) offsets(%dma_start3A_62 : memref<128xi32, #tpu.memory_space<vmem>>) semaphore(%arg11 : memref<!tpu.dma_semaphore, #tpu.memory_space<semaphore_mem>>)
      %dma_start3A_66 = arith.constant 1 : i32
      %dma_start3A_67 = arith.constant 0 : i32
      %dma_start3A_68 = tpu.memref_slice %arg6[%dma_start3A_66, %dma_start3A_67] : memref<48x128xi32, #tpu.memory_space<vmem>> -> memref<1x128xi32, #tpu.memory_space<vmem>>
      %dma_start3A_69 = tpu.memref_squeeze %dma_start3A_68 : memref<1x128xi32, #tpu.memory_space<vmem>> -> memref<128xi32, #tpu.memory_space<vmem>>
      %dma_start3A_70 = arith.constant 0 : i32
      %dma_start3A_71 = arith.constant 0 : i32
      %dma_start3A_72 = tpu.memref_slice %arg2[%dma_start3A_70, %dma_start3A_71] : memref<10000x128xf32, #tpu.memory_space<hbm>> -> memref<10000x128xf32, #tpu.memory_space<hbm>>
      tpu.enqueue_indirect_dma source(%dma_start3A_72 : memref<10000x128xf32, #tpu.memory_space<hbm>>) target(%arg9 : memref<128x128xf32, #tpu.memory_space<vmem>>) offsets(%dma_start3A_69 : memref<128xi32, #tpu.memory_space<vmem>>) semaphore(%arg12 : memref<!tpu.dma_semaphore, #tpu.memory_space<semaphore_mem>>)
      %jit3A_73 = arith.constant 2 : i32
      %div3A = arith.divsi %select_n3A, %jit3A_73 : i32
      %sign3A = arith.constant 0 : i32
      %sign3A_74 = arith.cmpi sgt, %select_n3A, %sign3A : i32
      %sign3A_75 = arith.extui %sign3A_74 : i1 to i32
      %sign3A_76 = arith.constant 0 : i32
      %sign3A_77 = arith.cmpi slt, %select_n3A, %sign3A_76 : i32
      %sign3A_78 = arith.extui %sign3A_77 : i1 to i32
      %sign3A_79 = arith.subi %sign3A_75, %sign3A_78 : i32
      %sign3A_80 = arith.constant 0 : i32
      %sign3A_81 = arith.cmpi sgt, %jit3A_73, %sign3A_80 : i32
      %sign3A_82 = arith.extui %sign3A_81 : i1 to i32
      %sign3A_83 = arith.constant 0 : i32
      %sign3A_84 = arith.cmpi slt, %jit3A_73, %sign3A_83 : i32
      %sign3A_85 = arith.extui %sign3A_84 : i1 to i32
      %sign3A_86 = arith.subi %sign3A_82, %sign3A_85 : i32
      %ne3A = arith.cmpi ne, %sign3A_79, %sign3A_86 : i32
      %rem3A = arith.remsi %select_n3A, %jit3A_73 : i32
      %ne3A_87 = arith.constant 0 : i32
      %ne3A_88 = arith.cmpi ne, %rem3A, %ne3A_87 : i32
      %and3A = arith.andi %ne3A, %ne3A_88 : i1
      %sub3A = arith.constant 1 : i32
      %sub3A_89 = arith.subi %div3A, %sub3A : i32
      %select_n3A_90 = arith.select %and3A, %sub3A_89, %div3A : i32
      %sub3A_91 = arith.constant 1 : i32
      %sub3A_92 = arith.subi %select_n3A_90, %sub3A_91 : i32
      %while3A = arith.constant 0 : i32
      %while3A_93 = arith.constant 0 : i32
      %while3A_94 = arith.subi %sub3A_92, %while3A_93 : i32
      %while3A_95 = arith.addi %while3A_93, %while3A_94 : i32
      %while3A_96 = arith.constant 1 : i32
      %while3A_97 = arith.divsi %while3A_94, %while3A_96 : i32
      %while3A_98 = arith.muli %while3A_97, %while3A_96 : i32
      %while3A_99 = arith.addi %while3A_93, %while3A_98 : i32
      %while3A_100 = arith.constant 1 : i32
      scf.for %while3A_147 = %while3A_93 to %while3A_99 step %while3A_100  : i32 {
        %mul3A_148 = arith.constant 2 : i32
        %mul3A_149 = arith.muli %while3A_147, %mul3A_148 : i32
        %dma_wait3A_150 = arith.constant 0 : i32
        %dma_wait3A_151 = arith.constant 0 : i32
        %dma_wait3A_152 = tpu.memref_slice %arg6[%dma_wait3A_150, %dma_wait3A_151] : memref<48x128xi32, #tpu.memory_space<vmem>> -> memref<1x128xi32, #tpu.memory_space<vmem>>
        %dma_wait3A_153 = tpu.memref_squeeze %dma_wait3A_152 : memref<1x128xi32, #tpu.memory_space<vmem>> -> memref<128xi32, #tpu.memory_space<vmem>>
        %dma_wait3A_154 = arith.constant 0 : i32
        %dma_wait3A_155 = arith.constant 0 : i32
        %dma_wait3A_156 = tpu.memref_slice %arg2[%dma_wait3A_154, %dma_wait3A_155] : memref<10000x128xf32, #tpu.memory_space<hbm>> -> memref<10000x128xf32, #tpu.memory_space<hbm>>
        tpu.wait_indirect_dma semaphore(%arg11 : memref<!tpu.dma_semaphore, #tpu.memory_space<semaphore_mem>>) src(%dma_wait3A_156 : memref<10000x128xf32, #tpu.memory_space<hbm>>) dst(%arg8 : memref<128x128xf32, #tpu.memory_space<vmem>>)
        %add3A_157 = arith.constant 0 : i32
        %add3A_158 = arith.addi %mul3A_149, %add3A_157 : i32
        %dma_start3A_159 = arith.constant 0 : i32
        %dma_start3A_160 = tpu.memref_slice %arg7[%add3A_158, %dma_start3A_159] : memref<48x128xi32, #tpu.memory_space<vmem>> -> memref<1x128xi32, #tpu.memory_space<vmem>>
        %dma_start3A_161 = tpu.memref_squeeze %dma_start3A_160 : memref<1x128xi32, #tpu.memory_space<vmem>> -> memref<128xi32, #tpu.memory_space<vmem>>
        %dma_start3A_162 = arith.constant 0 : i32
        %dma_start3A_163 = arith.constant 0 : i32
        %dma_start3A_164 = tpu.memref_slice %arg10[%dma_start3A_162, %dma_start3A_163] : memref<10240x128xf32, #tpu.memory_space<vmem_shared>> -> memref<10240x128xf32, #tpu.memory_space<vmem_shared>>
        tpu.enqueue_indirect_dma source(%arg8 : memref<128x128xf32, #tpu.memory_space<vmem>>) target(%dma_start3A_164 : memref<10240x128xf32, #tpu.memory_space<vmem_shared>>) offsets(%dma_start3A_161 : memref<128xi32, #tpu.memory_space<vmem>>) semaphore(%arg13 : memref<!tpu.dma_semaphore, #tpu.memory_space<semaphore_mem>>) {add = true}
        %dma_wait3A_165 = arith.constant 0 : i32
        %dma_wait3A_166 = arith.constant 0 : i32
        %dma_wait3A_167 = tpu.memref_slice %arg6[%dma_wait3A_165, %dma_wait3A_166] : memref<48x128xi32, #tpu.memory_space<vmem>> -> memref<1x128xi32, #tpu.memory_space<vmem>>
        %dma_wait3A_168 = tpu.memref_squeeze %dma_wait3A_167 : memref<1x128xi32, #tpu.memory_space<vmem>> -> memref<128xi32, #tpu.memory_space<vmem>>
        %dma_wait3A_169 = arith.constant 0 : i32
        %dma_wait3A_170 = arith.constant 0 : i32
        %dma_wait3A_171 = tpu.memref_slice %arg2[%dma_wait3A_169, %dma_wait3A_170] : memref<10000x128xf32, #tpu.memory_space<hbm>> -> memref<10000x128xf32, #tpu.memory_space<hbm>>
        tpu.wait_indirect_dma semaphore(%arg12 : memref<!tpu.dma_semaphore, #tpu.memory_space<semaphore_mem>>) src(%dma_wait3A_171 : memref<10000x128xf32, #tpu.memory_space<hbm>>) dst(%arg9 : memref<128x128xf32, #tpu.memory_space<vmem>>)
        %add3A_172 = arith.constant 1 : i32
        %add3A_173 = arith.addi %mul3A_149, %add3A_172 : i32
        %dma_start3A_174 = arith.constant 0 : i32
        %dma_start3A_175 = tpu.memref_slice %arg7[%add3A_173, %dma_start3A_174] : memref<48x128xi32, #tpu.memory_space<vmem>> -> memref<1x128xi32, #tpu.memory_space<vmem>>
        %dma_start3A_176 = tpu.memref_squeeze %dma_start3A_175 : memref<1x128xi32, #tpu.memory_space<vmem>> -> memref<128xi32, #tpu.memory_space<vmem>>
        %dma_start3A_177 = arith.constant 0 : i32
        %dma_start3A_178 = arith.constant 0 : i32
        %dma_start3A_179 = tpu.memref_slice %arg10[%dma_start3A_177, %dma_start3A_178] : memref<10240x128xf32, #tpu.memory_space<vmem_shared>> -> memref<10240x128xf32, #tpu.memory_space<vmem_shared>>
        tpu.enqueue_indirect_dma source(%arg9 : memref<128x128xf32, #tpu.memory_space<vmem>>) target(%dma_start3A_179 : memref<10240x128xf32, #tpu.memory_space<vmem_shared>>) offsets(%dma_start3A_176 : memref<128xi32, #tpu.memory_space<vmem>>) semaphore(%arg14 : memref<!tpu.dma_semaphore, #tpu.memory_space<semaphore_mem>>) {add = true}
        %dma_wait3A_180 = arith.constant 0 : i32
        %dma_wait3A_181 = arith.constant 0 : i32
        %dma_wait3A_182 = tpu.memref_slice %arg7[%dma_wait3A_180, %dma_wait3A_181] : memref<48x128xi32, #tpu.memory_space<vmem>> -> memref<1x128xi32, #tpu.memory_space<vmem>>
        %dma_wait3A_183 = tpu.memref_squeeze %dma_wait3A_182 : memref<1x128xi32, #tpu.memory_space<vmem>> -> memref<128xi32, #tpu.memory_space<vmem>>
        %dma_wait3A_184 = arith.constant 0 : i32
        %dma_wait3A_185 = arith.constant 0 : i32
        %dma_wait3A_186 = tpu.memref_slice %arg10[%dma_wait3A_184, %dma_wait3A_185] : memref<10240x128xf32, #tpu.memory_space<vmem_shared>> -> memref<10240x128xf32, #tpu.memory_space<vmem_shared>>
        tpu.wait_indirect_dma semaphore(%arg13 : memref<!tpu.dma_semaphore, #tpu.memory_space<semaphore_mem>>) src(%arg8 : memref<128x128xf32, #tpu.memory_space<vmem>>) dst(%dma_wait3A_186 : memref<10240x128xf32, #tpu.memory_space<vmem_shared>>)
        %add3A_187 = arith.constant 2 : i32
        %add3A_188 = arith.addi %mul3A_149, %add3A_187 : i32
        %add3A_189 = arith.constant 0 : i32
        %add3A_190 = arith.addi %add3A_188, %add3A_189 : i32
        %dma_start3A_191 = arith.constant 0 : i32
        %dma_start3A_192 = tpu.memref_slice %arg6[%add3A_190, %dma_start3A_191] : memref<48x128xi32, #tpu.memory_space<vmem>> -> memref<1x128xi32, #tpu.memory_space<vmem>>
        %dma_start3A_193 = tpu.memref_squeeze %dma_start3A_192 : memref<1x128xi32, #tpu.memory_space<vmem>> -> memref<128xi32, #tpu.memory_space<vmem>>
        %dma_start3A_194 = arith.constant 0 : i32
        %dma_start3A_195 = arith.constant 0 : i32
        %dma_start3A_196 = tpu.memref_slice %arg2[%dma_start3A_194, %dma_start3A_195] : memref<10000x128xf32, #tpu.memory_space<hbm>> -> memref<10000x128xf32, #tpu.memory_space<hbm>>
        tpu.enqueue_indirect_dma source(%dma_start3A_196 : memref<10000x128xf32, #tpu.memory_space<hbm>>) target(%arg8 : memref<128x128xf32, #tpu.memory_space<vmem>>) offsets(%dma_start3A_193 : memref<128xi32, #tpu.memory_space<vmem>>) semaphore(%arg11 : memref<!tpu.dma_semaphore, #tpu.memory_space<semaphore_mem>>)
        %dma_wait3A_197 = arith.constant 0 : i32
        %dma_wait3A_198 = arith.constant 0 : i32
        %dma_wait3A_199 = tpu.memref_slice %arg7[%dma_wait3A_197, %dma_wait3A_198] : memref<48x128xi32, #tpu.memory_space<vmem>> -> memref<1x128xi32, #tpu.memory_space<vmem>>
        %dma_wait3A_200 = tpu.memref_squeeze %dma_wait3A_199 : memref<1x128xi32, #tpu.memory_space<vmem>> -> memref<128xi32, #tpu.memory_space<vmem>>
        %dma_wait3A_201 = arith.constant 0 : i32
        %dma_wait3A_202 = arith.constant 0 : i32
        %dma_wait3A_203 = tpu.memref_slice %arg10[%dma_wait3A_201, %dma_wait3A_202] : memref<10240x128xf32, #tpu.memory_space<vmem_shared>> -> memref<10240x128xf32, #tpu.memory_space<vmem_shared>>
        tpu.wait_indirect_dma semaphore(%arg14 : memref<!tpu.dma_semaphore, #tpu.memory_space<semaphore_mem>>) src(%arg9 : memref<128x128xf32, #tpu.memory_space<vmem>>) dst(%dma_wait3A_203 : memref<10240x128xf32, #tpu.memory_space<vmem_shared>>)
        %add3A_204 = arith.constant 2 : i32
        %add3A_205 = arith.addi %mul3A_149, %add3A_204 : i32
        %add3A_206 = arith.constant 1 : i32
        %add3A_207 = arith.addi %add3A_205, %add3A_206 : i32
        %dma_start3A_208 = arith.constant 0 : i32
        %dma_start3A_209 = tpu.memref_slice %arg6[%add3A_207, %dma_start3A_208] : memref<48x128xi32, #tpu.memory_space<vmem>> -> memref<1x128xi32, #tpu.memory_space<vmem>>
        %dma_start3A_210 = tpu.memref_squeeze %dma_start3A_209 : memref<1x128xi32, #tpu.memory_space<vmem>> -> memref<128xi32, #tpu.memory_space<vmem>>
        %dma_start3A_211 = arith.constant 0 : i32
        %dma_start3A_212 = arith.constant 0 : i32
        %dma_start3A_213 = tpu.memref_slice %arg2[%dma_start3A_211, %dma_start3A_212] : memref<10000x128xf32, #tpu.memory_space<hbm>> -> memref<10000x128xf32, #tpu.memory_space<hbm>>
        tpu.enqueue_indirect_dma source(%dma_start3A_213 : memref<10000x128xf32, #tpu.memory_space<hbm>>) target(%arg9 : memref<128x128xf32, #tpu.memory_space<vmem>>) offsets(%dma_start3A_210 : memref<128xi32, #tpu.memory_space<vmem>>) semaphore(%arg12 : memref<!tpu.dma_semaphore, #tpu.memory_space<semaphore_mem>>)
      }
      %while3A_101 = arith.constant 1 : i32
      scf.for %while3A_147 = %while3A_99 to %while3A_95 step %while3A_101  : i32 {
        %mul3A_148 = arith.constant 2 : i32
        %mul3A_149 = arith.muli %while3A_147, %mul3A_148 : i32
        %dma_wait3A_150 = arith.constant 0 : i32
        %dma_wait3A_151 = arith.constant 0 : i32
        %dma_wait3A_152 = tpu.memref_slice %arg6[%dma_wait3A_150, %dma_wait3A_151] : memref<48x128xi32, #tpu.memory_space<vmem>> -> memref<1x128xi32, #tpu.memory_space<vmem>>
        %dma_wait3A_153 = tpu.memref_squeeze %dma_wait3A_152 : memref<1x128xi32, #tpu.memory_space<vmem>> -> memref<128xi32, #tpu.memory_space<vmem>>
        %dma_wait3A_154 = arith.constant 0 : i32
        %dma_wait3A_155 = arith.constant 0 : i32
        %dma_wait3A_156 = tpu.memref_slice %arg2[%dma_wait3A_154, %dma_wait3A_155] : memref<10000x128xf32, #tpu.memory_space<hbm>> -> memref<10000x128xf32, #tpu.memory_space<hbm>>
        tpu.wait_indirect_dma semaphore(%arg11 : memref<!tpu.dma_semaphore, #tpu.memory_space<semaphore_mem>>) src(%dma_wait3A_156 : memref<10000x128xf32, #tpu.memory_space<hbm>>) dst(%arg8 : memref<128x128xf32, #tpu.memory_space<vmem>>)
        %add3A_157 = arith.constant 0 : i32
        %add3A_158 = arith.addi %mul3A_149, %add3A_157 : i32
        %dma_start3A_159 = arith.constant 0 : i32
        %dma_start3A_160 = tpu.memref_slice %arg7[%add3A_158, %dma_start3A_159] : memref<48x128xi32, #tpu.memory_space<vmem>> -> memref<1x128xi32, #tpu.memory_space<vmem>>
        %dma_start3A_161 = tpu.memref_squeeze %dma_start3A_160 : memref<1x128xi32, #tpu.memory_space<vmem>> -> memref<128xi32, #tpu.memory_space<vmem>>
        %dma_start3A_162 = arith.constant 0 : i32
        %dma_start3A_163 = arith.constant 0 : i32
        %dma_start3A_164 = tpu.memref_slice %arg10[%dma_start3A_162, %dma_start3A_163] : memref<10240x128xf32, #tpu.memory_space<vmem_shared>> -> memref<10240x128xf32, #tpu.memory_space<vmem_shared>>
        tpu.enqueue_indirect_dma source(%arg8 : memref<128x128xf32, #tpu.memory_space<vmem>>) target(%dma_start3A_164 : memref<10240x128xf32, #tpu.memory_space<vmem_shared>>) offsets(%dma_start3A_161 : memref<128xi32, #tpu.memory_space<vmem>>) semaphore(%arg13 : memref<!tpu.dma_semaphore, #tpu.memory_space<semaphore_mem>>) {add = true}
        %dma_wait3A_165 = arith.constant 0 : i32
        %dma_wait3A_166 = arith.constant 0 : i32
        %dma_wait3A_167 = tpu.memref_slice %arg6[%dma_wait3A_165, %dma_wait3A_166] : memref<48x128xi32, #tpu.memory_space<vmem>> -> memref<1x128xi32, #tpu.memory_space<vmem>>
        %dma_wait3A_168 = tpu.memref_squeeze %dma_wait3A_167 : memref<1x128xi32, #tpu.memory_space<vmem>> -> memref<128xi32, #tpu.memory_space<vmem>>
        %dma_wait3A_169 = arith.constant 0 : i32
        %dma_wait3A_170 = arith.constant 0 : i32
        %dma_wait3A_171 = tpu.memref_slice %arg2[%dma_wait3A_169, %dma_wait3A_170] : memref<10000x128xf32, #tpu.memory_space<hbm>> -> memref<10000x128xf32, #tpu.memory_space<hbm>>
        tpu.wait_indirect_dma semaphore(%arg12 : memref<!tpu.dma_semaphore, #tpu.memory_space<semaphore_mem>>) src(%dma_wait3A_171 : memref<10000x128xf32, #tpu.memory_space<hbm>>) dst(%arg9 : memref<128x128xf32, #tpu.memory_space<vmem>>)
        %add3A_172 = arith.constant 1 : i32
        %add3A_173 = arith.addi %mul3A_149, %add3A_172 : i32
        %dma_start3A_174 = arith.constant 0 : i32
        %dma_start3A_175 = tpu.memref_slice %arg7[%add3A_173, %dma_start3A_174] : memref<48x128xi32, #tpu.memory_space<vmem>> -> memref<1x128xi32, #tpu.memory_space<vmem>>
        %dma_start3A_176 = tpu.memref_squeeze %dma_start3A_175 : memref<1x128xi32, #tpu.memory_space<vmem>> -> memref<128xi32, #tpu.memory_space<vmem>>
        %dma_start3A_177 = arith.constant 0 : i32
        %dma_start3A_178 = arith.constant 0 : i32
        %dma_start3A_179 = tpu.memref_slice %arg10[%dma_start3A_177, %dma_start3A_178] : memref<10240x128xf32, #tpu.memory_space<vmem_shared>> -> memref<10240x128xf32, #tpu.memory_space<vmem_shared>>
        tpu.enqueue_indirect_dma source(%arg9 : memref<128x128xf32, #tpu.memory_space<vmem>>) target(%dma_start3A_179 : memref<10240x128xf32, #tpu.memory_space<vmem_shared>>) offsets(%dma_start3A_176 : memref<128xi32, #tpu.memory_space<vmem>>) semaphore(%arg14 : memref<!tpu.dma_semaphore, #tpu.memory_space<semaphore_mem>>) {add = true}
        %dma_wait3A_180 = arith.constant 0 : i32
        %dma_wait3A_181 = arith.constant 0 : i32
        %dma_wait3A_182 = tpu.memref_slice %arg7[%dma_wait3A_180, %dma_wait3A_181] : memref<48x128xi32, #tpu.memory_space<vmem>> -> memref<1x128xi32, #tpu.memory_space<vmem>>
        %dma_wait3A_183 = tpu.memref_squeeze %dma_wait3A_182 : memref<1x128xi32, #tpu.memory_space<vmem>> -> memref<128xi32, #tpu.memory_space<vmem>>
        %dma_wait3A_184 = arith.constant 0 : i32
        %dma_wait3A_185 = arith.constant 0 : i32
        %dma_wait3A_186 = tpu.memref_slice %arg10[%dma_wait3A_184, %dma_wait3A_185] : memref<10240x128xf32, #tpu.memory_space<vmem_shared>> -> memref<10240x128xf32, #tpu.memory_space<vmem_shared>>
        tpu.wait_indirect_dma semaphore(%arg13 : memref<!tpu.dma_semaphore, #tpu.memory_space<semaphore_mem>>) src(%arg8 : memref<128x128xf32, #tpu.memory_space<vmem>>) dst(%dma_wait3A_186 : memref<10240x128xf32, #tpu.memory_space<vmem_shared>>)
        %add3A_187 = arith.constant 2 : i32
        %add3A_188 = arith.addi %mul3A_149, %add3A_187 : i32
        %add3A_189 = arith.constant 0 : i32
        %add3A_190 = arith.addi %add3A_188, %add3A_189 : i32
        %dma_start3A_191 = arith.constant 0 : i32
        %dma_start3A_192 = tpu.memref_slice %arg6[%add3A_190, %dma_start3A_191] : memref<48x128xi32, #tpu.memory_space<vmem>> -> memref<1x128xi32, #tpu.memory_space<vmem>>
        %dma_start3A_193 = tpu.memref_squeeze %dma_start3A_192 : memref<1x128xi32, #tpu.memory_space<vmem>> -> memref<128xi32, #tpu.memory_space<vmem>>
        %dma_start3A_194 = arith.constant 0 : i32
        %dma_start3A_195 = arith.constant 0 : i32
        %dma_start3A_196 = tpu.memref_slice %arg2[%dma_start3A_194, %dma_start3A_195] : memref<10000x128xf32, #tpu.memory_space<hbm>> -> memref<10000x128xf32, #tpu.memory_space<hbm>>
        tpu.enqueue_indirect_dma source(%dma_start3A_196 : memref<10000x128xf32, #tpu.memory_space<hbm>>) target(%arg8 : memref<128x128xf32, #tpu.memory_space<vmem>>) offsets(%dma_start3A_193 : memref<128xi32, #tpu.memory_space<vmem>>) semaphore(%arg11 : memref<!tpu.dma_semaphore, #tpu.memory_space<semaphore_mem>>)
        %dma_wait3A_197 = arith.constant 0 : i32
        %dma_wait3A_198 = arith.constant 0 : i32
        %dma_wait3A_199 = tpu.memref_slice %arg7[%dma_wait3A_197, %dma_wait3A_198] : memref<48x128xi32, #tpu.memory_space<vmem>> -> memref<1x128xi32, #tpu.memory_space<vmem>>
        %dma_wait3A_200 = tpu.memref_squeeze %dma_wait3A_199 : memref<1x128xi32, #tpu.memory_space<vmem>> -> memref<128xi32, #tpu.memory_space<vmem>>
        %dma_wait3A_201 = arith.constant 0 : i32
        %dma_wait3A_202 = arith.constant 0 : i32
        %dma_wait3A_203 = tpu.memref_slice %arg10[%dma_wait3A_201, %dma_wait3A_202] : memref<10240x128xf32, #tpu.memory_space<vmem_shared>> -> memref<10240x128xf32, #tpu.memory_space<vmem_shared>>
        tpu.wait_indirect_dma semaphore(%arg14 : memref<!tpu.dma_semaphore, #tpu.memory_space<semaphore_mem>>) src(%arg9 : memref<128x128xf32, #tpu.memory_space<vmem>>) dst(%dma_wait3A_203 : memref<10240x128xf32, #tpu.memory_space<vmem_shared>>)
        %add3A_204 = arith.constant 2 : i32
        %add3A_205 = arith.addi %mul3A_149, %add3A_204 : i32
        %add3A_206 = arith.constant 1 : i32
        %add3A_207 = arith.addi %add3A_205, %add3A_206 : i32
        %dma_start3A_208 = arith.constant 0 : i32
        %dma_start3A_209 = tpu.memref_slice %arg6[%add3A_207, %dma_start3A_208] : memref<48x128xi32, #tpu.memory_space<vmem>> -> memref<1x128xi32, #tpu.memory_space<vmem>>
        %dma_start3A_210 = tpu.memref_squeeze %dma_start3A_209 : memref<1x128xi32, #tpu.memory_space<vmem>> -> memref<128xi32, #tpu.memory_space<vmem>>
        %dma_start3A_211 = arith.constant 0 : i32
        %dma_start3A_212 = arith.constant 0 : i32
        %dma_start3A_213 = tpu.memref_slice %arg2[%dma_start3A_211, %dma_start3A_212] : memref<10000x128xf32, #tpu.memory_space<hbm>> -> memref<10000x128xf32, #tpu.memory_space<hbm>>
        tpu.enqueue_indirect_dma source(%dma_start3A_213 : memref<10000x128xf32, #tpu.memory_space<hbm>>) target(%arg9 : memref<128x128xf32, #tpu.memory_space<vmem>>) offsets(%dma_start3A_210 : memref<128xi32, #tpu.memory_space<vmem>>) semaphore(%arg12 : memref<!tpu.dma_semaphore, #tpu.memory_space<semaphore_mem>>)
      }
      %sub3A_102 = arith.constant 2 : i32
      %sub3A_103 = arith.subi %select_n3A, %sub3A_102 : i32
      %dma_wait3A = arith.constant 0 : i32
      %dma_wait3A_104 = arith.constant 0 : i32
      %dma_wait3A_105 = tpu.memref_slice %arg6[%dma_wait3A, %dma_wait3A_104] : memref<48x128xi32, #tpu.memory_space<vmem>> -> memref<1x128xi32, #tpu.memory_space<vmem>>
      %dma_wait3A_106 = tpu.memref_squeeze %dma_wait3A_105 : memref<1x128xi32, #tpu.memory_space<vmem>> -> memref<128xi32, #tpu.memory_space<vmem>>
      %dma_wait3A_107 = arith.constant 0 : i32
      %dma_wait3A_108 = arith.constant 0 : i32
      %dma_wait3A_109 = tpu.memref_slice %arg2[%dma_wait3A_107, %dma_wait3A_108] : memref<10000x128xf32, #tpu.memory_space<hbm>> -> memref<10000x128xf32, #tpu.memory_space<hbm>>
      tpu.wait_indirect_dma semaphore(%arg11 : memref<!tpu.dma_semaphore, #tpu.memory_space<semaphore_mem>>) src(%dma_wait3A_109 : memref<10000x128xf32, #tpu.memory_space<hbm>>) dst(%arg8 : memref<128x128xf32, #tpu.memory_space<vmem>>)
      %add3A_110 = arith.constant 0 : i32
      %add3A_111 = arith.addi %sub3A_103, %add3A_110 : i32
      %dma_start3A_112 = arith.constant 0 : i32
      %dma_start3A_113 = tpu.memref_slice %arg7[%add3A_111, %dma_start3A_112] : memref<48x128xi32, #tpu.memory_space<vmem>> -> memref<1x128xi32, #tpu.memory_space<vmem>>
      %dma_start3A_114 = tpu.memref_squeeze %dma_start3A_113 : memref<1x128xi32, #tpu.memory_space<vmem>> -> memref<128xi32, #tpu.memory_space<vmem>>
      %dma_start3A_115 = arith.constant 0 : i32
      %dma_start3A_116 = arith.constant 0 : i32
      %dma_start3A_117 = tpu.memref_slice %arg10[%dma_start3A_115, %dma_start3A_116] : memref<10240x128xf32, #tpu.memory_space<vmem_shared>> -> memref<10240x128xf32, #tpu.memory_space<vmem_shared>>
      tpu.enqueue_indirect_dma source(%arg8 : memref<128x128xf32, #tpu.memory_space<vmem>>) target(%dma_start3A_117 : memref<10240x128xf32, #tpu.memory_space<vmem_shared>>) offsets(%dma_start3A_114 : memref<128xi32, #tpu.memory_space<vmem>>) semaphore(%arg13 : memref<!tpu.dma_semaphore, #tpu.memory_space<semaphore_mem>>) {add = true}
      %dma_wait3A_118 = arith.constant 0 : i32
      %dma_wait3A_119 = arith.constant 0 : i32
      %dma_wait3A_120 = tpu.memref_slice %arg6[%dma_wait3A_118, %dma_wait3A_119] : memref<48x128xi32, #tpu.memory_space<vmem>> -> memref<1x128xi32, #tpu.memory_space<vmem>>
      %dma_wait3A_121 = tpu.memref_squeeze %dma_wait3A_120 : memref<1x128xi32, #tpu.memory_space<vmem>> -> memref<128xi32, #tpu.memory_space<vmem>>
      %dma_wait3A_122 = arith.constant 0 : i32
      %dma_wait3A_123 = arith.constant 0 : i32
      %dma_wait3A_124 = tpu.memref_slice %arg2[%dma_wait3A_122, %dma_wait3A_123] : memref<10000x128xf32, #tpu.memory_space<hbm>> -> memref<10000x128xf32, #tpu.memory_space<hbm>>
      tpu.wait_indirect_dma semaphore(%arg12 : memref<!tpu.dma_semaphore, #tpu.memory_space<semaphore_mem>>) src(%dma_wait3A_124 : memref<10000x128xf32, #tpu.memory_space<hbm>>) dst(%arg9 : memref<128x128xf32, #tpu.memory_space<vmem>>)
      %add3A_125 = arith.constant 1 : i32
      %add3A_126 = arith.addi %sub3A_103, %add3A_125 : i32
      %dma_start3A_127 = arith.constant 0 : i32
      %dma_start3A_128 = tpu.memref_slice %arg7[%add3A_126, %dma_start3A_127] : memref<48x128xi32, #tpu.memory_space<vmem>> -> memref<1x128xi32, #tpu.memory_space<vmem>>
      %dma_start3A_129 = tpu.memref_squeeze %dma_start3A_128 : memref<1x128xi32, #tpu.memory_space<vmem>> -> memref<128xi32, #tpu.memory_space<vmem>>
      %dma_start3A_130 = arith.constant 0 : i32
      %dma_start3A_131 = arith.constant 0 : i32
      %dma_start3A_132 = tpu.memref_slice %arg10[%dma_start3A_130, %dma_start3A_131] : memref<10240x128xf32, #tpu.memory_space<vmem_shared>> -> memref<10240x128xf32, #tpu.memory_space<vmem_shared>>
      tpu.enqueue_indirect_dma source(%arg9 : memref<128x128xf32, #tpu.memory_space<vmem>>) target(%dma_start3A_132 : memref<10240x128xf32, #tpu.memory_space<vmem_shared>>) offsets(%dma_start3A_129 : memref<128xi32, #tpu.memory_space<vmem>>) semaphore(%arg14 : memref<!tpu.dma_semaphore, #tpu.memory_space<semaphore_mem>>) {add = true}
      %dma_wait3A_133 = arith.constant 0 : i32
      %dma_wait3A_134 = arith.constant 0 : i32
      %dma_wait3A_135 = tpu.memref_slice %arg7[%dma_wait3A_133, %dma_wait3A_134] : memref<48x128xi32, #tpu.memory_space<vmem>> -> memref<1x128xi32, #tpu.memory_space<vmem>>
      %dma_wait3A_136 = tpu.memref_squeeze %dma_wait3A_135 : memref<1x128xi32, #tpu.memory_space<vmem>> -> memref<128xi32, #tpu.memory_space<vmem>>
      %dma_wait3A_137 = arith.constant 0 : i32
      %dma_wait3A_138 = arith.constant 0 : i32
      %dma_wait3A_139 = tpu.memref_slice %arg10[%dma_wait3A_137, %dma_wait3A_138] : memref<10240x128xf32, #tpu.memory_space<vmem_shared>> -> memref<10240x128xf32, #tpu.memory_space<vmem_shared>>
      tpu.wait_indirect_dma semaphore(%arg13 : memref<!tpu.dma_semaphore, #tpu.memory_space<semaphore_mem>>) src(%arg8 : memref<128x128xf32, #tpu.memory_space<vmem>>) dst(%dma_wait3A_139 : memref<10240x128xf32, #tpu.memory_space<vmem_shared>>)
      %dma_wait3A_140 = arith.constant 0 : i32
      %dma_wait3A_141 = arith.constant 0 : i32
      %dma_wait3A_142 = tpu.memref_slice %arg7[%dma_wait3A_140, %dma_wait3A_141] : memref<48x128xi32, #tpu.memory_space<vmem>> -> memref<1x128xi32, #tpu.memory_space<vmem>>
      %dma_wait3A_143 = tpu.memref_squeeze %dma_wait3A_142 : memref<1x128xi32, #tpu.memory_space<vmem>> -> memref<128xi32, #tpu.memory_space<vmem>>
      %dma_wait3A_144 = arith.constant 0 : i32
      %dma_wait3A_145 = arith.constant 0 : i32
      %dma_wait3A_146 = tpu.memref_slice %arg10[%dma_wait3A_144, %dma_wait3A_145] : memref<10240x128xf32, #tpu.memory_space<vmem_shared>> -> memref<10240x128xf32, #tpu.memory_space<vmem_shared>>
      tpu.wait_indirect_dma semaphore(%arg14 : memref<!tpu.dma_semaphore, #tpu.memory_space<semaphore_mem>>) src(%arg9 : memref<128x128xf32, #tpu.memory_space<vmem>>) dst(%dma_wait3A_146 : memref<10240x128xf32, #tpu.memory_space<vmem_shared>>)
    } else {
    }
    %gt3A_42 = arith.constant 1 : i32
    %gt3A_43 = arith.cmpi sgt, %select_n3A_6, %gt3A_42 : i32
    %convert_element_type3A_44 = arith.extui %gt3A_43 : i1 to i32
    %cond3A_45 = arith.constant 0 : i32
    %cond3A_46 = arith.cmpi ne, %convert_element_type3A_44, %cond3A_45 : i32
    scf.if %cond3A_46 {
      %mul3A_57 = arith.constant 1 : i32
      %mul3A_58 = arith.muli %mul3A_57, %select_n3A : i32
      %add3A_59 = arith.addi %select_n3A_13, %mul3A_58 : i32
      %multiple_of3A = tpu.assume_multiple %add3A_59, 8 : i32
      "tpu.region"() ({
        %run_scoped3A = tpu.sem_alloc : memref<!tpu.dma_semaphore, #tpu.memory_space<semaphore_mem>>
        %dma_start3A_147 = arith.constant 0 : i32
        %dma_start3A_148 = tpu.memref_slice %arg3[%multiple_of3A, %dma_start3A_147] : memref<2688x128xi32, #tpu.memory_space<hbm>> -> memref<48x128xi32, #tpu.memory_space<hbm>>
        %dma_start3A_149 = arith.constant 0 : i32
        %dma_start3A_150 = tpu.memref_slice %arg3[%multiple_of3A, %dma_start3A_149] : memref<2688x128xi32, #tpu.memory_space<hbm>> -> memref<48x128xi32, #tpu.memory_space<hbm>>
        tpu.enqueue_dma source(%dma_start3A_150 : memref<48x128xi32, #tpu.memory_space<hbm>>) target(%arg6 : memref<48x128xi32, #tpu.memory_space<vmem>>) target_semaphore(%run_scoped3A : memref<!tpu.dma_semaphore, #tpu.memory_space<semaphore_mem>>)
        %dma_wait3A_151 = arith.constant 0 : i32
        %dma_wait3A_152 = tpu.memref_slice %arg3[%multiple_of3A, %dma_wait3A_151] : memref<2688x128xi32, #tpu.memory_space<hbm>> -> memref<48x128xi32, #tpu.memory_space<hbm>>
        %dma_wait3A_153 = arith.constant 0 : i32
        %dma_wait3A_154 = tpu.memref_slice %arg3[%multiple_of3A, %dma_wait3A_153] : memref<2688x128xi32, #tpu.memory_space<hbm>> -> memref<48x128xi32, #tpu.memory_space<hbm>>
        tpu.wait_dma2 semaphore(%run_scoped3A : memref<!tpu.dma_semaphore, #tpu.memory_space<semaphore_mem>>) src(%dma_wait3A_154 : memref<48x128xi32, #tpu.memory_space<hbm>>) dst(%arg6 : memref<48x128xi32, #tpu.memory_space<vmem>>)
        tpu.yield
      }) : () -> ()
      "tpu.region"() ({
        %run_scoped3A = tpu.sem_alloc : memref<!tpu.dma_semaphore, #tpu.memory_space<semaphore_mem>>
        %dma_start3A_147 = arith.constant 0 : i32
        %dma_start3A_148 = tpu.memref_slice %arg4[%multiple_of3A, %dma_start3A_147] : memref<2688x128xi32, #tpu.memory_space<hbm>> -> memref<48x128xi32, #tpu.memory_space<hbm>>
        %dma_start3A_149 = arith.constant 0 : i32
        %dma_start3A_150 = tpu.memref_slice %arg4[%multiple_of3A, %dma_start3A_149] : memref<2688x128xi32, #tpu.memory_space<hbm>> -> memref<48x128xi32, #tpu.memory_space<hbm>>
        tpu.enqueue_dma source(%dma_start3A_150 : memref<48x128xi32, #tpu.memory_space<hbm>>) target(%arg7 : memref<48x128xi32, #tpu.memory_space<vmem>>) target_semaphore(%run_scoped3A : memref<!tpu.dma_semaphore, #tpu.memory_space<semaphore_mem>>)
        %dma_wait3A_151 = arith.constant 0 : i32
        %dma_wait3A_152 = tpu.memref_slice %arg4[%multiple_of3A, %dma_wait3A_151] : memref<2688x128xi32, #tpu.memory_space<hbm>> -> memref<48x128xi32, #tpu.memory_space<hbm>>
        %dma_wait3A_153 = arith.constant 0 : i32
        %dma_wait3A_154 = tpu.memref_slice %arg4[%multiple_of3A, %dma_wait3A_153] : memref<2688x128xi32, #tpu.memory_space<hbm>> -> memref<48x128xi32, #tpu.memory_space<hbm>>
        tpu.wait_dma2 semaphore(%run_scoped3A : memref<!tpu.dma_semaphore, #tpu.memory_space<semaphore_mem>>) src(%dma_wait3A_154 : memref<48x128xi32, #tpu.memory_space<hbm>>) dst(%arg7 : memref<48x128xi32, #tpu.memory_space<vmem>>)
        tpu.yield
      }) : () -> ()
      %dma_start3A = arith.constant 0 : i32
      %dma_start3A_60 = arith.constant 0 : i32
      %dma_start3A_61 = tpu.memref_slice %arg6[%dma_start3A, %dma_start3A_60] : memref<48x128xi32, #tpu.memory_space<vmem>> -> memref<1x128xi32, #tpu.memory_space<vmem>>
      %dma_start3A_62 = tpu.memref_squeeze %dma_start3A_61 : memref<1x128xi32, #tpu.memory_space<vmem>> -> memref<128xi32, #tpu.memory_space<vmem>>
      %dma_start3A_63 = arith.constant 0 : i32
      %dma_start3A_64 = arith.constant 0 : i32
      %dma_start3A_65 = tpu.memref_slice %arg2[%dma_start3A_63, %dma_start3A_64] : memref<10000x128xf32, #tpu.memory_space<hbm>> -> memref<10000x128xf32, #tpu.memory_space<hbm>>
      tpu.enqueue_indirect_dma source(%dma_start3A_65 : memref<10000x128xf32, #tpu.memory_space<hbm>>) target(%arg8 : memref<128x128xf32, #tpu.memory_space<vmem>>) offsets(%dma_start3A_62 : memref<128xi32, #tpu.memory_space<vmem>>) semaphore(%arg11 : memref<!tpu.dma_semaphore, #tpu.memory_space<semaphore_mem>>)
      %dma_start3A_66 = arith.constant 1 : i32
      %dma_start3A_67 = arith.constant 0 : i32
      %dma_start3A_68 = tpu.memref_slice %arg6[%dma_start3A_66, %dma_start3A_67] : memref<48x128xi32, #tpu.memory_space<vmem>> -> memref<1x128xi32, #tpu.memory_space<vmem>>
      %dma_start3A_69 = tpu.memref_squeeze %dma_start3A_68 : memref<1x128xi32, #tpu.memory_space<vmem>> -> memref<128xi32, #tpu.memory_space<vmem>>
      %dma_start3A_70 = arith.constant 0 : i32
      %dma_start3A_71 = arith.constant 0 : i32
      %dma_start3A_72 = tpu.memref_slice %arg2[%dma_start3A_70, %dma_start3A_71] : memref<10000x128xf32, #tpu.memory_space<hbm>> -> memref<10000x128xf32, #tpu.memory_space<hbm>>
      tpu.enqueue_indirect_dma source(%dma_start3A_72 : memref<10000x128xf32, #tpu.memory_space<hbm>>) target(%arg9 : memref<128x128xf32, #tpu.memory_space<vmem>>) offsets(%dma_start3A_69 : memref<128xi32, #tpu.memory_space<vmem>>) semaphore(%arg12 : memref<!tpu.dma_semaphore, #tpu.memory_space<semaphore_mem>>)
      %jit3A_73 = arith.constant 2 : i32
      %div3A = arith.divsi %select_n3A, %jit3A_73 : i32
      %sign3A = arith.constant 0 : i32
      %sign3A_74 = arith.cmpi sgt, %select_n3A, %sign3A : i32
      %sign3A_75 = arith.extui %sign3A_74 : i1 to i32
      %sign3A_76 = arith.constant 0 : i32
      %sign3A_77 = arith.cmpi slt, %select_n3A, %sign3A_76 : i32
      %sign3A_78 = arith.extui %sign3A_77 : i1 to i32
      %sign3A_79 = arith.subi %sign3A_75, %sign3A_78 : i32
      %sign3A_80 = arith.constant 0 : i32
      %sign3A_81 = arith.cmpi sgt, %jit3A_73, %sign3A_80 : i32
      %sign3A_82 = arith.extui %sign3A_81 : i1 to i32
      %sign3A_83 = arith.constant 0 : i32
      %sign3A_84 = arith.cmpi slt, %jit3A_73, %sign3A_83 : i32
      %sign3A_85 = arith.extui %sign3A_84 : i1 to i32
      %sign3A_86 = arith.subi %sign3A_82, %sign3A_85 : i32
      %ne3A = arith.cmpi ne, %sign3A_79, %sign3A_86 : i32
      %rem3A = arith.remsi %select_n3A, %jit3A_73 : i32
      %ne3A_87 = arith.constant 0 : i32
      %ne3A_88 = arith.cmpi ne, %rem3A, %ne3A_87 : i32
      %and3A = arith.andi %ne3A, %ne3A_88 : i1
      %sub3A = arith.constant 1 : i32
      %sub3A_89 = arith.subi %div3A, %sub3A : i32
      %select_n3A_90 = arith.select %and3A, %sub3A_89, %div3A : i32
      %sub3A_91 = arith.constant 1 : i32
      %sub3A_92 = arith.subi %select_n3A_90, %sub3A_91 : i32
      %while3A = arith.constant 0 : i32
      %while3A_93 = arith.constant 0 : i32
      %while3A_94 = arith.subi %sub3A_92, %while3A_93 : i32
      %while3A_95 = arith.addi %while3A_93, %while3A_94 : i32
      %while3A_96 = arith.constant 1 : i32
      %while3A_97 = arith.divsi %while3A_94, %while3A_96 : i32
      %while3A_98 = arith.muli %while3A_97, %while3A_96 : i32
      %while3A_99 = arith.addi %while3A_93, %while3A_98 : i32
      %while3A_100 = arith.constant 1 : i32
      scf.for %while3A_147 = %while3A_93 to %while3A_99 step %while3A_100  : i32 {
        %mul3A_148 = arith.constant 2 : i32
        %mul3A_149 = arith.muli %while3A_147, %mul3A_148 : i32
        %dma_wait3A_150 = arith.constant 0 : i32
        %dma_wait3A_151 = arith.constant 0 : i32
        %dma_wait3A_152 = tpu.memref_slice %arg6[%dma_wait3A_150, %dma_wait3A_151] : memref<48x128xi32, #tpu.memory_space<vmem>> -> memref<1x128xi32, #tpu.memory_space<vmem>>
        %dma_wait3A_153 = tpu.memref_squeeze %dma_wait3A_152 : memref<1x128xi32, #tpu.memory_space<vmem>> -> memref<128xi32, #tpu.memory_space<vmem>>
        %dma_wait3A_154 = arith.constant 0 : i32
        %dma_wait3A_155 = arith.constant 0 : i32
        %dma_wait3A_156 = tpu.memref_slice %arg2[%dma_wait3A_154, %dma_wait3A_155] : memref<10000x128xf32, #tpu.memory_space<hbm>> -> memref<10000x128xf32, #tpu.memory_space<hbm>>
        tpu.wait_indirect_dma semaphore(%arg11 : memref<!tpu.dma_semaphore, #tpu.memory_space<semaphore_mem>>) src(%dma_wait3A_156 : memref<10000x128xf32, #tpu.memory_space<hbm>>) dst(%arg8 : memref<128x128xf32, #tpu.memory_space<vmem>>)
        %add3A_157 = arith.constant 0 : i32
        %add3A_158 = arith.addi %mul3A_149, %add3A_157 : i32
        %dma_start3A_159 = arith.constant 0 : i32
        %dma_start3A_160 = tpu.memref_slice %arg7[%add3A_158, %dma_start3A_159] : memref<48x128xi32, #tpu.memory_space<vmem>> -> memref<1x128xi32, #tpu.memory_space<vmem>>
        %dma_start3A_161 = tpu.memref_squeeze %dma_start3A_160 : memref<1x128xi32, #tpu.memory_space<vmem>> -> memref<128xi32, #tpu.memory_space<vmem>>
        %dma_start3A_162 = arith.constant 0 : i32
        %dma_start3A_163 = arith.constant 0 : i32
        %dma_start3A_164 = tpu.memref_slice %arg10[%dma_start3A_162, %dma_start3A_163] : memref<10240x128xf32, #tpu.memory_space<vmem_shared>> -> memref<10240x128xf32, #tpu.memory_space<vmem_shared>>
        tpu.enqueue_indirect_dma source(%arg8 : memref<128x128xf32, #tpu.memory_space<vmem>>) target(%dma_start3A_164 : memref<10240x128xf32, #tpu.memory_space<vmem_shared>>) offsets(%dma_start3A_161 : memref<128xi32, #tpu.memory_space<vmem>>) semaphore(%arg13 : memref<!tpu.dma_semaphore, #tpu.memory_space<semaphore_mem>>) {add = true}
        %dma_wait3A_165 = arith.constant 0 : i32
        %dma_wait3A_166 = arith.constant 0 : i32
        %dma_wait3A_167 = tpu.memref_slice %arg6[%dma_wait3A_165, %dma_wait3A_166] : memref<48x128xi32, #tpu.memory_space<vmem>> -> memref<1x128xi32, #tpu.memory_space<vmem>>
        %dma_wait3A_168 = tpu.memref_squeeze %dma_wait3A_167 : memref<1x128xi32, #tpu.memory_space<vmem>> -> memref<128xi32, #tpu.memory_space<vmem>>
        %dma_wait3A_169 = arith.constant 0 : i32
        %dma_wait3A_170 = arith.constant 0 : i32
        %dma_wait3A_171 = tpu.memref_slice %arg2[%dma_wait3A_169, %dma_wait3A_170] : memref<10000x128xf32, #tpu.memory_space<hbm>> -> memref<10000x128xf32, #tpu.memory_space<hbm>>
        tpu.wait_indirect_dma semaphore(%arg12 : memref<!tpu.dma_semaphore, #tpu.memory_space<semaphore_mem>>) src(%dma_wait3A_171 : memref<10000x128xf32, #tpu.memory_space<hbm>>) dst(%arg9 : memref<128x128xf32, #tpu.memory_space<vmem>>)
        %add3A_172 = arith.constant 1 : i32
        %add3A_173 = arith.addi %mul3A_149, %add3A_172 : i32
        %dma_start3A_174 = arith.constant 0 : i32
        %dma_start3A_175 = tpu.memref_slice %arg7[%add3A_173, %dma_start3A_174] : memref<48x128xi32, #tpu.memory_space<vmem>> -> memref<1x128xi32, #tpu.memory_space<vmem>>
        %dma_start3A_176 = tpu.memref_squeeze %dma_start3A_175 : memref<1x128xi32, #tpu.memory_space<vmem>> -> memref<128xi32, #tpu.memory_space<vmem>>
        %dma_start3A_177 = arith.constant 0 : i32
        %dma_start3A_178 = arith.constant 0 : i32
        %dma_start3A_179 = tpu.memref_slice %arg10[%dma_start3A_177, %dma_start3A_178] : memref<10240x128xf32, #tpu.memory_space<vmem_shared>> -> memref<10240x128xf32, #tpu.memory_space<vmem_shared>>
        tpu.enqueue_indirect_dma source(%arg9 : memref<128x128xf32, #tpu.memory_space<vmem>>) target(%dma_start3A_179 : memref<10240x128xf32, #tpu.memory_space<vmem_shared>>) offsets(%dma_start3A_176 : memref<128xi32, #tpu.memory_space<vmem>>) semaphore(%arg14 : memref<!tpu.dma_semaphore, #tpu.memory_space<semaphore_mem>>) {add = true}
        %dma_wait3A_180 = arith.constant 0 : i32
        %dma_wait3A_181 = arith.constant 0 : i32
        %dma_wait3A_182 = tpu.memref_slice %arg7[%dma_wait3A_180, %dma_wait3A_181] : memref<48x128xi32, #tpu.memory_space<vmem>> -> memref<1x128xi32, #tpu.memory_space<vmem>>
        %dma_wait3A_183 = tpu.memref_squeeze %dma_wait3A_182 : memref<1x128xi32, #tpu.memory_space<vmem>> -> memref<128xi32, #tpu.memory_space<vmem>>
        %dma_wait3A_184 = arith.constant 0 : i32
        %dma_wait3A_185 = arith.constant 0 : i32
        %dma_wait3A_186 = tpu.memref_slice %arg10[%dma_wait3A_184, %dma_wait3A_185] : memref<10240x128xf32, #tpu.memory_space<vmem_shared>> -> memref<10240x128xf32, #tpu.memory_space<vmem_shared>>
        tpu.wait_indirect_dma semaphore(%arg13 : memref<!tpu.dma_semaphore, #tpu.memory_space<semaphore_mem>>) src(%arg8 : memref<128x128xf32, #tpu.memory_space<vmem>>) dst(%dma_wait3A_186 : memref<10240x128xf32, #tpu.memory_space<vmem_shared>>)
        %add3A_187 = arith.constant 2 : i32
        %add3A_188 = arith.addi %mul3A_149, %add3A_187 : i32
        %add3A_189 = arith.constant 0 : i32
        %add3A_190 = arith.addi %add3A_188, %add3A_189 : i32
        %dma_start3A_191 = arith.constant 0 : i32
        %dma_start3A_192 = tpu.memref_slice %arg6[%add3A_190, %dma_start3A_191] : memref<48x128xi32, #tpu.memory_space<vmem>> -> memref<1x128xi32, #tpu.memory_space<vmem>>
        %dma_start3A_193 = tpu.memref_squeeze %dma_start3A_192 : memref<1x128xi32, #tpu.memory_space<vmem>> -> memref<128xi32, #tpu.memory_space<vmem>>
        %dma_start3A_194 = arith.constant 0 : i32
        %dma_start3A_195 = arith.constant 0 : i32
        %dma_start3A_196 = tpu.memref_slice %arg2[%dma_start3A_194, %dma_start3A_195] : memref<10000x128xf32, #tpu.memory_space<hbm>> -> memref<10000x128xf32, #tpu.memory_space<hbm>>
        tpu.enqueue_indirect_dma source(%dma_start3A_196 : memref<10000x128xf32, #tpu.memory_space<hbm>>) target(%arg8 : memref<128x128xf32, #tpu.memory_space<vmem>>) offsets(%dma_start3A_193 : memref<128xi32, #tpu.memory_space<vmem>>) semaphore(%arg11 : memref<!tpu.dma_semaphore, #tpu.memory_space<semaphore_mem>>)
        %dma_wait3A_197 = arith.constant 0 : i32
        %dma_wait3A_198 = arith.constant 0 : i32
        %dma_wait3A_199 = tpu.memref_slice %arg7[%dma_wait3A_197, %dma_wait3A_198] : memref<48x128xi32, #tpu.memory_space<vmem>> -> memref<1x128xi32, #tpu.memory_space<vmem>>
        %dma_wait3A_200 = tpu.memref_squeeze %dma_wait3A_199 : memref<1x128xi32, #tpu.memory_space<vmem>> -> memref<128xi32, #tpu.memory_space<vmem>>
        %dma_wait3A_201 = arith.constant 0 : i32
        %dma_wait3A_202 = arith.constant 0 : i32
        %dma_wait3A_203 = tpu.memref_slice %arg10[%dma_wait3A_201, %dma_wait3A_202] : memref<10240x128xf32, #tpu.memory_space<vmem_shared>> -> memref<10240x128xf32, #tpu.memory_space<vmem_shared>>
        tpu.wait_indirect_dma semaphore(%arg14 : memref<!tpu.dma_semaphore, #tpu.memory_space<semaphore_mem>>) src(%arg9 : memref<128x128xf32, #tpu.memory_space<vmem>>) dst(%dma_wait3A_203 : memref<10240x128xf32, #tpu.memory_space<vmem_shared>>)
        %add3A_204 = arith.constant 2 : i32
        %add3A_205 = arith.addi %mul3A_149, %add3A_204 : i32
        %add3A_206 = arith.constant 1 : i32
        %add3A_207 = arith.addi %add3A_205, %add3A_206 : i32
        %dma_start3A_208 = arith.constant 0 : i32
        %dma_start3A_209 = tpu.memref_slice %arg6[%add3A_207, %dma_start3A_208] : memref<48x128xi32, #tpu.memory_space<vmem>> -> memref<1x128xi32, #tpu.memory_space<vmem>>
        %dma_start3A_210 = tpu.memref_squeeze %dma_start3A_209 : memref<1x128xi32, #tpu.memory_space<vmem>> -> memref<128xi32, #tpu.memory_space<vmem>>
        %dma_start3A_211 = arith.constant 0 : i32
        %dma_start3A_212 = arith.constant 0 : i32
        %dma_start3A_213 = tpu.memref_slice %arg2[%dma_start3A_211, %dma_start3A_212] : memref<10000x128xf32, #tpu.memory_space<hbm>> -> memref<10000x128xf32, #tpu.memory_space<hbm>>
        tpu.enqueue_indirect_dma source(%dma_start3A_213 : memref<10000x128xf32, #tpu.memory_space<hbm>>) target(%arg9 : memref<128x128xf32, #tpu.memory_space<vmem>>) offsets(%dma_start3A_210 : memref<128xi32, #tpu.memory_space<vmem>>) semaphore(%arg12 : memref<!tpu.dma_semaphore, #tpu.memory_space<semaphore_mem>>)
      }
      %while3A_101 = arith.constant 1 : i32
      scf.for %while3A_147 = %while3A_99 to %while3A_95 step %while3A_101  : i32 {
        %mul3A_148 = arith.constant 2 : i32
        %mul3A_149 = arith.muli %while3A_147, %mul3A_148 : i32
        %dma_wait3A_150 = arith.constant 0 : i32
        %dma_wait3A_151 = arith.constant 0 : i32
        %dma_wait3A_152 = tpu.memref_slice %arg6[%dma_wait3A_150, %dma_wait3A_151] : memref<48x128xi32, #tpu.memory_space<vmem>> -> memref<1x128xi32, #tpu.memory_space<vmem>>
        %dma_wait3A_153 = tpu.memref_squeeze %dma_wait3A_152 : memref<1x128xi32, #tpu.memory_space<vmem>> -> memref<128xi32, #tpu.memory_space<vmem>>
        %dma_wait3A_154 = arith.constant 0 : i32
        %dma_wait3A_155 = arith.constant 0 : i32
        %dma_wait3A_156 = tpu.memref_slice %arg2[%dma_wait3A_154, %dma_wait3A_155] : memref<10000x128xf32, #tpu.memory_space<hbm>> -> memref<10000x128xf32, #tpu.memory_space<hbm>>
        tpu.wait_indirect_dma semaphore(%arg11 : memref<!tpu.dma_semaphore, #tpu.memory_space<semaphore_mem>>) src(%dma_wait3A_156 : memref<10000x128xf32, #tpu.memory_space<hbm>>) dst(%arg8 : memref<128x128xf32, #tpu.memory_space<vmem>>)
        %add3A_157 = arith.constant 0 : i32
        %add3A_158 = arith.addi %mul3A_149, %add3A_157 : i32
        %dma_start3A_159 = arith.constant 0 : i32
        %dma_start3A_160 = tpu.memref_slice %arg7[%add3A_158, %dma_start3A_159] : memref<48x128xi32, #tpu.memory_space<vmem>> -> memref<1x128xi32, #tpu.memory_space<vmem>>
        %dma_start3A_161 = tpu.memref_squeeze %dma_start3A_160 : memref<1x128xi32, #tpu.memory_space<vmem>> -> memref<128xi32, #tpu.memory_space<vmem>>
        %dma_start3A_162 = arith.constant 0 : i32
        %dma_start3A_163 = arith.constant 0 : i32
        %dma_start3A_164 = tpu.memref_slice %arg10[%dma_start3A_162, %dma_start3A_163] : memref<10240x128xf32, #tpu.memory_space<vmem_shared>> -> memref<10240x128xf32, #tpu.memory_space<vmem_shared>>
        tpu.enqueue_indirect_dma source(%arg8 : memref<128x128xf32, #tpu.memory_space<vmem>>) target(%dma_start3A_164 : memref<10240x128xf32, #tpu.memory_space<vmem_shared>>) offsets(%dma_start3A_161 : memref<128xi32, #tpu.memory_space<vmem>>) semaphore(%arg13 : memref<!tpu.dma_semaphore, #tpu.memory_space<semaphore_mem>>) {add = true}
        %dma_wait3A_165 = arith.constant 0 : i32
        %dma_wait3A_166 = arith.constant 0 : i32
        %dma_wait3A_167 = tpu.memref_slice %arg6[%dma_wait3A_165, %dma_wait3A_166] : memref<48x128xi32, #tpu.memory_space<vmem>> -> memref<1x128xi32, #tpu.memory_space<vmem>>
        %dma_wait3A_168 = tpu.memref_squeeze %dma_wait3A_167 : memref<1x128xi32, #tpu.memory_space<vmem>> -> memref<128xi32, #tpu.memory_space<vmem>>
        %dma_wait3A_169 = arith.constant 0 : i32
        %dma_wait3A_170 = arith.constant 0 : i32
        %dma_wait3A_171 = tpu.memref_slice %arg2[%dma_wait3A_169, %dma_wait3A_170] : memref<10000x128xf32, #tpu.memory_space<hbm>> -> memref<10000x128xf32, #tpu.memory_space<hbm>>
        tpu.wait_indirect_dma semaphore(%arg12 : memref<!tpu.dma_semaphore, #tpu.memory_space<semaphore_mem>>) src(%dma_wait3A_171 : memref<10000x128xf32, #tpu.memory_space<hbm>>) dst(%arg9 : memref<128x128xf32, #tpu.memory_space<vmem>>)
        %add3A_172 = arith.constant 1 : i32
        %add3A_173 = arith.addi %mul3A_149, %add3A_172 : i32
        %dma_start3A_174 = arith.constant 0 : i32
        %dma_start3A_175 = tpu.memref_slice %arg7[%add3A_173, %dma_start3A_174] : memref<48x128xi32, #tpu.memory_space<vmem>> -> memref<1x128xi32, #tpu.memory_space<vmem>>
        %dma_start3A_176 = tpu.memref_squeeze %dma_start3A_175 : memref<1x128xi32, #tpu.memory_space<vmem>> -> memref<128xi32, #tpu.memory_space<vmem>>
        %dma_start3A_177 = arith.constant 0 : i32
        %dma_start3A_178 = arith.constant 0 : i32
        %dma_start3A_179 = tpu.memref_slice %arg10[%dma_start3A_177, %dma_start3A_178] : memref<10240x128xf32, #tpu.memory_space<vmem_shared>> -> memref<10240x128xf32, #tpu.memory_space<vmem_shared>>
        tpu.enqueue_indirect_dma source(%arg9 : memref<128x128xf32, #tpu.memory_space<vmem>>) target(%dma_start3A_179 : memref<10240x128xf32, #tpu.memory_space<vmem_shared>>) offsets(%dma_start3A_176 : memref<128xi32, #tpu.memory_space<vmem>>) semaphore(%arg14 : memref<!tpu.dma_semaphore, #tpu.memory_space<semaphore_mem>>) {add = true}
        %dma_wait3A_180 = arith.constant 0 : i32
        %dma_wait3A_181 = arith.constant 0 : i32
        %dma_wait3A_182 = tpu.memref_slice %arg7[%dma_wait3A_180, %dma_wait3A_181] : memref<48x128xi32, #tpu.memory_space<vmem>> -> memref<1x128xi32, #tpu.memory_space<vmem>>
        %dma_wait3A_183 = tpu.memref_squeeze %dma_wait3A_182 : memref<1x128xi32, #tpu.memory_space<vmem>> -> memref<128xi32, #tpu.memory_space<vmem>>
        %dma_wait3A_184 = arith.constant 0 : i32
        %dma_wait3A_185 = arith.constant 0 : i32
        %dma_wait3A_186 = tpu.memref_slice %arg10[%dma_wait3A_184, %dma_wait3A_185] : memref<10240x128xf32, #tpu.memory_space<vmem_shared>> -> memref<10240x128xf32, #tpu.memory_space<vmem_shared>>
        tpu.wait_indirect_dma semaphore(%arg13 : memref<!tpu.dma_semaphore, #tpu.memory_space<semaphore_mem>>) src(%arg8 : memref<128x128xf32, #tpu.memory_space<vmem>>) dst(%dma_wait3A_186 : memref<10240x128xf32, #tpu.memory_space<vmem_shared>>)
        %add3A_187 = arith.constant 2 : i32
        %add3A_188 = arith.addi %mul3A_149, %add3A_187 : i32
        %add3A_189 = arith.constant 0 : i32
        %add3A_190 = arith.addi %add3A_188, %add3A_189 : i32
        %dma_start3A_191 = arith.constant 0 : i32
        %dma_start3A_192 = tpu.memref_slice %arg6[%add3A_190, %dma_start3A_191] : memref<48x128xi32, #tpu.memory_space<vmem>> -> memref<1x128xi32, #tpu.memory_space<vmem>>
        %dma_start3A_193 = tpu.memref_squeeze %dma_start3A_192 : memref<1x128xi32, #tpu.memory_space<vmem>> -> memref<128xi32, #tpu.memory_space<vmem>>
        %dma_start3A_194 = arith.constant 0 : i32
        %dma_start3A_195 = arith.constant 0 : i32
        %dma_start3A_196 = tpu.memref_slice %arg2[%dma_start3A_194, %dma_start3A_195] : memref<10000x128xf32, #tpu.memory_space<hbm>> -> memref<10000x128xf32, #tpu.memory_space<hbm>>
        tpu.enqueue_indirect_dma source(%dma_start3A_196 : memref<10000x128xf32, #tpu.memory_space<hbm>>) target(%arg8 : memref<128x128xf32, #tpu.memory_space<vmem>>) offsets(%dma_start3A_193 : memref<128xi32, #tpu.memory_space<vmem>>) semaphore(%arg11 : memref<!tpu.dma_semaphore, #tpu.memory_space<semaphore_mem>>)
        %dma_wait3A_197 = arith.constant 0 : i32
        %dma_wait3A_198 = arith.constant 0 : i32
        %dma_wait3A_199 = tpu.memref_slice %arg7[%dma_wait3A_197, %dma_wait3A_198] : memref<48x128xi32, #tpu.memory_space<vmem>> -> memref<1x128xi32, #tpu.memory_space<vmem>>
        %dma_wait3A_200 = tpu.memref_squeeze %dma_wait3A_199 : memref<1x128xi32, #tpu.memory_space<vmem>> -> memref<128xi32, #tpu.memory_space<vmem>>
        %dma_wait3A_201 = arith.constant 0 : i32
        %dma_wait3A_202 = arith.constant 0 : i32
        %dma_wait3A_203 = tpu.memref_slice %arg10[%dma_wait3A_201, %dma_wait3A_202] : memref<10240x128xf32, #tpu.memory_space<vmem_shared>> -> memref<10240x128xf32, #tpu.memory_space<vmem_shared>>
        tpu.wait_indirect_dma semaphore(%arg14 : memref<!tpu.dma_semaphore, #tpu.memory_space<semaphore_mem>>) src(%arg9 : memref<128x128xf32, #tpu.memory_space<vmem>>) dst(%dma_wait3A_203 : memref<10240x128xf32, #tpu.memory_space<vmem_shared>>)
        %add3A_204 = arith.constant 2 : i32
        %add3A_205 = arith.addi %mul3A_149, %add3A_204 : i32
        %add3A_206 = arith.constant 1 : i32
        %add3A_207 = arith.addi %add3A_205, %add3A_206 : i32
        %dma_start3A_208 = arith.constant 0 : i32
        %dma_start3A_209 = tpu.memref_slice %arg6[%add3A_207, %dma_start3A_208] : memref<48x128xi32, #tpu.memory_space<vmem>> -> memref<1x128xi32, #tpu.memory_space<vmem>>
        %dma_start3A_210 = tpu.memref_squeeze %dma_start3A_209 : memref<1x128xi32, #tpu.memory_space<vmem>> -> memref<128xi32, #tpu.memory_space<vmem>>
        %dma_start3A_211 = arith.constant 0 : i32
        %dma_start3A_212 = arith.constant 0 : i32
        %dma_start3A_213 = tpu.memref_slice %arg2[%dma_start3A_211, %dma_start3A_212] : memref<10000x128xf32, #tpu.memory_space<hbm>> -> memref<10000x128xf32, #tpu.memory_space<hbm>>
        tpu.enqueue_indirect_dma source(%dma_start3A_213 : memref<10000x128xf32, #tpu.memory_space<hbm>>) target(%arg9 : memref<128x128xf32, #tpu.memory_space<vmem>>) offsets(%dma_start3A_210 : memref<128xi32, #tpu.memory_space<vmem>>) semaphore(%arg12 : memref<!tpu.dma_semaphore, #tpu.memory_space<semaphore_mem>>)
      }
      %sub3A_102 = arith.constant 2 : i32
      %sub3A_103 = arith.subi %select_n3A, %sub3A_102 : i32
      %dma_wait3A = arith.constant 0 : i32
      %dma_wait3A_104 = arith.constant 0 : i32
      %dma_wait3A_105 = tpu.memref_slice %arg6[%dma_wait3A, %dma_wait3A_104] : memref<48x128xi32, #tpu.memory_space<vmem>> -> memref<1x128xi32, #tpu.memory_space<vmem>>
      %dma_wait3A_106 = tpu.memref_squeeze %dma_wait3A_105 : memref<1x128xi32, #tpu.memory_space<vmem>> -> memref<128xi32, #tpu.memory_space<vmem>>
      %dma_wait3A_107 = arith.constant 0 : i32
      %dma_wait3A_108 = arith.constant 0 : i32
      %dma_wait3A_109 = tpu.memref_slice %arg2[%dma_wait3A_107, %dma_wait3A_108] : memref<10000x128xf32, #tpu.memory_space<hbm>> -> memref<10000x128xf32, #tpu.memory_space<hbm>>
      tpu.wait_indirect_dma semaphore(%arg11 : memref<!tpu.dma_semaphore, #tpu.memory_space<semaphore_mem>>) src(%dma_wait3A_109 : memref<10000x128xf32, #tpu.memory_space<hbm>>) dst(%arg8 : memref<128x128xf32, #tpu.memory_space<vmem>>)
      %add3A_110 = arith.constant 0 : i32
      %add3A_111 = arith.addi %sub3A_103, %add3A_110 : i32
      %dma_start3A_112 = arith.constant 0 : i32
      %dma_start3A_113 = tpu.memref_slice %arg7[%add3A_111, %dma_start3A_112] : memref<48x128xi32, #tpu.memory_space<vmem>> -> memref<1x128xi32, #tpu.memory_space<vmem>>
      %dma_start3A_114 = tpu.memref_squeeze %dma_start3A_113 : memref<1x128xi32, #tpu.memory_space<vmem>> -> memref<128xi32, #tpu.memory_space<vmem>>
      %dma_start3A_115 = arith.constant 0 : i32
      %dma_start3A_116 = arith.constant 0 : i32
      %dma_start3A_117 = tpu.memref_slice %arg10[%dma_start3A_115, %dma_start3A_116] : memref<10240x128xf32, #tpu.memory_space<vmem_shared>> -> memref<10240x128xf32, #tpu.memory_space<vmem_shared>>
      tpu.enqueue_indirect_dma source(%arg8 : memref<128x128xf32, #tpu.memory_space<vmem>>) target(%dma_start3A_117 : memref<10240x128xf32, #tpu.memory_space<vmem_shared>>) offsets(%dma_start3A_114 : memref<128xi32, #tpu.memory_space<vmem>>) semaphore(%arg13 : memref<!tpu.dma_semaphore, #tpu.memory_space<semaphore_mem>>) {add = true}
      %dma_wait3A_118 = arith.constant 0 : i32
      %dma_wait3A_119 = arith.constant 0 : i32
      %dma_wait3A_120 = tpu.memref_slice %arg6[%dma_wait3A_118, %dma_wait3A_119] : memref<48x128xi32, #tpu.memory_space<vmem>> -> memref<1x128xi32, #tpu.memory_space<vmem>>
      %dma_wait3A_121 = tpu.memref_squeeze %dma_wait3A_120 : memref<1x128xi32, #tpu.memory_space<vmem>> -> memref<128xi32, #tpu.memory_space<vmem>>
      %dma_wait3A_122 = arith.constant 0 : i32
      %dma_wait3A_123 = arith.constant 0 : i32
      %dma_wait3A_124 = tpu.memref_slice %arg2[%dma_wait3A_122, %dma_wait3A_123] : memref<10000x128xf32, #tpu.memory_space<hbm>> -> memref<10000x128xf32, #tpu.memory_space<hbm>>
      tpu.wait_indirect_dma semaphore(%arg12 : memref<!tpu.dma_semaphore, #tpu.memory_space<semaphore_mem>>) src(%dma_wait3A_124 : memref<10000x128xf32, #tpu.memory_space<hbm>>) dst(%arg9 : memref<128x128xf32, #tpu.memory_space<vmem>>)
      %add3A_125 = arith.constant 1 : i32
      %add3A_126 = arith.addi %sub3A_103, %add3A_125 : i32
      %dma_start3A_127 = arith.constant 0 : i32
      %dma_start3A_128 = tpu.memref_slice %arg7[%add3A_126, %dma_start3A_127] : memref<48x128xi32, #tpu.memory_space<vmem>> -> memref<1x128xi32, #tpu.memory_space<vmem>>
      %dma_start3A_129 = tpu.memref_squeeze %dma_start3A_128 : memref<1x128xi32, #tpu.memory_space<vmem>> -> memref<128xi32, #tpu.memory_space<vmem>>
      %dma_start3A_130 = arith.constant 0 : i32
      %dma_start3A_131 = arith.constant 0 : i32
      %dma_start3A_132 = tpu.memref_slice %arg10[%dma_start3A_130, %dma_start3A_131] : memref<10240x128xf32, #tpu.memory_space<vmem_shared>> -> memref<10240x128xf32, #tpu.memory_space<vmem_shared>>
      tpu.enqueue_indirect_dma source(%arg9 : memref<128x128xf32, #tpu.memory_space<vmem>>) target(%dma_start3A_132 : memref<10240x128xf32, #tpu.memory_space<vmem_shared>>) offsets(%dma_start3A_129 : memref<128xi32, #tpu.memory_space<vmem>>) semaphore(%arg14 : memref<!tpu.dma_semaphore, #tpu.memory_space<semaphore_mem>>) {add = true}
      %dma_wait3A_133 = arith.constant 0 : i32
      %dma_wait3A_134 = arith.constant 0 : i32
      %dma_wait3A_135 = tpu.memref_slice %arg7[%dma_wait3A_133, %dma_wait3A_134] : memref<48x128xi32, #tpu.memory_space<vmem>> -> memref<1x128xi32, #tpu.memory_space<vmem>>
      %dma_wait3A_136 = tpu.memref_squeeze %dma_wait3A_135 : memref<1x128xi32, #tpu.memory_space<vmem>> -> memref<128xi32, #tpu.memory_space<vmem>>
      %dma_wait3A_137 = arith.constant 0 : i32
      %dma_wait3A_138 = arith.constant 0 : i32
      %dma_wait3A_139 = tpu.memref_slice %arg10[%dma_wait3A_137, %dma_wait3A_138] : memref<10240x128xf32, #tpu.memory_space<vmem_shared>> -> memref<10240x128xf32, #tpu.memory_space<vmem_shared>>
      tpu.wait_indirect_dma semaphore(%arg13 : memref<!tpu.dma_semaphore, #tpu.memory_space<semaphore_mem>>) src(%arg8 : memref<128x128xf32, #tpu.memory_space<vmem>>) dst(%dma_wait3A_139 : memref<10240x128xf32, #tpu.memory_space<vmem_shared>>)
      %dma_wait3A_140 = arith.constant 0 : i32
      %dma_wait3A_141 = arith.constant 0 : i32
      %dma_wait3A_142 = tpu.memref_slice %arg7[%dma_wait3A_140, %dma_wait3A_141] : memref<48x128xi32, #tpu.memory_space<vmem>> -> memref<1x128xi32, #tpu.memory_space<vmem>>
      %dma_wait3A_143 = tpu.memref_squeeze %dma_wait3A_142 : memref<1x128xi32, #tpu.memory_space<vmem>> -> memref<128xi32, #tpu.memory_space<vmem>>
      %dma_wait3A_144 = arith.constant 0 : i32
      %dma_wait3A_145 = arith.constant 0 : i32
      %dma_wait3A_146 = tpu.memref_slice %arg10[%dma_wait3A_144, %dma_wait3A_145] : memref<10240x128xf32, #tpu.memory_space<vmem_shared>> -> memref<10240x128xf32, #tpu.memory_space<vmem_shared>>
      tpu.wait_indirect_dma semaphore(%arg14 : memref<!tpu.dma_semaphore, #tpu.memory_space<semaphore_mem>>) src(%arg9 : memref<128x128xf32, #tpu.memory_space<vmem>>) dst(%dma_wait3A_146 : memref<10240x128xf32, #tpu.memory_space<vmem_shared>>)
    } else {
    }
    %gt3A_47 = arith.constant 2 : i32
    %gt3A_48 = arith.cmpi sgt, %select_n3A_6, %gt3A_47 : i32
    %convert_element_type3A_49 = arith.extui %gt3A_48 : i1 to i32
    %cond3A_50 = arith.constant 0 : i32
    %cond3A_51 = arith.cmpi ne, %convert_element_type3A_49, %cond3A_50 : i32
    scf.if %cond3A_51 {
      %mul3A_57 = arith.constant 2 : i32
      %mul3A_58 = arith.muli %mul3A_57, %select_n3A : i32
      %add3A_59 = arith.addi %select_n3A_13, %mul3A_58 : i32
      %multiple_of3A = tpu.assume_multiple %add3A_59, 8 : i32
      "tpu.region"() ({
        %run_scoped3A = tpu.sem_alloc : memref<!tpu.dma_semaphore, #tpu.memory_space<semaphore_mem>>
        %dma_start3A_147 = arith.constant 0 : i32
        %dma_start3A_148 = tpu.memref_slice %arg3[%multiple_of3A, %dma_start3A_147] : memref<2688x128xi32, #tpu.memory_space<hbm>> -> memref<48x128xi32, #tpu.memory_space<hbm>>
        %dma_start3A_149 = arith.constant 0 : i32
        %dma_start3A_150 = tpu.memref_slice %arg3[%multiple_of3A, %dma_start3A_149] : memref<2688x128xi32, #tpu.memory_space<hbm>> -> memref<48x128xi32, #tpu.memory_space<hbm>>
        tpu.enqueue_dma source(%dma_start3A_150 : memref<48x128xi32, #tpu.memory_space<hbm>>) target(%arg6 : memref<48x128xi32, #tpu.memory_space<vmem>>) target_semaphore(%run_scoped3A : memref<!tpu.dma_semaphore, #tpu.memory_space<semaphore_mem>>)
        %dma_wait3A_151 = arith.constant 0 : i32
        %dma_wait3A_152 = tpu.memref_slice %arg3[%multiple_of3A, %dma_wait3A_151] : memref<2688x128xi32, #tpu.memory_space<hbm>> -> memref<48x128xi32, #tpu.memory_space<hbm>>
        %dma_wait3A_153 = arith.constant 0 : i32
        %dma_wait3A_154 = tpu.memref_slice %arg3[%multiple_of3A, %dma_wait3A_153] : memref<2688x128xi32, #tpu.memory_space<hbm>> -> memref<48x128xi32, #tpu.memory_space<hbm>>
        tpu.wait_dma2 semaphore(%run_scoped3A : memref<!tpu.dma_semaphore, #tpu.memory_space<semaphore_mem>>) src(%dma_wait3A_154 : memref<48x128xi32, #tpu.memory_space<hbm>>) dst(%arg6 : memref<48x128xi32, #tpu.memory_space<vmem>>)
        tpu.yield
      }) : () -> ()
      "tpu.region"() ({
        %run_scoped3A = tpu.sem_alloc : memref<!tpu.dma_semaphore, #tpu.memory_space<semaphore_mem>>
        %dma_start3A_147 = arith.constant 0 : i32
        %dma_start3A_148 = tpu.memref_slice %arg4[%multiple_of3A, %dma_start3A_147] : memref<2688x128xi32, #tpu.memory_space<hbm>> -> memref<48x128xi32, #tpu.memory_space<hbm>>
        %dma_start3A_149 = arith.constant 0 : i32
        %dma_start3A_150 = tpu.memref_slice %arg4[%multiple_of3A, %dma_start3A_149] : memref<2688x128xi32, #tpu.memory_space<hbm>> -> memref<48x128xi32, #tpu.memory_space<hbm>>
        tpu.enqueue_dma source(%dma_start3A_150 : memref<48x128xi32, #tpu.memory_space<hbm>>) target(%arg7 : memref<48x128xi32, #tpu.memory_space<vmem>>) target_semaphore(%run_scoped3A : memref<!tpu.dma_semaphore, #tpu.memory_space<semaphore_mem>>)
        %dma_wait3A_151 = arith.constant 0 : i32
        %dma_wait3A_152 = tpu.memref_slice %arg4[%multiple_of3A, %dma_wait3A_151] : memref<2688x128xi32, #tpu.memory_space<hbm>> -> memref<48x128xi32, #tpu.memory_space<hbm>>
        %dma_wait3A_153 = arith.constant 0 : i32
        %dma_wait3A_154 = tpu.memref_slice %arg4[%multiple_of3A, %dma_wait3A_153] : memref<2688x128xi32, #tpu.memory_space<hbm>> -> memref<48x128xi32, #tpu.memory_space<hbm>>
        tpu.wait_dma2 semaphore(%run_scoped3A : memref<!tpu.dma_semaphore, #tpu.memory_space<semaphore_mem>>) src(%dma_wait3A_154 : memref<48x128xi32, #tpu.memory_space<hbm>>) dst(%arg7 : memref<48x128xi32, #tpu.memory_space<vmem>>)
        tpu.yield
      }) : () -> ()
      %dma_start3A = arith.constant 0 : i32
      %dma_start3A_60 = arith.constant 0 : i32
      %dma_start3A_61 = tpu.memref_slice %arg6[%dma_start3A, %dma_start3A_60] : memref<48x128xi32, #tpu.memory_space<vmem>> -> memref<1x128xi32, #tpu.memory_space<vmem>>
      %dma_start3A_62 = tpu.memref_squeeze %dma_start3A_61 : memref<1x128xi32, #tpu.memory_space<vmem>> -> memref<128xi32, #tpu.memory_space<vmem>>
      %dma_start3A_63 = arith.constant 0 : i32
      %dma_start3A_64 = arith.constant 0 : i32
      %dma_start3A_65 = tpu.memref_slice %arg2[%dma_start3A_63, %dma_start3A_64] : memref<10000x128xf32, #tpu.memory_space<hbm>> -> memref<10000x128xf32, #tpu.memory_space<hbm>>
      tpu.enqueue_indirect_dma source(%dma_start3A_65 : memref<10000x128xf32, #tpu.memory_space<hbm>>) target(%arg8 : memref<128x128xf32, #tpu.memory_space<vmem>>) offsets(%dma_start3A_62 : memref<128xi32, #tpu.memory_space<vmem>>) semaphore(%arg11 : memref<!tpu.dma_semaphore, #tpu.memory_space<semaphore_mem>>)
      %dma_start3A_66 = arith.constant 1 : i32
      %dma_start3A_67 = arith.constant 0 : i32
      %dma_start3A_68 = tpu.memref_slice %arg6[%dma_start3A_66, %dma_start3A_67] : memref<48x128xi32, #tpu.memory_space<vmem>> -> memref<1x128xi32, #tpu.memory_space<vmem>>
      %dma_start3A_69 = tpu.memref_squeeze %dma_start3A_68 : memref<1x128xi32, #tpu.memory_space<vmem>> -> memref<128xi32, #tpu.memory_space<vmem>>
      %dma_start3A_70 = arith.constant 0 : i32
      %dma_start3A_71 = arith.constant 0 : i32
      %dma_start3A_72 = tpu.memref_slice %arg2[%dma_start3A_70, %dma_start3A_71] : memref<10000x128xf32, #tpu.memory_space<hbm>> -> memref<10000x128xf32, #tpu.memory_space<hbm>>
      tpu.enqueue_indirect_dma source(%dma_start3A_72 : memref<10000x128xf32, #tpu.memory_space<hbm>>) target(%arg9 : memref<128x128xf32, #tpu.memory_space<vmem>>) offsets(%dma_start3A_69 : memref<128xi32, #tpu.memory_space<vmem>>) semaphore(%arg12 : memref<!tpu.dma_semaphore, #tpu.memory_space<semaphore_mem>>)
      %jit3A_73 = arith.constant 2 : i32
      %div3A = arith.divsi %select_n3A, %jit3A_73 : i32
      %sign3A = arith.constant 0 : i32
      %sign3A_74 = arith.cmpi sgt, %select_n3A, %sign3A : i32
      %sign3A_75 = arith.extui %sign3A_74 : i1 to i32
      %sign3A_76 = arith.constant 0 : i32
      %sign3A_77 = arith.cmpi slt, %select_n3A, %sign3A_76 : i32
      %sign3A_78 = arith.extui %sign3A_77 : i1 to i32
      %sign3A_79 = arith.subi %sign3A_75, %sign3A_78 : i32
      %sign3A_80 = arith.constant 0 : i32
      %sign3A_81 = arith.cmpi sgt, %jit3A_73, %sign3A_80 : i32
      %sign3A_82 = arith.extui %sign3A_81 : i1 to i32
      %sign3A_83 = arith.constant 0 : i32
      %sign3A_84 = arith.cmpi slt, %jit3A_73, %sign3A_83 : i32
      %sign3A_85 = arith.extui %sign3A_84 : i1 to i32
      %sign3A_86 = arith.subi %sign3A_82, %sign3A_85 : i32
      %ne3A = arith.cmpi ne, %sign3A_79, %sign3A_86 : i32
      %rem3A = arith.remsi %select_n3A, %jit3A_73 : i32
      %ne3A_87 = arith.constant 0 : i32
      %ne3A_88 = arith.cmpi ne, %rem3A, %ne3A_87 : i32
      %and3A = arith.andi %ne3A, %ne3A_88 : i1
      %sub3A = arith.constant 1 : i32
      %sub3A_89 = arith.subi %div3A, %sub3A : i32
      %select_n3A_90 = arith.select %and3A, %sub3A_89, %div3A : i32
      %sub3A_91 = arith.constant 1 : i32
      %sub3A_92 = arith.subi %select_n3A_90, %sub3A_91 : i32
      %while3A = arith.constant 0 : i32
      %while3A_93 = arith.constant 0 : i32
      %while3A_94 = arith.subi %sub3A_92, %while3A_93 : i32
      %while3A_95 = arith.addi %while3A_93, %while3A_94 : i32
      %while3A_96 = arith.constant 1 : i32
      %while3A_97 = arith.divsi %while3A_94, %while3A_96 : i32
      %while3A_98 = arith.muli %while3A_97, %while3A_96 : i32
      %while3A_99 = arith.addi %while3A_93, %while3A_98 : i32
      %while3A_100 = arith.constant 1 : i32
      scf.for %while3A_147 = %while3A_93 to %while3A_99 step %while3A_100  : i32 {
        %mul3A_148 = arith.constant 2 : i32
        %mul3A_149 = arith.muli %while3A_147, %mul3A_148 : i32
        %dma_wait3A_150 = arith.constant 0 : i32
        %dma_wait3A_151 = arith.constant 0 : i32
        %dma_wait3A_152 = tpu.memref_slice %arg6[%dma_wait3A_150, %dma_wait3A_151] : memref<48x128xi32, #tpu.memory_space<vmem>> -> memref<1x128xi32, #tpu.memory_space<vmem>>
        %dma_wait3A_153 = tpu.memref_squeeze %dma_wait3A_152 : memref<1x128xi32, #tpu.memory_space<vmem>> -> memref<128xi32, #tpu.memory_space<vmem>>
        %dma_wait3A_154 = arith.constant 0 : i32
        %dma_wait3A_155 = arith.constant 0 : i32
        %dma_wait3A_156 = tpu.memref_slice %arg2[%dma_wait3A_154, %dma_wait3A_155] : memref<10000x128xf32, #tpu.memory_space<hbm>> -> memref<10000x128xf32, #tpu.memory_space<hbm>>
        tpu.wait_indirect_dma semaphore(%arg11 : memref<!tpu.dma_semaphore, #tpu.memory_space<semaphore_mem>>) src(%dma_wait3A_156 : memref<10000x128xf32, #tpu.memory_space<hbm>>) dst(%arg8 : memref<128x128xf32, #tpu.memory_space<vmem>>)
        %add3A_157 = arith.constant 0 : i32
        %add3A_158 = arith.addi %mul3A_149, %add3A_157 : i32
        %dma_start3A_159 = arith.constant 0 : i32
        %dma_start3A_160 = tpu.memref_slice %arg7[%add3A_158, %dma_start3A_159] : memref<48x128xi32, #tpu.memory_space<vmem>> -> memref<1x128xi32, #tpu.memory_space<vmem>>
        %dma_start3A_161 = tpu.memref_squeeze %dma_start3A_160 : memref<1x128xi32, #tpu.memory_space<vmem>> -> memref<128xi32, #tpu.memory_space<vmem>>
        %dma_start3A_162 = arith.constant 0 : i32
        %dma_start3A_163 = arith.constant 0 : i32
        %dma_start3A_164 = tpu.memref_slice %arg10[%dma_start3A_162, %dma_start3A_163] : memref<10240x128xf32, #tpu.memory_space<vmem_shared>> -> memref<10240x128xf32, #tpu.memory_space<vmem_shared>>
        tpu.enqueue_indirect_dma source(%arg8 : memref<128x128xf32, #tpu.memory_space<vmem>>) target(%dma_start3A_164 : memref<10240x128xf32, #tpu.memory_space<vmem_shared>>) offsets(%dma_start3A_161 : memref<128xi32, #tpu.memory_space<vmem>>) semaphore(%arg13 : memref<!tpu.dma_semaphore, #tpu.memory_space<semaphore_mem>>) {add = true}
        %dma_wait3A_165 = arith.constant 0 : i32
        %dma_wait3A_166 = arith.constant 0 : i32
        %dma_wait3A_167 = tpu.memref_slice %arg6[%dma_wait3A_165, %dma_wait3A_166] : memref<48x128xi32, #tpu.memory_space<vmem>> -> memref<1x128xi32, #tpu.memory_space<vmem>>
        %dma_wait3A_168 = tpu.memref_squeeze %dma_wait3A_167 : memref<1x128xi32, #tpu.memory_space<vmem>> -> memref<128xi32, #tpu.memory_space<vmem>>
        %dma_wait3A_169 = arith.constant 0 : i32
        %dma_wait3A_170 = arith.constant 0 : i32
        %dma_wait3A_171 = tpu.memref_slice %arg2[%dma_wait3A_169, %dma_wait3A_170] : memref<10000x128xf32, #tpu.memory_space<hbm>> -> memref<10000x128xf32, #tpu.memory_space<hbm>>
        tpu.wait_indirect_dma semaphore(%arg12 : memref<!tpu.dma_semaphore, #tpu.memory_space<semaphore_mem>>) src(%dma_wait3A_171 : memref<10000x128xf32, #tpu.memory_space<hbm>>) dst(%arg9 : memref<128x128xf32, #tpu.memory_space<vmem>>)
        %add3A_172 = arith.constant 1 : i32
        %add3A_173 = arith.addi %mul3A_149, %add3A_172 : i32
        %dma_start3A_174 = arith.constant 0 : i32
        %dma_start3A_175 = tpu.memref_slice %arg7[%add3A_173, %dma_start3A_174] : memref<48x128xi32, #tpu.memory_space<vmem>> -> memref<1x128xi32, #tpu.memory_space<vmem>>
        %dma_start3A_176 = tpu.memref_squeeze %dma_start3A_175 : memref<1x128xi32, #tpu.memory_space<vmem>> -> memref<128xi32, #tpu.memory_space<vmem>>
        %dma_start3A_177 = arith.constant 0 : i32
        %dma_start3A_178 = arith.constant 0 : i32
        %dma_start3A_179 = tpu.memref_slice %arg10[%dma_start3A_177, %dma_start3A_178] : memref<10240x128xf32, #tpu.memory_space<vmem_shared>> -> memref<10240x128xf32, #tpu.memory_space<vmem_shared>>
        tpu.enqueue_indirect_dma source(%arg9 : memref<128x128xf32, #tpu.memory_space<vmem>>) target(%dma_start3A_179 : memref<10240x128xf32, #tpu.memory_space<vmem_shared>>) offsets(%dma_start3A_176 : memref<128xi32, #tpu.memory_space<vmem>>) semaphore(%arg14 : memref<!tpu.dma_semaphore, #tpu.memory_space<semaphore_mem>>) {add = true}
        %dma_wait3A_180 = arith.constant 0 : i32
        %dma_wait3A_181 = arith.constant 0 : i32
        %dma_wait3A_182 = tpu.memref_slice %arg7[%dma_wait3A_180, %dma_wait3A_181] : memref<48x128xi32, #tpu.memory_space<vmem>> -> memref<1x128xi32, #tpu.memory_space<vmem>>
        %dma_wait3A_183 = tpu.memref_squeeze %dma_wait3A_182 : memref<1x128xi32, #tpu.memory_space<vmem>> -> memref<128xi32, #tpu.memory_space<vmem>>
        %dma_wait3A_184 = arith.constant 0 : i32
        %dma_wait3A_185 = arith.constant 0 : i32
        %dma_wait3A_186 = tpu.memref_slice %arg10[%dma_wait3A_184, %dma_wait3A_185] : memref<10240x128xf32, #tpu.memory_space<vmem_shared>> -> memref<10240x128xf32, #tpu.memory_space<vmem_shared>>
        tpu.wait_indirect_dma semaphore(%arg13 : memref<!tpu.dma_semaphore, #tpu.memory_space<semaphore_mem>>) src(%arg8 : memref<128x128xf32, #tpu.memory_space<vmem>>) dst(%dma_wait3A_186 : memref<10240x128xf32, #tpu.memory_space<vmem_shared>>)
        %add3A_187 = arith.constant 2 : i32
        %add3A_188 = arith.addi %mul3A_149, %add3A_187 : i32
        %add3A_189 = arith.constant 0 : i32
        %add3A_190 = arith.addi %add3A_188, %add3A_189 : i32
        %dma_start3A_191 = arith.constant 0 : i32
        %dma_start3A_192 = tpu.memref_slice %arg6[%add3A_190, %dma_start3A_191] : memref<48x128xi32, #tpu.memory_space<vmem>> -> memref<1x128xi32, #tpu.memory_space<vmem>>
        %dma_start3A_193 = tpu.memref_squeeze %dma_start3A_192 : memref<1x128xi32, #tpu.memory_space<vmem>> -> memref<128xi32, #tpu.memory_space<vmem>>
        %dma_start3A_194 = arith.constant 0 : i32
        %dma_start3A_195 = arith.constant 0 : i32
        %dma_start3A_196 = tpu.memref_slice %arg2[%dma_start3A_194, %dma_start3A_195] : memref<10000x128xf32, #tpu.memory_space<hbm>> -> memref<10000x128xf32, #tpu.memory_space<hbm>>
        tpu.enqueue_indirect_dma source(%dma_start3A_196 : memref<10000x128xf32, #tpu.memory_space<hbm>>) target(%arg8 : memref<128x128xf32, #tpu.memory_space<vmem>>) offsets(%dma_start3A_193 : memref<128xi32, #tpu.memory_space<vmem>>) semaphore(%arg11 : memref<!tpu.dma_semaphore, #tpu.memory_space<semaphore_mem>>)
        %dma_wait3A_197 = arith.constant 0 : i32
        %dma_wait3A_198 = arith.constant 0 : i32
        %dma_wait3A_199 = tpu.memref_slice %arg7[%dma_wait3A_197, %dma_wait3A_198] : memref<48x128xi32, #tpu.memory_space<vmem>> -> memref<1x128xi32, #tpu.memory_space<vmem>>
        %dma_wait3A_200 = tpu.memref_squeeze %dma_wait3A_199 : memref<1x128xi32, #tpu.memory_space<vmem>> -> memref<128xi32, #tpu.memory_space<vmem>>
        %dma_wait3A_201 = arith.constant 0 : i32
        %dma_wait3A_202 = arith.constant 0 : i32
        %dma_wait3A_203 = tpu.memref_slice %arg10[%dma_wait3A_201, %dma_wait3A_202] : memref<10240x128xf32, #tpu.memory_space<vmem_shared>> -> memref<10240x128xf32, #tpu.memory_space<vmem_shared>>
        tpu.wait_indirect_dma semaphore(%arg14 : memref<!tpu.dma_semaphore, #tpu.memory_space<semaphore_mem>>) src(%arg9 : memref<128x128xf32, #tpu.memory_space<vmem>>) dst(%dma_wait3A_203 : memref<10240x128xf32, #tpu.memory_space<vmem_shared>>)
        %add3A_204 = arith.constant 2 : i32
        %add3A_205 = arith.addi %mul3A_149, %add3A_204 : i32
        %add3A_206 = arith.constant 1 : i32
        %add3A_207 = arith.addi %add3A_205, %add3A_206 : i32
        %dma_start3A_208 = arith.constant 0 : i32
        %dma_start3A_209 = tpu.memref_slice %arg6[%add3A_207, %dma_start3A_208] : memref<48x128xi32, #tpu.memory_space<vmem>> -> memref<1x128xi32, #tpu.memory_space<vmem>>
        %dma_start3A_210 = tpu.memref_squeeze %dma_start3A_209 : memref<1x128xi32, #tpu.memory_space<vmem>> -> memref<128xi32, #tpu.memory_space<vmem>>
        %dma_start3A_211 = arith.constant 0 : i32
        %dma_start3A_212 = arith.constant 0 : i32
        %dma_start3A_213 = tpu.memref_slice %arg2[%dma_start3A_211, %dma_start3A_212] : memref<10000x128xf32, #tpu.memory_space<hbm>> -> memref<10000x128xf32, #tpu.memory_space<hbm>>
        tpu.enqueue_indirect_dma source(%dma_start3A_213 : memref<10000x128xf32, #tpu.memory_space<hbm>>) target(%arg9 : memref<128x128xf32, #tpu.memory_space<vmem>>) offsets(%dma_start3A_210 : memref<128xi32, #tpu.memory_space<vmem>>) semaphore(%arg12 : memref<!tpu.dma_semaphore, #tpu.memory_space<semaphore_mem>>)
      }
      %while3A_101 = arith.constant 1 : i32
      scf.for %while3A_147 = %while3A_99 to %while3A_95 step %while3A_101  : i32 {
        %mul3A_148 = arith.constant 2 : i32
        %mul3A_149 = arith.muli %while3A_147, %mul3A_148 : i32
        %dma_wait3A_150 = arith.constant 0 : i32
        %dma_wait3A_151 = arith.constant 0 : i32
        %dma_wait3A_152 = tpu.memref_slice %arg6[%dma_wait3A_150, %dma_wait3A_151] : memref<48x128xi32, #tpu.memory_space<vmem>> -> memref<1x128xi32, #tpu.memory_space<vmem>>
        %dma_wait3A_153 = tpu.memref_squeeze %dma_wait3A_152 : memref<1x128xi32, #tpu.memory_space<vmem>> -> memref<128xi32, #tpu.memory_space<vmem>>
        %dma_wait3A_154 = arith.constant 0 : i32
        %dma_wait3A_155 = arith.constant 0 : i32
        %dma_wait3A_156 = tpu.memref_slice %arg2[%dma_wait3A_154, %dma_wait3A_155] : memref<10000x128xf32, #tpu.memory_space<hbm>> -> memref<10000x128xf32, #tpu.memory_space<hbm>>
        tpu.wait_indirect_dma semaphore(%arg11 : memref<!tpu.dma_semaphore, #tpu.memory_space<semaphore_mem>>) src(%dma_wait3A_156 : memref<10000x128xf32, #tpu.memory_space<hbm>>) dst(%arg8 : memref<128x128xf32, #tpu.memory_space<vmem>>)
        %add3A_157 = arith.constant 0 : i32
        %add3A_158 = arith.addi %mul3A_149, %add3A_157 : i32
        %dma_start3A_159 = arith.constant 0 : i32
        %dma_start3A_160 = tpu.memref_slice %arg7[%add3A_158, %dma_start3A_159] : memref<48x128xi32, #tpu.memory_space<vmem>> -> memref<1x128xi32, #tpu.memory_space<vmem>>
        %dma_start3A_161 = tpu.memref_squeeze %dma_start3A_160 : memref<1x128xi32, #tpu.memory_space<vmem>> -> memref<128xi32, #tpu.memory_space<vmem>>
        %dma_start3A_162 = arith.constant 0 : i32
        %dma_start3A_163 = arith.constant 0 : i32
        %dma_start3A_164 = tpu.memref_slice %arg10[%dma_start3A_162, %dma_start3A_163] : memref<10240x128xf32, #tpu.memory_space<vmem_shared>> -> memref<10240x128xf32, #tpu.memory_space<vmem_shared>>
        tpu.enqueue_indirect_dma source(%arg8 : memref<128x128xf32, #tpu.memory_space<vmem>>) target(%dma_start3A_164 : memref<10240x128xf32, #tpu.memory_space<vmem_shared>>) offsets(%dma_start3A_161 : memref<128xi32, #tpu.memory_space<vmem>>) semaphore(%arg13 : memref<!tpu.dma_semaphore, #tpu.memory_space<semaphore_mem>>) {add = true}
        %dma_wait3A_165 = arith.constant 0 : i32
        %dma_wait3A_166 = arith.constant 0 : i32
        %dma_wait3A_167 = tpu.memref_slice %arg6[%dma_wait3A_165, %dma_wait3A_166] : memref<48x128xi32, #tpu.memory_space<vmem>> -> memref<1x128xi32, #tpu.memory_space<vmem>>
        %dma_wait3A_168 = tpu.memref_squeeze %dma_wait3A_167 : memref<1x128xi32, #tpu.memory_space<vmem>> -> memref<128xi32, #tpu.memory_space<vmem>>
        %dma_wait3A_169 = arith.constant 0 : i32
        %dma_wait3A_170 = arith.constant 0 : i32
        %dma_wait3A_171 = tpu.memref_slice %arg2[%dma_wait3A_169, %dma_wait3A_170] : memref<10000x128xf32, #tpu.memory_space<hbm>> -> memref<10000x128xf32, #tpu.memory_space<hbm>>
        tpu.wait_indirect_dma semaphore(%arg12 : memref<!tpu.dma_semaphore, #tpu.memory_space<semaphore_mem>>) src(%dma_wait3A_171 : memref<10000x128xf32, #tpu.memory_space<hbm>>) dst(%arg9 : memref<128x128xf32, #tpu.memory_space<vmem>>)
        %add3A_172 = arith.constant 1 : i32
        %add3A_173 = arith.addi %mul3A_149, %add3A_172 : i32
        %dma_start3A_174 = arith.constant 0 : i32
        %dma_start3A_175 = tpu.memref_slice %arg7[%add3A_173, %dma_start3A_174] : memref<48x128xi32, #tpu.memory_space<vmem>> -> memref<1x128xi32, #tpu.memory_space<vmem>>
        %dma_start3A_176 = tpu.memref_squeeze %dma_start3A_175 : memref<1x128xi32, #tpu.memory_space<vmem>> -> memref<128xi32, #tpu.memory_space<vmem>>
        %dma_start3A_177 = arith.constant 0 : i32
        %dma_start3A_178 = arith.constant 0 : i32
        %dma_start3A_179 = tpu.memref_slice %arg10[%dma_start3A_177, %dma_start3A_178] : memref<10240x128xf32, #tpu.memory_space<vmem_shared>> -> memref<10240x128xf32, #tpu.memory_space<vmem_shared>>
        tpu.enqueue_indirect_dma source(%arg9 : memref<128x128xf32, #tpu.memory_space<vmem>>) target(%dma_start3A_179 : memref<10240x128xf32, #tpu.memory_space<vmem_shared>>) offsets(%dma_start3A_176 : memref<128xi32, #tpu.memory_space<vmem>>) semaphore(%arg14 : memref<!tpu.dma_semaphore, #tpu.memory_space<semaphore_mem>>) {add = true}
        %dma_wait3A_180 = arith.constant 0 : i32
        %dma_wait3A_181 = arith.constant 0 : i32
        %dma_wait3A_182 = tpu.memref_slice %arg7[%dma_wait3A_180, %dma_wait3A_181] : memref<48x128xi32, #tpu.memory_space<vmem>> -> memref<1x128xi32, #tpu.memory_space<vmem>>
        %dma_wait3A_183 = tpu.memref_squeeze %dma_wait3A_182 : memref<1x128xi32, #tpu.memory_space<vmem>> -> memref<128xi32, #tpu.memory_space<vmem>>
        %dma_wait3A_184 = arith.constant 0 : i32
        %dma_wait3A_185 = arith.constant 0 : i32
        %dma_wait3A_186 = tpu.memref_slice %arg10[%dma_wait3A_184, %dma_wait3A_185] : memref<10240x128xf32, #tpu.memory_space<vmem_shared>> -> memref<10240x128xf32, #tpu.memory_space<vmem_shared>>
        tpu.wait_indirect_dma semaphore(%arg13 : memref<!tpu.dma_semaphore, #tpu.memory_space<semaphore_mem>>) src(%arg8 : memref<128x128xf32, #tpu.memory_space<vmem>>) dst(%dma_wait3A_186 : memref<10240x128xf32, #tpu.memory_space<vmem_shared>>)
        %add3A_187 = arith.constant 2 : i32
        %add3A_188 = arith.addi %mul3A_149, %add3A_187 : i32
        %add3A_189 = arith.constant 0 : i32
        %add3A_190 = arith.addi %add3A_188, %add3A_189 : i32
        %dma_start3A_191 = arith.constant 0 : i32
        %dma_start3A_192 = tpu.memref_slice %arg6[%add3A_190, %dma_start3A_191] : memref<48x128xi32, #tpu.memory_space<vmem>> -> memref<1x128xi32, #tpu.memory_space<vmem>>
        %dma_start3A_193 = tpu.memref_squeeze %dma_start3A_192 : memref<1x128xi32, #tpu.memory_space<vmem>> -> memref<128xi32, #tpu.memory_space<vmem>>
        %dma_start3A_194 = arith.constant 0 : i32
        %dma_start3A_195 = arith.constant 0 : i32
        %dma_start3A_196 = tpu.memref_slice %arg2[%dma_start3A_194, %dma_start3A_195] : memref<10000x128xf32, #tpu.memory_space<hbm>> -> memref<10000x128xf32, #tpu.memory_space<hbm>>
        tpu.enqueue_indirect_dma source(%dma_start3A_196 : memref<10000x128xf32, #tpu.memory_space<hbm>>) target(%arg8 : memref<128x128xf32, #tpu.memory_space<vmem>>) offsets(%dma_start3A_193 : memref<128xi32, #tpu.memory_space<vmem>>) semaphore(%arg11 : memref<!tpu.dma_semaphore, #tpu.memory_space<semaphore_mem>>)
        %dma_wait3A_197 = arith.constant 0 : i32
        %dma_wait3A_198 = arith.constant 0 : i32
        %dma_wait3A_199 = tpu.memref_slice %arg7[%dma_wait3A_197, %dma_wait3A_198] : memref<48x128xi32, #tpu.memory_space<vmem>> -> memref<1x128xi32, #tpu.memory_space<vmem>>
        %dma_wait3A_200 = tpu.memref_squeeze %dma_wait3A_199 : memref<1x128xi32, #tpu.memory_space<vmem>> -> memref<128xi32, #tpu.memory_space<vmem>>
        %dma_wait3A_201 = arith.constant 0 : i32
        %dma_wait3A_202 = arith.constant 0 : i32
        %dma_wait3A_203 = tpu.memref_slice %arg10[%dma_wait3A_201, %dma_wait3A_202] : memref<10240x128xf32, #tpu.memory_space<vmem_shared>> -> memref<10240x128xf32, #tpu.memory_space<vmem_shared>>
        tpu.wait_indirect_dma semaphore(%arg14 : memref<!tpu.dma_semaphore, #tpu.memory_space<semaphore_mem>>) src(%arg9 : memref<128x128xf32, #tpu.memory_space<vmem>>) dst(%dma_wait3A_203 : memref<10240x128xf32, #tpu.memory_space<vmem_shared>>)
        %add3A_204 = arith.constant 2 : i32
        %add3A_205 = arith.addi %mul3A_149, %add3A_204 : i32
        %add3A_206 = arith.constant 1 : i32
        %add3A_207 = arith.addi %add3A_205, %add3A_206 : i32
        %dma_start3A_208 = arith.constant 0 : i32
        %dma_start3A_209 = tpu.memref_slice %arg6[%add3A_207, %dma_start3A_208] : memref<48x128xi32, #tpu.memory_space<vmem>> -> memref<1x128xi32, #tpu.memory_space<vmem>>
        %dma_start3A_210 = tpu.memref_squeeze %dma_start3A_209 : memref<1x128xi32, #tpu.memory_space<vmem>> -> memref<128xi32, #tpu.memory_space<vmem>>
        %dma_start3A_211 = arith.constant 0 : i32
        %dma_start3A_212 = arith.constant 0 : i32
        %dma_start3A_213 = tpu.memref_slice %arg2[%dma_start3A_211, %dma_start3A_212] : memref<10000x128xf32, #tpu.memory_space<hbm>> -> memref<10000x128xf32, #tpu.memory_space<hbm>>
        tpu.enqueue_indirect_dma source(%dma_start3A_213 : memref<10000x128xf32, #tpu.memory_space<hbm>>) target(%arg9 : memref<128x128xf32, #tpu.memory_space<vmem>>) offsets(%dma_start3A_210 : memref<128xi32, #tpu.memory_space<vmem>>) semaphore(%arg12 : memref<!tpu.dma_semaphore, #tpu.memory_space<semaphore_mem>>)
      }
      %sub3A_102 = arith.constant 2 : i32
      %sub3A_103 = arith.subi %select_n3A, %sub3A_102 : i32
      %dma_wait3A = arith.constant 0 : i32
      %dma_wait3A_104 = arith.constant 0 : i32
      %dma_wait3A_105 = tpu.memref_slice %arg6[%dma_wait3A, %dma_wait3A_104] : memref<48x128xi32, #tpu.memory_space<vmem>> -> memref<1x128xi32, #tpu.memory_space<vmem>>
      %dma_wait3A_106 = tpu.memref_squeeze %dma_wait3A_105 : memref<1x128xi32, #tpu.memory_space<vmem>> -> memref<128xi32, #tpu.memory_space<vmem>>
      %dma_wait3A_107 = arith.constant 0 : i32
      %dma_wait3A_108 = arith.constant 0 : i32
      %dma_wait3A_109 = tpu.memref_slice %arg2[%dma_wait3A_107, %dma_wait3A_108] : memref<10000x128xf32, #tpu.memory_space<hbm>> -> memref<10000x128xf32, #tpu.memory_space<hbm>>
      tpu.wait_indirect_dma semaphore(%arg11 : memref<!tpu.dma_semaphore, #tpu.memory_space<semaphore_mem>>) src(%dma_wait3A_109 : memref<10000x128xf32, #tpu.memory_space<hbm>>) dst(%arg8 : memref<128x128xf32, #tpu.memory_space<vmem>>)
      %add3A_110 = arith.constant 0 : i32
      %add3A_111 = arith.addi %sub3A_103, %add3A_110 : i32
      %dma_start3A_112 = arith.constant 0 : i32
      %dma_start3A_113 = tpu.memref_slice %arg7[%add3A_111, %dma_start3A_112] : memref<48x128xi32, #tpu.memory_space<vmem>> -> memref<1x128xi32, #tpu.memory_space<vmem>>
      %dma_start3A_114 = tpu.memref_squeeze %dma_start3A_113 : memref<1x128xi32, #tpu.memory_space<vmem>> -> memref<128xi32, #tpu.memory_space<vmem>>
      %dma_start3A_115 = arith.constant 0 : i32
      %dma_start3A_116 = arith.constant 0 : i32
      %dma_start3A_117 = tpu.memref_slice %arg10[%dma_start3A_115, %dma_start3A_116] : memref<10240x128xf32, #tpu.memory_space<vmem_shared>> -> memref<10240x128xf32, #tpu.memory_space<vmem_shared>>
      tpu.enqueue_indirect_dma source(%arg8 : memref<128x128xf32, #tpu.memory_space<vmem>>) target(%dma_start3A_117 : memref<10240x128xf32, #tpu.memory_space<vmem_shared>>) offsets(%dma_start3A_114 : memref<128xi32, #tpu.memory_space<vmem>>) semaphore(%arg13 : memref<!tpu.dma_semaphore, #tpu.memory_space<semaphore_mem>>) {add = true}
      %dma_wait3A_118 = arith.constant 0 : i32
      %dma_wait3A_119 = arith.constant 0 : i32
      %dma_wait3A_120 = tpu.memref_slice %arg6[%dma_wait3A_118, %dma_wait3A_119] : memref<48x128xi32, #tpu.memory_space<vmem>> -> memref<1x128xi32, #tpu.memory_space<vmem>>
      %dma_wait3A_121 = tpu.memref_squeeze %dma_wait3A_120 : memref<1x128xi32, #tpu.memory_space<vmem>> -> memref<128xi32, #tpu.memory_space<vmem>>
      %dma_wait3A_122 = arith.constant 0 : i32
      %dma_wait3A_123 = arith.constant 0 : i32
      %dma_wait3A_124 = tpu.memref_slice %arg2[%dma_wait3A_122, %dma_wait3A_123] : memref<10000x128xf32, #tpu.memory_space<hbm>> -> memref<10000x128xf32, #tpu.memory_space<hbm>>
      tpu.wait_indirect_dma semaphore(%arg12 : memref<!tpu.dma_semaphore, #tpu.memory_space<semaphore_mem>>) src(%dma_wait3A_124 : memref<10000x128xf32, #tpu.memory_space<hbm>>) dst(%arg9 : memref<128x128xf32, #tpu.memory_space<vmem>>)
      %add3A_125 = arith.constant 1 : i32
      %add3A_126 = arith.addi %sub3A_103, %add3A_125 : i32
      %dma_start3A_127 = arith.constant 0 : i32
      %dma_start3A_128 = tpu.memref_slice %arg7[%add3A_126, %dma_start3A_127] : memref<48x128xi32, #tpu.memory_space<vmem>> -> memref<1x128xi32, #tpu.memory_space<vmem>>
      %dma_start3A_129 = tpu.memref_squeeze %dma_start3A_128 : memref<1x128xi32, #tpu.memory_space<vmem>> -> memref<128xi32, #tpu.memory_space<vmem>>
      %dma_start3A_130 = arith.constant 0 : i32
      %dma_start3A_131 = arith.constant 0 : i32
      %dma_start3A_132 = tpu.memref_slice %arg10[%dma_start3A_130, %dma_start3A_131] : memref<10240x128xf32, #tpu.memory_space<vmem_shared>> -> memref<10240x128xf32, #tpu.memory_space<vmem_shared>>
      tpu.enqueue_indirect_dma source(%arg9 : memref<128x128xf32, #tpu.memory_space<vmem>>) target(%dma_start3A_132 : memref<10240x128xf32, #tpu.memory_space<vmem_shared>>) offsets(%dma_start3A_129 : memref<128xi32, #tpu.memory_space<vmem>>) semaphore(%arg14 : memref<!tpu.dma_semaphore, #tpu.memory_space<semaphore_mem>>) {add = true}
      %dma_wait3A_133 = arith.constant 0 : i32
      %dma_wait3A_134 = arith.constant 0 : i32
      %dma_wait3A_135 = tpu.memref_slice %arg7[%dma_wait3A_133, %dma_wait3A_134] : memref<48x128xi32, #tpu.memory_space<vmem>> -> memref<1x128xi32, #tpu.memory_space<vmem>>
      %dma_wait3A_136 = tpu.memref_squeeze %dma_wait3A_135 : memref<1x128xi32, #tpu.memory_space<vmem>> -> memref<128xi32, #tpu.memory_space<vmem>>
      %dma_wait3A_137 = arith.constant 0 : i32
      %dma_wait3A_138 = arith.constant 0 : i32
      %dma_wait3A_139 = tpu.memref_slice %arg10[%dma_wait3A_137, %dma_wait3A_138] : memref<10240x128xf32, #tpu.memory_space<vmem_shared>> -> memref<10240x128xf32, #tpu.memory_space<vmem_shared>>
      tpu.wait_indirect_dma semaphore(%arg13 : memref<!tpu.dma_semaphore, #tpu.memory_space<semaphore_mem>>) src(%arg8 : memref<128x128xf32, #tpu.memory_space<vmem>>) dst(%dma_wait3A_139 : memref<10240x128xf32, #tpu.memory_space<vmem_shared>>)
      %dma_wait3A_140 = arith.constant 0 : i32
      %dma_wait3A_141 = arith.constant 0 : i32
      %dma_wait3A_142 = tpu.memref_slice %arg7[%dma_wait3A_140, %dma_wait3A_141] : memref<48x128xi32, #tpu.memory_space<vmem>> -> memref<1x128xi32, #tpu.memory_space<vmem>>
      %dma_wait3A_143 = tpu.memref_squeeze %dma_wait3A_142 : memref<1x128xi32, #tpu.memory_space<vmem>> -> memref<128xi32, #tpu.memory_space<vmem>>
      %dma_wait3A_144 = arith.constant 0 : i32
      %dma_wait3A_145 = arith.constant 0 : i32
      %dma_wait3A_146 = tpu.memref_slice %arg10[%dma_wait3A_144, %dma_wait3A_145] : memref<10240x128xf32, #tpu.memory_space<vmem_shared>> -> memref<10240x128xf32, #tpu.memory_space<vmem_shared>>
      tpu.wait_indirect_dma semaphore(%arg14 : memref<!tpu.dma_semaphore, #tpu.memory_space<semaphore_mem>>) src(%arg9 : memref<128x128xf32, #tpu.memory_space<vmem>>) dst(%dma_wait3A_146 : memref<10240x128xf32, #tpu.memory_space<vmem_shared>>)
    } else {
    }
    %barrier3A_52 = arith.constant 0 : index
    tpu.barrier barrier_id(%barrier3A_52)
    %mul3A_53 = arith.constant 640 : i32
    %mul3A_54 = arith.muli %arg1, %mul3A_53 : i32
    %mul3A_55 = arith.constant 640 : i32
    %mul3A_56 = arith.muli %arg1, %mul3A_55 : i32
    "tpu.region"() ({
      %run_scoped3A = tpu.sem_alloc : memref<!tpu.dma_semaphore, #tpu.memory_space<semaphore_mem>>
      %dma_start3A = arith.constant 0 : i32
      %dma_start3A_57 = tpu.memref_slice %arg5[%arg0, %mul3A_56, %dma_start3A] : memref<2x10240x128xf32, #tpu.memory_space<hbm>> -> memref<1x640x128xf32, #tpu.memory_space<hbm>>
      %dma_start3A_58 = tpu.memref_squeeze %dma_start3A_57 : memref<1x640x128xf32, #tpu.memory_space<hbm>> -> memref<640x128xf32, #tpu.memory_space<hbm>>
      %dma_start3A_59 = arith.constant 0 : i32
      %dma_start3A_60 = tpu.memref_slice %arg10[%mul3A_54, %dma_start3A_59] : memref<10240x128xf32, #tpu.memory_space<vmem_shared>> -> memref<640x128xf32, #tpu.memory_space<vmem_shared>>
      tpu.enqueue_dma source(%dma_start3A_60 : memref<640x128xf32, #tpu.memory_space<vmem_shared>>) target(%dma_start3A_58 : memref<640x128xf32, #tpu.memory_space<hbm>>) target_semaphore(%run_scoped3A : memref<!tpu.dma_semaphore, #tpu.memory_space<semaphore_mem>>)
      %dma_wait3A = arith.constant 0 : i32
      %dma_wait3A_61 = tpu.memref_slice %arg5[%arg0, %mul3A_56, %dma_wait3A] : memref<2x10240x128xf32, #tpu.memory_space<hbm>> -> memref<1x640x128xf32, #tpu.memory_space<hbm>>
      %dma_wait3A_62 = tpu.memref_squeeze %dma_wait3A_61 : memref<1x640x128xf32, #tpu.memory_space<hbm>> -> memref<640x128xf32, #tpu.memory_space<hbm>>
      %dma_wait3A_63 = arith.constant 0 : i32
      %dma_wait3A_64 = tpu.memref_slice %arg10[%mul3A_54, %dma_wait3A_63] : memref<10240x128xf32, #tpu.memory_space<vmem_shared>> -> memref<640x128xf32, #tpu.memory_space<vmem_shared>>
      tpu.wait_dma2 semaphore(%run_scoped3A : memref<!tpu.dma_semaphore, #tpu.memory_space<semaphore_mem>>) src(%dma_wait3A_64 : memref<640x128xf32, #tpu.memory_space<vmem_shared>>) dst(%dma_wait3A_62 : memref<640x128xf32, #tpu.memory_space<hbm>>)
      tpu.yield
    }) : () -> ()
    return
  }
}

module attributes {stable_mosaic.version = 14 : i64} {
  func.func @body(%arg0: memref<2x10240x128xf32, #tpu.memory_space<vmem>>, %arg1: memref<10000x128xf32, #tpu.memory_space<vmem>>, %arg2: memref<10000x1xf32, #tpu.memory_space<vmem>>, %arg3: memref<1x128xf32, #tpu.memory_space<vmem>>, %arg4: memref<1x128xf32, #tpu.memory_space<vmem>>, %arg5: memref<1x128xf32, #tpu.memory_space<vmem>>, %arg6: memref<128x128xf32, #tpu.memory_space<vmem>>, %arg7: memref<10000x128xf32, #tpu.memory_space<vmem>>) attributes {dimension_semantics = [], scalar_prefetch = 0 : i64, scratch_operands = 0 : i64, tpu.core_type = #tpu.core_type<tc>} {
    %get3A = arith.constant 0 : index
    %get3A_0 = arith.constant 0 : index
    %get3A_1 = arith.constant 0 : index
    %get3A_2 = vector.load %arg0[%get3A, %get3A_0, %get3A_1] : memref<2x10240x128xf32, #tpu.memory_space<vmem>>, vector<1x10000x128xf32>
    %get3A_3 = vector.shape_cast %get3A_2 : vector<1x10000x128xf32> to vector<10000x128xf32>
    %get3A_4 = arith.constant 1 : index
    %get3A_5 = arith.constant 0 : index
    %get3A_6 = arith.constant 0 : index
    %get3A_7 = vector.load %arg0[%get3A_4, %get3A_5, %get3A_6] : memref<2x10240x128xf32, #tpu.memory_space<vmem>>, vector<1x10000x128xf32>
    %get3A_8 = vector.shape_cast %get3A_7 : vector<1x10000x128xf32> to vector<10000x128xf32>
    %add3A = arith.addf %get3A_3, %get3A_8 : vector<10000x128xf32>
    %get3A_9 = arith.constant 0 : index
    %get3A_10 = arith.constant 0 : index
    %get3A_11 = vector.load %arg1[%get3A_9, %get3A_10] : memref<10000x128xf32, #tpu.memory_space<vmem>>, vector<10000x128xf32>
    %add3A_12 = arith.addf %add3A, %get3A_11 : vector<10000x128xf32>
    %get3A_13 = arith.constant 0 : index
    %get3A_14 = arith.constant 0 : index
    %get3A_15 = vector.load %arg2[%get3A_13, %get3A_14] : memref<10000x1xf32, #tpu.memory_space<vmem>>, vector<10000x1xf32>
    %mul3A = vector.broadcast %get3A_15 : vector<10000x1xf32> to vector<10000x128xf32>
    %mul3A_16 = arith.mulf %add3A_12, %mul3A : vector<10000x128xf32>
    %get3A_17 = arith.constant 0 : index
    %get3A_18 = arith.constant 0 : index
    %get3A_19 = vector.load %arg3[%get3A_17, %get3A_18] : memref<1x128xf32, #tpu.memory_space<vmem>>, vector<1x128xf32>
    %add3A_20 = vector.broadcast %get3A_19 : vector<1x128xf32> to vector<10000x128xf32>
    %add3A_21 = arith.addf %mul3A_16, %add3A_20 : vector<10000x128xf32>
    %reduce_sum3A = arith.constant dense<0.000000e+00> : vector<10000xf32>
    %reduce_sum3A_22 = vector.multi_reduction <add>, %add3A_21, %reduce_sum3A [1] : vector<10000x128xf32> to vector<10000xf32>
    %broadcast_in_dim3A = vector.shape_cast %reduce_sum3A_22 : vector<10000xf32> to vector<10000x1xf32>
    %div3A = arith.constant 1.280000e+02 : f32
    %div3A_23 = vector.broadcast %div3A : f32 to vector<10000x1xf32>
    %div3A_24 = arith.divf %broadcast_in_dim3A, %div3A_23 : vector<10000x1xf32>
    %sub3A = vector.broadcast %div3A_24 : vector<10000x1xf32> to vector<10000x128xf32>
    %sub3A_25 = arith.subf %add3A_21, %sub3A : vector<10000x128xf32>
    %integer_pow3A = arith.mulf %sub3A_25, %sub3A_25 : vector<10000x128xf32>
    %reduce_sum3A_26 = arith.constant dense<0.000000e+00> : vector<10000xf32>
    %reduce_sum3A_27 = vector.multi_reduction <add>, %integer_pow3A, %reduce_sum3A_26 [1] : vector<10000x128xf32> to vector<10000xf32>
    %broadcast_in_dim3A_28 = vector.shape_cast %reduce_sum3A_27 : vector<10000xf32> to vector<10000x1xf32>
    %div3A_29 = arith.constant 1.280000e+02 : f32
    %div3A_30 = vector.broadcast %div3A_29 : f32 to vector<10000x1xf32>
    %div3A_31 = arith.divf %broadcast_in_dim3A_28, %div3A_30 : vector<10000x1xf32>
    %sub3A_32 = vector.broadcast %div3A_24 : vector<10000x1xf32> to vector<10000x128xf32>
    %sub3A_33 = arith.subf %add3A_21, %sub3A_32 : vector<10000x128xf32>
    %add3A_34 = arith.constant 9.99999974E-6 : f32
    %add3A_35 = vector.broadcast %add3A_34 : f32 to vector<10000x1xf32>
    %add3A_36 = arith.addf %div3A_31, %add3A_35 : vector<10000x1xf32>
    %rsqrt3A = math.rsqrt %add3A_36 : vector<10000x1xf32>
    %mul3A_37 = vector.broadcast %rsqrt3A : vector<10000x1xf32> to vector<10000x128xf32>
    %mul3A_38 = arith.mulf %sub3A_33, %mul3A_37 : vector<10000x128xf32>
    %get3A_39 = arith.constant 0 : index
    %get3A_40 = arith.constant 0 : index
    %get3A_41 = vector.load %arg4[%get3A_39, %get3A_40] : memref<1x128xf32, #tpu.memory_space<vmem>>, vector<1x128xf32>
    %mul3A_42 = vector.broadcast %get3A_41 : vector<1x128xf32> to vector<10000x128xf32>
    %mul3A_43 = arith.mulf %mul3A_38, %mul3A_42 : vector<10000x128xf32>
    %get3A_44 = arith.constant 0 : index
    %get3A_45 = arith.constant 0 : index
    %get3A_46 = vector.load %arg5[%get3A_44, %get3A_45] : memref<1x128xf32, #tpu.memory_space<vmem>>, vector<1x128xf32>
    %add3A_47 = vector.broadcast %get3A_46 : vector<1x128xf32> to vector<10000x128xf32>
    %add3A_48 = arith.addf %mul3A_43, %add3A_47 : vector<10000x128xf32>
    %gt3A = arith.constant 0.000000e+00 : f32
    %gt3A_49 = vector.broadcast %gt3A : f32 to vector<10000x128xf32>
    %gt3A_50 = arith.cmpf ogt, %add3A_48, %gt3A_49 : vector<10000x128xf32>
    %min3A = arith.constant 0.000000e+00 : f32
    %min3A_51 = vector.broadcast %min3A : f32 to vector<10000x128xf32>
    %min3A_52 = arith.minimumf %add3A_48, %min3A_51 : vector<10000x128xf32>
    %exp3A = math.exp %min3A_52 : vector<10000x128xf32>
    %sub3A_53 = arith.constant 1.000000e+00 : f32
    %sub3A_54 = vector.broadcast %sub3A_53 : f32 to vector<10000x128xf32>
    %sub3A_55 = arith.subf %exp3A, %sub3A_54 : vector<10000x128xf32>
    %select_n3A = arith.select %gt3A_50, %add3A_48, %sub3A_55 : vector<10000x128xi1>, vector<10000x128xf32>
    %get3A_56 = arith.constant 0 : index
    %get3A_57 = arith.constant 0 : index
    %get3A_58 = vector.load %arg6[%get3A_56, %get3A_57] : memref<128x128xf32, #tpu.memory_space<vmem>>, vector<128x128xf32>
    %dot_general3A = arith.constant dense<0.000000e+00> : vector<10000x128xf32>
    %dot_general3A_59 = tpu.matmul %select_n3A, %get3A_58, %dot_general3A {dimension_numbers = #tpu.dot_dimension_numbers<[1], [1], [0], [0], [0, 0, 1, 0], [], []>, transpose_lhs_hint = false} : vector<10000x128xf32>, vector<128x128xf32>, vector<10000x128xf32> -> vector<10000x128xf32>
    %get3A_60 = arith.constant 0 : index
    %get3A_61 = arith.constant 0 : index
    %get3A_62 = vector.load %arg2[%get3A_60, %get3A_61] : memref<10000x1xf32, #tpu.memory_space<vmem>>, vector<10000x1xf32>
    %mul3A_63 = vector.broadcast %get3A_62 : vector<10000x1xf32> to vector<10000x128xf32>
    %mul3A_64 = arith.mulf %dot_general3A_59, %mul3A_63 : vector<10000x128xf32>
    %swap3A = arith.constant 0 : index
    %swap3A_65 = arith.constant 0 : index
    %swap3A_66 = vector.load %arg7[%swap3A, %swap3A_65] : memref<10000x128xf32, #tpu.memory_space<vmem>>, vector<10000x128xf32>
    tpu.vector_store %arg7[%swap3A, %swap3A_65], %mul3A_64 {strides = array<i32>} : memref<10000x128xf32, #tpu.memory_space<vmem>>, vector<10000x128xf32>,
    return
  }
}

module attributes {stable_mosaic.version = 14 : i64} {
  func.func @body(%arg0: memref<32x10240xf32, #tpu.memory_space<vmem>>, %arg1: memref<10000x128xf32, #tpu.memory_space<vmem>>, %arg2: memref<128x128xf32, #tpu.memory_space<vmem>>, %arg3: memref<10000x128xf32, #tpu.memory_space<vmem>>, %arg4: memref<10000x1xf32, #tpu.memory_space<vmem>>) attributes {dimension_semantics = [], scalar_prefetch = 0 : i64, scratch_operands = 0 : i64, tpu.core_type = #tpu.core_type<tc>} {
    %broadcast_in_dim3A = arith.constant 1.000000e+00 : f32
    %broadcast_in_dim3A_0 = vector.broadcast %broadcast_in_dim3A : f32 to vector<32x1xf32>
    %get3A = arith.constant 0 : index
    %get3A_1 = arith.constant 0 : index
    %get3A_2 = vector.load %arg0[%get3A, %get3A_1] : memref<32x10240xf32, #tpu.memory_space<vmem>>, vector<32x10000xf32>
    %dot_general3A = arith.constant dense<0.000000e+00> : vector<10000x1xf32>
    %dot_general3A_3 = tpu.matmul %get3A_2, %broadcast_in_dim3A_0, %dot_general3A {dimension_numbers = #tpu.dot_dimension_numbers<[0], [0], [1], [1], [0, 1, 1, 1], [], []>, transpose_lhs_hint = false} : vector<32x10000xf32>, vector<32x1xf32>, vector<10000x1xf32> -> vector<10000x1xf32>
    %add3A = arith.constant 1.000000e+00 : f32
    %add3A_4 = vector.broadcast %add3A : f32 to vector<10000x1xf32>
    %add3A_5 = arith.addf %dot_general3A_3, %add3A_4 : vector<10000x1xf32>
    %rsqrt3A = math.rsqrt %add3A_5 : vector<10000x1xf32>
    %get3A_6 = arith.constant 0 : index
    %get3A_7 = arith.constant 0 : index
    %get3A_8 = vector.load %arg1[%get3A_6, %get3A_7] : memref<10000x128xf32, #tpu.memory_space<vmem>>, vector<10000x128xf32>
    %get3A_9 = arith.constant 0 : index
    %get3A_10 = arith.constant 0 : index
    %get3A_11 = vector.load %arg2[%get3A_9, %get3A_10] : memref<128x128xf32, #tpu.memory_space<vmem>>, vector<128x128xf32>
    %dot_general3A_12 = arith.constant dense<0.000000e+00> : vector<10000x128xf32>
    %dot_general3A_13 = tpu.matmul %get3A_8, %get3A_11, %dot_general3A_12 {dimension_numbers = #tpu.dot_dimension_numbers<[1], [1], [0], [0], [0, 0, 1, 0], [], []>, transpose_lhs_hint = false} : vector<10000x128xf32>, vector<128x128xf32>, vector<10000x128xf32> -> vector<10000x128xf32>
    %mul3A = vector.broadcast %rsqrt3A : vector<10000x1xf32> to vector<10000x128xf32>
    %mul3A_14 = arith.mulf %dot_general3A_13, %mul3A : vector<10000x128xf32>
    %swap3A = arith.constant 0 : index
    %swap3A_15 = arith.constant 0 : index
    %swap3A_16 = vector.load %arg3[%swap3A, %swap3A_15] : memref<10000x128xf32, #tpu.memory_space<vmem>>, vector<10000x128xf32>
    tpu.vector_store %arg3[%swap3A, %swap3A_15], %mul3A_14 {strides = array<i32>} : memref<10000x128xf32, #tpu.memory_space<vmem>>, vector<10000x128xf32>,
    %swap3A_17 = arith.constant 0 : index
    %swap3A_18 = arith.constant 0 : index
    %swap3A_19 = vector.load %arg4[%swap3A_17, %swap3A_18] : memref<10000x1xf32, #tpu.memory_space<vmem>>, vector<10000x1xf32>
    tpu.vector_store %arg4[%swap3A_17, %swap3A_18], %rsqrt3A {strides = array<i32>} : memref<10000x1xf32, #tpu.memory_space<vmem>>, vector<10000x1xf32>,
    return
  }
}

module attributes {stable_mosaic.version = 14 : i64} {
  func.func @body(%arg0: memref<2x10240x128xf32, #tpu.memory_space<vmem>>, %arg1: memref<10000x128xf32, #tpu.memory_space<vmem>>, %arg2: memref<10000x1xf32, #tpu.memory_space<vmem>>, %arg3: memref<1x128xf32, #tpu.memory_space<vmem>>, %arg4: memref<1x128xf32, #tpu.memory_space<vmem>>, %arg5: memref<1x128xf32, #tpu.memory_space<vmem>>, %arg6: memref<10000x1xi32, #tpu.memory_space<vmem>>, %arg7: memref<10x128xf32, #tpu.memory_space<vmem>>, %arg8: memref<1x10xf32, #tpu.memory_space<vmem>>, %arg9: memref<64x10xf32, #tpu.memory_space<vmem>>) attributes {dimension_semantics = [], scalar_prefetch = 0 : i64, scratch_operands = 0 : i64, tpu.core_type = #tpu.core_type<tc>} {
    %get3A = arith.constant 0 : index
    %get3A_0 = arith.constant 0 : index
    %get3A_1 = arith.constant 0 : index
    %get3A_2 = vector.load %arg0[%get3A, %get3A_0, %get3A_1] : memref<2x10240x128xf32, #tpu.memory_space<vmem>>, vector<1x10000x128xf32>
    %get3A_3 = vector.shape_cast %get3A_2 : vector<1x10000x128xf32> to vector<10000x128xf32>
    %get3A_4 = arith.constant 1 : index
    %get3A_5 = arith.constant 0 : index
    %get3A_6 = arith.constant 0 : index
    %get3A_7 = vector.load %arg0[%get3A_4, %get3A_5, %get3A_6] : memref<2x10240x128xf32, #tpu.memory_space<vmem>>, vector<1x10000x128xf32>
    %get3A_8 = vector.shape_cast %get3A_7 : vector<1x10000x128xf32> to vector<10000x128xf32>
    %add3A = arith.addf %get3A_3, %get3A_8 : vector<10000x128xf32>
    %get3A_9 = arith.constant 0 : index
    %get3A_10 = arith.constant 0 : index
    %get3A_11 = vector.load %arg1[%get3A_9, %get3A_10] : memref<10000x128xf32, #tpu.memory_space<vmem>>, vector<10000x128xf32>
    %add3A_12 = arith.addf %add3A, %get3A_11 : vector<10000x128xf32>
    %get3A_13 = arith.constant 0 : index
    %get3A_14 = arith.constant 0 : index
    %get3A_15 = vector.load %arg2[%get3A_13, %get3A_14] : memref<10000x1xf32, #tpu.memory_space<vmem>>, vector<10000x1xf32>
    %mul3A = vector.broadcast %get3A_15 : vector<10000x1xf32> to vector<10000x128xf32>
    %mul3A_16 = arith.mulf %add3A_12, %mul3A : vector<10000x128xf32>
    %get3A_17 = arith.constant 0 : index
    %get3A_18 = arith.constant 0 : index
    %get3A_19 = vector.load %arg3[%get3A_17, %get3A_18] : memref<1x128xf32, #tpu.memory_space<vmem>>, vector<1x128xf32>
    %add3A_20 = vector.broadcast %get3A_19 : vector<1x128xf32> to vector<10000x128xf32>
    %add3A_21 = arith.addf %mul3A_16, %add3A_20 : vector<10000x128xf32>
    %reduce_sum3A = arith.constant dense<0.000000e+00> : vector<10000xf32>
    %reduce_sum3A_22 = vector.multi_reduction <add>, %add3A_21, %reduce_sum3A [1] : vector<10000x128xf32> to vector<10000xf32>
    %broadcast_in_dim3A = vector.shape_cast %reduce_sum3A_22 : vector<10000xf32> to vector<10000x1xf32>
    %div3A = arith.constant 1.280000e+02 : f32
    %div3A_23 = vector.broadcast %div3A : f32 to vector<10000x1xf32>
    %div3A_24 = arith.divf %broadcast_in_dim3A, %div3A_23 : vector<10000x1xf32>
    %sub3A = vector.broadcast %div3A_24 : vector<10000x1xf32> to vector<10000x128xf32>
    %sub3A_25 = arith.subf %add3A_21, %sub3A : vector<10000x128xf32>
    %integer_pow3A = arith.mulf %sub3A_25, %sub3A_25 : vector<10000x128xf32>
    %reduce_sum3A_26 = arith.constant dense<0.000000e+00> : vector<10000xf32>
    %reduce_sum3A_27 = vector.multi_reduction <add>, %integer_pow3A, %reduce_sum3A_26 [1] : vector<10000x128xf32> to vector<10000xf32>
    %broadcast_in_dim3A_28 = vector.shape_cast %reduce_sum3A_27 : vector<10000xf32> to vector<10000x1xf32>
    %div3A_29 = arith.constant 1.280000e+02 : f32
    %div3A_30 = vector.broadcast %div3A_29 : f32 to vector<10000x1xf32>
    %div3A_31 = arith.divf %broadcast_in_dim3A_28, %div3A_30 : vector<10000x1xf32>
    %sub3A_32 = vector.broadcast %div3A_24 : vector<10000x1xf32> to vector<10000x128xf32>
    %sub3A_33 = arith.subf %add3A_21, %sub3A_32 : vector<10000x128xf32>
    %add3A_34 = arith.constant 9.99999974E-6 : f32
    %add3A_35 = vector.broadcast %add3A_34 : f32 to vector<10000x1xf32>
    %add3A_36 = arith.addf %div3A_31, %add3A_35 : vector<10000x1xf32>
    %rsqrt3A = math.rsqrt %add3A_36 : vector<10000x1xf32>
    %mul3A_37 = vector.broadcast %rsqrt3A : vector<10000x1xf32> to vector<10000x128xf32>
    %mul3A_38 = arith.mulf %sub3A_33, %mul3A_37 : vector<10000x128xf32>
    %get3A_39 = arith.constant 0 : index
    %get3A_40 = arith.constant 0 : index
    %get3A_41 = vector.load %arg4[%get3A_39, %get3A_40] : memref<1x128xf32, #tpu.memory_space<vmem>>, vector<1x128xf32>
    %mul3A_42 = vector.broadcast %get3A_41 : vector<1x128xf32> to vector<10000x128xf32>
    %mul3A_43 = arith.mulf %mul3A_38, %mul3A_42 : vector<10000x128xf32>
    %get3A_44 = arith.constant 0 : index
    %get3A_45 = arith.constant 0 : index
    %get3A_46 = vector.load %arg5[%get3A_44, %get3A_45] : memref<1x128xf32, #tpu.memory_space<vmem>>, vector<1x128xf32>
    %add3A_47 = vector.broadcast %get3A_46 : vector<1x128xf32> to vector<10000x128xf32>
    %add3A_48 = arith.addf %mul3A_43, %add3A_47 : vector<10000x128xf32>
    %gt3A = arith.constant 0.000000e+00 : f32
    %gt3A_49 = vector.broadcast %gt3A : f32 to vector<10000x128xf32>
    %gt3A_50 = arith.cmpf ogt, %add3A_48, %gt3A_49 : vector<10000x128xf32>
    %min3A = arith.constant 0.000000e+00 : f32
    %min3A_51 = vector.broadcast %min3A : f32 to vector<10000x128xf32>
    %min3A_52 = arith.minimumf %add3A_48, %min3A_51 : vector<10000x128xf32>
    %exp3A = math.exp %min3A_52 : vector<10000x128xf32>
    %sub3A_53 = arith.constant 1.000000e+00 : f32
    %sub3A_54 = vector.broadcast %sub3A_53 : f32 to vector<10000x128xf32>
    %sub3A_55 = arith.subf %exp3A, %sub3A_54 : vector<10000x128xf32>
    %select_n3A = arith.select %gt3A_50, %add3A_48, %sub3A_55 : vector<10000x128xi1>, vector<10000x128xf32>
    %iota3A = tpu.iota {dimensions = array<i32: 1>} : vector<10000x64xi32>
    %get3A_56 = arith.constant 0 : index
    %get3A_57 = arith.constant 0 : index
    %get3A_58 = vector.load %arg6[%get3A_56, %get3A_57] : memref<10000x1xi32, #tpu.memory_space<vmem>>, vector<10000x1xi32>
    %eq3A = vector.broadcast %get3A_58 : vector<10000x1xi32> to vector<10000x64xi32>
    %eq3A_59 = arith.cmpi eq, %eq3A, %iota3A : vector<10000x64xi32>
    %convert_element_type3A = arith.extui %eq3A_59 : vector<10000x64xi1> to vector<10000x64xi32>
    %convert_element_type3A_60 = arith.sitofp %convert_element_type3A : vector<10000x64xi32> to vector<10000x64xf32>
    %dot_general3A = arith.constant dense<0.000000e+00> : vector<64x128xf32>
    %dot_general3A_61 = tpu.matmul %convert_element_type3A_60, %select_n3A, %dot_general3A {dimension_numbers = #tpu.dot_dimension_numbers<[0], [0], [1], [1], [0, 1, 1, 1], [], []>, transpose_lhs_hint = false} : vector<10000x64xf32>, vector<10000x128xf32>, vector<64x128xf32> -> vector<64x128xf32>
    %broadcast_in_dim3A_62 = arith.constant 1.000000e+00 : f32
    %broadcast_in_dim3A_63 = vector.broadcast %broadcast_in_dim3A_62 : f32 to vector<10000x1xf32>
    %dot_general3A_64 = arith.constant dense<0.000000e+00> : vector<64x1xf32>
    %dot_general3A_65 = tpu.matmul %convert_element_type3A_60, %broadcast_in_dim3A_63, %dot_general3A_64 {dimension_numbers = #tpu.dot_dimension_numbers<[0], [0], [1], [1], [0, 1, 1, 1], [], []>, transpose_lhs_hint = false} : vector<10000x64xf32>, vector<10000x1xf32>, vector<64x1xf32> -> vector<64x1xf32>
    %max3A = arith.constant 1.000000e+00 : f32
    %max3A_66 = vector.broadcast %max3A : f32 to vector<64x1xf32>
    %max3A_67 = arith.maximumf %dot_general3A_65, %max3A_66 : vector<64x1xf32>
    %div3A_68 = vector.broadcast %max3A_67 : vector<64x1xf32> to vector<64x128xf32>
    %div3A_69 = arith.divf %dot_general3A_61, %div3A_68 : vector<64x128xf32>
    %get3A_70 = arith.constant 0 : index
    %get3A_71 = arith.constant 0 : index
    %get3A_72 = vector.load %arg7[%get3A_70, %get3A_71] : memref<10x128xf32, #tpu.memory_space<vmem>>, vector<10x128xf32>
    %dot_general3A_73 = arith.constant dense<0.000000e+00> : vector<64x10xf32>
    %dot_general3A_74 = tpu.matmul %div3A_69, %get3A_72, %dot_general3A_73 {dimension_numbers = #tpu.dot_dimension_numbers<[1], [1], [0], [0], [0, 0, 1, 0], [], []>, transpose_lhs_hint = false} : vector<64x128xf32>, vector<10x128xf32>, vector<64x10xf32> -> vector<64x10xf32>
    %get3A_75 = arith.constant 0 : index
    %get3A_76 = arith.constant 0 : index
    %get3A_77 = vector.load %arg8[%get3A_75, %get3A_76] : memref<1x10xf32, #tpu.memory_space<vmem>>, vector<1x10xf32>
    %add3A_78 = vector.broadcast %get3A_77 : vector<1x10xf32> to vector<64x10xf32>
    %add3A_79 = arith.addf %dot_general3A_74, %add3A_78 : vector<64x10xf32>
    %swap3A = arith.constant 0 : index
    %swap3A_80 = arith.constant 0 : index
    %swap3A_81 = vector.load %arg9[%swap3A, %swap3A_80] : memref<64x10xf32, #tpu.memory_space<vmem>>, vector<64x10xf32>
    tpu.vector_store %arg9[%swap3A, %swap3A_80], %add3A_79 {strides = array<i32>} : memref<64x10xf32, #tpu.memory_space<vmem>>, vector<64x10xf32>,
    return
  }
}

</mosaic_0001>

<sc_bundles>
// kernel: kernel.11.cloned.1.call-start
scs
__scs_entry_jumppad:
0x0: {  	(pc) =	sbr.rel $0x88, $3  }
0x1: {  	(tag) =	ssettag $0x0;
	lr =	simm.s32 $0x1  }
0x2: {  	[smem:$0x3F94] =	sst lr;
	_ =	strace $0xD0000000  }
0x3: {  	_ = 	snop  }
0x4: {  	_ = 	snop  }
0x5: {  	_ = 	snop  }
0x6: {  	_ = 	snop  }
0x7: {  	_ = 	snop  }
__scs_overlays_trampoline_lowered:
0x8: {  	[smem:$0x3FA3] =	sst s0  }
0x9: {  	[smem:$0x3FA4] =	sst s1  }
0xa: {  	[smem:$0x3FA5] =	sst s2  }
0xb: {  	[smem:$0x3FA6] =	sst s3  }
0xc: {  	[smem:$0x3FA7] =	sst s4  }
0xd: {  	[smem:$0x3FA8] =	sst s5  }
0xe: {  	[smem:$0x3FA9] =	sst s6  }
0xf: {  	[smem:$0x3FAA] =	sst s7  }
0x10: {  	[smem:$0x3FAB] =	sst s8  }
0x11: {  	[smem:$0x3FAC] =	sst s9;
	s0 =	simm.s32 @!p0 $0x0  }
0x12: {  	s1 =	sld [smem:$0x3F92];
	s0 =	simm.s32 @p0 $0x1  }
0x13: {  	[smem:$0x3FAD] =	sst s0;
	s0 =	simm.s32 @!p1 $0x0  }
0x14: {  	s2 =	sld [smem:$0x3F91];
	s0 =	simm.s32 @p1 $0x1  }
0x15: {  	[smem:$0x3FAE] =	sst s0;
	s0 =	simm.s32 @!p2 $0x0  }
0x16: {  	s3 =	sld [smem:$0x3FDB];
	s0 =	simm.s32 @p2 $0x1  }
0x17: {  	s4 =	simm.s32 $0x1BF5;
	[smem:$0x3FB0] =	sst s0  }
0x18: {  	s0 =	sld [smem:$0x3F93];
	_ =	swait.ge [sflag:s4], $0x0  }
0x19: {  	s7 =	sld [smem:$0x3F94]  }
0x1a: {  	s8 =	sadd.s32 $0xFFFFE003, lr  }
0x1b: {  	s9 =	sadd.s32 $0xFFFFFEF7, lr;
	s5 =	simm.s32 $0xFFFFFFFF;
	p2 =	slt.u32 s8, $0xFFFFF086  }
0x1c: {  	p1 =	slt.u32 s9, $0xF7A;
	s5 =	simm.s32 @!p2 $0x0  }
0x1d: {  	s5 =	simm.s32 @p1 $0x1;
	p0 =	seq.s32 s7, s2  }
0x1e: {  	s7 =	smul.u32 @!p0 $0xF7A, s2;
	p2 =	seq.s32 @!p0 s5, $0x0  }
0x1f: {  	s9 =	smul.u32 $0xF7A, s1;
	s8 =	simm.s32 @!p0 $0x1BF5;
	p2 =	por !p2, p0  }
0x20: {  	[sflag:s8] =	ssyncset.s32 @!p0 $0xFFFFF086;
	s6 =	sadd.s32 @!p0 s3, s7;
	s7 =	simm.s32 @!p0 $0x108  }
0x21: {  	s3 =	sadd.s32 s3, s9;
	s6 =	sadd.s32 @!p0 $0x88, s6;
	s7 =	simm.s32 @p2 $0x1082  }
0x22: {  	[simem:s7], [sflag:s8] =	dma.local @!p0 [hbm:s6], $0xF7A  }
0x23: {  	s9 =	sor.u32 $0xD0000000, s2;
	s6 =	simm.s32 $0x108;
	_ =	swait.ge @!p0 [sflag:s8], $0x0  }
0x24: {  	s3 =	sadd.s32 $0x88, s3;
	s6 =	simm.s32 @!p1 $0x1082;
	[sflag:s4] =	ssyncset.s32 $0xFFFFF086  }
0x25: {  	[simem:s6], [sflag:s4] =	dma.local [hbm:s3], $0xF7A  }
0x26: {  	[smem:$0x3F94] =	sst s1;
	(tag) =	ssettag s2;
	_ =	strace s9  }
0x27: {  	s1 =	sld [smem:$0x3FA4]  }
0x28: {  	s2 =	sld [smem:$0x3FA5]  }
0x29: {  	s4 =	sld [smem:$0x3FA7]  }
0x2a: {  	p0 =	seq.s32 s5, $0x0;
	s5 =	sld [smem:$0x3FA8]  }
0x2b: {  	s6 =	sld [smem:$0x3FA9]  }
0x2c: {  	s7 =	sld [smem:$0x3FAA]  }
0x2d: {  	s3 =	simm.s32 $0x108;
	s8 =	sld [smem:$0x3FAB]  }
0x2e: {  	s3 =	simm.s32 @!p0 $0x1082;
	s9 =	sld [smem:$0x3FAC]  }
0x2f: {  	lr =	sadd.s32 s0, s3;
	s0 =	sld [smem:$0x3FA3]  }
0x30: {  	s3 =	sld [smem:$0x3FA6]  }
0x31: {  	[smem:$0x3FAF] =	sst s10  }
0x32: {  	s10 =	sld [smem:$0x3FAD];
	_ =	sdelay $0x3  }
0x33: {  	p0 =	seq.s32 s10, $0x1;
	s10 =	sld [smem:$0x3FAF];
	_ =	sdelay $0x3  }
0x34: {  	[smem:$0x3FAF] =	sst s10  }
0x35: {  	s10 =	sld [smem:$0x3FAE];
	_ =	sdelay $0x3  }
0x36: {  	p1 =	seq.s32 s10, $0x1;
	s10 =	sld [smem:$0x3FAF];
	_ =	sdelay $0x3  }
0x37: {  	[smem:$0x3FAF] =	sst s10  }
0x38: {  	s10 =	sld [smem:$0x3FB0]  }
0x39: {  	_ = 	snop;
	(pc) =	sbr.ind lr, $3  }
0x3a: {  	_ = 	snop  }
0x3b: {  	_ = 	snop  }
0x3c: {  	p2 =	seq.s32 s10, $0x1;
	s10 =	sld [smem:$0x3FAF]  }
0x3d: {  	_ =	shalt  }
0x3e: {  	_ =	shalt  }
0x3f: {  	_ =	shalt  }
0x40: {  	_ =	shalt  }
0x41: {  	_ =	shalt  }
0x42: {  	_ =	shalt  }
0x43: {  	_ =	shalt  }
0x44: {  	_ =	shalt  }
0x45: {  	_ =	shalt  }
0x46: {  	_ =	shalt  }
0x47: {  	_ =	shalt  }
0x48: {  	_ =	shalt  }
0x49: {  	_ =	shalt  }
0x4a: {  	_ =	shalt  }
0x4b: {  	_ =	shalt  }
0x4c: {  	_ =	shalt  }
0x4d: {  	_ =	shalt  }
0x4e: {  	_ =	shalt  }
0x4f: {  	_ =	shalt  }
0x50: {  	_ =	shalt  }
0x51: {  	_ =	shalt  }
0x52: {  	_ =	shalt  }
0x53: {  	_ =	shalt  }
0x54: {  	_ =	shalt  }
0x55: {  	_ =	shalt  }
0x56: {  	_ =	shalt  }
0x57: {  	_ =	shalt  }
0x58: {  	_ =	shalt  }
0x59: {  	_ =	shalt  }
0x5a: {  	_ =	shalt  }
0x5b: {  	_ =	shalt  }
0x5c: {  	_ =	shalt  }
0x5d: {  	_ =	shalt  }
0x5e: {  	_ =	shalt  }
0x5f: {  	_ =	shalt  }
0x60: {  	_ =	shalt  }
0x61: {  	_ =	shalt  }
0x62: {  	_ =	shalt  }
0x63: {  	_ =	shalt  }
0x64: {  	_ =	shalt  }
0x65: {  	_ =	shalt  }
0x66: {  	_ =	shalt  }
0x67: {  	_ =	shalt  }
0x68: {  	_ =	shalt  }
0x69: {  	_ =	shalt  }
0x6a: {  	_ =	shalt  }
0x6b: {  	_ =	shalt  }
0x6c: {  	_ =	shalt  }
0x6d: {  	_ =	shalt  }
0x6e: {  	_ =	shalt  }
0x6f: {  	_ =	shalt  }
0x70: {  	_ =	shalt  }
0x71: {  	_ =	shalt  }
0x72: {  	_ =	shalt  }
0x73: {  	_ =	shalt  }
0x74: {  	_ =	shalt  }
0x75: {  	_ =	shalt  }
0x76: {  	_ =	shalt  }
0x77: {  	_ =	shalt  }
0x78: {  	_ =	shalt  }
0x79: {  	_ =	shalt  }
0x7a: {  	_ =	shalt  }
0x7b: {  	_ =	shalt  }
0x7c: {  	_ =	shalt  }
0x7d: {  	_ =	shalt  }
0x7e: {  	_ =	shalt  }
0x7f: {  	_ =	shalt  }
0x80: {  	_ =	shalt  }
0x81: {  	_ =	shalt  }
0x82: {  	_ =	shalt  }
0x83: {  	_ =	shalt  }
0x84: {  	_ =	shalt  }
0x85: {  	_ =	shalt  }
0x86: {  	_ =	shalt  }
0x87: {  	_ =	shalt  }
.Lfunc_end0:
.L_simem_size_0:
called_computation.1_lowered:
.L_overlay_start_0:
0x88: {  	s2 =	sld [smem:$0x3FD9]  }
0x89: {  	s3 =	sld [smem:$0x3FFE];
	_ =	sdelay $0x1  }
0x8a: {  	s1 =	srdreg.scid  }
0x8b: {  	s0 =	sand.u32 $0x1, s1  }
0x8c: {  	s16 =	sshll.u32 s0, $0xA;
	s2 =	sadd.s32 s3, s2  }
0x8d: {  	s2 =	sadd.s32 s2, s16  }
0x8e: {  	[smem:$0x3FBB] =	sst s2  }
0x8f: {  	_ = 	snop  }
0x90: {  	(tm) =	ssettm $0x1  }
0x91: {  	s17 =	sld [smem:$0x3FFB];
	_ =	sdelay $0x3  }
0x92: {  	_ =	strace s17  }
0x93: {  	s2 =	sld [smem:$0x3FFC];
	_ =	sdelay $0x3  }
0x94: {  	_ =	strace s2  }
0x95: {  	s2 =	sld [smem:$0x3FFD];
	_ =	sdelay $0x3  }
0x96: {  	_ =	strace s2  }
0x97: {  	_ =	strace $0x8FFFFFFF  }
0x98: {  	s18 =	sld [smem:$0x3FDB];
	_ =	sdelay $0x1  }
0x99: {  	s19 =	simm.s32 $_scs_section_size  }
0x9a: {  	s4 =	simm.s32 $_size__tile_overlayer_lowered;
	s5 =	simm.s32 $_tile_overlayer_lowered  }
0x9b: {  	s22 =	simm.s32 $0x1BFF;
	s21 =	sshll.u32 s5, $0x1;
	s2 =	sadd.s32 s19, s18  }
0x9c: {  	s6 =	simm.s32 $0x0;
	s20 =	sshll.u32 s4, $0x1;
	s4 =	sadd.s32 s21, s2  }
0x9d: {  	[timem:s6], [sflag:s22] =	dma.local [hbm:s4], s20  }
0x9e: {  	_ =	swait.ge [sflag:s22], s20  }
0x9f: {  	s3 =	ssub.s32 $0x0, s20;
	[sflag:s22] =	ssyncset.done $0x0  }
0xa0: {  	[sflag:s22] =	ssyncadd.s32 s3;
	_ =	sdelay $0x1  }
0xa1: {  	s23 =	simm.s32 $0x1B8B  }
0xa2: {  	_ =	swait.ge [sflag:s23], $0x1  }
0xa3: {  	[sflag:s23] =	ssyncset.done $0x0  }
0xa4: {  	s25 =	simm.s32 $0x1B8E;
	s24 =	sld [smem:$0x3FFE];
	[sflag:s23] =	ssyncadd.s32 $0xFFFFFFFF  }
0xa5: {  	s26 =	simm.s32 $execute0_lowered;
	[smem:$0x3FD2] =	sst s25  }
0xa6: {  	s4 =	sshll.u32 s26, $0x1;
	_ =	strace $0x80000049;
	[dreg:$0x1] =	wrdreg $0xFFFFFFFF  }
0xa7: {  	s28 =	simm.s32 $_size_execute0_lowered;
	s2 =	sadd.s32 s2, s4;
	[dreg:$0x0] =	wrdreg $0x0  }
0xa8: {  	s4 =	sshll.u32 s28, $0x1;
	[dreg:$0x2] =	wrdreg s2  }
0xa9: {  	[dreg:$0x3] =	wrdreg s4  }
0xaa: {  	[dreg:$0x4] =	wrdreg $0xC0  }
0xab: {  	_ =	task [dreg:s6], $0x5FFFF  }
0xac: {  	[dreg:$0x1] =	wrdreg $0xFFFFFFFF  }
0xad: {  	[dreg:$0x0] =	wrdreg $0x60  }
0xae: {  	[dreg:$0x2] =	wrdreg s24  }
0xaf: {  	[dreg:$0x3] =	wrdreg $0xB0000  }
0xb0: {  	[dreg:$0x4] =	wrdreg $0x9  }
0xb1: {  	_ =	task.clear_ibuf [dreg:s6], $0x5FFFF;
	_ =	strace $0x90000049  }
0xb2: {  	s29 =	simm.s32 $0x9;
	_ =	strace $0x8000004B  }
0xb3: {  	_ =	swait.ge [sflag:s29], $0x1  }
0xb4: {  	[sflag:s29] =	ssyncadd.s32 $0xFFFFFFFF  }
0xb5: {  	_ =	strace $0x9000004B  }
0xb6: {  	_ =	sfence  }
0xb7: {  	s30 =	sld [smem:$0x0];
	_ =	sdelay $0x2  }
0xb8: {  	s31 =	sshll.u32 s1, $0xD;
	s1 =	sshrl.u32 s1, $0x2  }
0xb9: {  	s3 =	sand.u32 $0x4000, s31;
	s1 =	sadd.s32 s1, s30  }
0xba: {  	s0 =	sor.u32 s3, s0;
	s1 =	sshll.u32 s1, $0x11  }
0xbb: {  	s0 =	sor.u32 s1, s0  }
0xbc: {  	s0 =	sadd.s32 $0x8F2B, s0  }
0xbd: {  	[sflag:s0] =	ssyncadd.remote.s32 $0x1  }
0xbe: {  	_ =	sfence.sel $0xFFFF  }
0xbf: {  	[dreg:$0x0] =	wrdreg $0xFFFFFFFF;
	(pc) =	sbr.abs _section_cstart, $3  }
0xc0: {  	[dreg:$0x1] =	wrdreg $0xFFFFFFFF  }
0xc1: {  	_ =	task.clear_ibuf [dreg:s6], $0x2FFFF;
	_ =	strace $0x9FFFFFFF  }
0xc2: {  	(tm) =	ssettm $0x7FFFFFFF  }
0xc3: {  	_ =	shalt  }
tec
execute0_lowered:
.L_overlay_start_1:
0x0: {  	(tag) =	ssettag $0x1  }
0x1: {  	s0 =	rddreg [dreg:$0x0]  }
0x2: {  	s1 =	rddreg [dreg:$0x1]  }
0x3: {  	s2 =	srdreg.scid;
	s3 =	simm.s32 $0x0;
	s10 =	stileid.u32  }
0x4: {  	s16 =	simm.s32 $0x30;
	s28 =	simm.s32 $0x2;
	s29 =	simm.s32 $0x3  }
0x5: {  	s30 =	simm.s32 $0x4;
	s31 =	simm.s32 $0x0;
	s2 =	sand.u32 $0x1, s2  }
0x6: {  	[smem:$0x7FF] =	sst s3;
	s6 =	smul.u32 $0x14000, s10;
	s4 =	sadd.s32 $0x18600, s0  }
0x7: {  	s7 =	sadd.s32 $0x3600, s0;
	s15 =	sadd.s32 $0xDE00, s0;
	s9 =	smul.u32 $0x50000, s10  }
0x8: {  	s22 =	sshll.u32 s10, $0x4;
	s5 =	smul.u32 $0x140000, s2;
	s21 =	ssub.s32 $0x2, s2  }
0x9: {  	_ =	strace $0x8000004A;
	p0 =	seq.s32 s2, $0x0;
	s8 =	sshrl.u32 s21, $0x1  }
0xa: {  	s9 =	sshrl.u32 s9, $0x2;
	s16 =	simm.s32 @!p0 $0x10;
	s5 =	sadd.s32 s6, s5  }
0xb: {  	s6 =	ssub.s32 s21, s8;
	s8 =	smul.u32 $0x90, s10;
	s10 =	sor.u32 $0x900, s22  }
0xc: {  	s12 =	sshrl.u32 s16, $0x1;
	s18 =	sshll.u32 s16, $0x7;
	s16 =	sshll.u32 s16, $0x5  }
0xd: {  	s21 =	simm.s32 $0x3000;
	s22 =	simm.s32 $0x5;
	s5 =	sshrl.u32 s5, $0x3  }
0xe: {  	s12 =	sadd.s32 $0xFFFFFFFF, s12;
	s13 =	sadd.s32 $0x1700, s18;
	s20 =	smax.u32 s6, $0x1  }
0xf: {  	s0 =	sadd.s32 s5, s0;
	s5 =	sadd.s32 s9, s1;
	s10 =	smov.u32 @p0 s8  }
0x10: {  	s8 =	stileid.u32;
	p0 =	sne.s32 s2, $0x0;
	s9 =	sadd.s32 $0x4000, s5  }
0x11: {  	s23 =	sadd.s32 $0x8000, s5;
	s24 =	sadd.s32 $0xC000, s5;
	[dreg:$0x3] =	wrdreg s9  }
0x12: {  	s17 =	sshll.u32 s10, $0x4;
	s14 =	smul.u32 $0x4800, s8;
	[dreg:$0x4] =	wrdreg s23  }
0x13: {  	[dreg:$0x5] =	wrdreg s24;
	s9 =	sadd.s32 $0x10000, s5;
	s10 =	sadd.s32 s7, s17  }
0x14: {  	s11 =	sadd.s32 s15, s17;
	s16 =	sadd.s32 s16, s17;
	s23 =	simm.s32 $0x1800  }
0x15: {  	s24 =	simm.s32 $0x80;
	s17 =	simm.s32 $0x100;
	s19 =	sshrl.u32 s14, $0x3  }
.Ltmp0:
0x16: {  	s26 =	sadd.s32 s15, s16;
	s25 =	sadd.s32 $0x300, s19;
	(pc) =	sbr.rel .LBB2_1-.Ltmp0, $4  }
0x17: {  	s14 =	sadd.s32 $0x1780, s18;
	[dreg:$0x9] =	wrdreg s26;
	s19 =	sadd.s32 s7, s25  }
0x18: {  	s26 =	simm.s32 $0x1;
	s18 =	sadd.s32 s15, s25;
	[dreg:$0x6] =	wrdreg s19  }
0x19: {  	s7 =	sadd.s32 s7, s16;
	s25 =	simm.s32 $0x7000;
	[dreg:$0x7] =	wrdreg s18  }
0x1a: {  	v0 =	vimm.f32 $0.0e+00;
	s16 =	simm.s32 $0x1800;
	[dreg:$0x8] =	wrdreg s7;
	s19 =	sadd.s32 $0x3F800, s0  }
.LBB2_10:
0x1b: {  	[tilespmem:s25], [sflag:$0x2] =	stream.indirect.gather [hbm4b:s4+s24], $0x80, s0, s24, $0xb8;
	[tilespmem:$0x1F000] =	vst v63  }
0x1c: {  	_ =	swait.ge [sflag:s26], $0x4000  }
0x1d: {  	[sflag:s26] =	ssyncset.done $0x0  }
0x1e: {  	[sflag:s26] =	ssyncadd.s32 $0xFFFFC000  }
0x1f: {  	[spmem:s1] =	stream.indirect.scatter.add.f32 [tilespmem:s21], [sflag:$0x3], $0x80, s13, s24, $0xb8;
	[tilespmem:$0x1F000] =	vst v63  }
0x20: {  	_ =	swait.ge [sflag:s28], $0x4000  }
0x21: {  	[sflag:s28] =	ssyncset.done $0x0  }
0x22: {  	[sflag:s28] =	ssyncadd.s32 $0xFFFFC000  }
0x23: {  	[spmem:s1] =	stream.indirect.scatter.add.f32 [tilespmem:s25], [sflag:$0x4], $0x80, s14, s24, $0xb8;
	[tilespmem:$0x1F000] =	vst v63  }
0x24: {  	_ =	swait.ge [sflag:s29], $0x4000  }
0x25: {  	[sflag:s29] =	ssyncset.done $0x0  }
0x26: {  	[sflag:s29] =	ssyncadd.s32 $0xFFFFC000  }
0x27: {  	_ =	swait.ge [sflag:s30], $0x4000  }
0x28: {  	[sflag:s30] =	ssyncset.done $0x0  }
0x29: {  	s8 =	stileid.u32;
	[sflag:s30] =	ssyncadd.s32 $0xFFFFC000  }
.LBB2_11:
0x2a: {  	s31 =	sadd.s32 $0x1, s31  }
0x2b: {  	s0 =	sshll.u32 s8, $0x6;
	[bflag:$0x0] =	sbarrier.arrive $0xFFFF;
	p1 =	sne.s32 s31, s20  }
.Ltmp1:
0x2c: {  	s2 =	sshrl.u32 s5, $0x3;
	s0 =	sor.u32 $0x1C05, s0;
	(pc) =	sbr.rel @!p1 .LBB2_12-.Ltmp1, $4  }
0x2d: {  	[hbm:s19], [sflag:s0] =	dma.local [spmem:s2], $0x2800  }
0x2e: {  	_ =	swait.ge [sflag:s22], $0x2800  }
0x2f: {  	[sflag:s22] =	ssyncset.done $0x0  }
0x30: {  	[sflag:s22] =	ssyncadd.s32 $0xFFFFD800  }
.LBB2_1:
0x31: {  	s0 =	simm.s32 $0x0  }
0x32: {  	s2 =	sand.u32 $0xFFFFFF80, s0  }
0x33: {  	s2 =	ssub.s32 $0x0, s2  }
0x34: {  	s0 =	sand.u32 $0x3FFFFF80, s0;
	s2 =	sand.u32 $0xFFFFFF80, s2  }
0x35: {  	s6 =	sand.u32 $0x70, s3;
	s2 =	sadd.s32 s2, s0  }
0x36: {  	s0 =	simm.s32 $0x1;
	s6 =	sor.u32 s6, s2;
	s2 =	simm.s32 $0x0  }
.LBB2_2:
0x37: {  	s7 =	sshll.u32 s0, $0x4;
	p1 =	sne.s32 s0, $0x3FF;
	s0 =	sadd.s32 $0x1, s0;
	[tilespmem:s6+$0x3000] =	vst v0  }
.Ltmp2:
0x38: {  	s2 =	sadd.s32 $0x10, s2;
	s6 =	sand.u32 $0xFFFFFF80, s7;
	(pc) =	sbr.rel @p1 .LBB2_2-.Ltmp2, $4  }
0x39: {  	s6 =	ssub.s32 s2, s6  }
0x3a: {  	s7 =	sand.u32 $0x3FFFFF80, s7;
	s6 =	sand.u32 $0xFFFFFF80, s6  }
0x3b: {  	s15 =	sand.u32 $0x70, s2;
	s6 =	sadd.s32 s6, s7  }
0x3c: {  	s6 =	sor.u32 s15, s6  }
0x3d: {  	[tilespmem:s6+$0x3000] =	vst v0  }
0x3e: {  	[spmem:s5] =	stream.linear.scatter [tilespmem:s21], [sflag:$0x5], $0x4000, $0x38;
	[tilespmem:$0x1F000] =	vst v63  }
0x3f: {  	_ =	swait.ge [sflag:s22], $0x4000  }
0x40: {  	[sflag:s22] =	ssyncset.done $0x0  }
0x41: {  	s0 =	rddreg [dreg:$0x3];
	[sflag:s22] =	ssyncadd.s32 $0xFFFFC000  }
0x42: {  	[spmem:s0] =	stream.linear.scatter [tilespmem:s21], [sflag:$0x5], $0x4000, $0x38;
	[tilespmem:$0x1F000] =	vst v63  }
0x43: {  	_ =	swait.ge [sflag:s22], $0x4000  }
0x44: {  	[sflag:s22] =	ssyncset.done $0x0  }
0x45: {  	s2 =	rddreg [dreg:$0x4];
	[sflag:s22] =	ssyncadd.s32 $0xFFFFC000  }
0x46: {  	[spmem:s2] =	stream.linear.scatter [tilespmem:s21], [sflag:$0x5], $0x4000, $0x38;
	[tilespmem:$0x1F000] =	vst v63  }
0x47: {  	_ =	swait.ge [sflag:s22], $0x4000  }
0x48: {  	[sflag:s22] =	ssyncset.done $0x0  }
0x49: {  	s6 =	rddreg [dreg:$0x5];
	[sflag:s22] =	ssyncadd.s32 $0xFFFFC000  }
0x4a: {  	[spmem:s6] =	stream.linear.scatter [tilespmem:s21], [sflag:$0x5], $0x4000, $0x38;
	[tilespmem:$0x1F000] =	vst v63  }
0x4b: {  	_ =	swait.ge [sflag:s22], $0x4000  }
0x4c: {  	[sflag:s22] =	ssyncset.done $0x0  }
0x4d: {  	[sflag:s22] =	ssyncadd.s32 $0xFFFFC000  }
0x4e: {  	[spmem:s9] =	stream.linear.scatter [tilespmem:s21], [sflag:$0x5], $0x4000, $0x38;
	[tilespmem:$0x1F000] =	vst v63  }
0x4f: {  	_ =	swait.ge [sflag:s22], $0x4000  }
0x50: {  	[sflag:s22] =	ssyncset.done $0x0  }
0x51: {  	[sflag:s22] =	ssyncadd.s32 $0xFFFFC000  }
0x52: {  	[bflag:$0x0] =	sbarrier.arrive $0xFFFF  }
0x53: {  	[tilespmem:s3], [sflag:$0x5] =	stream.linear.gather [hbm4b:s10+s3], $0x1800, $0x38;
	[tilespmem:$0x1F000] =	vst v63  }
0x54: {  	_ =	swait.ge [sflag:s22], $0x1800  }
0x55: {  	[sflag:s22] =	ssyncset.done $0x0  }
0x56: {  	[sflag:s22] =	ssyncadd.s32 $0xFFFFE800  }
0x57: {  	[tilespmem:s23], [sflag:$0x5] =	stream.linear.gather [hbm4b:s11+s3], $0x1800, $0x38;
	[tilespmem:$0x1F000] =	vst v63  }
0x58: {  	_ =	swait.ge [sflag:s22], $0x1800  }
0x59: {  	[sflag:s22] =	ssyncset.done $0x0  }
0x5a: {  	[sflag:s22] =	ssyncadd.s32 $0xFFFFE800  }
0x5b: {  	[tilespmem:s21], [sflag:$0x1] =	stream.indirect.gather [hbm4b:s4+s24], $0x80, s3, s24, $0xb8;
	[tilespmem:$0x1F000] =	vst v63  }
0x5c: {  	_ = 	snop  }
0x5d: {  	[tilespmem:s25], [sflag:$0x2] =	stream.indirect.gather [hbm4b:s4+s24], $0x80, s24, s24, $0xb8;
	[tilespmem:$0x1F000] =	vst v63  }
0x5e: {  	_ =	swait.ge [sflag:s26], $0x4000  }
0x5f: {  	[sflag:s26] =	ssyncset.done $0x0  }
0x60: {  	s7 =	simm.s32 $0x1800;
	[sflag:s26] =	ssyncadd.s32 $0xFFFFC000  }
0x61: {  	[spmem:s1] =	stream.indirect.scatter.add.f32 [tilespmem:s21], [sflag:$0x3], $0x80, s7, s24, $0xb8;
	[tilespmem:$0x1F000] =	vst v63  }
0x62: {  	_ =	swait.ge [sflag:s28], $0x4000  }
0x63: {  	[sflag:s28] =	ssyncset.done $0x0  }
0x64: {  	s15 =	simm.s32 $0x1880;
	[sflag:s28] =	ssyncadd.s32 $0xFFFFC000  }
0x65: {  	[spmem:s1] =	stream.indirect.scatter.add.f32 [tilespmem:s25], [sflag:$0x4], $0x80, s15, s24, $0xb8;
	[tilespmem:$0x1F000] =	vst v63  }
0x66: {  	_ =	swait.ge [sflag:s29], $0x4000  }
0x67: {  	p1 =	sne.s32 s12, $0x1;
	[sflag:s29] =	ssyncset.done $0x0  }
.Ltmp3:
0x68: {  	s18 =	simm.s32 $0x100;
	[sflag:s29] =	ssyncadd.s32 $0xFFFFC000;
	(pc) =	sbr.rel @!p1 .LBB2_5-.Ltmp3, $4  }
0x69: {  	[tilespmem:s21], [sflag:$0x1] =	stream.indirect.gather [hbm4b:s4+s24], $0x80, s18, s24, $0xb8;
	[tilespmem:$0x1F000] =	vst v63  }
0x6a: {  	_ =	swait.ge [sflag:s30], $0x4000  }
0x6b: {  	s0 =	sadd.s32 $0xFFFFFFFF, s12;
	s2 =	simm.s32 $0x180;
	[sflag:s30] =	ssyncset.done $0x0  }
0x6c: {  	s6 =	simm.s32 $0x1980;
	s15 =	simm.s32 $0x280;
	[sflag:s30] =	ssyncadd.s32 $0xFFFFC000  }
.LBB2_4:
0x6d: {  	[tilespmem:s25], [sflag:$0x2] =	stream.indirect.gather [hbm4b:s4+s24], $0x80, s2, s24, $0xb8;
	[tilespmem:$0x1F000] =	vst v63  }
0x6e: {  	p2 =	sne.s32 s0, $0x1;
	s0 =	sadd.s32 $0xFFFFFFFF, s0;
	_ =	swait.ge [sflag:s26], $0x4000  }
0x6f: {  	s2 =	smov.u32 s15;
	[sflag:s26] =	ssyncset.done $0x0  }
0x70: {  	s7 =	sadd.s32 $0xFFFFFF80, s6;
	[sflag:s26] =	ssyncadd.s32 $0xFFFFC000  }
0x71: {  	[spmem:s1] =	stream.indirect.scatter.add.f32 [tilespmem:s21], [sflag:$0x3], $0x80, s7, s24, $0xb8;
	[tilespmem:$0x1F000] =	vst v63  }
0x72: {  	_ =	swait.ge [sflag:s28], $0x4000  }
0x73: {  	[sflag:s28] =	ssyncset.done $0x0  }
0x74: {  	[sflag:s28] =	ssyncadd.s32 $0xFFFFC000  }
0x75: {  	[spmem:s1] =	stream.indirect.scatter.add.f32 [tilespmem:s25], [sflag:$0x4], $0x80, s6, s24, $0xb8;
	[tilespmem:$0x1F000] =	vst v63  }
0x76: {  	_ =	swait.ge [sflag:s29], $0x4000  }
0x77: {  	[sflag:s29] =	ssyncset.done $0x0  }
.Ltmp4:
0x78: {  	s7 =	sadd.s32 $0xFFFFFF80, s15;
	[sflag:s29] =	ssyncadd.s32 $0xFFFFC000;
	(pc) =	sbr.rel @p2 .LBB2_4-.Ltmp4, $4  }
0x79: {  	[tilespmem:s21], [sflag:$0x1] =	stream.indirect.gather [hbm4b:s4+s24], $0x80, s7, s24, $0xb8;
	[tilespmem:$0x1F000] =	vst v63  }
0x7a: {  	_ =	swait.ge [sflag:s30], $0x4000  }
0x7b: {  	[sflag:s30] =	ssyncset.done $0x0  }
0x7c: {  	s15 =	sadd.s32 $0x100, s15;
	s6 =	sadd.s32 $0x100, s6;
	[sflag:s30] =	ssyncadd.s32 $0xFFFFC000  }
.LBB2_5:
0x7d: {  	[tilespmem:s25], [sflag:$0x2] =	stream.indirect.gather [hbm4b:s4+s24], $0x80, s2, s24, $0xb8;
	[tilespmem:$0x1F000] =	vst v63  }
0x7e: {  	_ =	swait.ge [sflag:s26], $0x4000  }
0x7f: {  	[sflag:s26] =	ssyncset.done $0x0  }
0x80: {  	[sflag:s26] =	ssyncadd.s32 $0xFFFFC000  }
0x81: {  	[spmem:s1] =	stream.indirect.scatter.add.f32 [tilespmem:s21], [sflag:$0x3], $0x80, s13, s24, $0xb8;
	[tilespmem:$0x1F000] =	vst v63  }
0x82: {  	_ =	swait.ge [sflag:s28], $0x4000  }
0x83: {  	[sflag:s28] =	ssyncset.done $0x0  }
0x84: {  	[sflag:s28] =	ssyncadd.s32 $0xFFFFC000  }
0x85: {  	[spmem:s1] =	stream.indirect.scatter.add.f32 [tilespmem:s25], [sflag:$0x4], $0x80, s14, s24, $0xb8;
	[tilespmem:$0x1F000] =	vst v63  }
0x86: {  	_ =	swait.ge [sflag:s29], $0x4000  }
.Ltmp5:
0x87: {  	[sflag:s29] =	ssyncset.done $0x0;
	(pc) =	sbr.rel @p0 .LBB2_11-.Ltmp5, $4  }
0x88: {  	[sflag:s29] =	ssyncadd.s32 $0xFFFFC000  }
0x89: {  	_ =	swait.ge [sflag:s30], $0x4000  }
0x8a: {  	[sflag:s30] =	ssyncset.done $0x0  }
0x8b: {  	[sflag:s30] =	ssyncadd.s32 $0xFFFFC000  }
0x8c: {  	s0 =	rddreg [dreg:$0x6]  }
0x8d: {  	[tilespmem:s3], [sflag:$0x5] =	stream.linear.gather [hbm4b:s0+s3], $0x1800, $0x38;
	[tilespmem:$0x1F000] =	vst v63  }
0x8e: {  	_ =	swait.ge [sflag:s22], $0x1800  }
0x8f: {  	[sflag:s22] =	ssyncset.done $0x0  }
0x90: {  	s18 =	rddreg [dreg:$0x7];
	[sflag:s22] =	ssyncadd.s32 $0xFFFFE800  }
0x91: {  	[tilespmem:s23], [sflag:$0x5] =	stream.linear.gather [hbm4b:s18+s3], $0x1800, $0x38;
	[tilespmem:$0x1F000] =	vst v63  }
0x92: {  	_ =	swait.ge [sflag:s22], $0x1800  }
0x93: {  	[sflag:s22] =	ssyncset.done $0x0  }
0x94: {  	[sflag:s22] =	ssyncadd.s32 $0xFFFFE800  }
0x95: {  	[tilespmem:s21], [sflag:$0x1] =	stream.indirect.gather [hbm4b:s4+s24], $0x80, s3, s24, $0xb8;
	[tilespmem:$0x1F000] =	vst v63  }
0x96: {  	_ = 	snop  }
0x97: {  	[tilespmem:s25], [sflag:$0x2] =	stream.indirect.gather [hbm4b:s4+s24], $0x80, s24, s24, $0xb8;
	[tilespmem:$0x1F000] =	vst v63  }
0x98: {  	_ =	swait.ge [sflag:s26], $0x4000  }
0x99: {  	[sflag:s26] =	ssyncset.done $0x0  }
0x9a: {  	[sflag:s26] =	ssyncadd.s32 $0xFFFFC000  }
0x9b: {  	[spmem:s1] =	stream.indirect.scatter.add.f32 [tilespmem:s21], [sflag:$0x3], $0x80, s16, s24, $0xb8;
	[tilespmem:$0x1F000] =	vst v63  }
0x9c: {  	_ =	swait.ge [sflag:s28], $0x4000  }
0x9d: {  	[sflag:s28] =	ssyncset.done $0x0  }
0x9e: {  	s15 =	simm.s32 $0x1880;
	[sflag:s28] =	ssyncadd.s32 $0xFFFFC000  }
0x9f: {  	[spmem:s1] =	stream.indirect.scatter.add.f32 [tilespmem:s25], [sflag:$0x4], $0x80, s15, s24, $0xb8;
	[tilespmem:$0x1F000] =	vst v63  }
0xa0: {  	_ =	swait.ge [sflag:s29], $0x4000  }
0xa1: {  	[sflag:s29] =	ssyncset.done $0x0  }
.Ltmp6:
0xa2: {  	[sflag:s29] =	ssyncadd.s32 $0xFFFFC000;
	(pc) =	sbr.rel @!p1 .LBB2_8-.Ltmp6, $4  }
0xa3: {  	[tilespmem:s21], [sflag:$0x1] =	stream.indirect.gather [hbm4b:s4+s24], $0x80, s17, s24, $0xb8;
	[tilespmem:$0x1F000] =	vst v63  }
0xa4: {  	s2 =	simm.s32 $0x280;
	_ =	swait.ge [sflag:s30], $0x4000  }
0xa5: {  	s6 =	simm.s32 $0x1980;
	s7 =	simm.s32 $0x180;
	[sflag:s30] =	ssyncset.done $0x0  }
0xa6: {  	s0 =	simm.s32 $0x180;
	s18 =	sadd.s32 $0xFFFFFFFF, s12;
	[sflag:s30] =	ssyncadd.s32 $0xFFFFC000  }
.LBB2_7:
0xa7: {  	[tilespmem:s25], [sflag:$0x2] =	stream.indirect.gather [hbm4b:s4+s24], $0x80, s7, s24, $0xb8;
	[tilespmem:$0x1F000] =	vst v63  }
0xa8: {  	p2 =	sne.s32 s18, $0x1;
	s18 =	sadd.s32 $0xFFFFFFFF, s18;
	_ =	swait.ge [sflag:s26], $0x4000  }
0xa9: {  	s7 =	smov.u32 s2;
	[sflag:s26] =	ssyncset.done $0x0  }
0xaa: {  	s8 =	sadd.s32 $0xFFFFFF80, s6;
	[sflag:s26] =	ssyncadd.s32 $0xFFFFC000  }
0xab: {  	[spmem:s1] =	stream.indirect.scatter.add.f32 [tilespmem:s21], [sflag:$0x3], $0x80, s8, s24, $0xb8;
	[tilespmem:$0x1F000] =	vst v63  }
0xac: {  	_ =	swait.ge [sflag:s28], $0x4000  }
0xad: {  	[sflag:s28] =	ssyncset.done $0x0  }
0xae: {  	[sflag:s28] =	ssyncadd.s32 $0xFFFFC000  }
0xaf: {  	[spmem:s1] =	stream.indirect.scatter.add.f32 [tilespmem:s25], [sflag:$0x4], $0x80, s6, s24, $0xb8;
	[tilespmem:$0x1F000] =	vst v63  }
0xb0: {  	_ =	swait.ge [sflag:s29], $0x4000  }
0xb1: {  	[sflag:s29] =	ssyncset.done $0x0  }
.Ltmp7:
0xb2: {  	s8 =	sadd.s32 $0xFFFFFF80, s2;
	[sflag:s29] =	ssyncadd.s32 $0xFFFFC000;
	(pc) =	sbr.rel @p2 .LBB2_7-.Ltmp7, $4  }
0xb3: {  	[tilespmem:s21], [sflag:$0x1] =	stream.indirect.gather [hbm4b:s4+s24], $0x80, s8, s24, $0xb8;
	[tilespmem:$0x1F000] =	vst v63  }
0xb4: {  	_ =	swait.ge [sflag:s30], $0x4000  }
0xb5: {  	[sflag:s30] =	ssyncset.done $0x0  }
0xb6: {  	s2 =	sadd.s32 $0x100, s2;
	s6 =	sadd.s32 $0x100, s6;
	[sflag:s30] =	ssyncadd.s32 $0xFFFFC000  }
.LBB2_8:
0xb7: {  	[tilespmem:s25], [sflag:$0x2] =	stream.indirect.gather [hbm4b:s4+s24], $0x80, s7, s24, $0xb8;
	[tilespmem:$0x1F000] =	vst v63  }
0xb8: {  	_ =	swait.ge [sflag:s26], $0x4000  }
0xb9: {  	[sflag:s26] =	ssyncset.done $0x0  }
0xba: {  	[sflag:s26] =	ssyncadd.s32 $0xFFFFC000  }
0xbb: {  	[spmem:s1] =	stream.indirect.scatter.add.f32 [tilespmem:s21], [sflag:$0x3], $0x80, s13, s24, $0xb8;
	[tilespmem:$0x1F000] =	vst v63  }
0xbc: {  	_ =	swait.ge [sflag:s28], $0x4000  }
0xbd: {  	[sflag:s28] =	ssyncset.done $0x0  }
0xbe: {  	[sflag:s28] =	ssyncadd.s32 $0xFFFFC000  }
0xbf: {  	[spmem:s1] =	stream.indirect.scatter.add.f32 [tilespmem:s25], [sflag:$0x4], $0x80, s14, s24, $0xb8;
	[tilespmem:$0x1F000] =	vst v63  }
0xc0: {  	_ =	swait.ge [sflag:s29], $0x4000  }
0xc1: {  	[sflag:s29] =	ssyncset.done $0x0  }
0xc2: {  	[sflag:s29] =	ssyncadd.s32 $0xFFFFC000  }
0xc3: {  	_ =	swait.ge [sflag:s30], $0x4000  }
0xc4: {  	[sflag:s30] =	ssyncset.done $0x0  }
0xc5: {  	s2 =	rddreg [dreg:$0x8];
	[sflag:s30] =	ssyncadd.s32 $0xFFFFC000  }
0xc6: {  	[tilespmem:s3], [sflag:$0x5] =	stream.linear.gather [hbm4b:s2+s3], $0x1800, $0x38;
	[tilespmem:$0x1F000] =	vst v63  }
0xc7: {  	_ =	swait.ge [sflag:s22], $0x1800  }
0xc8: {  	[sflag:s22] =	ssyncset.done $0x0  }
0xc9: {  	s18 =	rddreg [dreg:$0x9];
	[sflag:s22] =	ssyncadd.s32 $0xFFFFE800  }
0xca: {  	[tilespmem:s23], [sflag:$0x5] =	stream.linear.gather [hbm4b:s18+s3], $0x1800, $0x38;
	[tilespmem:$0x1F000] =	vst v63  }
0xcb: {  	_ =	swait.ge [sflag:s22], $0x1800  }
0xcc: {  	[sflag:s22] =	ssyncset.done $0x0  }
0xcd: {  	[sflag:s22] =	ssyncadd.s32 $0xFFFFE800  }
0xce: {  	[tilespmem:s21], [sflag:$0x1] =	stream.indirect.gather [hbm4b:s4+s24], $0x80, s3, s24, $0xb8;
	[tilespmem:$0x1F000] =	vst v63  }
0xcf: {  	_ = 	snop  }
0xd0: {  	[tilespmem:s25], [sflag:$0x2] =	stream.indirect.gather [hbm4b:s4+s24], $0x80, s24, s24, $0xb8;
	[tilespmem:$0x1F000] =	vst v63  }
0xd1: {  	_ =	swait.ge [sflag:s26], $0x4000  }
0xd2: {  	[sflag:s26] =	ssyncset.done $0x0  }
0xd3: {  	[sflag:s26] =	ssyncadd.s32 $0xFFFFC000  }
0xd4: {  	[spmem:s1] =	stream.indirect.scatter.add.f32 [tilespmem:s21], [sflag:$0x3], $0x80, s16, s24, $0xb8;
	[tilespmem:$0x1F000] =	vst v63  }
0xd5: {  	_ =	swait.ge [sflag:s28], $0x4000  }
0xd6: {  	[sflag:s28] =	ssyncset.done $0x0  }
0xd7: {  	[sflag:s28] =	ssyncadd.s32 $0xFFFFC000  }
0xd8: {  	[spmem:s1] =	stream.indirect.scatter.add.f32 [tilespmem:s25], [sflag:$0x4], $0x80, s15, s24, $0xb8;
	[tilespmem:$0x1F000] =	vst v63  }
0xd9: {  	_ =	swait.ge [sflag:s29], $0x4000  }
0xda: {  	[sflag:s29] =	ssyncset.done $0x0  }
.Ltmp8:
0xdb: {  	[sflag:s29] =	ssyncadd.s32 $0xFFFFC000;
	(pc) =	sbr.rel @!p1 .LBB2_10-.Ltmp8, $4  }
0xdc: {  	[tilespmem:s21], [sflag:$0x1] =	stream.indirect.gather [hbm4b:s4+s24], $0x80, s17, s24, $0xb8;
	[tilespmem:$0x1F000] =	vst v63  }
0xdd: {  	_ =	swait.ge [sflag:s30], $0x4000  }
0xde: {  	s6 =	simm.s32 $0x1980;
	[sflag:s30] =	ssyncset.done $0x0  }
0xdf: {  	s2 =	simm.s32 $0x280;
	s15 =	sadd.s32 $0xFFFFFFFF, s12;
	[sflag:s30] =	ssyncadd.s32 $0xFFFFC000  }
.LBB2_9:
0xe0: {  	[tilespmem:s25], [sflag:$0x2] =	stream.indirect.gather [hbm4b:s4+s24], $0x80, s0, s24, $0xb8;
	[tilespmem:$0x1F000] =	vst v63  }
0xe1: {  	p1 =	sne.s32 s15, $0x1;
	s15 =	sadd.s32 $0xFFFFFFFF, s15;
	_ =	swait.ge [sflag:s26], $0x4000  }
0xe2: {  	s0 =	smov.u32 s2;
	[sflag:s26] =	ssyncset.done $0x0  }
0xe3: {  	s7 =	sadd.s32 $0xFFFFFF80, s6;
	[sflag:s26] =	ssyncadd.s32 $0xFFFFC000  }
0xe4: {  	[spmem:s1] =	stream.indirect.scatter.add.f32 [tilespmem:s21], [sflag:$0x3], $0x80, s7, s24, $0xb8;
	[tilespmem:$0x1F000] =	vst v63  }
0xe5: {  	_ =	swait.ge [sflag:s28], $0x4000  }
0xe6: {  	[sflag:s28] =	ssyncset.done $0x0  }
0xe7: {  	[sflag:s28] =	ssyncadd.s32 $0xFFFFC000  }
0xe8: {  	[spmem:s1] =	stream.indirect.scatter.add.f32 [tilespmem:s25], [sflag:$0x4], $0x80, s6, s24, $0xb8;
	[tilespmem:$0x1F000] =	vst v63  }
0xe9: {  	_ =	swait.ge [sflag:s29], $0x4000  }
0xea: {  	[sflag:s29] =	ssyncset.done $0x0  }
.Ltmp9:
0xeb: {  	s7 =	sadd.s32 $0xFFFFFF80, s2;
	[sflag:s29] =	ssyncadd.s32 $0xFFFFC000;
	(pc) =	sbr.rel @p1 .LBB2_9-.Ltmp9, $4  }
0xec: {  	[tilespmem:s21], [sflag:$0x1] =	stream.indirect.gather [hbm4b:s4+s24], $0x80, s7, s24, $0xb8;
	[tilespmem:$0x1F000] =	vst v63  }
0xed: {  	_ =	swait.ge [sflag:s30], $0x4000  }
0xee: {  	[sflag:s30] =	ssyncset.done $0x0  }
0xef: {  	s2 =	sadd.s32 $0x100, s2;
	s6 =	sadd.s32 $0x100, s6;
	[sflag:s30] =	ssyncadd.s32 $0xFFFFC000  }
.Ltmp10:
0xf0: {  	_ = 	snop;
	(pc) =	sbr.rel .LBB2_10-.Ltmp10, $1  }
0xf1: {  	_ =	sdelay $0x3  }
.LBB2_12:
0xf2: {  	_ =	sfence.sel $0x180000  }
0xf3: {  	[bflag:$0x0] =	sbarrier.arrive $0xFFFF  }
0xf4: {  	_ =	strace $0x9000004A  }
0xf5: {  	[bflag:$0x2] =	sbarrier.arrive $0xFFFF  }
0xf6: {  	p0 =	sne.s32 s8, $0x0;
	s0 =	rddreg [dreg:$0x2]  }
0xf7: {  	s0 =	sadd.s32 @!p0 $0x100000, s0  }
0xf8: {  	[sflag:s0] =	ssyncadd.tile.s32 @!p0 $0x1;
	_ =	shalt  }
.Lfunc_end2:
_tile_overlayer_lowered:
.L_overlay_start_2:
0xf9: {  	(tag) =	ssettag $0x2  }
0xfa: {  	s0 =	rddreg [dreg:$0x0];
	s2 =	stileid.u32  }
0xfb: {  	s1 =	rddreg [dreg:$0x1];
	p0 =	sne.s32 s2, $0x0  }
0xfc: {  	s3 =	rddreg [dreg:$0x2];
	[bflag:$0x3] =	sbarrier.arrive $0xFFFF;
	s2 =	simm.s32 @!p0 $0x1C05  }
0xfd: {  	[timem:s3], [sflag:s2] =	dma.local @!p0 [hbm:s0], s1  }
0xfe: {  	s0 =	simm.s32 @!p0 $0x5  }
0xff: {  	_ =	swait.ge @!p0 [sflag:s0], s1  }
0x100: {  	s1 =	ssub.s32 @!p0 $0x0, s1;
	[sflag:s0] =	ssyncset.done @!p0 $0x0  }
0x101: {  	[sflag:s0] =	ssyncadd.s32 @!p0 s1  }
0x102: {  	[bflag:$0x3] =	sbarrier.arrive $0xFFFF  }
0x103: {  	_ =	shalt  }

// kernel: kernel.14.cloned.1.call-start
scs
__scs_entry_jumppad:
0x0: {  	(pc) =	sbr.rel $0x88, $3  }
0x1: {  	(tag) =	ssettag $0x0;
	lr =	simm.s32 $0x1  }
0x2: {  	[smem:$0x3F94] =	sst lr;
	_ =	strace $0xD0000000  }
0x3: {  	_ = 	snop  }
0x4: {  	_ = 	snop  }
0x5: {  	_ = 	snop  }
0x6: {  	_ = 	snop  }
0x7: {  	_ = 	snop  }
__scs_overlays_trampoline_lowered:
0x8: {  	[smem:$0x3FA3] =	sst s0  }
0x9: {  	[smem:$0x3FA4] =	sst s1  }
0xa: {  	[smem:$0x3FA5] =	sst s2  }
0xb: {  	[smem:$0x3FA6] =	sst s3  }
0xc: {  	[smem:$0x3FA7] =	sst s4  }
0xd: {  	[smem:$0x3FA8] =	sst s5  }
0xe: {  	[smem:$0x3FA9] =	sst s6  }
0xf: {  	[smem:$0x3FAA] =	sst s7  }
0x10: {  	[smem:$0x3FAB] =	sst s8  }
0x11: {  	[smem:$0x3FAC] =	sst s9;
	s0 =	simm.s32 @!p0 $0x0  }
0x12: {  	s1 =	sld [smem:$0x3F92];
	s0 =	simm.s32 @p0 $0x1  }
0x13: {  	[smem:$0x3FAD] =	sst s0;
	s0 =	simm.s32 @!p1 $0x0  }
0x14: {  	s2 =	sld [smem:$0x3F91];
	s0 =	simm.s32 @p1 $0x1  }
0x15: {  	[smem:$0x3FAE] =	sst s0;
	s0 =	simm.s32 @!p2 $0x0  }
0x16: {  	s3 =	sld [smem:$0x3FDB];
	s0 =	simm.s32 @p2 $0x1  }
0x17: {  	s4 =	simm.s32 $0x1BF5;
	[smem:$0x3FB0] =	sst s0  }
0x18: {  	s0 =	sld [smem:$0x3F93];
	_ =	swait.ge [sflag:s4], $0x0  }
0x19: {  	s7 =	sld [smem:$0x3F94]  }
0x1a: {  	s8 =	sadd.s32 $0xFFFFE003, lr  }
0x1b: {  	s9 =	sadd.s32 $0xFFFFFEF7, lr;
	s5 =	simm.s32 $0xFFFFFFFF;
	p2 =	slt.u32 s8, $0xFFFFF086  }
0x1c: {  	p1 =	slt.u32 s9, $0xF7A;
	s5 =	simm.s32 @!p2 $0x0  }
0x1d: {  	s5 =	simm.s32 @p1 $0x1;
	p0 =	seq.s32 s7, s2  }
0x1e: {  	s7 =	smul.u32 @!p0 $0xF7A, s2;
	p2 =	seq.s32 @!p0 s5, $0x0  }
0x1f: {  	s9 =	smul.u32 $0xF7A, s1;
	s8 =	simm.s32 @!p0 $0x1BF5;
	p2 =	por !p2, p0  }
0x20: {  	[sflag:s8] =	ssyncset.s32 @!p0 $0xFFFFF086;
	s6 =	sadd.s32 @!p0 s3, s7;
	s7 =	simm.s32 @!p0 $0x108  }
0x21: {  	s3 =	sadd.s32 s3, s9;
	s6 =	sadd.s32 @!p0 $0x88, s6;
	s7 =	simm.s32 @p2 $0x1082  }
0x22: {  	[simem:s7], [sflag:s8] =	dma.local @!p0 [hbm:s6], $0xF7A  }
0x23: {  	s9 =	sor.u32 $0xD0000000, s2;
	s6 =	simm.s32 $0x108;
	_ =	swait.ge @!p0 [sflag:s8], $0x0  }
0x24: {  	s3 =	sadd.s32 $0x88, s3;
	s6 =	simm.s32 @!p1 $0x1082;
	[sflag:s4] =	ssyncset.s32 $0xFFFFF086  }
0x25: {  	[simem:s6], [sflag:s4] =	dma.local [hbm:s3], $0xF7A  }
0x26: {  	[smem:$0x3F94] =	sst s1;
	(tag) =	ssettag s2;
	_ =	strace s9  }
0x27: {  	s1 =	sld [smem:$0x3FA4]  }
0x28: {  	s2 =	sld [smem:$0x3FA5]  }
0x29: {  	s4 =	sld [smem:$0x3FA7]  }
0x2a: {  	p0 =	seq.s32 s5, $0x0;
	s5 =	sld [smem:$0x3FA8]  }
0x2b: {  	s6 =	sld [smem:$0x3FA9]  }
0x2c: {  	s7 =	sld [smem:$0x3FAA]  }
0x2d: {  	s3 =	simm.s32 $0x108;
	s8 =	sld [smem:$0x3FAB]  }
0x2e: {  	s3 =	simm.s32 @!p0 $0x1082;
	s9 =	sld [smem:$0x3FAC]  }
0x2f: {  	lr =	sadd.s32 s0, s3;
	s0 =	sld [smem:$0x3FA3]  }
0x30: {  	s3 =	sld [smem:$0x3FA6]  }
0x31: {  	[smem:$0x3FAF] =	sst s10  }
0x32: {  	s10 =	sld [smem:$0x3FAD];
	_ =	sdelay $0x3  }
0x33: {  	p0 =	seq.s32 s10, $0x1;
	s10 =	sld [smem:$0x3FAF];
	_ =	sdelay $0x3  }
0x34: {  	[smem:$0x3FAF] =	sst s10  }
0x35: {  	s10 =	sld [smem:$0x3FAE];
	_ =	sdelay $0x3  }
0x36: {  	p1 =	seq.s32 s10, $0x1;
	s10 =	sld [smem:$0x3FAF];
	_ =	sdelay $0x3  }
0x37: {  	[smem:$0x3FAF] =	sst s10  }
0x38: {  	s10 =	sld [smem:$0x3FB0]  }
0x39: {  	_ = 	snop;
	(pc) =	sbr.ind lr, $3  }
0x3a: {  	_ = 	snop  }
0x3b: {  	_ = 	snop  }
0x3c: {  	p2 =	seq.s32 s10, $0x1;
	s10 =	sld [smem:$0x3FAF]  }
0x3d: {  	_ =	shalt  }
0x3e: {  	_ =	shalt  }
0x3f: {  	_ =	shalt  }
0x40: {  	_ =	shalt  }
0x41: {  	_ =	shalt  }
0x42: {  	_ =	shalt  }
0x43: {  	_ =	shalt  }
0x44: {  	_ =	shalt  }
0x45: {  	_ =	shalt  }
0x46: {  	_ =	shalt  }
0x47: {  	_ =	shalt  }
0x48: {  	_ =	shalt  }
0x49: {  	_ =	shalt  }
0x4a: {  	_ =	shalt  }
0x4b: {  	_ =	shalt  }
0x4c: {  	_ =	shalt  }
0x4d: {  	_ =	shalt  }
0x4e: {  	_ =	shalt  }
0x4f: {  	_ =	shalt  }
0x50: {  	_ =	shalt  }
0x51: {  	_ =	shalt  }
0x52: {  	_ =	shalt  }
0x53: {  	_ =	shalt  }
0x54: {  	_ =	shalt  }
0x55: {  	_ =	shalt  }
0x56: {  	_ =	shalt  }
0x57: {  	_ =	shalt  }
0x58: {  	_ =	shalt  }
0x59: {  	_ =	shalt  }
0x5a: {  	_ =	shalt  }
0x5b: {  	_ =	shalt  }
0x5c: {  	_ =	shalt  }
0x5d: {  	_ =	shalt  }
0x5e: {  	_ =	shalt  }
0x5f: {  	_ =	shalt  }
0x60: {  	_ =	shalt  }
0x61: {  	_ =	shalt  }
0x62: {  	_ =	shalt  }
0x63: {  	_ =	shalt  }
0x64: {  	_ =	shalt  }
0x65: {  	_ =	shalt  }
0x66: {  	_ =	shalt  }
0x67: {  	_ =	shalt  }
0x68: {  	_ =	shalt  }
0x69: {  	_ =	shalt  }
0x6a: {  	_ =	shalt  }
0x6b: {  	_ =	shalt  }
0x6c: {  	_ =	shalt  }
0x6d: {  	_ =	shalt  }
0x6e: {  	_ =	shalt  }
0x6f: {  	_ =	shalt  }
0x70: {  	_ =	shalt  }
0x71: {  	_ =	shalt  }
0x72: {  	_ =	shalt  }
0x73: {  	_ =	shalt  }
0x74: {  	_ =	shalt  }
0x75: {  	_ =	shalt  }
0x76: {  	_ =	shalt  }
0x77: {  	_ =	shalt  }
0x78: {  	_ =	shalt  }
0x79: {  	_ =	shalt  }
0x7a: {  	_ =	shalt  }
0x7b: {  	_ =	shalt  }
0x7c: {  	_ =	shalt  }
0x7d: {  	_ =	shalt  }
0x7e: {  	_ =	shalt  }
0x7f: {  	_ =	shalt  }
0x80: {  	_ =	shalt  }
0x81: {  	_ =	shalt  }
0x82: {  	_ =	shalt  }
0x83: {  	_ =	shalt  }
0x84: {  	_ =	shalt  }
0x85: {  	_ =	shalt  }
0x86: {  	_ =	shalt  }
0x87: {  	_ =	shalt  }
.Lfunc_end0:
.L_simem_size_0:
called_computation.2_lowered:
.L_overlay_start_0:
0x88: {  	s2 =	sld [smem:$0x3FD9]  }
0x89: {  	s3 =	sld [smem:$0x3FFE];
	_ =	sdelay $0x1  }
0x8a: {  	s1 =	srdreg.scid  }
0x8b: {  	s0 =	sand.u32 $0x1, s1  }
0x8c: {  	s16 =	sshll.u32 s0, $0xA;
	s2 =	sadd.s32 s3, s2  }
0x8d: {  	s2 =	sadd.s32 s2, s16  }
0x8e: {  	[smem:$0x3FBB] =	sst s2  }
0x8f: {  	_ = 	snop  }
0x90: {  	(tm) =	ssettm $0x1  }
0x91: {  	s17 =	sld [smem:$0x3FFB];
	_ =	sdelay $0x3  }
0x92: {  	_ =	strace s17  }
0x93: {  	s2 =	sld [smem:$0x3FFC];
	_ =	sdelay $0x3  }
0x94: {  	_ =	strace s2  }
0x95: {  	s2 =	sld [smem:$0x3FFD];
	_ =	sdelay $0x3  }
0x96: {  	_ =	strace s2  }
0x97: {  	_ =	strace $0x8FFFFFFF  }
0x98: {  	s18 =	sld [smem:$0x3FDB];
	_ =	sdelay $0x1  }
0x99: {  	s19 =	simm.s32 $_scs_section_size  }
0x9a: {  	s4 =	simm.s32 $_size__tile_overlayer_lowered;
	s5 =	simm.s32 $_tile_overlayer_lowered  }
0x9b: {  	s22 =	simm.s32 $0x1BFF;
	s21 =	sshll.u32 s5, $0x1;
	s2 =	sadd.s32 s19, s18  }
0x9c: {  	s6 =	simm.s32 $0x0;
	s20 =	sshll.u32 s4, $0x1;
	s4 =	sadd.s32 s21, s2  }
0x9d: {  	[timem:s6], [sflag:s22] =	dma.local [hbm:s4], s20  }
0x9e: {  	_ =	swait.ge [sflag:s22], s20  }
0x9f: {  	s3 =	ssub.s32 $0x0, s20;
	[sflag:s22] =	ssyncset.done $0x0  }
0xa0: {  	[sflag:s22] =	ssyncadd.s32 s3;
	_ =	sdelay $0x1  }
0xa1: {  	s23 =	simm.s32 $0x1B8B  }
0xa2: {  	_ =	swait.ge [sflag:s23], $0x1  }
0xa3: {  	[sflag:s23] =	ssyncset.done $0x0  }
0xa4: {  	s25 =	simm.s32 $0x1B8E;
	s24 =	sld [smem:$0x3FFE];
	[sflag:s23] =	ssyncadd.s32 $0xFFFFFFFF  }
0xa5: {  	s26 =	simm.s32 $execute0_lowered;
	[smem:$0x3FD2] =	sst s25  }
0xa6: {  	s4 =	sshll.u32 s26, $0x1;
	_ =	strace $0x8000004C;
	[dreg:$0x1] =	wrdreg $0xFFFFFFFF  }
0xa7: {  	s28 =	simm.s32 $_size_execute0_lowered;
	s2 =	sadd.s32 s2, s4;
	[dreg:$0x0] =	wrdreg $0x0  }
0xa8: {  	s4 =	sshll.u32 s28, $0x1;
	[dreg:$0x2] =	wrdreg s2  }
0xa9: {  	[dreg:$0x3] =	wrdreg s4  }
0xaa: {  	[dreg:$0x4] =	wrdreg $0xC0  }
0xab: {  	_ =	task [dreg:s6], $0x5FFFF  }
0xac: {  	[dreg:$0x1] =	wrdreg $0xFFFFFFFF  }
0xad: {  	[dreg:$0x0] =	wrdreg $0x60  }
0xae: {  	[dreg:$0x2] =	wrdreg s24  }
0xaf: {  	[dreg:$0x3] =	wrdreg $0xB0000  }
0xb0: {  	[dreg:$0x4] =	wrdreg $0x9  }
0xb1: {  	_ =	task.clear_ibuf [dreg:s6], $0x5FFFF;
	_ =	strace $0x9000004C  }
0xb2: {  	s29 =	simm.s32 $0x9;
	_ =	strace $0x8000004E  }
0xb3: {  	_ =	swait.ge [sflag:s29], $0x1  }
0xb4: {  	[sflag:s29] =	ssyncadd.s32 $0xFFFFFFFF  }
0xb5: {  	_ =	strace $0x9000004E  }
0xb6: {  	_ =	sfence  }
0xb7: {  	s30 =	sld [smem:$0x0];
	_ =	sdelay $0x2  }
0xb8: {  	s31 =	sshll.u32 s1, $0xD;
	s1 =	sshrl.u32 s1, $0x2  }
0xb9: {  	s3 =	sand.u32 $0x4000, s31;
	s1 =	sadd.s32 s1, s30  }
0xba: {  	s0 =	sor.u32 s3, s0;
	s1 =	sshll.u32 s1, $0x11  }
0xbb: {  	s0 =	sor.u32 s1, s0  }
0xbc: {  	s0 =	sadd.s32 $0x8F2B, s0  }
0xbd: {  	[sflag:s0] =	ssyncadd.remote.s32 $0x1  }
0xbe: {  	_ =	sfence.sel $0xFFFF  }
0xbf: {  	[dreg:$0x0] =	wrdreg $0xFFFFFFFF;
	(pc) =	sbr.abs _section_cstart, $3  }
0xc0: {  	[dreg:$0x1] =	wrdreg $0xFFFFFFFF  }
0xc1: {  	_ =	task.clear_ibuf [dreg:s6], $0x2FFFF;
	_ =	strace $0x9FFFFFFF  }
0xc2: {  	(tm) =	ssettm $0x7FFFFFFF  }
0xc3: {  	_ =	shalt  }
tec
execute0_lowered:
.L_overlay_start_1:
0x0: {  	(tag) =	ssettag $0x1  }
0x1: {  	s0 =	rddreg [dreg:$0x0]  }
0x2: {  	s1 =	rddreg [dreg:$0x1]  }
0x3: {  	s2 =	srdreg.scid;
	s3 =	simm.s32 $0x0;
	s10 =	stileid.u32  }
0x4: {  	s16 =	simm.s32 $0x30;
	s28 =	simm.s32 $0x2;
	s29 =	simm.s32 $0x3  }
0x5: {  	s30 =	simm.s32 $0x4;
	s31 =	simm.s32 $0x0;
	s2 =	sand.u32 $0x1, s2  }
0x6: {  	[smem:$0x7FF] =	sst s3;
	s6 =	smul.u32 $0x14000, s10;
	s4 =	sadd.s32 $0x18600, s0  }
0x7: {  	s7 =	sadd.s32 $0x3600, s0;
	s15 =	sadd.s32 $0xDE00, s0;
	s9 =	smul.u32 $0x50000, s10  }
0x8: {  	s22 =	sshll.u32 s10, $0x4;
	s5 =	smul.u32 $0x140000, s2;
	s21 =	ssub.s32 $0x2, s2  }
0x9: {  	_ =	strace $0x8000004D;
	p0 =	seq.s32 s2, $0x0;
	s8 =	sshrl.u32 s21, $0x1  }
0xa: {  	s9 =	sshrl.u32 s9, $0x2;
	s16 =	simm.s32 @!p0 $0x10;
	s5 =	sadd.s32 s6, s5  }
0xb: {  	s6 =	ssub.s32 s21, s8;
	s8 =	smul.u32 $0x90, s10;
	s10 =	sor.u32 $0x900, s22  }
0xc: {  	s12 =	sshrl.u32 s16, $0x1;
	s18 =	sshll.u32 s16, $0x7;
	s16 =	sshll.u32 s16, $0x5  }
0xd: {  	s21 =	simm.s32 $0x3000;
	s22 =	simm.s32 $0x5;
	s5 =	sshrl.u32 s5, $0x3  }
0xe: {  	s12 =	sadd.s32 $0xFFFFFFFF, s12;
	s13 =	sadd.s32 $0x1700, s18;
	s20 =	smax.u32 s6, $0x1  }
0xf: {  	s0 =	sadd.s32 s5, s0;
	s5 =	sadd.s32 s9, s1;
	s10 =	smov.u32 @p0 s8  }
0x10: {  	s8 =	stileid.u32;
	p0 =	sne.s32 s2, $0x0;
	s9 =	sadd.s32 $0x4000, s5  }
0x11: {  	s23 =	sadd.s32 $0x8000, s5;
	s24 =	sadd.s32 $0xC000, s5;
	[dreg:$0x3] =	wrdreg s9  }
0x12: {  	s17 =	sshll.u32 s10, $0x4;
	s14 =	smul.u32 $0x4800, s8;
	[dreg:$0x4] =	wrdreg s23  }
0x13: {  	[dreg:$0x5] =	wrdreg s24;
	s9 =	sadd.s32 $0x10000, s5;
	s10 =	sadd.s32 s7, s17  }
0x14: {  	s11 =	sadd.s32 s15, s17;
	s16 =	sadd.s32 s16, s17;
	s23 =	simm.s32 $0x1800  }
0x15: {  	s24 =	simm.s32 $0x80;
	s17 =	simm.s32 $0x100;
	s19 =	sshrl.u32 s14, $0x3  }
.Ltmp0:
0x16: {  	s26 =	sadd.s32 s15, s16;
	s25 =	sadd.s32 $0x300, s19;
	(pc) =	sbr.rel .LBB2_1-.Ltmp0, $4  }
0x17: {  	s14 =	sadd.s32 $0x1780, s18;
	[dreg:$0x9] =	wrdreg s26;
	s19 =	sadd.s32 s7, s25  }
0x18: {  	s26 =	simm.s32 $0x1;
	s18 =	sadd.s32 s15, s25;
	[dreg:$0x6] =	wrdreg s19  }
0x19: {  	s7 =	sadd.s32 s7, s16;
	s25 =	simm.s32 $0x7000;
	[dreg:$0x7] =	wrdreg s18  }
0x1a: {  	v0 =	vimm.f32 $0.0e+00;
	s16 =	simm.s32 $0x1800;
	[dreg:$0x8] =	wrdreg s7;
	s19 =	sadd.s32 $0x3F800, s0  }
.LBB2_10:
0x1b: {  	[tilespmem:s25], [sflag:$0x2] =	stream.indirect.gather [hbm4b:s4+s24], $0x80, s0, s24, $0xb8;
	[tilespmem:$0x1F000] =	vst v63  }
0x1c: {  	_ =	swait.ge [sflag:s26], $0x4000  }
0x1d: {  	[sflag:s26] =	ssyncset.done $0x0  }
0x1e: {  	[sflag:s26] =	ssyncadd.s32 $0xFFFFC000  }
0x1f: {  	[spmem:s1] =	stream.indirect.scatter.add.f32 [tilespmem:s21], [sflag:$0x3], $0x80, s13, s24, $0xb8;
	[tilespmem:$0x1F000] =	vst v63  }
0x20: {  	_ =	swait.ge [sflag:s28], $0x4000  }
0x21: {  	[sflag:s28] =	ssyncset.done $0x0  }
0x22: {  	[sflag:s28] =	ssyncadd.s32 $0xFFFFC000  }
0x23: {  	[spmem:s1] =	stream.indirect.scatter.add.f32 [tilespmem:s25], [sflag:$0x4], $0x80, s14, s24, $0xb8;
	[tilespmem:$0x1F000] =	vst v63  }
0x24: {  	_ =	swait.ge [sflag:s29], $0x4000  }
0x25: {  	[sflag:s29] =	ssyncset.done $0x0  }
0x26: {  	[sflag:s29] =	ssyncadd.s32 $0xFFFFC000  }
0x27: {  	_ =	swait.ge [sflag:s30], $0x4000  }
0x28: {  	[sflag:s30] =	ssyncset.done $0x0  }
0x29: {  	s8 =	stileid.u32;
	[sflag:s30] =	ssyncadd.s32 $0xFFFFC000  }
.LBB2_11:
0x2a: {  	s31 =	sadd.s32 $0x1, s31  }
0x2b: {  	s0 =	sshll.u32 s8, $0x6;
	[bflag:$0x0] =	sbarrier.arrive $0xFFFF;
	p1 =	sne.s32 s31, s20  }
.Ltmp1:
0x2c: {  	s2 =	sshrl.u32 s5, $0x3;
	s0 =	sor.u32 $0x1C05, s0;
	(pc) =	sbr.rel @!p1 .LBB2_12-.Ltmp1, $4  }
0x2d: {  	[hbm:s19], [sflag:s0] =	dma.local [spmem:s2], $0x2800  }
0x2e: {  	_ =	swait.ge [sflag:s22], $0x2800  }
0x2f: {  	[sflag:s22] =	ssyncset.done $0x0  }
0x30: {  	[sflag:s22] =	ssyncadd.s32 $0xFFFFD800  }
.LBB2_1:
0x31: {  	s0 =	simm.s32 $0x0  }
0x32: {  	s2 =	sand.u32 $0xFFFFFF80, s0  }
0x33: {  	s2 =	ssub.s32 $0x0, s2  }
0x34: {  	s0 =	sand.u32 $0x3FFFFF80, s0;
	s2 =	sand.u32 $0xFFFFFF80, s2  }
0x35: {  	s6 =	sand.u32 $0x70, s3;
	s2 =	sadd.s32 s2, s0  }
0x36: {  	s0 =	simm.s32 $0x1;
	s6 =	sor.u32 s6, s2;
	s2 =	simm.s32 $0x0  }
.LBB2_2:
0x37: {  	s7 =	sshll.u32 s0, $0x4;
	p1 =	sne.s32 s0, $0x3FF;
	s0 =	sadd.s32 $0x1, s0;
	[tilespmem:s6+$0x3000] =	vst v0  }
.Ltmp2:
0x38: {  	s2 =	sadd.s32 $0x10, s2;
	s6 =	sand.u32 $0xFFFFFF80, s7;
	(pc) =	sbr.rel @p1 .LBB2_2-.Ltmp2, $4  }
0x39: {  	s6 =	ssub.s32 s2, s6  }
0x3a: {  	s7 =	sand.u32 $0x3FFFFF80, s7;
	s6 =	sand.u32 $0xFFFFFF80, s6  }
0x3b: {  	s15 =	sand.u32 $0x70, s2;
	s6 =	sadd.s32 s6, s7  }
0x3c: {  	s6 =	sor.u32 s15, s6  }
0x3d: {  	[tilespmem:s6+$0x3000] =	vst v0  }
0x3e: {  	[spmem:s5] =	stream.linear.scatter [tilespmem:s21], [sflag:$0x5], $0x4000, $0x38;
	[tilespmem:$0x1F000] =	vst v63  }
0x3f: {  	_ =	swait.ge [sflag:s22], $0x4000  }
0x40: {  	[sflag:s22] =	ssyncset.done $0x0  }
0x41: {  	s0 =	rddreg [dreg:$0x3];
	[sflag:s22] =	ssyncadd.s32 $0xFFFFC000  }
0x42: {  	[spmem:s0] =	stream.linear.scatter [tilespmem:s21], [sflag:$0x5], $0x4000, $0x38;
	[tilespmem:$0x1F000] =	vst v63  }
0x43: {  	_ =	swait.ge [sflag:s22], $0x4000  }
0x44: {  	[sflag:s22] =	ssyncset.done $0x0  }
0x45: {  	s2 =	rddreg [dreg:$0x4];
	[sflag:s22] =	ssyncadd.s32 $0xFFFFC000  }
0x46: {  	[spmem:s2] =	stream.linear.scatter [tilespmem:s21], [sflag:$0x5], $0x4000, $0x38;
	[tilespmem:$0x1F000] =	vst v63  }
0x47: {  	_ =	swait.ge [sflag:s22], $0x4000  }
0x48: {  	[sflag:s22] =	ssyncset.done $0x0  }
0x49: {  	s6 =	rddreg [dreg:$0x5];
	[sflag:s22] =	ssyncadd.s32 $0xFFFFC000  }
0x4a: {  	[spmem:s6] =	stream.linear.scatter [tilespmem:s21], [sflag:$0x5], $0x4000, $0x38;
	[tilespmem:$0x1F000] =	vst v63  }
0x4b: {  	_ =	swait.ge [sflag:s22], $0x4000  }
0x4c: {  	[sflag:s22] =	ssyncset.done $0x0  }
0x4d: {  	[sflag:s22] =	ssyncadd.s32 $0xFFFFC000  }
0x4e: {  	[spmem:s9] =	stream.linear.scatter [tilespmem:s21], [sflag:$0x5], $0x4000, $0x38;
	[tilespmem:$0x1F000] =	vst v63  }
0x4f: {  	_ =	swait.ge [sflag:s22], $0x4000  }
0x50: {  	[sflag:s22] =	ssyncset.done $0x0  }
0x51: {  	[sflag:s22] =	ssyncadd.s32 $0xFFFFC000  }
0x52: {  	[bflag:$0x0] =	sbarrier.arrive $0xFFFF  }
0x53: {  	[tilespmem:s3], [sflag:$0x5] =	stream.linear.gather [hbm4b:s10+s3], $0x1800, $0x38;
	[tilespmem:$0x1F000] =	vst v63  }
0x54: {  	_ =	swait.ge [sflag:s22], $0x1800  }
0x55: {  	[sflag:s22] =	ssyncset.done $0x0  }
0x56: {  	[sflag:s22] =	ssyncadd.s32 $0xFFFFE800  }
0x57: {  	[tilespmem:s23], [sflag:$0x5] =	stream.linear.gather [hbm4b:s11+s3], $0x1800, $0x38;
	[tilespmem:$0x1F000] =	vst v63  }
0x58: {  	_ =	swait.ge [sflag:s22], $0x1800  }
0x59: {  	[sflag:s22] =	ssyncset.done $0x0  }
0x5a: {  	[sflag:s22] =	ssyncadd.s32 $0xFFFFE800  }
0x5b: {  	[tilespmem:s21], [sflag:$0x1] =	stream.indirect.gather [hbm4b:s4+s24], $0x80, s3, s24, $0xb8;
	[tilespmem:$0x1F000] =	vst v63  }
0x5c: {  	_ = 	snop  }
0x5d: {  	[tilespmem:s25], [sflag:$0x2] =	stream.indirect.gather [hbm4b:s4+s24], $0x80, s24, s24, $0xb8;
	[tilespmem:$0x1F000] =	vst v63  }
0x5e: {  	_ =	swait.ge [sflag:s26], $0x4000  }
0x5f: {  	[sflag:s26] =	ssyncset.done $0x0  }
0x60: {  	s7 =	simm.s32 $0x1800;
	[sflag:s26] =	ssyncadd.s32 $0xFFFFC000  }
0x61: {  	[spmem:s1] =	stream.indirect.scatter.add.f32 [tilespmem:s21], [sflag:$0x3], $0x80, s7, s24, $0xb8;
	[tilespmem:$0x1F000] =	vst v63  }
0x62: {  	_ =	swait.ge [sflag:s28], $0x4000  }
0x63: {  	[sflag:s28] =	ssyncset.done $0x0  }
0x64: {  	s15 =	simm.s32 $0x1880;
	[sflag:s28] =	ssyncadd.s32 $0xFFFFC000  }
0x65: {  	[spmem:s1] =	stream.indirect.scatter.add.f32 [tilespmem:s25], [sflag:$0x4], $0x80, s15, s24, $0xb8;
	[tilespmem:$0x1F000] =	vst v63  }
0x66: {  	_ =	swait.ge [sflag:s29], $0x4000  }
0x67: {  	p1 =	sne.s32 s12, $0x1;
	[sflag:s29] =	ssyncset.done $0x0  }
.Ltmp3:
0x68: {  	s18 =	simm.s32 $0x100;
	[sflag:s29] =	ssyncadd.s32 $0xFFFFC000;
	(pc) =	sbr.rel @!p1 .LBB2_5-.Ltmp3, $4  }
0x69: {  	[tilespmem:s21], [sflag:$0x1] =	stream.indirect.gather [hbm4b:s4+s24], $0x80, s18, s24, $0xb8;
	[tilespmem:$0x1F000] =	vst v63  }
0x6a: {  	_ =	swait.ge [sflag:s30], $0x4000  }
0x6b: {  	s0 =	sadd.s32 $0xFFFFFFFF, s12;
	s2 =	simm.s32 $0x180;
	[sflag:s30] =	ssyncset.done $0x0  }
0x6c: {  	s6 =	simm.s32 $0x1980;
	s15 =	simm.s32 $0x280;
	[sflag:s30] =	ssyncadd.s32 $0xFFFFC000  }
.LBB2_4:
0x6d: {  	[tilespmem:s25], [sflag:$0x2] =	stream.indirect.gather [hbm4b:s4+s24], $0x80, s2, s24, $0xb8;
	[tilespmem:$0x1F000] =	vst v63  }
0x6e: {  	p2 =	sne.s32 s0, $0x1;
	s0 =	sadd.s32 $0xFFFFFFFF, s0;
	_ =	swait.ge [sflag:s26], $0x4000  }
0x6f: {  	s2 =	smov.u32 s15;
	[sflag:s26] =	ssyncset.done $0x0  }
0x70: {  	s7 =	sadd.s32 $0xFFFFFF80, s6;
	[sflag:s26] =	ssyncadd.s32 $0xFFFFC000  }
0x71: {  	[spmem:s1] =	stream.indirect.scatter.add.f32 [tilespmem:s21], [sflag:$0x3], $0x80, s7, s24, $0xb8;
	[tilespmem:$0x1F000] =	vst v63  }
0x72: {  	_ =	swait.ge [sflag:s28], $0x4000  }
0x73: {  	[sflag:s28] =	ssyncset.done $0x0  }
0x74: {  	[sflag:s28] =	ssyncadd.s32 $0xFFFFC000  }
0x75: {  	[spmem:s1] =	stream.indirect.scatter.add.f32 [tilespmem:s25], [sflag:$0x4], $0x80, s6, s24, $0xb8;
	[tilespmem:$0x1F000] =	vst v63  }
0x76: {  	_ =	swait.ge [sflag:s29], $0x4000  }
0x77: {  	[sflag:s29] =	ssyncset.done $0x0  }
.Ltmp4:
0x78: {  	s7 =	sadd.s32 $0xFFFFFF80, s15;
	[sflag:s29] =	ssyncadd.s32 $0xFFFFC000;
	(pc) =	sbr.rel @p2 .LBB2_4-.Ltmp4, $4  }
0x79: {  	[tilespmem:s21], [sflag:$0x1] =	stream.indirect.gather [hbm4b:s4+s24], $0x80, s7, s24, $0xb8;
	[tilespmem:$0x1F000] =	vst v63  }
0x7a: {  	_ =	swait.ge [sflag:s30], $0x4000  }
0x7b: {  	[sflag:s30] =	ssyncset.done $0x0  }
0x7c: {  	s15 =	sadd.s32 $0x100, s15;
	s6 =	sadd.s32 $0x100, s6;
	[sflag:s30] =	ssyncadd.s32 $0xFFFFC000  }
.LBB2_5:
0x7d: {  	[tilespmem:s25], [sflag:$0x2] =	stream.indirect.gather [hbm4b:s4+s24], $0x80, s2, s24, $0xb8;
	[tilespmem:$0x1F000] =	vst v63  }
0x7e: {  	_ =	swait.ge [sflag:s26], $0x4000  }
0x7f: {  	[sflag:s26] =	ssyncset.done $0x0  }
0x80: {  	[sflag:s26] =	ssyncadd.s32 $0xFFFFC000  }
0x81: {  	[spmem:s1] =	stream.indirect.scatter.add.f32 [tilespmem:s21], [sflag:$0x3], $0x80, s13, s24, $0xb8;
	[tilespmem:$0x1F000] =	vst v63  }
0x82: {  	_ =	swait.ge [sflag:s28], $0x4000  }
0x83: {  	[sflag:s28] =	ssyncset.done $0x0  }
0x84: {  	[sflag:s28] =	ssyncadd.s32 $0xFFFFC000  }
0x85: {  	[spmem:s1] =	stream.indirect.scatter.add.f32 [tilespmem:s25], [sflag:$0x4], $0x80, s14, s24, $0xb8;
	[tilespmem:$0x1F000] =	vst v63  }
0x86: {  	_ =	swait.ge [sflag:s29], $0x4000  }
.Ltmp5:
0x87: {  	[sflag:s29] =	ssyncset.done $0x0;
	(pc) =	sbr.rel @p0 .LBB2_11-.Ltmp5, $4  }
0x88: {  	[sflag:s29] =	ssyncadd.s32 $0xFFFFC000  }
0x89: {  	_ =	swait.ge [sflag:s30], $0x4000  }
0x8a: {  	[sflag:s30] =	ssyncset.done $0x0  }
0x8b: {  	[sflag:s30] =	ssyncadd.s32 $0xFFFFC000  }
0x8c: {  	s0 =	rddreg [dreg:$0x6]  }
0x8d: {  	[tilespmem:s3], [sflag:$0x5] =	stream.linear.gather [hbm4b:s0+s3], $0x1800, $0x38;
	[tilespmem:$0x1F000] =	vst v63  }
0x8e: {  	_ =	swait.ge [sflag:s22], $0x1800  }
0x8f: {  	[sflag:s22] =	ssyncset.done $0x0  }
0x90: {  	s18 =	rddreg [dreg:$0x7];
	[sflag:s22] =	ssyncadd.s32 $0xFFFFE800  }
0x91: {  	[tilespmem:s23], [sflag:$0x5] =	stream.linear.gather [hbm4b:s18+s3], $0x1800, $0x38;
	[tilespmem:$0x1F000] =	vst v63  }
0x92: {  	_ =	swait.ge [sflag:s22], $0x1800  }
0x93: {  	[sflag:s22] =	ssyncset.done $0x0  }
0x94: {  	[sflag:s22] =	ssyncadd.s32 $0xFFFFE800  }
0x95: {  	[tilespmem:s21], [sflag:$0x1] =	stream.indirect.gather [hbm4b:s4+s24], $0x80, s3, s24, $0xb8;
	[tilespmem:$0x1F000] =	vst v63  }
0x96: {  	_ = 	snop  }
0x97: {  	[tilespmem:s25], [sflag:$0x2] =	stream.indirect.gather [hbm4b:s4+s24], $0x80, s24, s24, $0xb8;
	[tilespmem:$0x1F000] =	vst v63  }
0x98: {  	_ =	swait.ge [sflag:s26], $0x4000  }
0x99: {  	[sflag:s26] =	ssyncset.done $0x0  }
0x9a: {  	[sflag:s26] =	ssyncadd.s32 $0xFFFFC000  }
0x9b: {  	[spmem:s1] =	stream.indirect.scatter.add.f32 [tilespmem:s21], [sflag:$0x3], $0x80, s16, s24, $0xb8;
	[tilespmem:$0x1F000] =	vst v63  }
0x9c: {  	_ =	swait.ge [sflag:s28], $0x4000  }
0x9d: {  	[sflag:s28] =	ssyncset.done $0x0  }
0x9e: {  	s15 =	simm.s32 $0x1880;
	[sflag:s28] =	ssyncadd.s32 $0xFFFFC000  }
0x9f: {  	[spmem:s1] =	stream.indirect.scatter.add.f32 [tilespmem:s25], [sflag:$0x4], $0x80, s15, s24, $0xb8;
	[tilespmem:$0x1F000] =	vst v63  }
0xa0: {  	_ =	swait.ge [sflag:s29], $0x4000  }
0xa1: {  	[sflag:s29] =	ssyncset.done $0x0  }
.Ltmp6:
0xa2: {  	[sflag:s29] =	ssyncadd.s32 $0xFFFFC000;
	(pc) =	sbr.rel @!p1 .LBB2_8-.Ltmp6, $4  }
0xa3: {  	[tilespmem:s21], [sflag:$0x1] =	stream.indirect.gather [hbm4b:s4+s24], $0x80, s17, s24, $0xb8;
	[tilespmem:$0x1F000] =	vst v63  }
0xa4: {  	s2 =	simm.s32 $0x280;
	_ =	swait.ge [sflag:s30], $0x4000  }
0xa5: {  	s6 =	simm.s32 $0x1980;
	s7 =	simm.s32 $0x180;
	[sflag:s30] =	ssyncset.done $0x0  }
0xa6: {  	s0 =	simm.s32 $0x180;
	s18 =	sadd.s32 $0xFFFFFFFF, s12;
	[sflag:s30] =	ssyncadd.s32 $0xFFFFC000  }
.LBB2_7:
0xa7: {  	[tilespmem:s25], [sflag:$0x2] =	stream.indirect.gather [hbm4b:s4+s24], $0x80, s7, s24, $0xb8;
	[tilespmem:$0x1F000] =	vst v63  }
0xa8: {  	p2 =	sne.s32 s18, $0x1;
	s18 =	sadd.s32 $0xFFFFFFFF, s18;
	_ =	swait.ge [sflag:s26], $0x4000  }
0xa9: {  	s7 =	smov.u32 s2;
	[sflag:s26] =	ssyncset.done $0x0  }
0xaa: {  	s8 =	sadd.s32 $0xFFFFFF80, s6;
	[sflag:s26] =	ssyncadd.s32 $0xFFFFC000  }
0xab: {  	[spmem:s1] =	stream.indirect.scatter.add.f32 [tilespmem:s21], [sflag:$0x3], $0x80, s8, s24, $0xb8;
	[tilespmem:$0x1F000] =	vst v63  }
0xac: {  	_ =	swait.ge [sflag:s28], $0x4000  }
0xad: {  	[sflag:s28] =	ssyncset.done $0x0  }
0xae: {  	[sflag:s28] =	ssyncadd.s32 $0xFFFFC000  }
0xaf: {  	[spmem:s1] =	stream.indirect.scatter.add.f32 [tilespmem:s25], [sflag:$0x4], $0x80, s6, s24, $0xb8;
	[tilespmem:$0x1F000] =	vst v63  }
0xb0: {  	_ =	swait.ge [sflag:s29], $0x4000  }
0xb1: {  	[sflag:s29] =	ssyncset.done $0x0  }
.Ltmp7:
0xb2: {  	s8 =	sadd.s32 $0xFFFFFF80, s2;
	[sflag:s29] =	ssyncadd.s32 $0xFFFFC000;
	(pc) =	sbr.rel @p2 .LBB2_7-.Ltmp7, $4  }
0xb3: {  	[tilespmem:s21], [sflag:$0x1] =	stream.indirect.gather [hbm4b:s4+s24], $0x80, s8, s24, $0xb8;
	[tilespmem:$0x1F000] =	vst v63  }
0xb4: {  	_ =	swait.ge [sflag:s30], $0x4000  }
0xb5: {  	[sflag:s30] =	ssyncset.done $0x0  }
0xb6: {  	s2 =	sadd.s32 $0x100, s2;
	s6 =	sadd.s32 $0x100, s6;
	[sflag:s30] =	ssyncadd.s32 $0xFFFFC000  }
.LBB2_8:
0xb7: {  	[tilespmem:s25], [sflag:$0x2] =	stream.indirect.gather [hbm4b:s4+s24], $0x80, s7, s24, $0xb8;
	[tilespmem:$0x1F000] =	vst v63  }
0xb8: {  	_ =	swait.ge [sflag:s26], $0x4000  }
0xb9: {  	[sflag:s26] =	ssyncset.done $0x0  }
0xba: {  	[sflag:s26] =	ssyncadd.s32 $0xFFFFC000  }
0xbb: {  	[spmem:s1] =	stream.indirect.scatter.add.f32 [tilespmem:s21], [sflag:$0x3], $0x80, s13, s24, $0xb8;
	[tilespmem:$0x1F000] =	vst v63  }
0xbc: {  	_ =	swait.ge [sflag:s28], $0x4000  }
0xbd: {  	[sflag:s28] =	ssyncset.done $0x0  }
0xbe: {  	[sflag:s28] =	ssyncadd.s32 $0xFFFFC000  }
0xbf: {  	[spmem:s1] =	stream.indirect.scatter.add.f32 [tilespmem:s25], [sflag:$0x4], $0x80, s14, s24, $0xb8;
	[tilespmem:$0x1F000] =	vst v63  }
0xc0: {  	_ =	swait.ge [sflag:s29], $0x4000  }
0xc1: {  	[sflag:s29] =	ssyncset.done $0x0  }
0xc2: {  	[sflag:s29] =	ssyncadd.s32 $0xFFFFC000  }
0xc3: {  	_ =	swait.ge [sflag:s30], $0x4000  }
0xc4: {  	[sflag:s30] =	ssyncset.done $0x0  }
0xc5: {  	s2 =	rddreg [dreg:$0x8];
	[sflag:s30] =	ssyncadd.s32 $0xFFFFC000  }
0xc6: {  	[tilespmem:s3], [sflag:$0x5] =	stream.linear.gather [hbm4b:s2+s3], $0x1800, $0x38;
	[tilespmem:$0x1F000] =	vst v63  }
0xc7: {  	_ =	swait.ge [sflag:s22], $0x1800  }
0xc8: {  	[sflag:s22] =	ssyncset.done $0x0  }
0xc9: {  	s18 =	rddreg [dreg:$0x9];
	[sflag:s22] =	ssyncadd.s32 $0xFFFFE800  }
0xca: {  	[tilespmem:s23], [sflag:$0x5] =	stream.linear.gather [hbm4b:s18+s3], $0x1800, $0x38;
	[tilespmem:$0x1F000] =	vst v63  }
0xcb: {  	_ =	swait.ge [sflag:s22], $0x1800  }
0xcc: {  	[sflag:s22] =	ssyncset.done $0x0  }
0xcd: {  	[sflag:s22] =	ssyncadd.s32 $0xFFFFE800  }
0xce: {  	[tilespmem:s21], [sflag:$0x1] =	stream.indirect.gather [hbm4b:s4+s24], $0x80, s3, s24, $0xb8;
	[tilespmem:$0x1F000] =	vst v63  }
0xcf: {  	_ = 	snop  }
0xd0: {  	[tilespmem:s25], [sflag:$0x2] =	stream.indirect.gather [hbm4b:s4+s24], $0x80, s24, s24, $0xb8;
	[tilespmem:$0x1F000] =	vst v63  }
0xd1: {  	_ =	swait.ge [sflag:s26], $0x4000  }
0xd2: {  	[sflag:s26] =	ssyncset.done $0x0  }
0xd3: {  	[sflag:s26] =	ssyncadd.s32 $0xFFFFC000  }
0xd4: {  	[spmem:s1] =	stream.indirect.scatter.add.f32 [tilespmem:s21], [sflag:$0x3], $0x80, s16, s24, $0xb8;
	[tilespmem:$0x1F000] =	vst v63  }
0xd5: {  	_ =	swait.ge [sflag:s28], $0x4000  }
0xd6: {  	[sflag:s28] =	ssyncset.done $0x0  }
0xd7: {  	[sflag:s28] =	ssyncadd.s32 $0xFFFFC000  }
0xd8: {  	[spmem:s1] =	stream.indirect.scatter.add.f32 [tilespmem:s25], [sflag:$0x4], $0x80, s15, s24, $0xb8;
	[tilespmem:$0x1F000] =	vst v63  }
0xd9: {  	_ =	swait.ge [sflag:s29], $0x4000  }
0xda: {  	[sflag:s29] =	ssyncset.done $0x0  }
.Ltmp8:
0xdb: {  	[sflag:s29] =	ssyncadd.s32 $0xFFFFC000;
	(pc) =	sbr.rel @!p1 .LBB2_10-.Ltmp8, $4  }
0xdc: {  	[tilespmem:s21], [sflag:$0x1] =	stream.indirect.gather [hbm4b:s4+s24], $0x80, s17, s24, $0xb8;
	[tilespmem:$0x1F000] =	vst v63  }
0xdd: {  	_ =	swait.ge [sflag:s30], $0x4000  }
0xde: {  	s6 =	simm.s32 $0x1980;
	[sflag:s30] =	ssyncset.done $0x0  }
0xdf: {  	s2 =	simm.s32 $0x280;
	s15 =	sadd.s32 $0xFFFFFFFF, s12;
	[sflag:s30] =	ssyncadd.s32 $0xFFFFC000  }
.LBB2_9:
0xe0: {  	[tilespmem:s25], [sflag:$0x2] =	stream.indirect.gather [hbm4b:s4+s24], $0x80, s0, s24, $0xb8;
	[tilespmem:$0x1F000] =	vst v63  }
0xe1: {  	p1 =	sne.s32 s15, $0x1;
	s15 =	sadd.s32 $0xFFFFFFFF, s15;
	_ =	swait.ge [sflag:s26], $0x4000  }
0xe2: {  	s0 =	smov.u32 s2;
	[sflag:s26] =	ssyncset.done $0x0  }
0xe3: {  	s7 =	sadd.s32 $0xFFFFFF80, s6;
	[sflag:s26] =	ssyncadd.s32 $0xFFFFC000  }
0xe4: {  	[spmem:s1] =	stream.indirect.scatter.add.f32 [tilespmem:s21], [sflag:$0x3], $0x80, s7, s24, $0xb8;
	[tilespmem:$0x1F000] =	vst v63  }
0xe5: {  	_ =	swait.ge [sflag:s28], $0x4000  }
0xe6: {  	[sflag:s28] =	ssyncset.done $0x0  }
0xe7: {  	[sflag:s28] =	ssyncadd.s32 $0xFFFFC000  }
0xe8: {  	[spmem:s1] =	stream.indirect.scatter.add.f32 [tilespmem:s25], [sflag:$0x4], $0x80, s6, s24, $0xb8;
	[tilespmem:$0x1F000] =	vst v63  }
0xe9: {  	_ =	swait.ge [sflag:s29], $0x4000  }
0xea: {  	[sflag:s29] =	ssyncset.done $0x0  }
.Ltmp9:
0xeb: {  	s7 =	sadd.s32 $0xFFFFFF80, s2;
	[sflag:s29] =	ssyncadd.s32 $0xFFFFC000;
	(pc) =	sbr.rel @p1 .LBB2_9-.Ltmp9, $4  }
0xec: {  	[tilespmem:s21], [sflag:$0x1] =	stream.indirect.gather [hbm4b:s4+s24], $0x80, s7, s24, $0xb8;
	[tilespmem:$0x1F000] =	vst v63  }
0xed: {  	_ =	swait.ge [sflag:s30], $0x4000  }
0xee: {  	[sflag:s30] =	ssyncset.done $0x0  }
0xef: {  	s2 =	sadd.s32 $0x100, s2;
	s6 =	sadd.s32 $0x100, s6;
	[sflag:s30] =	ssyncadd.s32 $0xFFFFC000  }
.Ltmp10:
0xf0: {  	_ = 	snop;
	(pc) =	sbr.rel .LBB2_10-.Ltmp10, $1  }
0xf1: {  	_ =	sdelay $0x3  }
.LBB2_12:
0xf2: {  	_ =	sfence.sel $0x180000  }
0xf3: {  	[bflag:$0x0] =	sbarrier.arrive $0xFFFF  }
0xf4: {  	_ =	strace $0x9000004D  }
0xf5: {  	[bflag:$0x2] =	sbarrier.arrive $0xFFFF  }
0xf6: {  	p0 =	sne.s32 s8, $0x0;
	s0 =	rddreg [dreg:$0x2]  }
0xf7: {  	s0 =	sadd.s32 @!p0 $0x100000, s0  }
0xf8: {  	[sflag:s0] =	ssyncadd.tile.s32 @!p0 $0x1;
	_ =	shalt  }
.Lfunc_end2:
_tile_overlayer_lowered:
.L_overlay_start_2:
0xf9: {  	(tag) =	ssettag $0x2  }
0xfa: {  	s0 =	rddreg [dreg:$0x0];
	s2 =	stileid.u32  }
0xfb: {  	s1 =	rddreg [dreg:$0x1];
	p0 =	sne.s32 s2, $0x0  }
0xfc: {  	s3 =	rddreg [dreg:$0x2];
	[bflag:$0x3] =	sbarrier.arrive $0xFFFF;
	s2 =	simm.s32 @!p0 $0x1C05  }
0xfd: {  	[timem:s3], [sflag:s2] =	dma.local @!p0 [hbm:s0], s1  }
0xfe: {  	s0 =	simm.s32 @!p0 $0x5  }
0xff: {  	_ =	swait.ge @!p0 [sflag:s0], s1  }
0x100: {  	s1 =	ssub.s32 @!p0 $0x0, s1;
	[sflag:s0] =	ssyncset.done @!p0 $0x0  }
0x101: {  	[sflag:s0] =	ssyncadd.s32 @!p0 s1  }
0x102: {  	[bflag:$0x3] =	sbarrier.arrive $0xFFFF  }
0x103: {  	_ =	shalt  }

// kernel: kernel.8.cloned.1.call-start
scs
__scs_entry_jumppad:
0x0: {  	(pc) =	sbr.rel $0x88, $3  }
0x1: {  	(tag) =	ssettag $0x0;
	lr =	simm.s32 $0x1  }
0x2: {  	[smem:$0x3F94] =	sst lr;
	_ =	strace $0xD0000000  }
0x3: {  	_ = 	snop  }
0x4: {  	_ = 	snop  }
0x5: {  	_ = 	snop  }
0x6: {  	_ = 	snop  }
0x7: {  	_ = 	snop  }
__scs_overlays_trampoline_lowered:
0x8: {  	[smem:$0x3FA3] =	sst s0  }
0x9: {  	[smem:$0x3FA4] =	sst s1  }
0xa: {  	[smem:$0x3FA5] =	sst s2  }
0xb: {  	[smem:$0x3FA6] =	sst s3  }
0xc: {  	[smem:$0x3FA7] =	sst s4  }
0xd: {  	[smem:$0x3FA8] =	sst s5  }
0xe: {  	[smem:$0x3FA9] =	sst s6  }
0xf: {  	[smem:$0x3FAA] =	sst s7  }
0x10: {  	[smem:$0x3FAB] =	sst s8  }
0x11: {  	[smem:$0x3FAC] =	sst s9;
	s0 =	simm.s32 @!p0 $0x0  }
0x12: {  	s1 =	sld [smem:$0x3F92];
	s0 =	simm.s32 @p0 $0x1  }
0x13: {  	[smem:$0x3FAD] =	sst s0;
	s0 =	simm.s32 @!p1 $0x0  }
0x14: {  	s2 =	sld [smem:$0x3F91];
	s0 =	simm.s32 @p1 $0x1  }
0x15: {  	[smem:$0x3FAE] =	sst s0;
	s0 =	simm.s32 @!p2 $0x0  }
0x16: {  	s3 =	sld [smem:$0x3FDB];
	s0 =	simm.s32 @p2 $0x1  }
0x17: {  	s4 =	simm.s32 $0x1BF5;
	[smem:$0x3FB0] =	sst s0  }
0x18: {  	s0 =	sld [smem:$0x3F93];
	_ =	swait.ge [sflag:s4], $0x0  }
0x19: {  	s7 =	sld [smem:$0x3F94]  }
0x1a: {  	s8 =	sadd.s32 $0xFFFFE003, lr  }
0x1b: {  	s9 =	sadd.s32 $0xFFFFFEF7, lr;
	s5 =	simm.s32 $0xFFFFFFFF;
	p2 =	slt.u32 s8, $0xFFFFF086  }
0x1c: {  	p1 =	slt.u32 s9, $0xF7A;
	s5 =	simm.s32 @!p2 $0x0  }
0x1d: {  	s5 =	simm.s32 @p1 $0x1;
	p0 =	seq.s32 s7, s2  }
0x1e: {  	s7 =	smul.u32 @!p0 $0xF7A, s2;
	p2 =	seq.s32 @!p0 s5, $0x0  }
0x1f: {  	s9 =	smul.u32 $0xF7A, s1;
	s8 =	simm.s32 @!p0 $0x1BF5;
	p2 =	por !p2, p0  }
0x20: {  	[sflag:s8] =	ssyncset.s32 @!p0 $0xFFFFF086;
	s6 =	sadd.s32 @!p0 s3, s7;
	s7 =	simm.s32 @!p0 $0x108  }
0x21: {  	s3 =	sadd.s32 s3, s9;
	s6 =	sadd.s32 @!p0 $0x88, s6;
	s7 =	simm.s32 @p2 $0x1082  }
0x22: {  	[simem:s7], [sflag:s8] =	dma.local @!p0 [hbm:s6], $0xF7A  }
0x23: {  	s9 =	sor.u32 $0xD0000000, s2;
	s6 =	simm.s32 $0x108;
	_ =	swait.ge @!p0 [sflag:s8], $0x0  }
0x24: {  	s3 =	sadd.s32 $0x88, s3;
	s6 =	simm.s32 @!p1 $0x1082;
	[sflag:s4] =	ssyncset.s32 $0xFFFFF086  }
0x25: {  	[simem:s6], [sflag:s4] =	dma.local [hbm:s3], $0xF7A  }
0x26: {  	[smem:$0x3F94] =	sst s1;
	(tag) =	ssettag s2;
	_ =	strace s9  }
0x27: {  	s1 =	sld [smem:$0x3FA4]  }
0x28: {  	s2 =	sld [smem:$0x3FA5]  }
0x29: {  	s4 =	sld [smem:$0x3FA7]  }
0x2a: {  	p0 =	seq.s32 s5, $0x0;
	s5 =	sld [smem:$0x3FA8]  }
0x2b: {  	s6 =	sld [smem:$0x3FA9]  }
0x2c: {  	s7 =	sld [smem:$0x3FAA]  }
0x2d: {  	s3 =	simm.s32 $0x108;
	s8 =	sld [smem:$0x3FAB]  }
0x2e: {  	s3 =	simm.s32 @!p0 $0x1082;
	s9 =	sld [smem:$0x3FAC]  }
0x2f: {  	lr =	sadd.s32 s0, s3;
	s0 =	sld [smem:$0x3FA3]  }
0x30: {  	s3 =	sld [smem:$0x3FA6]  }
0x31: {  	[smem:$0x3FAF] =	sst s10  }
0x32: {  	s10 =	sld [smem:$0x3FAD];
	_ =	sdelay $0x3  }
0x33: {  	p0 =	seq.s32 s10, $0x1;
	s10 =	sld [smem:$0x3FAF];
	_ =	sdelay $0x3  }
0x34: {  	[smem:$0x3FAF] =	sst s10  }
0x35: {  	s10 =	sld [smem:$0x3FAE];
	_ =	sdelay $0x3  }
0x36: {  	p1 =	seq.s32 s10, $0x1;
	s10 =	sld [smem:$0x3FAF];
	_ =	sdelay $0x3  }
0x37: {  	[smem:$0x3FAF] =	sst s10  }
0x38: {  	s10 =	sld [smem:$0x3FB0]  }
0x39: {  	_ = 	snop;
	(pc) =	sbr.ind lr, $3  }
0x3a: {  	_ = 	snop  }
0x3b: {  	_ = 	snop  }
0x3c: {  	p2 =	seq.s32 s10, $0x1;
	s10 =	sld [smem:$0x3FAF]  }
0x3d: {  	_ =	shalt  }
0x3e: {  	_ =	shalt  }
0x3f: {  	_ =	shalt  }
0x40: {  	_ =	shalt  }
0x41: {  	_ =	shalt  }
0x42: {  	_ =	shalt  }
0x43: {  	_ =	shalt  }
0x44: {  	_ =	shalt  }
0x45: {  	_ =	shalt  }
0x46: {  	_ =	shalt  }
0x47: {  	_ =	shalt  }
0x48: {  	_ =	shalt  }
0x49: {  	_ =	shalt  }
0x4a: {  	_ =	shalt  }
0x4b: {  	_ =	shalt  }
0x4c: {  	_ =	shalt  }
0x4d: {  	_ =	shalt  }
0x4e: {  	_ =	shalt  }
0x4f: {  	_ =	shalt  }
0x50: {  	_ =	shalt  }
0x51: {  	_ =	shalt  }
0x52: {  	_ =	shalt  }
0x53: {  	_ =	shalt  }
0x54: {  	_ =	shalt  }
0x55: {  	_ =	shalt  }
0x56: {  	_ =	shalt  }
0x57: {  	_ =	shalt  }
0x58: {  	_ =	shalt  }
0x59: {  	_ =	shalt  }
0x5a: {  	_ =	shalt  }
0x5b: {  	_ =	shalt  }
0x5c: {  	_ =	shalt  }
0x5d: {  	_ =	shalt  }
0x5e: {  	_ =	shalt  }
0x5f: {  	_ =	shalt  }
0x60: {  	_ =	shalt  }
0x61: {  	_ =	shalt  }
0x62: {  	_ =	shalt  }
0x63: {  	_ =	shalt  }
0x64: {  	_ =	shalt  }
0x65: {  	_ =	shalt  }
0x66: {  	_ =	shalt  }
0x67: {  	_ =	shalt  }
0x68: {  	_ =	shalt  }
0x69: {  	_ =	shalt  }
0x6a: {  	_ =	shalt  }
0x6b: {  	_ =	shalt  }
0x6c: {  	_ =	shalt  }
0x6d: {  	_ =	shalt  }
0x6e: {  	_ =	shalt  }
0x6f: {  	_ =	shalt  }
0x70: {  	_ =	shalt  }
0x71: {  	_ =	shalt  }
0x72: {  	_ =	shalt  }
0x73: {  	_ =	shalt  }
0x74: {  	_ =	shalt  }
0x75: {  	_ =	shalt  }
0x76: {  	_ =	shalt  }
0x77: {  	_ =	shalt  }
0x78: {  	_ =	shalt  }
0x79: {  	_ =	shalt  }
0x7a: {  	_ =	shalt  }
0x7b: {  	_ =	shalt  }
0x7c: {  	_ =	shalt  }
0x7d: {  	_ =	shalt  }
0x7e: {  	_ =	shalt  }
0x7f: {  	_ =	shalt  }
0x80: {  	_ =	shalt  }
0x81: {  	_ =	shalt  }
0x82: {  	_ =	shalt  }
0x83: {  	_ =	shalt  }
0x84: {  	_ =	shalt  }
0x85: {  	_ =	shalt  }
0x86: {  	_ =	shalt  }
0x87: {  	_ =	shalt  }
.Lfunc_end0:
.L_simem_size_0:
called_computation_lowered:
.L_overlay_start_0:
0x88: {  	s2 =	sld [smem:$0x3FD9]  }
0x89: {  	s3 =	sld [smem:$0x3FFE];
	_ =	sdelay $0x1  }
0x8a: {  	s1 =	srdreg.scid  }
0x8b: {  	s0 =	sand.u32 $0x1, s1  }
0x8c: {  	s16 =	sshll.u32 s0, $0xA;
	s2 =	sadd.s32 s3, s2  }
0x8d: {  	s2 =	sadd.s32 s2, s16  }
0x8e: {  	[smem:$0x3FBB] =	sst s2  }
0x8f: {  	_ = 	snop  }
0x90: {  	(tm) =	ssettm $0x1  }
0x91: {  	s17 =	sld [smem:$0x3FFB];
	_ =	sdelay $0x3  }
0x92: {  	_ =	strace s17  }
0x93: {  	s2 =	sld [smem:$0x3FFC];
	_ =	sdelay $0x3  }
0x94: {  	_ =	strace s2  }
0x95: {  	s2 =	sld [smem:$0x3FFD];
	_ =	sdelay $0x3  }
0x96: {  	_ =	strace s2  }
0x97: {  	_ =	strace $0x8FFFFFFF  }
0x98: {  	s18 =	sld [smem:$0x3FDB];
	_ =	sdelay $0x1  }
0x99: {  	s19 =	simm.s32 $_scs_section_size  }
0x9a: {  	s4 =	simm.s32 $_size__tile_overlayer_lowered;
	s5 =	simm.s32 $_tile_overlayer_lowered  }
0x9b: {  	s22 =	simm.s32 $0x1BFF;
	s21 =	sshll.u32 s5, $0x1;
	s2 =	sadd.s32 s19, s18  }
0x9c: {  	s6 =	simm.s32 $0x0;
	s20 =	sshll.u32 s4, $0x1;
	s4 =	sadd.s32 s21, s2  }
0x9d: {  	[timem:s6], [sflag:s22] =	dma.local [hbm:s4], s20  }
0x9e: {  	_ =	swait.ge [sflag:s22], s20  }
0x9f: {  	s3 =	ssub.s32 $0x0, s20;
	[sflag:s22] =	ssyncset.done $0x0  }
0xa0: {  	[sflag:s22] =	ssyncadd.s32 s3;
	_ =	sdelay $0x1  }
0xa1: {  	s23 =	simm.s32 $0x1B8B  }
0xa2: {  	_ =	swait.ge [sflag:s23], $0x1  }
0xa3: {  	[sflag:s23] =	ssyncset.done $0x0  }
0xa4: {  	s25 =	simm.s32 $0x1B8E;
	s24 =	sld [smem:$0x3FFE];
	[sflag:s23] =	ssyncadd.s32 $0xFFFFFFFF  }
0xa5: {  	s26 =	simm.s32 $execute0_lowered;
	[smem:$0x3FD2] =	sst s25  }
0xa6: {  	s4 =	sshll.u32 s26, $0x1;
	_ =	strace $0x80000046;
	[dreg:$0x1] =	wrdreg $0xFFFFFFFF  }
0xa7: {  	s28 =	simm.s32 $_size_execute0_lowered;
	s2 =	sadd.s32 s2, s4;
	[dreg:$0x0] =	wrdreg $0x0  }
0xa8: {  	s4 =	sshll.u32 s28, $0x1;
	[dreg:$0x2] =	wrdreg s2  }
0xa9: {  	[dreg:$0x3] =	wrdreg s4  }
0xaa: {  	[dreg:$0x4] =	wrdreg $0xC0  }
0xab: {  	_ =	task [dreg:s6], $0x5FFFF  }
0xac: {  	[dreg:$0x1] =	wrdreg $0xFFFFFFFF  }
0xad: {  	[dreg:$0x0] =	wrdreg $0x60  }
0xae: {  	[dreg:$0x2] =	wrdreg s24  }
0xaf: {  	[dreg:$0x3] =	wrdreg $0x9  }
0xb0: {  	_ =	task.clear_ibuf [dreg:s6], $0x4FFFF;
	_ =	strace $0x90000046  }
0xb1: {  	s29 =	simm.s32 $0x9;
	_ =	strace $0x80000048  }
0xb2: {  	_ =	swait.ge [sflag:s29], $0x1  }
0xb3: {  	[sflag:s29] =	ssyncadd.s32 $0xFFFFFFFF  }
0xb4: {  	_ =	strace $0x90000048  }
0xb5: {  	_ =	sfence  }
0xb6: {  	s30 =	sld [smem:$0x0];
	_ =	sdelay $0x2  }
0xb7: {  	s31 =	sshll.u32 s1, $0xD;
	s1 =	sshrl.u32 s1, $0x2  }
0xb8: {  	s3 =	sand.u32 $0x4000, s31;
	s1 =	sadd.s32 s1, s30  }
0xb9: {  	s0 =	sor.u32 s3, s0;
	s1 =	sshll.u32 s1, $0x11  }
0xba: {  	s0 =	sor.u32 s1, s0  }
0xbb: {  	s0 =	sadd.s32 $0x8F2B, s0  }
0xbc: {  	[sflag:s0] =	ssyncadd.remote.s32 $0x1  }
0xbd: {  	_ =	sfence.sel $0xFFFF  }
0xbe: {  	[dreg:$0x0] =	wrdreg $0xFFFFFFFF;
	(pc) =	sbr.abs _section_cstart, $3  }
0xbf: {  	[dreg:$0x1] =	wrdreg $0xFFFFFFFF  }
0xc0: {  	_ =	task.clear_ibuf [dreg:s6], $0x2FFFF;
	_ =	strace $0x9FFFFFFF  }
0xc1: {  	(tm) =	ssettm $0x7FFFFFFF  }
tec
execute0_lowered:
.L_overlay_start_1:
0x0: {  	(tag) =	ssettag $0x1  }
0x1: {  	s3 =	rddreg [dreg:$0x0]  }
0x2: {  	s0 =	rddreg [dreg:$0x1];
	s1 =	simm.s32 $0x0  }
0x3: {  	s2 =	srdreg.scid;
	s10 =	simm.s32 $0x80;
	s11 =	simm.s32 $0x0  }
0x4: {  	[smem:$0x7FF] =	sst s1;
	s4 =	sand.u32 $0x1, s2;
	s2 =	stileid.u32  }
0x5: {  	_ =	strace $0x80000047;
	p0 =	seq.s32 s4, $0x0;
	s5 =	sshll.u32 s2, $0x9  }
0x6: {  	s6 =	sshrl.u32 s2, $0x2;
	s7 =	sshll.u32 s2, $0x8;
	s8 =	sshll.u32 s4, $0x7  }
0x7: {  	s9 =	sshll.u32 s2, $0xB;
	s4 =	ssub.s32 $0x2, s4;
	s6 =	smul.u32 $0x14000, s6  }
0x8: {  	s7 =	sand.u32 $0x300, s7;
	s5 =	sor.u32 $0x8000, s5;
	s31 =	sshrl.u32 s4, $0x1  }
0x9: {  	s7 =	sor.u32 s8, s7;
	s5 =	smov.u32 @p0 s9;
	s8 =	simm.s32 $0x2800  }
0xa: {  	s9 =	simm.s32 $0x1;
	s6 =	sor.u32 s6, s7;
	s5 =	sadd.s32 s5, s3  }
0xb: {  	s7 =	ssub.s32 s4, s31;
	s6 =	sshrl.u32 s6, $0x3;
	s4 =	sadd.s32 $0xDE00, s5  }
0xc: {  	s5 =	simm.s32 $0x400;
	s6 =	sadd.s32 s6, s3;
	s3 =	simm.s32 $0x400  }
0xd: {  	v0 =	vimm.f32 $0.0e+00;
	v1 =	vimm.f32 $1.000000000e+00;
	s7 =	smax.u32 s7, $0x1;
	s3 =	simm.s32 @!p0 $0x100;
	s6 =	sadd.s32 $0x18600, s6  }
.LBB2_1:
0xe: {  	s12 =	simm.s32 $0x40;
	s13 =	simm.s32 $0x0  }
.LBB2_2:
0xf: {  	p0 =	sne.s32 s12, $0x9FC0;
	[tilespmem:s13+$0x0] =	vst v0;
	s13 =	smov.u32 s12;
	s12 =	sadd.s32 $0x40, s12  }
.Ltmp0:
0x10: {  	(pc) =	sbr.rel @p0 .LBB2_2-.Ltmp0, $2  }
0x11: {  	_ =	sdelay $0x2  }
0x12: {  	s13 =	sshra.s32 s13, $0x2  }
0x13: {  	[tilespmem:s13+$0x0] =	vst v0;
	s12 =	simm.s32 $0x0;
	p0 =	sne.s32 s3, $0x1  }
0x14: {  	[tilespmem:s8], [sflag:$0x1] =	stream.linear.gather [hbm4b:s4+s12], $0x4000, $0x38;
	[tilespmem:$0x6800] =	vst v63  }
.Ltmp1:
0x15: {  	s31 =	simm.s32 $0x0;
	(pc) =	sbr.rel @!p0 .LBB2_5-.Ltmp1, $4  }
0x16: {  	s13 =	sand.u32 $0xFFFFFF80, s31;
	_ =	swait.ge [sflag:s9], $0x4000  }
0x17: {  	s14 =	sand.u32 $0x70, s12;
	s13 =	sadd.s32 $0x0, s13;
	[sflag:s9] =	ssyncset.done $0x0  }
0x18: {  	s14 =	sor.u32 s14, s13;
	[sflag:s9] =	ssyncadd.s32 $0xFFFFC000  }
0x19: {  	s13 =	simm.s32 $0x1;
	v2 =	vld [tilespmem:s14+$0x2800]  }
.LBB2_4:
0x1a: {  	_ =	sdelay $0x1  }
0x1b: {  	s14 =	sshrl.u32 s13, $0x3;
	s13 =	sadd.s32 $0x1, s13  }
0x1c: {  	s12 =	sadd.s32 $0x10, s12;
	s15 =	sshll.u32 s14, $0x7;
	p0 =	sne.s32 s3, s13  }
.Ltmp2:
0x1d: {  	s14 =	sshll.u32 s14, $0x9;
	s15 =	ssub.s32 s12, s15;
	(pc) =	sbr.rel @p0 .LBB2_4-.Ltmp2, $4  }
0x1e: {  	s14 =	sshra.s32 s14, $0x2;
	s15 =	sand.u32 $0xFFFFFF80, s15  }
0x1f: {  	s16 =	sand.u32 $0x70, s12;
	s14 =	sadd.s32 s15, s14  }
0x20: {  	s14 =	sor.u32 s16, s14;
	[tilespmem:v2+s1+$0x0] =	vst.idx.add.f32.msk $0xffff, v1  }
0x21: {  	v2 =	vld [tilespmem:s14+$0x2800]  }
.LBB2_5:
0x22: {  	_ =	sdelay $0x5  }
0x23: {  	s11 =	sadd.s32 $0x1, s11  }
0x24: {  	p0 =	sne.s32 s11, s7  }
.Ltmp3:
0x25: {  	[tilespmem:v2+s1+$0x0] =	vst.idx.add.f32.msk $0xffff, v1;
	(pc) =	sbr.rel @p0 .LBB2_1-.Ltmp3, $4  }
0x26: {  	[hbm4b:s6+s10] =	stream.strided.scatter [tilespmem:s1], [sflag:$0x1], $0x2800, s5, s10, $0x38;
	[tilespmem:$0x6800] =	vst v63  }
0x27: {  	_ =	swait.ge [sflag:s9], $0x2800  }
0x28: {  	[sflag:s9] =	ssyncset.done $0x0  }
0x29: {  	[sflag:s9] =	ssyncadd.s32 $0xFFFFD800  }
0x2a: {  	_ =	sfence.sel $0x180000  }
0x2b: {  	[bflag:$0x0] =	sbarrier.arrive $0xFFFF  }
0x2c: {  	p0 =	sne.s32 s2, $0x0;
	_ =	strace $0x90000047  }
0x2d: {  	s0 =	sadd.s32 @!p0 $0x100000, s0;
	[bflag:$0x2] =	sbarrier.arrive $0xFFFF  }
0x2e: {  	[sflag:s0] =	ssyncadd.tile.s32 @!p0 $0x1;
	_ =	shalt  }
.Lfunc_end2:
_tile_overlayer_lowered:
.L_overlay_start_2:
0x2f: {  	(tag) =	ssettag $0x2  }
0x30: {  	s0 =	rddreg [dreg:$0x0];
	s2 =	stileid.u32  }
0x31: {  	s1 =	rddreg [dreg:$0x1];
	p0 =	sne.s32 s2, $0x0  }
0x32: {  	s3 =	rddreg [dreg:$0x2];
	[bflag:$0x3] =	sbarrier.arrive $0xFFFF;
	s2 =	simm.s32 @!p0 $0x1C01  }
0x33: {  	[timem:s3], [sflag:s2] =	dma.local @!p0 [hbm:s0], s1  }
0x34: {  	s0 =	simm.s32 @!p0 $0x1  }
0x35: {  	_ =	swait.ge @!p0 [sflag:s0], s1  }
0x36: {  	s1 =	ssub.s32 @!p0 $0x0, s1;
	[sflag:s0] =	ssyncset.done @!p0 $0x0  }
0x37: {  	[sflag:s0] =	ssyncadd.s32 @!p0 s1  }
0x38: {  	[bflag:$0x3] =	sbarrier.arrive $0xFFFF  }
0x39: {  	_ =	shalt  }

</sc_bundles>
